<compile_context>
chip_gen: v7x
topology: tpu7x:2x2x1
jax: 0.10.2.dev20260603
libtpu: 0.0.44.dev20260713+nightly
codegen_flags: <defaults>
</compile_context>

<pallas_src>
import jax
import jax.numpy as jnp
from jax import lax
from jax.experimental import pallas as pl
from jax.experimental.pallas import tpu as pltpu
from jax.experimental.pallas import tpu_sc as plsc

HID = 768
NJ = HID // 16
PAD = 1
EPS = 1e-5

BATCH = 4
SEQ = 8192
TOK = BATCH * SEQ
NW = 32
CHUNK = TOK // NW
WPR = SEQ // CHUNK
WIN = SEQ - CHUNK
T = 16
NG = CHUNK // T


def _permute(v, perm):
    dnums = lax.GatherDimensionNumbers(
        offset_dims=(), collapsed_slice_dims=(0,), start_index_map=(0,))
    return lax.gather(
        v, perm[:, None], dnums, (1,),
        mode=lax.GatherScatterMode.PROMISE_IN_BOUNDS)


def _newton_rsqrt(x):
    i = plsc.bitcast(x, jnp.int32)
    i = 0x5F3759DF - lax.shift_right_logical(i, 1)
    y = plsc.bitcast(i, jnp.float32)
    hx = x * -0.5
    for _ in range(2):
        y = y * (hx * y * y + 1.5)
    return y


def _body(ids_hbm, wtab, ptab, gam_hbm, bet_hbm, out_hbm,
          ids_v, win_v, pos_v,
          wb0, pb0, ob0, wb1, pb1, ob1,
          gam_v, bet_v,
          wsem0, psem0, osem0, wsem1, psem1, osem1):
    cid = lax.axis_index("c")
    sid = lax.axis_index("s")
    wid = sid * 2 + cid
    start = pl.multiple_of(wid * CHUNK, CHUNK)
    row_start = (wid // WPR) * SEQ
    wstart = pl.multiple_of(jnp.maximum(start - WIN, 0), CHUNK)

    pltpu.sync_copy(gam_hbm, gam_v)
    pltpu.sync_copy(bet_hbm, bet_v)

    pltpu.sync_copy(ids_hbm.at[pl.ds(start, CHUNK)], ids_v)
    pltpu.sync_copy(ids_hbm.at[pl.ds(wstart, WIN)], win_v)

    lanes = lax.iota(jnp.int32, 16)

    pltpu.async_copy(wtab.at[ids_v.at[pl.ds(0, T)]], wb0, wsem0)
    pltpu.async_copy(wtab.at[ids_v.at[pl.ds(T, T)]], wb1, wsem1)

    def win_body(j, acc):
        g0 = wstart + j * 16
        gv = g0 + lanes
        idv = win_v[pl.ds(j * 16, 16)]
        ok = (gv >= row_start) & (gv < start) & (idv != PAD)
        return acc + jnp.where(ok, 1, 0).astype(jnp.int32)

    acc0 = jnp.zeros((16,), jnp.int32)
    accw = lax.fori_loop(0, WIN // 16, win_body, acc0)
    offset = jnp.sum(accw)

    def pos_body(j, carry):
        idv = ids_v[pl.ds(j * 16, 16)]
        mi = jnp.where(idv != PAD, 1, 0).astype(jnp.int32)
        cs = plsc.cumsum(mi)
        pos_v[pl.ds(j * 16, 16)] = (cs + carry) * mi + PAD
        return carry + jnp.sum(mi)

    lax.fori_loop(0, NG, pos_body, offset)

    inv_h = jnp.float32(1.0 / HID)
    bufs = ((wb0, pb0, ob0, wsem0, psem0, osem0),
            (wb1, pb1, ob1, wsem1, psem1, osem1))

    def g_descs(c, wb, pb, wsem, psem):
        t0 = pl.multiple_of(c * T, T)
        iw = ids_v.at[pl.ds(t0, T)]
        ip = pos_v.at[pl.ds(t0, T)]
        return (pltpu.make_async_copy(wtab.at[iw], wb, wsem),
                pltpu.make_async_copy(ptab.at[ip], pb, psem))

    for b in (0, 1):
        wb, pb, _, wsem, psem, _ = bufs[b]
        _, dp = g_descs(b, wb, pb, wsem, psem)
        dp.start()

    def super_body(k, _):
        for b in (0, 1):
            c = 2 * k + b
            wb, pb, ob, wsem, psem, osem = bufs[b]

            dw, dp = g_descs(c, wb, pb, wsem, psem)
            dw.wait()
            dp.wait()

            zero16 = jnp.zeros((16,), jnp.float32)

            def p1(t, carry):
                mu16c, r16c = carry
                acc = [jnp.zeros((16,), jnp.float32) for _ in range(2)]
                acc2 = [jnp.zeros((16,), jnp.float32) for _ in range(2)]
                for j in range(NJ):
                    sl = pl.ds(j * 16, 16)
                    sv = wb[t, sl] + pb[t, sl]
                    ob[t, sl] = sv
                    acc[j % 2] = acc[j % 2] + sv
                    acc2[j % 2] = acc2[j % 2] + sv * sv
                a = acc[0] + acc[1]
                a2 = acc2[0] + acc2[1]
                for shift in (8, 4, 2, 1):
                    perm = lanes ^ shift
                    a = a + _permute(a, perm)
                    a2 = a2 + _permute(a2, perm)
                muv = a * inv_h
                rv = _newton_rsqrt(a2 * inv_h - muv * muv + EPS)
                onehot = lanes == t
                return (jnp.where(onehot, muv, mu16c),
                        jnp.where(onehot, rv, r16c))

            mu16, r16 = plsc.parallel_loop(
                0, T, 1, unroll=2, carry=(zero16, zero16))(p1)

            @pl.when(k > 0)
            def _():
                pltpu.make_async_copy(
                    ob, out_hbm.at[pl.ds(start, T), :], osem).wait()

            for tb in range(2):
                mus = [_permute(mu16, lanes * 0 + (tb * 8 + i))
                       for i in range(8)]
                rvs = [_permute(r16, lanes * 0 + (tb * 8 + i))
                       for i in range(8)]

                @plsc.parallel_loop(0, NJ, 1)
                def p2(j):
                    sl = pl.ds(j * 16, 16)
                    gv = gam_v[sl]
                    bv = bet_v[sl]
                    for i in range(8):
                        t = tb * 8 + i
                        sv = ob[t, sl]
                        ob[t, sl] = (sv - mus[i]) * (rvs[i] * gv) + bv

            @pl.when(k < NG // 2 - 1)
            def _():
                dw2, dp2 = g_descs(c + 2, wb, pb, wsem, psem)
                dw2.start()
                dp2.start()


            t0 = pl.multiple_of(c * T, T)
            pltpu.async_copy(ob, out_hbm.at[pl.ds(start + t0, T), :], osem)
        return 0

    lax.fori_loop(0, NG // 2, super_body, 0)

    for b in (0, 1):
        _, _, ob, _, _, osem = bufs[b]
        pltpu.make_async_copy(ob, out_hbm.at[pl.ds(start, T), :], osem).wait()


@jax.jit
def _run(ids, wtab, ptab, gam, bet):
    mesh = plsc.VectorSubcoreMesh(core_axis_name="c", subcore_axis_name="s")
    fn = pl.kernel(
        _body,
        out_type=jax.ShapeDtypeStruct((TOK, HID), jnp.float32),
        mesh=mesh,
        compiler_params=pltpu.CompilerParams(needs_layout_passes=False),
        scratch_types=[
            pltpu.VMEM((CHUNK,), jnp.int32),
            pltpu.VMEM((WIN,), jnp.int32),
            pltpu.VMEM((CHUNK,), jnp.int32),
            pltpu.VMEM((T, HID), jnp.float32),
            pltpu.VMEM((T, HID), jnp.float32),
            pltpu.VMEM((T, HID), jnp.float32),
            pltpu.VMEM((T, HID), jnp.float32),
            pltpu.VMEM((T, HID), jnp.float32),
            pltpu.VMEM((T, HID), jnp.float32),
            pltpu.VMEM((HID,), jnp.float32),
            pltpu.VMEM((HID,), jnp.float32),
            pltpu.SemaphoreType.DMA,
            pltpu.SemaphoreType.DMA,
            pltpu.SemaphoreType.DMA,
            pltpu.SemaphoreType.DMA,
            pltpu.SemaphoreType.DMA,
            pltpu.SemaphoreType.DMA,
        ],
    )
    return fn(ids, wtab, ptab, gam, bet)


def kernel(input_ids, word_embeddings, position_embeddings,
           token_type_embeddings, ln_gamma, ln_beta):
    ids = input_ids.reshape(-1).astype(jnp.int32)
    ptab = position_embeddings + token_type_embeddings[0][None, :]
    out = _run(ids, word_embeddings, ptab, ln_gamma, ln_beta)
    return out.reshape(input_ids.shape + (HID,))

# --- scband reference (transcript-rebuilt; emitter-appended) ---
"""Pipeline reference for scband-roberta-embeddings-17188459119060 (READ-ONLY COPY).

The authoritative reference and input builder live on the scoring server;
editing this copy changes nothing except your own understanding.
"""

import jax, jax.numpy as jnp
import numpy as np

VOCAB = 50265
HIDDEN = 768
MAX_POS = 8194
TYPE_VOCAB = 1
PAD_IDX = 1
LN_EPS = 1e-05
BATCH = 4
SEQ = 8192


def setup_inputs(seed: int = 0) -> dict:
    key = jax.random.key(seed)
    k0, k1, k2, k3 = jax.random.split(key, 4)
    input_ids = jax.random.randint(k0, (BATCH, SEQ), 0, VOCAB, dtype=jnp.int64) if jax.config.jax_enable_x64 else jax.random.randint(k0, (BATCH, SEQ), 0, VOCAB, dtype=jnp.int32)
    word_embeddings = jax.random.normal(k1, (VOCAB, HIDDEN), dtype=jnp.float32) * 0.02
    position_embeddings = jax.random.normal(k2, (MAX_POS, HIDDEN), dtype=jnp.float32) * 0.02
    token_type_embeddings = jax.random.normal(k3, (TYPE_VOCAB, HIDDEN), dtype=jnp.float32) * 0.02
    ln_gamma = jnp.ones((HIDDEN,), dtype=jnp.float32)
    ln_beta = jnp.zeros((HIDDEN,), dtype=jnp.float32)
    return {
        "input_ids": input_ids,
        "word_embeddings": word_embeddings,
        "position_embeddings": position_embeddings,
        "token_type_embeddings": token_type_embeddings,
        "ln_gamma": ln_gamma,
        "ln_beta": ln_beta,
    }


def _layer_norm(x, gamma, beta, eps):
    mu = jnp.mean(x, axis=-1, keepdims=True)
    var = jnp.mean(jnp.square(x - mu), axis=-1, keepdims=True)
    return (x - mu) * jax.lax.rsqrt(var + eps) * gamma + beta


def reference(input_ids, word_embeddings, position_embeddings, token_type_embeddings, ln_gamma, ln_beta):
    # create_position_ids_from_input_ids (past_key_values_length=0)
    mask = (input_ids != PAD_IDX).astype(input_ids.dtype)
    incremental_indices = jnp.cumsum(mask, axis=1) * mask
    position_ids = incremental_indices + PAD_IDX
    # token_type_ids default zeros
    token_type_ids = jnp.zeros(input_ids.shape, dtype=input_ids.dtype)
    # gathers (SparseCore-mappable)
    inputs_embeds = jnp.take(word_embeddings, input_ids, axis=0)
    token_type_embeds = jnp.take(token_type_embeddings, token_type_ids, axis=0)
    embeddings = inputs_embeds + token_type_embeds
    pos_embeds = jnp.take(position_embeddings, position_ids, axis=0)
    embeddings = embeddings + pos_embeds
    embeddings = _layer_norm(embeddings, ln_gamma, ln_beta, LN_EPS)
    # dropout: training=False -> identity
    return embeddings

if __name__ == "__main__":
    import jax
    _d = setup_inputs()
    print(jax.jit(kernel)(*tuple(_d.values())))

</pallas_src>

<mosaic_0001>
#map = affine_map<(d0, d1) -> (0)>
#map1 = affine_map<(d0, d1) -> (0, 0)>
module attributes {stable_mosaic.version = 14 : i64} {
  func.func @_body(%arg0: i32, %arg1: i32, %arg2: memref<32768xi32, #tpu.memory_space<hbm>>, %arg3: memref<50265x768xf32, #tpu.memory_space<hbm>>, %arg4: memref<8194x768xf32, #tpu.memory_space<hbm>>, %arg5: memref<768xf32, #tpu.memory_space<hbm>>, %arg6: memref<768xf32, #tpu.memory_space<hbm>>, %arg7: memref<32768x768xf32, #tpu.memory_space<hbm>>, %arg8: memref<1024xi32, #tpu.memory_space<vmem>>, %arg9: memref<7168xi32, #tpu.memory_space<vmem>>, %arg10: memref<1024xi32, #tpu.memory_space<vmem>>, %arg11: memref<16x768xf32, #tpu.memory_space<vmem>>, %arg12: memref<16x768xf32, #tpu.memory_space<vmem>>, %arg13: memref<16x768xf32, #tpu.memory_space<vmem>>, %arg14: memref<16x768xf32, #tpu.memory_space<vmem>>, %arg15: memref<16x768xf32, #tpu.memory_space<vmem>>, %arg16: memref<16x768xf32, #tpu.memory_space<vmem>>, %arg17: memref<768xf32, #tpu.memory_space<vmem>>, %arg18: memref<768xf32, #tpu.memory_space<vmem>>, %arg19: memref<!tpu.dma_semaphore, #tpu.memory_space<semaphore_mem>>, %arg20: memref<!tpu.dma_semaphore, #tpu.memory_space<semaphore_mem>>, %arg21: memref<!tpu.dma_semaphore, #tpu.memory_space<semaphore_mem>>, %arg22: memref<!tpu.dma_semaphore, #tpu.memory_space<semaphore_mem>>, %arg23: memref<!tpu.dma_semaphore, #tpu.memory_space<semaphore_mem>>, %arg24: memref<!tpu.dma_semaphore, #tpu.memory_space<semaphore_mem>>) attributes {dimension_semantics = [#tpu.dimension_semantics<core_parallel>, #tpu.dimension_semantics<subcore_parallel>], iteration_bounds = array<i64: 2, 16>, scalar_prefetch = 0 : i64, scratch_operands = 17 : i64, tpu.core_type = #tpu.core_type<sc_vector_subcore>, window_params = [{transform_indices = #map}, {transform_indices = #map1}, {transform_indices = #map1}, {transform_indices = #map}, {transform_indices = #map}, {transform_indices = #map1}]} {
    %mul3A = arith.constant 2 : i32
    %mul3A_0 = arith.muli %arg1, %mul3A : i32
    %add3A = arith.addi %mul3A_0, %arg0 : i32
    %mul3A_1 = arith.constant 1024 : i32
    %mul3A_2 = arith.muli %add3A, %mul3A_1 : i32
    %multiple_of3A = tpu.assume_multiple %mul3A_2, 1024 : i32
    %jit3A = arith.constant 8 : i32
    %div3A = arith.divsi %add3A, %jit3A : i32
    %sign3A = arith.constant 0 : i32
    %sign3A_3 = arith.cmpi sgt, %add3A, %sign3A : i32
    %sign3A_4 = arith.extui %sign3A_3 : i1 to i32
    %sign3A_5 = arith.constant 0 : i32
    %sign3A_6 = arith.cmpi slt, %add3A, %sign3A_5 : i32
    %sign3A_7 = arith.extui %sign3A_6 : i1 to i32
    %sign3A_8 = arith.subi %sign3A_4, %sign3A_7 : i32
    %sign3A_9 = arith.constant 0 : i32
    %sign3A_10 = arith.cmpi sgt, %jit3A, %sign3A_9 : i32
    %sign3A_11 = arith.extui %sign3A_10 : i1 to i32
    %sign3A_12 = arith.constant 0 : i32
    %sign3A_13 = arith.cmpi slt, %jit3A, %sign3A_12 : i32
    %sign3A_14 = arith.extui %sign3A_13 : i1 to i32
    %sign3A_15 = arith.subi %sign3A_11, %sign3A_14 : i32
    %ne3A = arith.cmpi ne, %sign3A_8, %sign3A_15 : i32
    %rem3A = arith.remsi %add3A, %jit3A : i32
    %ne3A_16 = arith.constant 0 : i32
    %ne3A_17 = arith.cmpi ne, %rem3A, %ne3A_16 : i32
    %and3A = arith.andi %ne3A, %ne3A_17 : i1
    %sub3A = arith.constant 1 : i32
    %sub3A_18 = arith.subi %div3A, %sub3A : i32
    %select_n3A = arith.select %and3A, %sub3A_18, %div3A : i32
    %mul3A_19 = arith.constant 8192 : i32
    %mul3A_20 = arith.muli %select_n3A, %mul3A_19 : i32
    %sub3A_21 = arith.constant 7168 : i32
    %sub3A_22 = arith.subi %multiple_of3A, %sub3A_21 : i32
    %max3A = arith.constant 0 : i32
    %max3A_23 = arith.maxsi %sub3A_22, %max3A : i32
    %multiple_of3A_24 = tpu.assume_multiple %max3A_23, 1024 : i32
    "tpu.region"() ({
      %run_scoped3A = tpu.sem_alloc : memref<!tpu.dma_semaphore, #tpu.memory_space<semaphore_mem>>
      tpu.enqueue_dma source(%arg5 : memref<768xf32, #tpu.memory_space<hbm>>) target(%arg17 : memref<768xf32, #tpu.memory_space<vmem>>) target_semaphore(%run_scoped3A : memref<!tpu.dma_semaphore, #tpu.memory_space<semaphore_mem>>)
      tpu.wait_dma2 semaphore(%run_scoped3A : memref<!tpu.dma_semaphore, #tpu.memory_space<semaphore_mem>>) src(%arg5 : memref<768xf32, #tpu.memory_space<hbm>>) dst(%arg17 : memref<768xf32, #tpu.memory_space<vmem>>)
      tpu.yield
    }) : () -> ()
    "tpu.region"() ({
      %run_scoped3A = tpu.sem_alloc : memref<!tpu.dma_semaphore, #tpu.memory_space<semaphore_mem>>
      tpu.enqueue_dma source(%arg6 : memref<768xf32, #tpu.memory_space<hbm>>) target(%arg18 : memref<768xf32, #tpu.memory_space<vmem>>) target_semaphore(%run_scoped3A : memref<!tpu.dma_semaphore, #tpu.memory_space<semaphore_mem>>)
      tpu.wait_dma2 semaphore(%run_scoped3A : memref<!tpu.dma_semaphore, #tpu.memory_space<semaphore_mem>>) src(%arg6 : memref<768xf32, #tpu.memory_space<hbm>>) dst(%arg18 : memref<768xf32, #tpu.memory_space<vmem>>)
      tpu.yield
    }) : () -> ()
    "tpu.region"() ({
      %run_scoped3A = tpu.sem_alloc : memref<!tpu.dma_semaphore, #tpu.memory_space<semaphore_mem>>
      %dma_start3A_76 = tpu.memref_slice %arg2[%multiple_of3A] : memref<32768xi32, #tpu.memory_space<hbm>> -> memref<1024xi32, #tpu.memory_space<hbm>>
      %dma_start3A_77 = tpu.memref_slice %arg2[%multiple_of3A] : memref<32768xi32, #tpu.memory_space<hbm>> -> memref<1024xi32, #tpu.memory_space<hbm>>
      tpu.enqueue_dma source(%dma_start3A_77 : memref<1024xi32, #tpu.memory_space<hbm>>) target(%arg8 : memref<1024xi32, #tpu.memory_space<vmem>>) target_semaphore(%run_scoped3A : memref<!tpu.dma_semaphore, #tpu.memory_space<semaphore_mem>>)
      %dma_wait3A_78 = tpu.memref_slice %arg2[%multiple_of3A] : memref<32768xi32, #tpu.memory_space<hbm>> -> memref<1024xi32, #tpu.memory_space<hbm>>
      %dma_wait3A_79 = tpu.memref_slice %arg2[%multiple_of3A] : memref<32768xi32, #tpu.memory_space<hbm>> -> memref<1024xi32, #tpu.memory_space<hbm>>
      tpu.wait_dma2 semaphore(%run_scoped3A : memref<!tpu.dma_semaphore, #tpu.memory_space<semaphore_mem>>) src(%dma_wait3A_79 : memref<1024xi32, #tpu.memory_space<hbm>>) dst(%arg8 : memref<1024xi32, #tpu.memory_space<vmem>>)
      tpu.yield
    }) : () -> ()
    "tpu.region"() ({
      %run_scoped3A = tpu.sem_alloc : memref<!tpu.dma_semaphore, #tpu.memory_space<semaphore_mem>>
      %dma_start3A_76 = tpu.memref_slice %arg2[%multiple_of3A_24] : memref<32768xi32, #tpu.memory_space<hbm>> -> memref<7168xi32, #tpu.memory_space<hbm>>
      %dma_start3A_77 = tpu.memref_slice %arg2[%multiple_of3A_24] : memref<32768xi32, #tpu.memory_space<hbm>> -> memref<7168xi32, #tpu.memory_space<hbm>>
      tpu.enqueue_dma source(%dma_start3A_77 : memref<7168xi32, #tpu.memory_space<hbm>>) target(%arg9 : memref<7168xi32, #tpu.memory_space<vmem>>) target_semaphore(%run_scoped3A : memref<!tpu.dma_semaphore, #tpu.memory_space<semaphore_mem>>)
      %dma_wait3A_78 = tpu.memref_slice %arg2[%multiple_of3A_24] : memref<32768xi32, #tpu.memory_space<hbm>> -> memref<7168xi32, #tpu.memory_space<hbm>>
      %dma_wait3A_79 = tpu.memref_slice %arg2[%multiple_of3A_24] : memref<32768xi32, #tpu.memory_space<hbm>> -> memref<7168xi32, #tpu.memory_space<hbm>>
      tpu.wait_dma2 semaphore(%run_scoped3A : memref<!tpu.dma_semaphore, #tpu.memory_space<semaphore_mem>>) src(%dma_wait3A_79 : memref<7168xi32, #tpu.memory_space<hbm>>) dst(%arg9 : memref<7168xi32, #tpu.memory_space<vmem>>)
      tpu.yield
    }) : () -> ()
    %iota3A = tpu.iota {dimensions = array<i32: 0>} : vector<16xi32>
    %dma_start3A = arith.constant 0 : i32
    %dma_start3A_25 = tpu.memref_slice %arg8[%dma_start3A] : memref<1024xi32, #tpu.memory_space<vmem>> -> memref<16xi32, #tpu.memory_space<vmem>>
    %dma_start3A_26 = arith.constant 0 : i32
    %dma_start3A_27 = arith.constant 0 : i32
    %dma_start3A_28 = tpu.memref_slice %arg3[%dma_start3A_26, %dma_start3A_27] : memref<50265x768xf32, #tpu.memory_space<hbm>> -> memref<50265x768xf32, #tpu.memory_space<hbm>>
    tpu.enqueue_indirect_dma source(%dma_start3A_28 : memref<50265x768xf32, #tpu.memory_space<hbm>>) target(%arg11 : memref<16x768xf32, #tpu.memory_space<vmem>>) offsets(%dma_start3A_25 : memref<16xi32, #tpu.memory_space<vmem>>) semaphore(%arg19 : memref<!tpu.dma_semaphore, #tpu.memory_space<semaphore_mem>>)
    %dma_start3A_29 = arith.constant 16 : i32
    %dma_start3A_30 = tpu.memref_slice %arg8[%dma_start3A_29] : memref<1024xi32, #tpu.memory_space<vmem>> -> memref<16xi32, #tpu.memory_space<vmem>>
    %dma_start3A_31 = arith.constant 0 : i32
    %dma_start3A_32 = arith.constant 0 : i32
    %dma_start3A_33 = tpu.memref_slice %arg3[%dma_start3A_31, %dma_start3A_32] : memref<50265x768xf32, #tpu.memory_space<hbm>> -> memref<50265x768xf32, #tpu.memory_space<hbm>>
    tpu.enqueue_indirect_dma source(%dma_start3A_33 : memref<50265x768xf32, #tpu.memory_space<hbm>>) target(%arg14 : memref<16x768xf32, #tpu.memory_space<vmem>>) offsets(%dma_start3A_30 : memref<16xi32, #tpu.memory_space<vmem>>) semaphore(%arg22 : memref<!tpu.dma_semaphore, #tpu.memory_space<semaphore_mem>>)
    %broadcast_in_dim3A = arith.constant 0 : i32
    %broadcast_in_dim3A_34 = vector.broadcast %broadcast_in_dim3A : i32 to vector<16xi32>
    %scan3A = arith.constant 0 : i32
    %scan3A_35 = arith.constant 448 : i32
    %scan3A_36 = arith.addi %scan3A, %scan3A_35 : i32
    %scan3A_37 = arith.constant 1 : i32
    %scan3A_38 = scf.for %scan3A_76 = %scan3A to %scan3A_36 step %scan3A_37 iter_args(%scan3A_77 = %broadcast_in_dim3A_34) -> (vector<16xi32>)  : i32 {
      %mul3A_78 = arith.constant 16 : i32
      %mul3A_79 = arith.muli %scan3A_76, %mul3A_78 : i32
      %add3A_80 = arith.addi %multiple_of3A_24, %mul3A_79 : i32
      %add3A_81 = vector.broadcast %add3A_80 : i32 to vector<16xi32>
      %add3A_82 = arith.addi %add3A_81, %iota3A : vector<16xi32>
      %mul3A_83 = arith.constant 16 : i32
      %mul3A_84 = arith.muli %scan3A_76, %mul3A_83 : i32
      %get3A = arith.index_cast %mul3A_84 : i32 to index
      %get3A_85 = tpu.vector_load %arg9[%get3A] {strides = array<i32>} : memref<7168xi32, #tpu.memory_space<vmem>>, vector<16xi32>,
      %ge3A = vector.broadcast %mul3A_20 : i32 to vector<16xi32>
      %ge3A_86 = arith.cmpi sge, %add3A_82, %ge3A : vector<16xi32>
      %lt3A = vector.broadcast %multiple_of3A : i32 to vector<16xi32>
      %lt3A_87 = arith.cmpi slt, %add3A_82, %lt3A : vector<16xi32>
      %and3A_88 = arith.andi %ge3A_86, %lt3A_87 : vector<16xi1>
      %ne3A_89 = arith.constant 1 : i32
      %ne3A_90 = vector.broadcast %ne3A_89 : i32 to vector<16xi32>
      %ne3A_91 = arith.cmpi ne, %get3A_85, %ne3A_90 : vector<16xi32>
      %and3A_92 = arith.andi %and3A_88, %ne3A_91 : vector<16xi1>
      %jit3A_93 = arith.constant 1 : i32
      %jit3A_94 = arith.constant 0 : i32
      %broadcast_in_dim3A_95 = vector.broadcast %jit3A_93 : i32 to vector<16xi32>
      %broadcast_in_dim3A_96 = vector.broadcast %jit3A_94 : i32 to vector<16xi32>
      %select_n3A_97 = arith.select %and3A_92, %broadcast_in_dim3A_95, %broadcast_in_dim3A_96 : vector<16xi1>, vector<16xi32>
      %add3A_98 = arith.addi %scan3A_77, %select_n3A_97 : vector<16xi32>
      scf.yield %add3A_98 : vector<16xi32>
    }
    %scan3A_39 = arith.constant 448 : i32
    %reduce_sum3A = arith.constant true
    %reduce_sum3A_40 = vector.broadcast %reduce_sum3A : i1 to vector<16xi1>
    %reduce_sum3A_41 = tpu.scan <sum>, %scan3A_38 masked %reduce_sum3A_40 : vector<16xi32>, vector<16xi1> -> vector<16xi32>
    %reduce_sum3A_42 = vector.extract %reduce_sum3A_41[15] : i32 from vector<16xi32>
    %scan3A_43 = arith.constant 0 : i32
    %scan3A_44 = arith.constant 64 : i32
    %scan3A_45 = arith.addi %scan3A_43, %scan3A_44 : i32
    %scan3A_46 = arith.constant 1 : i32
    %scan3A_47 = scf.for %scan3A_76 = %scan3A_43 to %scan3A_45 step %scan3A_46 iter_args(%scan3A_77 = %reduce_sum3A_42) -> (i32)  : i32 {
      %mul3A_78 = arith.constant 16 : i32
      %mul3A_79 = arith.muli %scan3A_76, %mul3A_78 : i32
      %get3A = arith.index_cast %mul3A_79 : i32 to index
      %get3A_80 = tpu.vector_load %arg8[%get3A] {strides = array<i32>} : memref<1024xi32, #tpu.memory_space<vmem>>, vector<16xi32>,
      %ne3A_81 = arith.constant 1 : i32
      %ne3A_82 = vector.broadcast %ne3A_81 : i32 to vector<16xi32>
      %ne3A_83 = arith.cmpi ne, %get3A_80, %ne3A_82 : vector<16xi32>
      %jit3A_84 = arith.constant 1 : i32
      %jit3A_85 = arith.constant 0 : i32
      %broadcast_in_dim3A_86 = vector.broadcast %jit3A_84 : i32 to vector<16xi32>
      %broadcast_in_dim3A_87 = vector.broadcast %jit3A_85 : i32 to vector<16xi32>
      %select_n3A_88 = arith.select %ne3A_83, %broadcast_in_dim3A_86, %broadcast_in_dim3A_87 : vector<16xi1>, vector<16xi32>
      %broadcast_in_dim3A_89 = arith.constant true
      %broadcast_in_dim3A_90 = vector.broadcast %broadcast_in_dim3A_89 : i1 to vector<16xi1>
      %masked_cumsum3A = tpu.scan <sum>, %select_n3A_88 masked %broadcast_in_dim3A_90 : vector<16xi32>, vector<16xi1> -> vector<16xi32>
      %add3A_91 = vector.broadcast %scan3A_77 : i32 to vector<16xi32>
      %add3A_92 = arith.addi %masked_cumsum3A, %add3A_91 : vector<16xi32>
      %mul3A_93 = arith.muli %add3A_92, %select_n3A_88 : vector<16xi32>
      %add3A_94 = arith.constant 1 : i32
      %add3A_95 = vector.broadcast %add3A_94 : i32 to vector<16xi32>
      %add3A_96 = arith.addi %mul3A_93, %add3A_95 : vector<16xi32>
      %mul3A_97 = arith.constant 16 : i32
      %mul3A_98 = arith.muli %scan3A_76, %mul3A_97 : i32
      %swap3A = arith.index_cast %mul3A_98 : i32 to index
      %swap3A_99 = tpu.vector_load %arg10[%swap3A] {strides = array<i32>} : memref<1024xi32, #tpu.memory_space<vmem>>, vector<16xi32>,
      tpu.vector_store %arg10[%swap3A], %add3A_96 {strides = array<i32>} : memref<1024xi32, #tpu.memory_space<vmem>>, vector<16xi32>,
      %reduce_sum3A_100 = arith.constant true
      %reduce_sum3A_101 = vector.broadcast %reduce_sum3A_100 : i1 to vector<16xi1>
      %reduce_sum3A_102 = tpu.scan <sum>, %select_n3A_88 masked %reduce_sum3A_101 : vector<16xi32>, vector<16xi1> -> vector<16xi32>
      %reduce_sum3A_103 = vector.extract %reduce_sum3A_102[15] : i32 from vector<16xi32>
      %add3A_104 = arith.addi %scan3A_77, %reduce_sum3A_103 : i32
      scf.yield %add3A_104 : i32
    }
    %scan3A_48 = arith.constant 64 : i32
    %multiple_of3A_49 = arith.constant 0 : i32
    %multiple_of3A_50 = tpu.assume_multiple %multiple_of3A_49, 16 : i32
    %dma_start3A_51 = tpu.memref_slice %arg10[%multiple_of3A_50] : memref<1024xi32, #tpu.memory_space<vmem>> -> memref<16xi32, #tpu.memory_space<vmem>>
    %dma_start3A_52 = arith.constant 0 : i32
    %dma_start3A_53 = arith.constant 0 : i32
    %dma_start3A_54 = tpu.memref_slice %arg4[%dma_start3A_52, %dma_start3A_53] : memref<8194x768xf32, #tpu.memory_space<hbm>> -> memref<8194x768xf32, #tpu.memory_space<hbm>>
    tpu.enqueue_indirect_dma source(%dma_start3A_54 : memref<8194x768xf32, #tpu.memory_space<hbm>>) target(%arg12 : memref<16x768xf32, #tpu.memory_space<vmem>>) offsets(%dma_start3A_51 : memref<16xi32, #tpu.memory_space<vmem>>) semaphore(%arg20 : memref<!tpu.dma_semaphore, #tpu.memory_space<semaphore_mem>>)
    %multiple_of3A_55 = arith.constant 16 : i32
    %multiple_of3A_56 = tpu.assume_multiple %multiple_of3A_55, 16 : i32
    %dma_start3A_57 = tpu.memref_slice %arg10[%multiple_of3A_56] : memref<1024xi32, #tpu.memory_space<vmem>> -> memref<16xi32, #tpu.memory_space<vmem>>
    %dma_start3A_58 = arith.constant 0 : i32
    %dma_start3A_59 = arith.constant 0 : i32
    %dma_start3A_60 = tpu.memref_slice %arg4[%dma_start3A_58, %dma_start3A_59] : memref<8194x768xf32, #tpu.memory_space<hbm>> -> memref<8194x768xf32, #tpu.memory_space<hbm>>
    tpu.enqueue_indirect_dma source(%dma_start3A_60 : memref<8194x768xf32, #tpu.memory_space<hbm>>) target(%arg15 : memref<16x768xf32, #tpu.memory_space<vmem>>) offsets(%dma_start3A_57 : memref<16xi32, #tpu.memory_space<vmem>>) semaphore(%arg23 : memref<!tpu.dma_semaphore, #tpu.memory_space<semaphore_mem>>)
    %scan3A_61 = arith.constant 0.00130208337 : f32
    %scan3A_62 = arith.constant 0 : i32
    %scan3A_63 = arith.constant 0 : i32
    %scan3A_64 = arith.constant 32 : i32
    %scan3A_65 = arith.addi %scan3A_63, %scan3A_64 : i32
    %scan3A_66 = arith.constant 1 : i32
    %scan3A_67 = scf.for %scan3A_76 = %scan3A_63 to %scan3A_65 step %scan3A_66 iter_args(%scan3A_77 = %scan3A_62) -> (i32)  : i32 {
      %mul3A_78 = arith.constant 2 : i32
      %mul3A_79 = arith.muli %mul3A_78, %scan3A_76 : i32
      %add3A_80 = arith.constant 0 : i32
      %add3A_81 = arith.addi %mul3A_79, %add3A_80 : i32
      %mul3A_82 = arith.constant 16 : i32
      %mul3A_83 = arith.muli %add3A_81, %mul3A_82 : i32
      %multiple_of3A_84 = tpu.assume_multiple %mul3A_83, 16 : i32
      %dma_wait3A_85 = tpu.memref_slice %arg8[%multiple_of3A_84] : memref<1024xi32, #tpu.memory_space<vmem>> -> memref<16xi32, #tpu.memory_space<vmem>>
      %dma_wait3A_86 = arith.constant 0 : i32
      %dma_wait3A_87 = arith.constant 0 : i32
      %dma_wait3A_88 = tpu.memref_slice %arg3[%dma_wait3A_86, %dma_wait3A_87] : memref<50265x768xf32, #tpu.memory_space<hbm>> -> memref<50265x768xf32, #tpu.memory_space<hbm>>
      tpu.wait_indirect_dma semaphore(%arg19 : memref<!tpu.dma_semaphore, #tpu.memory_space<semaphore_mem>>) src(%dma_wait3A_88 : memref<50265x768xf32, #tpu.memory_space<hbm>>) dst(%arg11 : memref<16x768xf32, #tpu.memory_space<vmem>>)
      %dma_wait3A_89 = tpu.memref_slice %arg10[%multiple_of3A_84] : memref<1024xi32, #tpu.memory_space<vmem>> -> memref<16xi32, #tpu.memory_space<vmem>>
      %dma_wait3A_90 = arith.constant 0 : i32
      %dma_wait3A_91 = arith.constant 0 : i32
      %dma_wait3A_92 = tpu.memref_slice %arg4[%dma_wait3A_90, %dma_wait3A_91] : memref<8194x768xf32, #tpu.memory_space<hbm>> -> memref<8194x768xf32, #tpu.memory_space<hbm>>
      tpu.wait_indirect_dma semaphore(%arg20 : memref<!tpu.dma_semaphore, #tpu.memory_space<semaphore_mem>>) src(%dma_wait3A_92 : memref<8194x768xf32, #tpu.memory_space<hbm>>) dst(%arg12 : memref<16x768xf32, #tpu.memory_space<vmem>>)
      %broadcast_in_dim3A_93 = arith.constant 0.000000e+00 : f32
      %broadcast_in_dim3A_94 = vector.broadcast %broadcast_in_dim3A_93 : f32 to vector<16xf32>
      %parallel_loop3A = arith.constant 0 : i32
      %parallel_loop3A_95 = arith.constant 16 : i32
      %parallel_loop3A_96 = arith.constant 1 : i32
      %parallel_loop3A_97:2 = scf.for %parallel_loop3A_739 = %parallel_loop3A to %parallel_loop3A_95 step %parallel_loop3A_96 iter_args(%parallel_loop3A_740 = %broadcast_in_dim3A_94, %parallel_loop3A_741 = %broadcast_in_dim3A_94) -> (vector<16xf32>, vector<16xf32>)  : i32 {
        %parallel_loop3A_742 = arith.constant 0.000000e+00 : f32
        %parallel_loop3A_743 = vector.broadcast %parallel_loop3A_742 : f32 to vector<16xf32>
        %parallel_loop3A_744 = arith.constant 0.000000e+00 : f32
        %parallel_loop3A_745 = vector.broadcast %parallel_loop3A_744 : f32 to vector<16xf32>
        %parallel_loop3A_746 = arith.constant 0.000000e+00 : f32
        %parallel_loop3A_747 = vector.broadcast %parallel_loop3A_746 : f32 to vector<16xf32>
        %parallel_loop3A_748 = arith.constant 0.000000e+00 : f32
        %parallel_loop3A_749 = vector.broadcast %parallel_loop3A_748 : f32 to vector<16xf32>
        %parallel_loop3A_750 = arith.index_cast %parallel_loop3A_739 : i32 to index
        %parallel_loop3A_751 = arith.constant 0 : index
        %parallel_loop3A_752 = tpu.vector_load %arg11[%parallel_loop3A_750, %parallel_loop3A_751] {strides = array<i32>} : memref<16x768xf32, #tpu.memory_space<vmem>>, vector<16xf32>,
        %parallel_loop3A_753 = arith.index_cast %parallel_loop3A_739 : i32 to index
        %parallel_loop3A_754 = arith.constant 0 : index
        %parallel_loop3A_755 = tpu.vector_load %arg12[%parallel_loop3A_753, %parallel_loop3A_754] {strides = array<i32>} : memref<16x768xf32, #tpu.memory_space<vmem>>, vector<16xf32>,
        %parallel_loop3A_756 = arith.addf %parallel_loop3A_752, %parallel_loop3A_755 : vector<16xf32>
        %parallel_loop3A_757 = arith.index_cast %parallel_loop3A_739 : i32 to index
        %parallel_loop3A_758 = arith.constant 0 : index
        %parallel_loop3A_759 = tpu.vector_load %arg13[%parallel_loop3A_757, %parallel_loop3A_758] {strides = array<i32>} : memref<16x768xf32, #tpu.memory_space<vmem>>, vector<16xf32>,
        tpu.vector_store %arg13[%parallel_loop3A_757, %parallel_loop3A_758], %parallel_loop3A_756 {strides = array<i32>} : memref<16x768xf32, #tpu.memory_space<vmem>>, vector<16xf32>,
        %parallel_loop3A_760 = arith.addf %parallel_loop3A_743, %parallel_loop3A_756 : vector<16xf32>
        %parallel_loop3A_761 = arith.mulf %parallel_loop3A_756, %parallel_loop3A_756 : vector<16xf32>
        %parallel_loop3A_762 = arith.addf %parallel_loop3A_747, %parallel_loop3A_761 : vector<16xf32>
        %parallel_loop3A_763 = arith.index_cast %parallel_loop3A_739 : i32 to index
        %parallel_loop3A_764 = arith.constant 16 : index
        %parallel_loop3A_765 = tpu.vector_load %arg11[%parallel_loop3A_763, %parallel_loop3A_764] {strides = array<i32>} : memref<16x768xf32, #tpu.memory_space<vmem>>, vector<16xf32>,
        %parallel_loop3A_766 = arith.index_cast %parallel_loop3A_739 : i32 to index
        %parallel_loop3A_767 = arith.constant 16 : index
        %parallel_loop3A_768 = tpu.vector_load %arg12[%parallel_loop3A_766, %parallel_loop3A_767] {strides = array<i32>} : memref<16x768xf32, #tpu.memory_space<vmem>>, vector<16xf32>,
        %parallel_loop3A_769 = arith.addf %parallel_loop3A_765, %parallel_loop3A_768 : vector<16xf32>
        %parallel_loop3A_770 = arith.index_cast %parallel_loop3A_739 : i32 to index
        %parallel_loop3A_771 = arith.constant 16 : index
        %parallel_loop3A_772 = tpu.vector_load %arg13[%parallel_loop3A_770, %parallel_loop3A_771] {strides = array<i32>} : memref<16x768xf32, #tpu.memory_space<vmem>>, vector<16xf32>,
        tpu.vector_store %arg13[%parallel_loop3A_770, %parallel_loop3A_771], %parallel_loop3A_769 {strides = array<i32>} : memref<16x768xf32, #tpu.memory_space<vmem>>, vector<16xf32>,
        %parallel_loop3A_773 = arith.addf %parallel_loop3A_745, %parallel_loop3A_769 : vector<16xf32>
        %parallel_loop3A_774 = arith.mulf %parallel_loop3A_769, %parallel_loop3A_769 : vector<16xf32>
        %parallel_loop3A_775 = arith.addf %parallel_loop3A_749, %parallel_loop3A_774 : vector<16xf32>
        %parallel_loop3A_776 = arith.index_cast %parallel_loop3A_739 : i32 to index
        %parallel_loop3A_777 = arith.constant 32 : index
        %parallel_loop3A_778 = tpu.vector_load %arg11[%parallel_loop3A_776, %parallel_loop3A_777] {strides = array<i32>} : memref<16x768xf32, #tpu.memory_space<vmem>>, vector<16xf32>,
        %parallel_loop3A_779 = arith.index_cast %parallel_loop3A_739 : i32 to index
        %parallel_loop3A_780 = arith.constant 32 : index
        %parallel_loop3A_781 = tpu.vector_load %arg12[%parallel_loop3A_779, %parallel_loop3A_780] {strides = array<i32>} : memref<16x768xf32, #tpu.memory_space<vmem>>, vector<16xf32>,
        %parallel_loop3A_782 = arith.addf %parallel_loop3A_778, %parallel_loop3A_781 : vector<16xf32>
        %parallel_loop3A_783 = arith.index_cast %parallel_loop3A_739 : i32 to index
        %parallel_loop3A_784 = arith.constant 32 : index
        %parallel_loop3A_785 = tpu.vector_load %arg13[%parallel_loop3A_783, %parallel_loop3A_784] {strides = array<i32>} : memref<16x768xf32, #tpu.memory_space<vmem>>, vector<16xf32>,
        tpu.vector_store %arg13[%parallel_loop3A_783, %parallel_loop3A_784], %parallel_loop3A_782 {strides = array<i32>} : memref<16x768xf32, #tpu.memory_space<vmem>>, vector<16xf32>,
        %parallel_loop3A_786 = arith.addf %parallel_loop3A_760, %parallel_loop3A_782 : vector<16xf32>
        %parallel_loop3A_787 = arith.mulf %parallel_loop3A_782, %parallel_loop3A_782 : vector<16xf32>
        %parallel_loop3A_788 = arith.addf %parallel_loop3A_762, %parallel_loop3A_787 : vector<16xf32>
        %parallel_loop3A_789 = arith.index_cast %parallel_loop3A_739 : i32 to index
        %parallel_loop3A_790 = arith.constant 48 : index
        %parallel_loop3A_791 = tpu.vector_load %arg11[%parallel_loop3A_789, %parallel_loop3A_790] {strides = array<i32>} : memref<16x768xf32, #tpu.memory_space<vmem>>, vector<16xf32>,
        %parallel_loop3A_792 = arith.index_cast %parallel_loop3A_739 : i32 to index
        %parallel_loop3A_793 = arith.constant 48 : index
        %parallel_loop3A_794 = tpu.vector_load %arg12[%parallel_loop3A_792, %parallel_loop3A_793] {strides = array<i32>} : memref<16x768xf32, #tpu.memory_space<vmem>>, vector<16xf32>,
        %parallel_loop3A_795 = arith.addf %parallel_loop3A_791, %parallel_loop3A_794 : vector<16xf32>
        %parallel_loop3A_796 = arith.index_cast %parallel_loop3A_739 : i32 to index
        %parallel_loop3A_797 = arith.constant 48 : index
        %parallel_loop3A_798 = tpu.vector_load %arg13[%parallel_loop3A_796, %parallel_loop3A_797] {strides = array<i32>} : memref<16x768xf32, #tpu.memory_space<vmem>>, vector<16xf32>,
        tpu.vector_store %arg13[%parallel_loop3A_796, %parallel_loop3A_797], %parallel_loop3A_795 {strides = array<i32>} : memref<16x768xf32, #tpu.memory_space<vmem>>, vector<16xf32>,
        %parallel_loop3A_799 = arith.addf %parallel_loop3A_773, %parallel_loop3A_795 : vector<16xf32>
        %parallel_loop3A_800 = arith.mulf %parallel_loop3A_795, %parallel_loop3A_795 : vector<16xf32>
        %parallel_loop3A_801 = arith.addf %parallel_loop3A_775, %parallel_loop3A_800 : vector<16xf32>
        %parallel_loop3A_802 = arith.index_cast %parallel_loop3A_739 : i32 to index
        %parallel_loop3A_803 = arith.constant 64 : index
        %parallel_loop3A_804 = tpu.vector_load %arg11[%parallel_loop3A_802, %parallel_loop3A_803] {strides = array<i32>} : memref<16x768xf32, #tpu.memory_space<vmem>>, vector<16xf32>,
        %parallel_loop3A_805 = arith.index_cast %parallel_loop3A_739 : i32 to index
        %parallel_loop3A_806 = arith.constant 64 : index
        %parallel_loop3A_807 = tpu.vector_load %arg12[%parallel_loop3A_805, %parallel_loop3A_806] {strides = array<i32>} : memref<16x768xf32, #tpu.memory_space<vmem>>, vector<16xf32>,
        %parallel_loop3A_808 = arith.addf %parallel_loop3A_804, %parallel_loop3A_807 : vector<16xf32>
        %parallel_loop3A_809 = arith.index_cast %parallel_loop3A_739 : i32 to index
        %parallel_loop3A_810 = arith.constant 64 : index
        %parallel_loop3A_811 = tpu.vector_load %arg13[%parallel_loop3A_809, %parallel_loop3A_810] {strides = array<i32>} : memref<16x768xf32, #tpu.memory_space<vmem>>, vector<16xf32>,
        tpu.vector_store %arg13[%parallel_loop3A_809, %parallel_loop3A_810], %parallel_loop3A_808 {strides = array<i32>} : memref<16x768xf32, #tpu.memory_space<vmem>>, vector<16xf32>,
        %parallel_loop3A_812 = arith.addf %parallel_loop3A_786, %parallel_loop3A_808 : vector<16xf32>
        %parallel_loop3A_813 = arith.mulf %parallel_loop3A_808, %parallel_loop3A_808 : vector<16xf32>
        %parallel_loop3A_814 = arith.addf %parallel_loop3A_788, %parallel_loop3A_813 : vector<16xf32>
        %parallel_loop3A_815 = arith.index_cast %parallel_loop3A_739 : i32 to index
        %parallel_loop3A_816 = arith.constant 80 : index
        %parallel_loop3A_817 = tpu.vector_load %arg11[%parallel_loop3A_815, %parallel_loop3A_816] {strides = array<i32>} : memref<16x768xf32, #tpu.memory_space<vmem>>, vector<16xf32>,
        %parallel_loop3A_818 = arith.index_cast %parallel_loop3A_739 : i32 to index
        %parallel_loop3A_819 = arith.constant 80 : index
        %parallel_loop3A_820 = tpu.vector_load %arg12[%parallel_loop3A_818, %parallel_loop3A_819] {strides = array<i32>} : memref<16x768xf32, #tpu.memory_space<vmem>>, vector<16xf32>,
        %parallel_loop3A_821 = arith.addf %parallel_loop3A_817, %parallel_loop3A_820 : vector<16xf32>
        %parallel_loop3A_822 = arith.index_cast %parallel_loop3A_739 : i32 to index
        %parallel_loop3A_823 = arith.constant 80 : index
        %parallel_loop3A_824 = tpu.vector_load %arg13[%parallel_loop3A_822, %parallel_loop3A_823] {strides = array<i32>} : memref<16x768xf32, #tpu.memory_space<vmem>>, vector<16xf32>,
        tpu.vector_store %arg13[%parallel_loop3A_822, %parallel_loop3A_823], %parallel_loop3A_821 {strides = array<i32>} : memref<16x768xf32, #tpu.memory_space<vmem>>, vector<16xf32>,
        %parallel_loop3A_825 = arith.addf %parallel_loop3A_799, %parallel_loop3A_821 : vector<16xf32>
        %parallel_loop3A_826 = arith.mulf %parallel_loop3A_821, %parallel_loop3A_821 : vector<16xf32>
        %parallel_loop3A_827 = arith.addf %parallel_loop3A_801, %parallel_loop3A_826 : vector<16xf32>
        %parallel_loop3A_828 = arith.index_cast %parallel_loop3A_739 : i32 to index
        %parallel_loop3A_829 = arith.constant 96 : index
        %parallel_loop3A_830 = tpu.vector_load %arg11[%parallel_loop3A_828, %parallel_loop3A_829] {strides = array<i32>} : memref<16x768xf32, #tpu.memory_space<vmem>>, vector<16xf32>,
        %parallel_loop3A_831 = arith.index_cast %parallel_loop3A_739 : i32 to index
        %parallel_loop3A_832 = arith.constant 96 : index
        %parallel_loop3A_833 = tpu.vector_load %arg12[%parallel_loop3A_831, %parallel_loop3A_832] {strides = array<i32>} : memref<16x768xf32, #tpu.memory_space<vmem>>, vector<16xf32>,
        %parallel_loop3A_834 = arith.addf %parallel_loop3A_830, %parallel_loop3A_833 : vector<16xf32>
        %parallel_loop3A_835 = arith.index_cast %parallel_loop3A_739 : i32 to index
        %parallel_loop3A_836 = arith.constant 96 : index
        %parallel_loop3A_837 = tpu.vector_load %arg13[%parallel_loop3A_835, %parallel_loop3A_836] {strides = array<i32>} : memref<16x768xf32, #tpu.memory_space<vmem>>, vector<16xf32>,
        tpu.vector_store %arg13[%parallel_loop3A_835, %parallel_loop3A_836], %parallel_loop3A_834 {strides = array<i32>} : memref<16x768xf32, #tpu.memory_space<vmem>>, vector<16xf32>,
        %parallel_loop3A_838 = arith.addf %parallel_loop3A_812, %parallel_loop3A_834 : vector<16xf32>
        %parallel_loop3A_839 = arith.mulf %parallel_loop3A_834, %parallel_loop3A_834 : vector<16xf32>
        %parallel_loop3A_840 = arith.addf %parallel_loop3A_814, %parallel_loop3A_839 : vector<16xf32>
        %parallel_loop3A_841 = arith.index_cast %parallel_loop3A_739 : i32 to index
        %parallel_loop3A_842 = arith.constant 112 : index
        %parallel_loop3A_843 = tpu.vector_load %arg11[%parallel_loop3A_841, %parallel_loop3A_842] {strides = array<i32>} : memref<16x768xf32, #tpu.memory_space<vmem>>, vector<16xf32>,
        %parallel_loop3A_844 = arith.index_cast %parallel_loop3A_739 : i32 to index
        %parallel_loop3A_845 = arith.constant 112 : index
        %parallel_loop3A_846 = tpu.vector_load %arg12[%parallel_loop3A_844, %parallel_loop3A_845] {strides = array<i32>} : memref<16x768xf32, #tpu.memory_space<vmem>>, vector<16xf32>,
        %parallel_loop3A_847 = arith.addf %parallel_loop3A_843, %parallel_loop3A_846 : vector<16xf32>
        %parallel_loop3A_848 = arith.index_cast %parallel_loop3A_739 : i32 to index
        %parallel_loop3A_849 = arith.constant 112 : index
        %parallel_loop3A_850 = tpu.vector_load %arg13[%parallel_loop3A_848, %parallel_loop3A_849] {strides = array<i32>} : memref<16x768xf32, #tpu.memory_space<vmem>>, vector<16xf32>,
        tpu.vector_store %arg13[%parallel_loop3A_848, %parallel_loop3A_849], %parallel_loop3A_847 {strides = array<i32>} : memref<16x768xf32, #tpu.memory_space<vmem>>, vector<16xf32>,
        %parallel_loop3A_851 = arith.addf %parallel_loop3A_825, %parallel_loop3A_847 : vector<16xf32>
        %parallel_loop3A_852 = arith.mulf %parallel_loop3A_847, %parallel_loop3A_847 : vector<16xf32>
        %parallel_loop3A_853 = arith.addf %parallel_loop3A_827, %parallel_loop3A_852 : vector<16xf32>
        %parallel_loop3A_854 = arith.index_cast %parallel_loop3A_739 : i32 to index
        %parallel_loop3A_855 = arith.constant 128 : index
        %parallel_loop3A_856 = tpu.vector_load %arg11[%parallel_loop3A_854, %parallel_loop3A_855] {strides = array<i32>} : memref<16x768xf32, #tpu.memory_space<vmem>>, vector<16xf32>,
        %parallel_loop3A_857 = arith.index_cast %parallel_loop3A_739 : i32 to index
        %parallel_loop3A_858 = arith.constant 128 : index
        %parallel_loop3A_859 = tpu.vector_load %arg12[%parallel_loop3A_857, %parallel_loop3A_858] {strides = array<i32>} : memref<16x768xf32, #tpu.memory_space<vmem>>, vector<16xf32>,
        %parallel_loop3A_860 = arith.addf %parallel_loop3A_856, %parallel_loop3A_859 : vector<16xf32>
        %parallel_loop3A_861 = arith.index_cast %parallel_loop3A_739 : i32 to index
        %parallel_loop3A_862 = arith.constant 128 : index
        %parallel_loop3A_863 = tpu.vector_load %arg13[%parallel_loop3A_861, %parallel_loop3A_862] {strides = array<i32>} : memref<16x768xf32, #tpu.memory_space<vmem>>, vector<16xf32>,
        tpu.vector_store %arg13[%parallel_loop3A_861, %parallel_loop3A_862], %parallel_loop3A_860 {strides = array<i32>} : memref<16x768xf32, #tpu.memory_space<vmem>>, vector<16xf32>,
        %parallel_loop3A_864 = arith.addf %parallel_loop3A_838, %parallel_loop3A_860 : vector<16xf32>
        %parallel_loop3A_865 = arith.mulf %parallel_loop3A_860, %parallel_loop3A_860 : vector<16xf32>
        %parallel_loop3A_866 = arith.addf %parallel_loop3A_840, %parallel_loop3A_865 : vector<16xf32>
        %parallel_loop3A_867 = arith.index_cast %parallel_loop3A_739 : i32 to index
        %parallel_loop3A_868 = arith.constant 144 : index
        %parallel_loop3A_869 = tpu.vector_load %arg11[%parallel_loop3A_867, %parallel_loop3A_868] {strides = array<i32>} : memref<16x768xf32, #tpu.memory_space<vmem>>, vector<16xf32>,
        %parallel_loop3A_870 = arith.index_cast %parallel_loop3A_739 : i32 to index
        %parallel_loop3A_871 = arith.constant 144 : index
        %parallel_loop3A_872 = tpu.vector_load %arg12[%parallel_loop3A_870, %parallel_loop3A_871] {strides = array<i32>} : memref<16x768xf32, #tpu.memory_space<vmem>>, vector<16xf32>,
        %parallel_loop3A_873 = arith.addf %parallel_loop3A_869, %parallel_loop3A_872 : vector<16xf32>
        %parallel_loop3A_874 = arith.index_cast %parallel_loop3A_739 : i32 to index
        %parallel_loop3A_875 = arith.constant 144 : index
        %parallel_loop3A_876 = tpu.vector_load %arg13[%parallel_loop3A_874, %parallel_loop3A_875] {strides = array<i32>} : memref<16x768xf32, #tpu.memory_space<vmem>>, vector<16xf32>,
        tpu.vector_store %arg13[%parallel_loop3A_874, %parallel_loop3A_875], %parallel_loop3A_873 {strides = array<i32>} : memref<16x768xf32, #tpu.memory_space<vmem>>, vector<16xf32>,
        %parallel_loop3A_877 = arith.addf %parallel_loop3A_851, %parallel_loop3A_873 : vector<16xf32>
        %parallel_loop3A_878 = arith.mulf %parallel_loop3A_873, %parallel_loop3A_873 : vector<16xf32>
        %parallel_loop3A_879 = arith.addf %parallel_loop3A_853, %parallel_loop3A_878 : vector<16xf32>
        %parallel_loop3A_880 = arith.index_cast %parallel_loop3A_739 : i32 to index
        %parallel_loop3A_881 = arith.constant 160 : index
        %parallel_loop3A_882 = tpu.vector_load %arg11[%parallel_loop3A_880, %parallel_loop3A_881] {strides = array<i32>} : memref<16x768xf32, #tpu.memory_space<vmem>>, vector<16xf32>,
        %parallel_loop3A_883 = arith.index_cast %parallel_loop3A_739 : i32 to index
        %parallel_loop3A_884 = arith.constant 160 : index
        %parallel_loop3A_885 = tpu.vector_load %arg12[%parallel_loop3A_883, %parallel_loop3A_884] {strides = array<i32>} : memref<16x768xf32, #tpu.memory_space<vmem>>, vector<16xf32>,
        %parallel_loop3A_886 = arith.addf %parallel_loop3A_882, %parallel_loop3A_885 : vector<16xf32>
        %parallel_loop3A_887 = arith.index_cast %parallel_loop3A_739 : i32 to index
        %parallel_loop3A_888 = arith.constant 160 : index
        %parallel_loop3A_889 = tpu.vector_load %arg13[%parallel_loop3A_887, %parallel_loop3A_888] {strides = array<i32>} : memref<16x768xf32, #tpu.memory_space<vmem>>, vector<16xf32>,
        tpu.vector_store %arg13[%parallel_loop3A_887, %parallel_loop3A_888], %parallel_loop3A_886 {strides = array<i32>} : memref<16x768xf32, #tpu.memory_space<vmem>>, vector<16xf32>,
        %parallel_loop3A_890 = arith.addf %parallel_loop3A_864, %parallel_loop3A_886 : vector<16xf32>
        %parallel_loop3A_891 = arith.mulf %parallel_loop3A_886, %parallel_loop3A_886 : vector<16xf32>
        %parallel_loop3A_892 = arith.addf %parallel_loop3A_866, %parallel_loop3A_891 : vector<16xf32>
        %parallel_loop3A_893 = arith.index_cast %parallel_loop3A_739 : i32 to index
        %parallel_loop3A_894 = arith.constant 176 : index
        %parallel_loop3A_895 = tpu.vector_load %arg11[%parallel_loop3A_893, %parallel_loop3A_894] {strides = array<i32>} : memref<16x768xf32, #tpu.memory_space<vmem>>, vector<16xf32>,
        %parallel_loop3A_896 = arith.index_cast %parallel_loop3A_739 : i32 to index
        %parallel_loop3A_897 = arith.constant 176 : index
        %parallel_loop3A_898 = tpu.vector_load %arg12[%parallel_loop3A_896, %parallel_loop3A_897] {strides = array<i32>} : memref<16x768xf32, #tpu.memory_space<vmem>>, vector<16xf32>,
        %parallel_loop3A_899 = arith.addf %parallel_loop3A_895, %parallel_loop3A_898 : vector<16xf32>
        %parallel_loop3A_900 = arith.index_cast %parallel_loop3A_739 : i32 to index
        %parallel_loop3A_901 = arith.constant 176 : index
        %parallel_loop3A_902 = tpu.vector_load %arg13[%parallel_loop3A_900, %parallel_loop3A_901] {strides = array<i32>} : memref<16x768xf32, #tpu.memory_space<vmem>>, vector<16xf32>,
        tpu.vector_store %arg13[%parallel_loop3A_900, %parallel_loop3A_901], %parallel_loop3A_899 {strides = array<i32>} : memref<16x768xf32, #tpu.memory_space<vmem>>, vector<16xf32>,
        %parallel_loop3A_903 = arith.addf %parallel_loop3A_877, %parallel_loop3A_899 : vector<16xf32>
        %parallel_loop3A_904 = arith.mulf %parallel_loop3A_899, %parallel_loop3A_899 : vector<16xf32>
        %parallel_loop3A_905 = arith.addf %parallel_loop3A_879, %parallel_loop3A_904 : vector<16xf32>
        %parallel_loop3A_906 = arith.index_cast %parallel_loop3A_739 : i32 to index
        %parallel_loop3A_907 = arith.constant 192 : index
        %parallel_loop3A_908 = tpu.vector_load %arg11[%parallel_loop3A_906, %parallel_loop3A_907] {strides = array<i32>} : memref<16x768xf32, #tpu.memory_space<vmem>>, vector<16xf32>,
        %parallel_loop3A_909 = arith.index_cast %parallel_loop3A_739 : i32 to index
        %parallel_loop3A_910 = arith.constant 192 : index
        %parallel_loop3A_911 = tpu.vector_load %arg12[%parallel_loop3A_909, %parallel_loop3A_910] {strides = array<i32>} : memref<16x768xf32, #tpu.memory_space<vmem>>, vector<16xf32>,
        %parallel_loop3A_912 = arith.addf %parallel_loop3A_908, %parallel_loop3A_911 : vector<16xf32>
        %parallel_loop3A_913 = arith.index_cast %parallel_loop3A_739 : i32 to index
        %parallel_loop3A_914 = arith.constant 192 : index
        %parallel_loop3A_915 = tpu.vector_load %arg13[%parallel_loop3A_913, %parallel_loop3A_914] {strides = array<i32>} : memref<16x768xf32, #tpu.memory_space<vmem>>, vector<16xf32>,
        tpu.vector_store %arg13[%parallel_loop3A_913, %parallel_loop3A_914], %parallel_loop3A_912 {strides = array<i32>} : memref<16x768xf32, #tpu.memory_space<vmem>>, vector<16xf32>,
        %parallel_loop3A_916 = arith.addf %parallel_loop3A_890, %parallel_loop3A_912 : vector<16xf32>
        %parallel_loop3A_917 = arith.mulf %parallel_loop3A_912, %parallel_loop3A_912 : vector<16xf32>
        %parallel_loop3A_918 = arith.addf %parallel_loop3A_892, %parallel_loop3A_917 : vector<16xf32>
        %parallel_loop3A_919 = arith.index_cast %parallel_loop3A_739 : i32 to index
        %parallel_loop3A_920 = arith.constant 208 : index
        %parallel_loop3A_921 = tpu.vector_load %arg11[%parallel_loop3A_919, %parallel_loop3A_920] {strides = array<i32>} : memref<16x768xf32, #tpu.memory_space<vmem>>, vector<16xf32>,
        %parallel_loop3A_922 = arith.index_cast %parallel_loop3A_739 : i32 to index
        %parallel_loop3A_923 = arith.constant 208 : index
        %parallel_loop3A_924 = tpu.vector_load %arg12[%parallel_loop3A_922, %parallel_loop3A_923] {strides = array<i32>} : memref<16x768xf32, #tpu.memory_space<vmem>>, vector<16xf32>,
        %parallel_loop3A_925 = arith.addf %parallel_loop3A_921, %parallel_loop3A_924 : vector<16xf32>
        %parallel_loop3A_926 = arith.index_cast %parallel_loop3A_739 : i32 to index
        %parallel_loop3A_927 = arith.constant 208 : index
        %parallel_loop3A_928 = tpu.vector_load %arg13[%parallel_loop3A_926, %parallel_loop3A_927] {strides = array<i32>} : memref<16x768xf32, #tpu.memory_space<vmem>>, vector<16xf32>,
        tpu.vector_store %arg13[%parallel_loop3A_926, %parallel_loop3A_927], %parallel_loop3A_925 {strides = array<i32>} : memref<16x768xf32, #tpu.memory_space<vmem>>, vector<16xf32>,
        %parallel_loop3A_929 = arith.addf %parallel_loop3A_903, %parallel_loop3A_925 : vector<16xf32>
        %parallel_loop3A_930 = arith.mulf %parallel_loop3A_925, %parallel_loop3A_925 : vector<16xf32>
        %parallel_loop3A_931 = arith.addf %parallel_loop3A_905, %parallel_loop3A_930 : vector<16xf32>
        %parallel_loop3A_932 = arith.index_cast %parallel_loop3A_739 : i32 to index
        %parallel_loop3A_933 = arith.constant 224 : index
        %parallel_loop3A_934 = tpu.vector_load %arg11[%parallel_loop3A_932, %parallel_loop3A_933] {strides = array<i32>} : memref<16x768xf32, #tpu.memory_space<vmem>>, vector<16xf32>,
        %parallel_loop3A_935 = arith.index_cast %parallel_loop3A_739 : i32 to index
        %parallel_loop3A_936 = arith.constant 224 : index
        %parallel_loop3A_937 = tpu.vector_load %arg12[%parallel_loop3A_935, %parallel_loop3A_936] {strides = array<i32>} : memref<16x768xf32, #tpu.memory_space<vmem>>, vector<16xf32>,
        %parallel_loop3A_938 = arith.addf %parallel_loop3A_934, %parallel_loop3A_937 : vector<16xf32>
        %parallel_loop3A_939 = arith.index_cast %parallel_loop3A_739 : i32 to index
        %parallel_loop3A_940 = arith.constant 224 : index
        %parallel_loop3A_941 = tpu.vector_load %arg13[%parallel_loop3A_939, %parallel_loop3A_940] {strides = array<i32>} : memref<16x768xf32, #tpu.memory_space<vmem>>, vector<16xf32>,
        tpu.vector_store %arg13[%parallel_loop3A_939, %parallel_loop3A_940], %parallel_loop3A_938 {strides = array<i32>} : memref<16x768xf32, #tpu.memory_space<vmem>>, vector<16xf32>,
        %parallel_loop3A_942 = arith.addf %parallel_loop3A_916, %parallel_loop3A_938 : vector<16xf32>
        %parallel_loop3A_943 = arith.mulf %parallel_loop3A_938, %parallel_loop3A_938 : vector<16xf32>
        %parallel_loop3A_944 = arith.addf %parallel_loop3A_918, %parallel_loop3A_943 : vector<16xf32>
        %parallel_loop3A_945 = arith.index_cast %parallel_loop3A_739 : i32 to index
        %parallel_loop3A_946 = arith.constant 240 : index
        %parallel_loop3A_947 = tpu.vector_load %arg11[%parallel_loop3A_945, %parallel_loop3A_946] {strides = array<i32>} : memref<16x768xf32, #tpu.memory_space<vmem>>, vector<16xf32>,
        %parallel_loop3A_948 = arith.index_cast %parallel_loop3A_739 : i32 to index
        %parallel_loop3A_949 = arith.constant 240 : index
        %parallel_loop3A_950 = tpu.vector_load %arg12[%parallel_loop3A_948, %parallel_loop3A_949] {strides = array<i32>} : memref<16x768xf32, #tpu.memory_space<vmem>>, vector<16xf32>,
        %parallel_loop3A_951 = arith.addf %parallel_loop3A_947, %parallel_loop3A_950 : vector<16xf32>
        %parallel_loop3A_952 = arith.index_cast %parallel_loop3A_739 : i32 to index
        %parallel_loop3A_953 = arith.constant 240 : index
        %parallel_loop3A_954 = tpu.vector_load %arg13[%parallel_loop3A_952, %parallel_loop3A_953] {strides = array<i32>} : memref<16x768xf32, #tpu.memory_space<vmem>>, vector<16xf32>,
        tpu.vector_store %arg13[%parallel_loop3A_952, %parallel_loop3A_953], %parallel_loop3A_951 {strides = array<i32>} : memref<16x768xf32, #tpu.memory_space<vmem>>, vector<16xf32>,
        %parallel_loop3A_955 = arith.addf %parallel_loop3A_929, %parallel_loop3A_951 : vector<16xf32>
        %parallel_loop3A_956 = arith.mulf %parallel_loop3A_951, %parallel_loop3A_951 : vector<16xf32>
        %parallel_loop3A_957 = arith.addf %parallel_loop3A_931, %parallel_loop3A_956 : vector<16xf32>
        %parallel_loop3A_958 = arith.index_cast %parallel_loop3A_739 : i32 to index
        %parallel_loop3A_959 = arith.constant 256 : index
        %parallel_loop3A_960 = tpu.vector_load %arg11[%parallel_loop3A_958, %parallel_loop3A_959] {strides = array<i32>} : memref<16x768xf32, #tpu.memory_space<vmem>>, vector<16xf32>,
        %parallel_loop3A_961 = arith.index_cast %parallel_loop3A_739 : i32 to index
        %parallel_loop3A_962 = arith.constant 256 : index
        %parallel_loop3A_963 = tpu.vector_load %arg12[%parallel_loop3A_961, %parallel_loop3A_962] {strides = array<i32>} : memref<16x768xf32, #tpu.memory_space<vmem>>, vector<16xf32>,
        %parallel_loop3A_964 = arith.addf %parallel_loop3A_960, %parallel_loop3A_963 : vector<16xf32>
        %parallel_loop3A_965 = arith.index_cast %parallel_loop3A_739 : i32 to index
        %parallel_loop3A_966 = arith.constant 256 : index
        %parallel_loop3A_967 = tpu.vector_load %arg13[%parallel_loop3A_965, %parallel_loop3A_966] {strides = array<i32>} : memref<16x768xf32, #tpu.memory_space<vmem>>, vector<16xf32>,
        tpu.vector_store %arg13[%parallel_loop3A_965, %parallel_loop3A_966], %parallel_loop3A_964 {strides = array<i32>} : memref<16x768xf32, #tpu.memory_space<vmem>>, vector<16xf32>,
        %parallel_loop3A_968 = arith.addf %parallel_loop3A_942, %parallel_loop3A_964 : vector<16xf32>
        %parallel_loop3A_969 = arith.mulf %parallel_loop3A_964, %parallel_loop3A_964 : vector<16xf32>
        %parallel_loop3A_970 = arith.addf %parallel_loop3A_944, %parallel_loop3A_969 : vector<16xf32>
        %parallel_loop3A_971 = arith.index_cast %parallel_loop3A_739 : i32 to index
        %parallel_loop3A_972 = arith.constant 272 : index
        %parallel_loop3A_973 = tpu.vector_load %arg11[%parallel_loop3A_971, %parallel_loop3A_972] {strides = array<i32>} : memref<16x768xf32, #tpu.memory_space<vmem>>, vector<16xf32>,
        %parallel_loop3A_974 = arith.index_cast %parallel_loop3A_739 : i32 to index
        %parallel_loop3A_975 = arith.constant 272 : index
        %parallel_loop3A_976 = tpu.vector_load %arg12[%parallel_loop3A_974, %parallel_loop3A_975] {strides = array<i32>} : memref<16x768xf32, #tpu.memory_space<vmem>>, vector<16xf32>,
        %parallel_loop3A_977 = arith.addf %parallel_loop3A_973, %parallel_loop3A_976 : vector<16xf32>
        %parallel_loop3A_978 = arith.index_cast %parallel_loop3A_739 : i32 to index
        %parallel_loop3A_979 = arith.constant 272 : index
        %parallel_loop3A_980 = tpu.vector_load %arg13[%parallel_loop3A_978, %parallel_loop3A_979] {strides = array<i32>} : memref<16x768xf32, #tpu.memory_space<vmem>>, vector<16xf32>,
        tpu.vector_store %arg13[%parallel_loop3A_978, %parallel_loop3A_979], %parallel_loop3A_977 {strides = array<i32>} : memref<16x768xf32, #tpu.memory_space<vmem>>, vector<16xf32>,
        %parallel_loop3A_981 = arith.addf %parallel_loop3A_955, %parallel_loop3A_977 : vector<16xf32>
        %parallel_loop3A_982 = arith.mulf %parallel_loop3A_977, %parallel_loop3A_977 : vector<16xf32>
        %parallel_loop3A_983 = arith.addf %parallel_loop3A_957, %parallel_loop3A_982 : vector<16xf32>
        %parallel_loop3A_984 = arith.index_cast %parallel_loop3A_739 : i32 to index
        %parallel_loop3A_985 = arith.constant 288 : index
        %parallel_loop3A_986 = tpu.vector_load %arg11[%parallel_loop3A_984, %parallel_loop3A_985] {strides = array<i32>} : memref<16x768xf32, #tpu.memory_space<vmem>>, vector<16xf32>,
        %parallel_loop3A_987 = arith.index_cast %parallel_loop3A_739 : i32 to index
        %parallel_loop3A_988 = arith.constant 288 : index
        %parallel_loop3A_989 = tpu.vector_load %arg12[%parallel_loop3A_987, %parallel_loop3A_988] {strides = array<i32>} : memref<16x768xf32, #tpu.memory_space<vmem>>, vector<16xf32>,
        %parallel_loop3A_990 = arith.addf %parallel_loop3A_986, %parallel_loop3A_989 : vector<16xf32>
        %parallel_loop3A_991 = arith.index_cast %parallel_loop3A_739 : i32 to index
        %parallel_loop3A_992 = arith.constant 288 : index
        %parallel_loop3A_993 = tpu.vector_load %arg13[%parallel_loop3A_991, %parallel_loop3A_992] {strides = array<i32>} : memref<16x768xf32, #tpu.memory_space<vmem>>, vector<16xf32>,
        tpu.vector_store %arg13[%parallel_loop3A_991, %parallel_loop3A_992], %parallel_loop3A_990 {strides = array<i32>} : memref<16x768xf32, #tpu.memory_space<vmem>>, vector<16xf32>,
        %parallel_loop3A_994 = arith.addf %parallel_loop3A_968, %parallel_loop3A_990 : vector<16xf32>
        %parallel_loop3A_995 = arith.mulf %parallel_loop3A_990, %parallel_loop3A_990 : vector<16xf32>
        %parallel_loop3A_996 = arith.addf %parallel_loop3A_970, %parallel_loop3A_995 : vector<16xf32>
        %parallel_loop3A_997 = arith.index_cast %parallel_loop3A_739 : i32 to index
        %parallel_loop3A_998 = arith.constant 304 : index
        %parallel_loop3A_999 = tpu.vector_load %arg11[%parallel_loop3A_997, %parallel_loop3A_998] {strides = array<i32>} : memref<16x768xf32, #tpu.memory_space<vmem>>, vector<16xf32>,
        %parallel_loop3A_1000 = arith.index_cast %parallel_loop3A_739 : i32 to index
        %parallel_loop3A_1001 = arith.constant 304 : index
        %parallel_loop3A_1002 = tpu.vector_load %arg12[%parallel_loop3A_1000, %parallel_loop3A_1001] {strides = array<i32>} : memref<16x768xf32, #tpu.memory_space<vmem>>, vector<16xf32>,
        %parallel_loop3A_1003 = arith.addf %parallel_loop3A_999, %parallel_loop3A_1002 : vector<16xf32>
        %parallel_loop3A_1004 = arith.index_cast %parallel_loop3A_739 : i32 to index
        %parallel_loop3A_1005 = arith.constant 304 : index
        %parallel_loop3A_1006 = tpu.vector_load %arg13[%parallel_loop3A_1004, %parallel_loop3A_1005] {strides = array<i32>} : memref<16x768xf32, #tpu.memory_space<vmem>>, vector<16xf32>,
        tpu.vector_store %arg13[%parallel_loop3A_1004, %parallel_loop3A_1005], %parallel_loop3A_1003 {strides = array<i32>} : memref<16x768xf32, #tpu.memory_space<vmem>>, vector<16xf32>,
        %parallel_loop3A_1007 = arith.addf %parallel_loop3A_981, %parallel_loop3A_1003 : vector<16xf32>
        %parallel_loop3A_1008 = arith.mulf %parallel_loop3A_1003, %parallel_loop3A_1003 : vector<16xf32>
        %parallel_loop3A_1009 = arith.addf %parallel_loop3A_983, %parallel_loop3A_1008 : vector<16xf32>
        %parallel_loop3A_1010 = arith.index_cast %parallel_loop3A_739 : i32 to index
        %parallel_loop3A_1011 = arith.constant 320 : index
        %parallel_loop3A_1012 = tpu.vector_load %arg11[%parallel_loop3A_1010, %parallel_loop3A_1011] {strides = array<i32>} : memref<16x768xf32, #tpu.memory_space<vmem>>, vector<16xf32>,
        %parallel_loop3A_1013 = arith.index_cast %parallel_loop3A_739 : i32 to index
        %parallel_loop3A_1014 = arith.constant 320 : index
        %parallel_loop3A_1015 = tpu.vector_load %arg12[%parallel_loop3A_1013, %parallel_loop3A_1014] {strides = array<i32>} : memref<16x768xf32, #tpu.memory_space<vmem>>, vector<16xf32>,
        %parallel_loop3A_1016 = arith.addf %parallel_loop3A_1012, %parallel_loop3A_1015 : vector<16xf32>
        %parallel_loop3A_1017 = arith.index_cast %parallel_loop3A_739 : i32 to index
        %parallel_loop3A_1018 = arith.constant 320 : index
        %parallel_loop3A_1019 = tpu.vector_load %arg13[%parallel_loop3A_1017, %parallel_loop3A_1018] {strides = array<i32>} : memref<16x768xf32, #tpu.memory_space<vmem>>, vector<16xf32>,
        tpu.vector_store %arg13[%parallel_loop3A_1017, %parallel_loop3A_1018], %parallel_loop3A_1016 {strides = array<i32>} : memref<16x768xf32, #tpu.memory_space<vmem>>, vector<16xf32>,
        %parallel_loop3A_1020 = arith.addf %parallel_loop3A_994, %parallel_loop3A_1016 : vector<16xf32>
        %parallel_loop3A_1021 = arith.mulf %parallel_loop3A_1016, %parallel_loop3A_1016 : vector<16xf32>
        %parallel_loop3A_1022 = arith.addf %parallel_loop3A_996, %parallel_loop3A_1021 : vector<16xf32>
        %parallel_loop3A_1023 = arith.index_cast %parallel_loop3A_739 : i32 to index
        %parallel_loop3A_1024 = arith.constant 336 : index
        %parallel_loop3A_1025 = tpu.vector_load %arg11[%parallel_loop3A_1023, %parallel_loop3A_1024] {strides = array<i32>} : memref<16x768xf32, #tpu.memory_space<vmem>>, vector<16xf32>,
        %parallel_loop3A_1026 = arith.index_cast %parallel_loop3A_739 : i32 to index
        %parallel_loop3A_1027 = arith.constant 336 : index
        %parallel_loop3A_1028 = tpu.vector_load %arg12[%parallel_loop3A_1026, %parallel_loop3A_1027] {strides = array<i32>} : memref<16x768xf32, #tpu.memory_space<vmem>>, vector<16xf32>,
        %parallel_loop3A_1029 = arith.addf %parallel_loop3A_1025, %parallel_loop3A_1028 : vector<16xf32>
        %parallel_loop3A_1030 = arith.index_cast %parallel_loop3A_739 : i32 to index
        %parallel_loop3A_1031 = arith.constant 336 : index
        %parallel_loop3A_1032 = tpu.vector_load %arg13[%parallel_loop3A_1030, %parallel_loop3A_1031] {strides = array<i32>} : memref<16x768xf32, #tpu.memory_space<vmem>>, vector<16xf32>,
        tpu.vector_store %arg13[%parallel_loop3A_1030, %parallel_loop3A_1031], %parallel_loop3A_1029 {strides = array<i32>} : memref<16x768xf32, #tpu.memory_space<vmem>>, vector<16xf32>,
        %parallel_loop3A_1033 = arith.addf %parallel_loop3A_1007, %parallel_loop3A_1029 : vector<16xf32>
        %parallel_loop3A_1034 = arith.mulf %parallel_loop3A_1029, %parallel_loop3A_1029 : vector<16xf32>
        %parallel_loop3A_1035 = arith.addf %parallel_loop3A_1009, %parallel_loop3A_1034 : vector<16xf32>
        %parallel_loop3A_1036 = arith.index_cast %parallel_loop3A_739 : i32 to index
        %parallel_loop3A_1037 = arith.constant 352 : index
        %parallel_loop3A_1038 = tpu.vector_load %arg11[%parallel_loop3A_1036, %parallel_loop3A_1037] {strides = array<i32>} : memref<16x768xf32, #tpu.memory_space<vmem>>, vector<16xf32>,
        %parallel_loop3A_1039 = arith.index_cast %parallel_loop3A_739 : i32 to index
        %parallel_loop3A_1040 = arith.constant 352 : index
        %parallel_loop3A_1041 = tpu.vector_load %arg12[%parallel_loop3A_1039, %parallel_loop3A_1040] {strides = array<i32>} : memref<16x768xf32, #tpu.memory_space<vmem>>, vector<16xf32>,
        %parallel_loop3A_1042 = arith.addf %parallel_loop3A_1038, %parallel_loop3A_1041 : vector<16xf32>
        %parallel_loop3A_1043 = arith.index_cast %parallel_loop3A_739 : i32 to index
        %parallel_loop3A_1044 = arith.constant 352 : index
        %parallel_loop3A_1045 = tpu.vector_load %arg13[%parallel_loop3A_1043, %parallel_loop3A_1044] {strides = array<i32>} : memref<16x768xf32, #tpu.memory_space<vmem>>, vector<16xf32>,
        tpu.vector_store %arg13[%parallel_loop3A_1043, %parallel_loop3A_1044], %parallel_loop3A_1042 {strides = array<i32>} : memref<16x768xf32, #tpu.memory_space<vmem>>, vector<16xf32>,
        %parallel_loop3A_1046 = arith.addf %parallel_loop3A_1020, %parallel_loop3A_1042 : vector<16xf32>
        %parallel_loop3A_1047 = arith.mulf %parallel_loop3A_1042, %parallel_loop3A_1042 : vector<16xf32>
        %parallel_loop3A_1048 = arith.addf %parallel_loop3A_1022, %parallel_loop3A_1047 : vector<16xf32>
        %parallel_loop3A_1049 = arith.index_cast %parallel_loop3A_739 : i32 to index
        %parallel_loop3A_1050 = arith.constant 368 : index
        %parallel_loop3A_1051 = tpu.vector_load %arg11[%parallel_loop3A_1049, %parallel_loop3A_1050] {strides = array<i32>} : memref<16x768xf32, #tpu.memory_space<vmem>>, vector<16xf32>,
        %parallel_loop3A_1052 = arith.index_cast %parallel_loop3A_739 : i32 to index
        %parallel_loop3A_1053 = arith.constant 368 : index
        %parallel_loop3A_1054 = tpu.vector_load %arg12[%parallel_loop3A_1052, %parallel_loop3A_1053] {strides = array<i32>} : memref<16x768xf32, #tpu.memory_space<vmem>>, vector<16xf32>,
        %parallel_loop3A_1055 = arith.addf %parallel_loop3A_1051, %parallel_loop3A_1054 : vector<16xf32>
        %parallel_loop3A_1056 = arith.index_cast %parallel_loop3A_739 : i32 to index
        %parallel_loop3A_1057 = arith.constant 368 : index
        %parallel_loop3A_1058 = tpu.vector_load %arg13[%parallel_loop3A_1056, %parallel_loop3A_1057] {strides = array<i32>} : memref<16x768xf32, #tpu.memory_space<vmem>>, vector<16xf32>,
        tpu.vector_store %arg13[%parallel_loop3A_1056, %parallel_loop3A_1057], %parallel_loop3A_1055 {strides = array<i32>} : memref<16x768xf32, #tpu.memory_space<vmem>>, vector<16xf32>,
        %parallel_loop3A_1059 = arith.addf %parallel_loop3A_1033, %parallel_loop3A_1055 : vector<16xf32>
        %parallel_loop3A_1060 = arith.mulf %parallel_loop3A_1055, %parallel_loop3A_1055 : vector<16xf32>
        %parallel_loop3A_1061 = arith.addf %parallel_loop3A_1035, %parallel_loop3A_1060 : vector<16xf32>
        %parallel_loop3A_1062 = arith.index_cast %parallel_loop3A_739 : i32 to index
        %parallel_loop3A_1063 = arith.constant 384 : index
        %parallel_loop3A_1064 = tpu.vector_load %arg11[%parallel_loop3A_1062, %parallel_loop3A_1063] {strides = array<i32>} : memref<16x768xf32, #tpu.memory_space<vmem>>, vector<16xf32>,
        %parallel_loop3A_1065 = arith.index_cast %parallel_loop3A_739 : i32 to index
        %parallel_loop3A_1066 = arith.constant 384 : index
        %parallel_loop3A_1067 = tpu.vector_load %arg12[%parallel_loop3A_1065, %parallel_loop3A_1066] {strides = array<i32>} : memref<16x768xf32, #tpu.memory_space<vmem>>, vector<16xf32>,
        %parallel_loop3A_1068 = arith.addf %parallel_loop3A_1064, %parallel_loop3A_1067 : vector<16xf32>
        %parallel_loop3A_1069 = arith.index_cast %parallel_loop3A_739 : i32 to index
        %parallel_loop3A_1070 = arith.constant 384 : index
        %parallel_loop3A_1071 = tpu.vector_load %arg13[%parallel_loop3A_1069, %parallel_loop3A_1070] {strides = array<i32>} : memref<16x768xf32, #tpu.memory_space<vmem>>, vector<16xf32>,
        tpu.vector_store %arg13[%parallel_loop3A_1069, %parallel_loop3A_1070], %parallel_loop3A_1068 {strides = array<i32>} : memref<16x768xf32, #tpu.memory_space<vmem>>, vector<16xf32>,
        %parallel_loop3A_1072 = arith.addf %parallel_loop3A_1046, %parallel_loop3A_1068 : vector<16xf32>
        %parallel_loop3A_1073 = arith.mulf %parallel_loop3A_1068, %parallel_loop3A_1068 : vector<16xf32>
        %parallel_loop3A_1074 = arith.addf %parallel_loop3A_1048, %parallel_loop3A_1073 : vector<16xf32>
        %parallel_loop3A_1075 = arith.index_cast %parallel_loop3A_739 : i32 to index
        %parallel_loop3A_1076 = arith.constant 400 : index
        %parallel_loop3A_1077 = tpu.vector_load %arg11[%parallel_loop3A_1075, %parallel_loop3A_1076] {strides = array<i32>} : memref<16x768xf32, #tpu.memory_space<vmem>>, vector<16xf32>,
        %parallel_loop3A_1078 = arith.index_cast %parallel_loop3A_739 : i32 to index
        %parallel_loop3A_1079 = arith.constant 400 : index
        %parallel_loop3A_1080 = tpu.vector_load %arg12[%parallel_loop3A_1078, %parallel_loop3A_1079] {strides = array<i32>} : memref<16x768xf32, #tpu.memory_space<vmem>>, vector<16xf32>,
        %parallel_loop3A_1081 = arith.addf %parallel_loop3A_1077, %parallel_loop3A_1080 : vector<16xf32>
        %parallel_loop3A_1082 = arith.index_cast %parallel_loop3A_739 : i32 to index
        %parallel_loop3A_1083 = arith.constant 400 : index
        %parallel_loop3A_1084 = tpu.vector_load %arg13[%parallel_loop3A_1082, %parallel_loop3A_1083] {strides = array<i32>} : memref<16x768xf32, #tpu.memory_space<vmem>>, vector<16xf32>,
        tpu.vector_store %arg13[%parallel_loop3A_1082, %parallel_loop3A_1083], %parallel_loop3A_1081 {strides = array<i32>} : memref<16x768xf32, #tpu.memory_space<vmem>>, vector<16xf32>,
        %parallel_loop3A_1085 = arith.addf %parallel_loop3A_1059, %parallel_loop3A_1081 : vector<16xf32>
        %parallel_loop3A_1086 = arith.mulf %parallel_loop3A_1081, %parallel_loop3A_1081 : vector<16xf32>
        %parallel_loop3A_1087 = arith.addf %parallel_loop3A_1061, %parallel_loop3A_1086 : vector<16xf32>
        %parallel_loop3A_1088 = arith.index_cast %parallel_loop3A_739 : i32 to index
        %parallel_loop3A_1089 = arith.constant 416 : index
        %parallel_loop3A_1090 = tpu.vector_load %arg11[%parallel_loop3A_1088, %parallel_loop3A_1089] {strides = array<i32>} : memref<16x768xf32, #tpu.memory_space<vmem>>, vector<16xf32>,
        %parallel_loop3A_1091 = arith.index_cast %parallel_loop3A_739 : i32 to index
        %parallel_loop3A_1092 = arith.constant 416 : index
        %parallel_loop3A_1093 = tpu.vector_load %arg12[%parallel_loop3A_1091, %parallel_loop3A_1092] {strides = array<i32>} : memref<16x768xf32, #tpu.memory_space<vmem>>, vector<16xf32>,
        %parallel_loop3A_1094 = arith.addf %parallel_loop3A_1090, %parallel_loop3A_1093 : vector<16xf32>
        %parallel_loop3A_1095 = arith.index_cast %parallel_loop3A_739 : i32 to index
        %parallel_loop3A_1096 = arith.constant 416 : index
        %parallel_loop3A_1097 = tpu.vector_load %arg13[%parallel_loop3A_1095, %parallel_loop3A_1096] {strides = array<i32>} : memref<16x768xf32, #tpu.memory_space<vmem>>, vector<16xf32>,
        tpu.vector_store %arg13[%parallel_loop3A_1095, %parallel_loop3A_1096], %parallel_loop3A_1094 {strides = array<i32>} : memref<16x768xf32, #tpu.memory_space<vmem>>, vector<16xf32>,
        %parallel_loop3A_1098 = arith.addf %parallel_loop3A_1072, %parallel_loop3A_1094 : vector<16xf32>
        %parallel_loop3A_1099 = arith.mulf %parallel_loop3A_1094, %parallel_loop3A_1094 : vector<16xf32>
        %parallel_loop3A_1100 = arith.addf %parallel_loop3A_1074, %parallel_loop3A_1099 : vector<16xf32>
        %parallel_loop3A_1101 = arith.index_cast %parallel_loop3A_739 : i32 to index
        %parallel_loop3A_1102 = arith.constant 432 : index
        %parallel_loop3A_1103 = tpu.vector_load %arg11[%parallel_loop3A_1101, %parallel_loop3A_1102] {strides = array<i32>} : memref<16x768xf32, #tpu.memory_space<vmem>>, vector<16xf32>,
        %parallel_loop3A_1104 = arith.index_cast %parallel_loop3A_739 : i32 to index
        %parallel_loop3A_1105 = arith.constant 432 : index
        %parallel_loop3A_1106 = tpu.vector_load %arg12[%parallel_loop3A_1104, %parallel_loop3A_1105] {strides = array<i32>} : memref<16x768xf32, #tpu.memory_space<vmem>>, vector<16xf32>,
        %parallel_loop3A_1107 = arith.addf %parallel_loop3A_1103, %parallel_loop3A_1106 : vector<16xf32>
        %parallel_loop3A_1108 = arith.index_cast %parallel_loop3A_739 : i32 to index
        %parallel_loop3A_1109 = arith.constant 432 : index
        %parallel_loop3A_1110 = tpu.vector_load %arg13[%parallel_loop3A_1108, %parallel_loop3A_1109] {strides = array<i32>} : memref<16x768xf32, #tpu.memory_space<vmem>>, vector<16xf32>,
        tpu.vector_store %arg13[%parallel_loop3A_1108, %parallel_loop3A_1109], %parallel_loop3A_1107 {strides = array<i32>} : memref<16x768xf32, #tpu.memory_space<vmem>>, vector<16xf32>,
        %parallel_loop3A_1111 = arith.addf %parallel_loop3A_1085, %parallel_loop3A_1107 : vector<16xf32>
        %parallel_loop3A_1112 = arith.mulf %parallel_loop3A_1107, %parallel_loop3A_1107 : vector<16xf32>
        %parallel_loop3A_1113 = arith.addf %parallel_loop3A_1087, %parallel_loop3A_1112 : vector<16xf32>
        %parallel_loop3A_1114 = arith.index_cast %parallel_loop3A_739 : i32 to index
        %parallel_loop3A_1115 = arith.constant 448 : index
        %parallel_loop3A_1116 = tpu.vector_load %arg11[%parallel_loop3A_1114, %parallel_loop3A_1115] {strides = array<i32>} : memref<16x768xf32, #tpu.memory_space<vmem>>, vector<16xf32>,
        %parallel_loop3A_1117 = arith.index_cast %parallel_loop3A_739 : i32 to index
        %parallel_loop3A_1118 = arith.constant 448 : index
        %parallel_loop3A_1119 = tpu.vector_load %arg12[%parallel_loop3A_1117, %parallel_loop3A_1118] {strides = array<i32>} : memref<16x768xf32, #tpu.memory_space<vmem>>, vector<16xf32>,
        %parallel_loop3A_1120 = arith.addf %parallel_loop3A_1116, %parallel_loop3A_1119 : vector<16xf32>
        %parallel_loop3A_1121 = arith.index_cast %parallel_loop3A_739 : i32 to index
        %parallel_loop3A_1122 = arith.constant 448 : index
        %parallel_loop3A_1123 = tpu.vector_load %arg13[%parallel_loop3A_1121, %parallel_loop3A_1122] {strides = array<i32>} : memref<16x768xf32, #tpu.memory_space<vmem>>, vector<16xf32>,
        tpu.vector_store %arg13[%parallel_loop3A_1121, %parallel_loop3A_1122], %parallel_loop3A_1120 {strides = array<i32>} : memref<16x768xf32, #tpu.memory_space<vmem>>, vector<16xf32>,
        %parallel_loop3A_1124 = arith.addf %parallel_loop3A_1098, %parallel_loop3A_1120 : vector<16xf32>
        %parallel_loop3A_1125 = arith.mulf %parallel_loop3A_1120, %parallel_loop3A_1120 : vector<16xf32>
        %parallel_loop3A_1126 = arith.addf %parallel_loop3A_1100, %parallel_loop3A_1125 : vector<16xf32>
        %parallel_loop3A_1127 = arith.index_cast %parallel_loop3A_739 : i32 to index
        %parallel_loop3A_1128 = arith.constant 464 : index
        %parallel_loop3A_1129 = tpu.vector_load %arg11[%parallel_loop3A_1127, %parallel_loop3A_1128] {strides = array<i32>} : memref<16x768xf32, #tpu.memory_space<vmem>>, vector<16xf32>,
        %parallel_loop3A_1130 = arith.index_cast %parallel_loop3A_739 : i32 to index
        %parallel_loop3A_1131 = arith.constant 464 : index
        %parallel_loop3A_1132 = tpu.vector_load %arg12[%parallel_loop3A_1130, %parallel_loop3A_1131] {strides = array<i32>} : memref<16x768xf32, #tpu.memory_space<vmem>>, vector<16xf32>,
        %parallel_loop3A_1133 = arith.addf %parallel_loop3A_1129, %parallel_loop3A_1132 : vector<16xf32>
        %parallel_loop3A_1134 = arith.index_cast %parallel_loop3A_739 : i32 to index
        %parallel_loop3A_1135 = arith.constant 464 : index
        %parallel_loop3A_1136 = tpu.vector_load %arg13[%parallel_loop3A_1134, %parallel_loop3A_1135] {strides = array<i32>} : memref<16x768xf32, #tpu.memory_space<vmem>>, vector<16xf32>,
        tpu.vector_store %arg13[%parallel_loop3A_1134, %parallel_loop3A_1135], %parallel_loop3A_1133 {strides = array<i32>} : memref<16x768xf32, #tpu.memory_space<vmem>>, vector<16xf32>,
        %parallel_loop3A_1137 = arith.addf %parallel_loop3A_1111, %parallel_loop3A_1133 : vector<16xf32>
        %parallel_loop3A_1138 = arith.mulf %parallel_loop3A_1133, %parallel_loop3A_1133 : vector<16xf32>
        %parallel_loop3A_1139 = arith.addf %parallel_loop3A_1113, %parallel_loop3A_1138 : vector<16xf32>
        %parallel_loop3A_1140 = arith.index_cast %parallel_loop3A_739 : i32 to index
        %parallel_loop3A_1141 = arith.constant 480 : index
        %parallel_loop3A_1142 = tpu.vector_load %arg11[%parallel_loop3A_1140, %parallel_loop3A_1141] {strides = array<i32>} : memref<16x768xf32, #tpu.memory_space<vmem>>, vector<16xf32>,
        %parallel_loop3A_1143 = arith.index_cast %parallel_loop3A_739 : i32 to index
        %parallel_loop3A_1144 = arith.constant 480 : index
        %parallel_loop3A_1145 = tpu.vector_load %arg12[%parallel_loop3A_1143, %parallel_loop3A_1144] {strides = array<i32>} : memref<16x768xf32, #tpu.memory_space<vmem>>, vector<16xf32>,
        %parallel_loop3A_1146 = arith.addf %parallel_loop3A_1142, %parallel_loop3A_1145 : vector<16xf32>
        %parallel_loop3A_1147 = arith.index_cast %parallel_loop3A_739 : i32 to index
        %parallel_loop3A_1148 = arith.constant 480 : index
        %parallel_loop3A_1149 = tpu.vector_load %arg13[%parallel_loop3A_1147, %parallel_loop3A_1148] {strides = array<i32>} : memref<16x768xf32, #tpu.memory_space<vmem>>, vector<16xf32>,
        tpu.vector_store %arg13[%parallel_loop3A_1147, %parallel_loop3A_1148], %parallel_loop3A_1146 {strides = array<i32>} : memref<16x768xf32, #tpu.memory_space<vmem>>, vector<16xf32>,
        %parallel_loop3A_1150 = arith.addf %parallel_loop3A_1124, %parallel_loop3A_1146 : vector<16xf32>
        %parallel_loop3A_1151 = arith.mulf %parallel_loop3A_1146, %parallel_loop3A_1146 : vector<16xf32>
        %parallel_loop3A_1152 = arith.addf %parallel_loop3A_1126, %parallel_loop3A_1151 : vector<16xf32>
        %parallel_loop3A_1153 = arith.index_cast %parallel_loop3A_739 : i32 to index
        %parallel_loop3A_1154 = arith.constant 496 : index
        %parallel_loop3A_1155 = tpu.vector_load %arg11[%parallel_loop3A_1153, %parallel_loop3A_1154] {strides = array<i32>} : memref<16x768xf32, #tpu.memory_space<vmem>>, vector<16xf32>,
        %parallel_loop3A_1156 = arith.index_cast %parallel_loop3A_739 : i32 to index
        %parallel_loop3A_1157 = arith.constant 496 : index
        %parallel_loop3A_1158 = tpu.vector_load %arg12[%parallel_loop3A_1156, %parallel_loop3A_1157] {strides = array<i32>} : memref<16x768xf32, #tpu.memory_space<vmem>>, vector<16xf32>,
        %parallel_loop3A_1159 = arith.addf %parallel_loop3A_1155, %parallel_loop3A_1158 : vector<16xf32>
        %parallel_loop3A_1160 = arith.index_cast %parallel_loop3A_739 : i32 to index
        %parallel_loop3A_1161 = arith.constant 496 : index
        %parallel_loop3A_1162 = tpu.vector_load %arg13[%parallel_loop3A_1160, %parallel_loop3A_1161] {strides = array<i32>} : memref<16x768xf32, #tpu.memory_space<vmem>>, vector<16xf32>,
        tpu.vector_store %arg13[%parallel_loop3A_1160, %parallel_loop3A_1161], %parallel_loop3A_1159 {strides = array<i32>} : memref<16x768xf32, #tpu.memory_space<vmem>>, vector<16xf32>,
        %parallel_loop3A_1163 = arith.addf %parallel_loop3A_1137, %parallel_loop3A_1159 : vector<16xf32>
        %parallel_loop3A_1164 = arith.mulf %parallel_loop3A_1159, %parallel_loop3A_1159 : vector<16xf32>
        %parallel_loop3A_1165 = arith.addf %parallel_loop3A_1139, %parallel_loop3A_1164 : vector<16xf32>
        %parallel_loop3A_1166 = arith.index_cast %parallel_loop3A_739 : i32 to index
        %parallel_loop3A_1167 = arith.constant 512 : index
        %parallel_loop3A_1168 = tpu.vector_load %arg11[%parallel_loop3A_1166, %parallel_loop3A_1167] {strides = array<i32>} : memref<16x768xf32, #tpu.memory_space<vmem>>, vector<16xf32>,
        %parallel_loop3A_1169 = arith.index_cast %parallel_loop3A_739 : i32 to index
        %parallel_loop3A_1170 = arith.constant 512 : index
        %parallel_loop3A_1171 = tpu.vector_load %arg12[%parallel_loop3A_1169, %parallel_loop3A_1170] {strides = array<i32>} : memref<16x768xf32, #tpu.memory_space<vmem>>, vector<16xf32>,
        %parallel_loop3A_1172 = arith.addf %parallel_loop3A_1168, %parallel_loop3A_1171 : vector<16xf32>
        %parallel_loop3A_1173 = arith.index_cast %parallel_loop3A_739 : i32 to index
        %parallel_loop3A_1174 = arith.constant 512 : index
        %parallel_loop3A_1175 = tpu.vector_load %arg13[%parallel_loop3A_1173, %parallel_loop3A_1174] {strides = array<i32>} : memref<16x768xf32, #tpu.memory_space<vmem>>, vector<16xf32>,
        tpu.vector_store %arg13[%parallel_loop3A_1173, %parallel_loop3A_1174], %parallel_loop3A_1172 {strides = array<i32>} : memref<16x768xf32, #tpu.memory_space<vmem>>, vector<16xf32>,
        %parallel_loop3A_1176 = arith.addf %parallel_loop3A_1150, %parallel_loop3A_1172 : vector<16xf32>
        %parallel_loop3A_1177 = arith.mulf %parallel_loop3A_1172, %parallel_loop3A_1172 : vector<16xf32>
        %parallel_loop3A_1178 = arith.addf %parallel_loop3A_1152, %parallel_loop3A_1177 : vector<16xf32>
        %parallel_loop3A_1179 = arith.index_cast %parallel_loop3A_739 : i32 to index
        %parallel_loop3A_1180 = arith.constant 528 : index
        %parallel_loop3A_1181 = tpu.vector_load %arg11[%parallel_loop3A_1179, %parallel_loop3A_1180] {strides = array<i32>} : memref<16x768xf32, #tpu.memory_space<vmem>>, vector<16xf32>,
        %parallel_loop3A_1182 = arith.index_cast %parallel_loop3A_739 : i32 to index
        %parallel_loop3A_1183 = arith.constant 528 : index
        %parallel_loop3A_1184 = tpu.vector_load %arg12[%parallel_loop3A_1182, %parallel_loop3A_1183] {strides = array<i32>} : memref<16x768xf32, #tpu.memory_space<vmem>>, vector<16xf32>,
        %parallel_loop3A_1185 = arith.addf %parallel_loop3A_1181, %parallel_loop3A_1184 : vector<16xf32>
        %parallel_loop3A_1186 = arith.index_cast %parallel_loop3A_739 : i32 to index
        %parallel_loop3A_1187 = arith.constant 528 : index
        %parallel_loop3A_1188 = tpu.vector_load %arg13[%parallel_loop3A_1186, %parallel_loop3A_1187] {strides = array<i32>} : memref<16x768xf32, #tpu.memory_space<vmem>>, vector<16xf32>,
        tpu.vector_store %arg13[%parallel_loop3A_1186, %parallel_loop3A_1187], %parallel_loop3A_1185 {strides = array<i32>} : memref<16x768xf32, #tpu.memory_space<vmem>>, vector<16xf32>,
        %parallel_loop3A_1189 = arith.addf %parallel_loop3A_1163, %parallel_loop3A_1185 : vector<16xf32>
        %parallel_loop3A_1190 = arith.mulf %parallel_loop3A_1185, %parallel_loop3A_1185 : vector<16xf32>
        %parallel_loop3A_1191 = arith.addf %parallel_loop3A_1165, %parallel_loop3A_1190 : vector<16xf32>
        %parallel_loop3A_1192 = arith.index_cast %parallel_loop3A_739 : i32 to index
        %parallel_loop3A_1193 = arith.constant 544 : index
        %parallel_loop3A_1194 = tpu.vector_load %arg11[%parallel_loop3A_1192, %parallel_loop3A_1193] {strides = array<i32>} : memref<16x768xf32, #tpu.memory_space<vmem>>, vector<16xf32>,
        %parallel_loop3A_1195 = arith.index_cast %parallel_loop3A_739 : i32 to index
        %parallel_loop3A_1196 = arith.constant 544 : index
        %parallel_loop3A_1197 = tpu.vector_load %arg12[%parallel_loop3A_1195, %parallel_loop3A_1196] {strides = array<i32>} : memref<16x768xf32, #tpu.memory_space<vmem>>, vector<16xf32>,
        %parallel_loop3A_1198 = arith.addf %parallel_loop3A_1194, %parallel_loop3A_1197 : vector<16xf32>
        %parallel_loop3A_1199 = arith.index_cast %parallel_loop3A_739 : i32 to index
        %parallel_loop3A_1200 = arith.constant 544 : index
        %parallel_loop3A_1201 = tpu.vector_load %arg13[%parallel_loop3A_1199, %parallel_loop3A_1200] {strides = array<i32>} : memref<16x768xf32, #tpu.memory_space<vmem>>, vector<16xf32>,
        tpu.vector_store %arg13[%parallel_loop3A_1199, %parallel_loop3A_1200], %parallel_loop3A_1198 {strides = array<i32>} : memref<16x768xf32, #tpu.memory_space<vmem>>, vector<16xf32>,
        %parallel_loop3A_1202 = arith.addf %parallel_loop3A_1176, %parallel_loop3A_1198 : vector<16xf32>
        %parallel_loop3A_1203 = arith.mulf %parallel_loop3A_1198, %parallel_loop3A_1198 : vector<16xf32>
        %parallel_loop3A_1204 = arith.addf %parallel_loop3A_1178, %parallel_loop3A_1203 : vector<16xf32>
        %parallel_loop3A_1205 = arith.index_cast %parallel_loop3A_739 : i32 to index
        %parallel_loop3A_1206 = arith.constant 560 : index
        %parallel_loop3A_1207 = tpu.vector_load %arg11[%parallel_loop3A_1205, %parallel_loop3A_1206] {strides = array<i32>} : memref<16x768xf32, #tpu.memory_space<vmem>>, vector<16xf32>,
        %parallel_loop3A_1208 = arith.index_cast %parallel_loop3A_739 : i32 to index
        %parallel_loop3A_1209 = arith.constant 560 : index
        %parallel_loop3A_1210 = tpu.vector_load %arg12[%parallel_loop3A_1208, %parallel_loop3A_1209] {strides = array<i32>} : memref<16x768xf32, #tpu.memory_space<vmem>>, vector<16xf32>,
        %parallel_loop3A_1211 = arith.addf %parallel_loop3A_1207, %parallel_loop3A_1210 : vector<16xf32>
        %parallel_loop3A_1212 = arith.index_cast %parallel_loop3A_739 : i32 to index
        %parallel_loop3A_1213 = arith.constant 560 : index
        %parallel_loop3A_1214 = tpu.vector_load %arg13[%parallel_loop3A_1212, %parallel_loop3A_1213] {strides = array<i32>} : memref<16x768xf32, #tpu.memory_space<vmem>>, vector<16xf32>,
        tpu.vector_store %arg13[%parallel_loop3A_1212, %parallel_loop3A_1213], %parallel_loop3A_1211 {strides = array<i32>} : memref<16x768xf32, #tpu.memory_space<vmem>>, vector<16xf32>,
        %parallel_loop3A_1215 = arith.addf %parallel_loop3A_1189, %parallel_loop3A_1211 : vector<16xf32>
        %parallel_loop3A_1216 = arith.mulf %parallel_loop3A_1211, %parallel_loop3A_1211 : vector<16xf32>
        %parallel_loop3A_1217 = arith.addf %parallel_loop3A_1191, %parallel_loop3A_1216 : vector<16xf32>
        %parallel_loop3A_1218 = arith.index_cast %parallel_loop3A_739 : i32 to index
        %parallel_loop3A_1219 = arith.constant 576 : index
        %parallel_loop3A_1220 = tpu.vector_load %arg11[%parallel_loop3A_1218, %parallel_loop3A_1219] {strides = array<i32>} : memref<16x768xf32, #tpu.memory_space<vmem>>, vector<16xf32>,
        %parallel_loop3A_1221 = arith.index_cast %parallel_loop3A_739 : i32 to index
        %parallel_loop3A_1222 = arith.constant 576 : index
        %parallel_loop3A_1223 = tpu.vector_load %arg12[%parallel_loop3A_1221, %parallel_loop3A_1222] {strides = array<i32>} : memref<16x768xf32, #tpu.memory_space<vmem>>, vector<16xf32>,
        %parallel_loop3A_1224 = arith.addf %parallel_loop3A_1220, %parallel_loop3A_1223 : vector<16xf32>
        %parallel_loop3A_1225 = arith.index_cast %parallel_loop3A_739 : i32 to index
        %parallel_loop3A_1226 = arith.constant 576 : index
        %parallel_loop3A_1227 = tpu.vector_load %arg13[%parallel_loop3A_1225, %parallel_loop3A_1226] {strides = array<i32>} : memref<16x768xf32, #tpu.memory_space<vmem>>, vector<16xf32>,
        tpu.vector_store %arg13[%parallel_loop3A_1225, %parallel_loop3A_1226], %parallel_loop3A_1224 {strides = array<i32>} : memref<16x768xf32, #tpu.memory_space<vmem>>, vector<16xf32>,
        %parallel_loop3A_1228 = arith.addf %parallel_loop3A_1202, %parallel_loop3A_1224 : vector<16xf32>
        %parallel_loop3A_1229 = arith.mulf %parallel_loop3A_1224, %parallel_loop3A_1224 : vector<16xf32>
        %parallel_loop3A_1230 = arith.addf %parallel_loop3A_1204, %parallel_loop3A_1229 : vector<16xf32>
        %parallel_loop3A_1231 = arith.index_cast %parallel_loop3A_739 : i32 to index
        %parallel_loop3A_1232 = arith.constant 592 : index
        %parallel_loop3A_1233 = tpu.vector_load %arg11[%parallel_loop3A_1231, %parallel_loop3A_1232] {strides = array<i32>} : memref<16x768xf32, #tpu.memory_space<vmem>>, vector<16xf32>,
        %parallel_loop3A_1234 = arith.index_cast %parallel_loop3A_739 : i32 to index
        %parallel_loop3A_1235 = arith.constant 592 : index
        %parallel_loop3A_1236 = tpu.vector_load %arg12[%parallel_loop3A_1234, %parallel_loop3A_1235] {strides = array<i32>} : memref<16x768xf32, #tpu.memory_space<vmem>>, vector<16xf32>,
        %parallel_loop3A_1237 = arith.addf %parallel_loop3A_1233, %parallel_loop3A_1236 : vector<16xf32>
        %parallel_loop3A_1238 = arith.index_cast %parallel_loop3A_739 : i32 to index
        %parallel_loop3A_1239 = arith.constant 592 : index
        %parallel_loop3A_1240 = tpu.vector_load %arg13[%parallel_loop3A_1238, %parallel_loop3A_1239] {strides = array<i32>} : memref<16x768xf32, #tpu.memory_space<vmem>>, vector<16xf32>,
        tpu.vector_store %arg13[%parallel_loop3A_1238, %parallel_loop3A_1239], %parallel_loop3A_1237 {strides = array<i32>} : memref<16x768xf32, #tpu.memory_space<vmem>>, vector<16xf32>,
        %parallel_loop3A_1241 = arith.addf %parallel_loop3A_1215, %parallel_loop3A_1237 : vector<16xf32>
        %parallel_loop3A_1242 = arith.mulf %parallel_loop3A_1237, %parallel_loop3A_1237 : vector<16xf32>
        %parallel_loop3A_1243 = arith.addf %parallel_loop3A_1217, %parallel_loop3A_1242 : vector<16xf32>
        %parallel_loop3A_1244 = arith.index_cast %parallel_loop3A_739 : i32 to index
        %parallel_loop3A_1245 = arith.constant 608 : index
        %parallel_loop3A_1246 = tpu.vector_load %arg11[%parallel_loop3A_1244, %parallel_loop3A_1245] {strides = array<i32>} : memref<16x768xf32, #tpu.memory_space<vmem>>, vector<16xf32>,
        %parallel_loop3A_1247 = arith.index_cast %parallel_loop3A_739 : i32 to index
        %parallel_loop3A_1248 = arith.constant 608 : index
        %parallel_loop3A_1249 = tpu.vector_load %arg12[%parallel_loop3A_1247, %parallel_loop3A_1248] {strides = array<i32>} : memref<16x768xf32, #tpu.memory_space<vmem>>, vector<16xf32>,
        %parallel_loop3A_1250 = arith.addf %parallel_loop3A_1246, %parallel_loop3A_1249 : vector<16xf32>
        %parallel_loop3A_1251 = arith.index_cast %parallel_loop3A_739 : i32 to index
        %parallel_loop3A_1252 = arith.constant 608 : index
        %parallel_loop3A_1253 = tpu.vector_load %arg13[%parallel_loop3A_1251, %parallel_loop3A_1252] {strides = array<i32>} : memref<16x768xf32, #tpu.memory_space<vmem>>, vector<16xf32>,
        tpu.vector_store %arg13[%parallel_loop3A_1251, %parallel_loop3A_1252], %parallel_loop3A_1250 {strides = array<i32>} : memref<16x768xf32, #tpu.memory_space<vmem>>, vector<16xf32>,
        %parallel_loop3A_1254 = arith.addf %parallel_loop3A_1228, %parallel_loop3A_1250 : vector<16xf32>
        %parallel_loop3A_1255 = arith.mulf %parallel_loop3A_1250, %parallel_loop3A_1250 : vector<16xf32>
        %parallel_loop3A_1256 = arith.addf %parallel_loop3A_1230, %parallel_loop3A_1255 : vector<16xf32>
        %parallel_loop3A_1257 = arith.index_cast %parallel_loop3A_739 : i32 to index
        %parallel_loop3A_1258 = arith.constant 624 : index
        %parallel_loop3A_1259 = tpu.vector_load %arg11[%parallel_loop3A_1257, %parallel_loop3A_1258] {strides = array<i32>} : memref<16x768xf32, #tpu.memory_space<vmem>>, vector<16xf32>,
        %parallel_loop3A_1260 = arith.index_cast %parallel_loop3A_739 : i32 to index
        %parallel_loop3A_1261 = arith.constant 624 : index
        %parallel_loop3A_1262 = tpu.vector_load %arg12[%parallel_loop3A_1260, %parallel_loop3A_1261] {strides = array<i32>} : memref<16x768xf32, #tpu.memory_space<vmem>>, vector<16xf32>,
        %parallel_loop3A_1263 = arith.addf %parallel_loop3A_1259, %parallel_loop3A_1262 : vector<16xf32>
        %parallel_loop3A_1264 = arith.index_cast %parallel_loop3A_739 : i32 to index
        %parallel_loop3A_1265 = arith.constant 624 : index
        %parallel_loop3A_1266 = tpu.vector_load %arg13[%parallel_loop3A_1264, %parallel_loop3A_1265] {strides = array<i32>} : memref<16x768xf32, #tpu.memory_space<vmem>>, vector<16xf32>,
        tpu.vector_store %arg13[%parallel_loop3A_1264, %parallel_loop3A_1265], %parallel_loop3A_1263 {strides = array<i32>} : memref<16x768xf32, #tpu.memory_space<vmem>>, vector<16xf32>,
        %parallel_loop3A_1267 = arith.addf %parallel_loop3A_1241, %parallel_loop3A_1263 : vector<16xf32>
        %parallel_loop3A_1268 = arith.mulf %parallel_loop3A_1263, %parallel_loop3A_1263 : vector<16xf32>
        %parallel_loop3A_1269 = arith.addf %parallel_loop3A_1243, %parallel_loop3A_1268 : vector<16xf32>
        %parallel_loop3A_1270 = arith.index_cast %parallel_loop3A_739 : i32 to index
        %parallel_loop3A_1271 = arith.constant 640 : index
        %parallel_loop3A_1272 = tpu.vector_load %arg11[%parallel_loop3A_1270, %parallel_loop3A_1271] {strides = array<i32>} : memref<16x768xf32, #tpu.memory_space<vmem>>, vector<16xf32>,
        %parallel_loop3A_1273 = arith.index_cast %parallel_loop3A_739 : i32 to index
        %parallel_loop3A_1274 = arith.constant 640 : index
        %parallel_loop3A_1275 = tpu.vector_load %arg12[%parallel_loop3A_1273, %parallel_loop3A_1274] {strides = array<i32>} : memref<16x768xf32, #tpu.memory_space<vmem>>, vector<16xf32>,
        %parallel_loop3A_1276 = arith.addf %parallel_loop3A_1272, %parallel_loop3A_1275 : vector<16xf32>
        %parallel_loop3A_1277 = arith.index_cast %parallel_loop3A_739 : i32 to index
        %parallel_loop3A_1278 = arith.constant 640 : index
        %parallel_loop3A_1279 = tpu.vector_load %arg13[%parallel_loop3A_1277, %parallel_loop3A_1278] {strides = array<i32>} : memref<16x768xf32, #tpu.memory_space<vmem>>, vector<16xf32>,
        tpu.vector_store %arg13[%parallel_loop3A_1277, %parallel_loop3A_1278], %parallel_loop3A_1276 {strides = array<i32>} : memref<16x768xf32, #tpu.memory_space<vmem>>, vector<16xf32>,
        %parallel_loop3A_1280 = arith.addf %parallel_loop3A_1254, %parallel_loop3A_1276 : vector<16xf32>
        %parallel_loop3A_1281 = arith.mulf %parallel_loop3A_1276, %parallel_loop3A_1276 : vector<16xf32>
        %parallel_loop3A_1282 = arith.addf %parallel_loop3A_1256, %parallel_loop3A_1281 : vector<16xf32>
        %parallel_loop3A_1283 = arith.index_cast %parallel_loop3A_739 : i32 to index
        %parallel_loop3A_1284 = arith.constant 656 : index
        %parallel_loop3A_1285 = tpu.vector_load %arg11[%parallel_loop3A_1283, %parallel_loop3A_1284] {strides = array<i32>} : memref<16x768xf32, #tpu.memory_space<vmem>>, vector<16xf32>,
        %parallel_loop3A_1286 = arith.index_cast %parallel_loop3A_739 : i32 to index
        %parallel_loop3A_1287 = arith.constant 656 : index
        %parallel_loop3A_1288 = tpu.vector_load %arg12[%parallel_loop3A_1286, %parallel_loop3A_1287] {strides = array<i32>} : memref<16x768xf32, #tpu.memory_space<vmem>>, vector<16xf32>,
        %parallel_loop3A_1289 = arith.addf %parallel_loop3A_1285, %parallel_loop3A_1288 : vector<16xf32>
        %parallel_loop3A_1290 = arith.index_cast %parallel_loop3A_739 : i32 to index
        %parallel_loop3A_1291 = arith.constant 656 : index
        %parallel_loop3A_1292 = tpu.vector_load %arg13[%parallel_loop3A_1290, %parallel_loop3A_1291] {strides = array<i32>} : memref<16x768xf32, #tpu.memory_space<vmem>>, vector<16xf32>,
        tpu.vector_store %arg13[%parallel_loop3A_1290, %parallel_loop3A_1291], %parallel_loop3A_1289 {strides = array<i32>} : memref<16x768xf32, #tpu.memory_space<vmem>>, vector<16xf32>,
        %parallel_loop3A_1293 = arith.addf %parallel_loop3A_1267, %parallel_loop3A_1289 : vector<16xf32>
        %parallel_loop3A_1294 = arith.mulf %parallel_loop3A_1289, %parallel_loop3A_1289 : vector<16xf32>
        %parallel_loop3A_1295 = arith.addf %parallel_loop3A_1269, %parallel_loop3A_1294 : vector<16xf32>
        %parallel_loop3A_1296 = arith.index_cast %parallel_loop3A_739 : i32 to index
        %parallel_loop3A_1297 = arith.constant 672 : index
        %parallel_loop3A_1298 = tpu.vector_load %arg11[%parallel_loop3A_1296, %parallel_loop3A_1297] {strides = array<i32>} : memref<16x768xf32, #tpu.memory_space<vmem>>, vector<16xf32>,
        %parallel_loop3A_1299 = arith.index_cast %parallel_loop3A_739 : i32 to index
        %parallel_loop3A_1300 = arith.constant 672 : index
        %parallel_loop3A_1301 = tpu.vector_load %arg12[%parallel_loop3A_1299, %parallel_loop3A_1300] {strides = array<i32>} : memref<16x768xf32, #tpu.memory_space<vmem>>, vector<16xf32>,
        %parallel_loop3A_1302 = arith.addf %parallel_loop3A_1298, %parallel_loop3A_1301 : vector<16xf32>
        %parallel_loop3A_1303 = arith.index_cast %parallel_loop3A_739 : i32 to index
        %parallel_loop3A_1304 = arith.constant 672 : index
        %parallel_loop3A_1305 = tpu.vector_load %arg13[%parallel_loop3A_1303, %parallel_loop3A_1304] {strides = array<i32>} : memref<16x768xf32, #tpu.memory_space<vmem>>, vector<16xf32>,
        tpu.vector_store %arg13[%parallel_loop3A_1303, %parallel_loop3A_1304], %parallel_loop3A_1302 {strides = array<i32>} : memref<16x768xf32, #tpu.memory_space<vmem>>, vector<16xf32>,
        %parallel_loop3A_1306 = arith.addf %parallel_loop3A_1280, %parallel_loop3A_1302 : vector<16xf32>
        %parallel_loop3A_1307 = arith.mulf %parallel_loop3A_1302, %parallel_loop3A_1302 : vector<16xf32>
        %parallel_loop3A_1308 = arith.addf %parallel_loop3A_1282, %parallel_loop3A_1307 : vector<16xf32>
        %parallel_loop3A_1309 = arith.index_cast %parallel_loop3A_739 : i32 to index
        %parallel_loop3A_1310 = arith.constant 688 : index
        %parallel_loop3A_1311 = tpu.vector_load %arg11[%parallel_loop3A_1309, %parallel_loop3A_1310] {strides = array<i32>} : memref<16x768xf32, #tpu.memory_space<vmem>>, vector<16xf32>,
        %parallel_loop3A_1312 = arith.index_cast %parallel_loop3A_739 : i32 to index
        %parallel_loop3A_1313 = arith.constant 688 : index
        %parallel_loop3A_1314 = tpu.vector_load %arg12[%parallel_loop3A_1312, %parallel_loop3A_1313] {strides = array<i32>} : memref<16x768xf32, #tpu.memory_space<vmem>>, vector<16xf32>,
        %parallel_loop3A_1315 = arith.addf %parallel_loop3A_1311, %parallel_loop3A_1314 : vector<16xf32>
        %parallel_loop3A_1316 = arith.index_cast %parallel_loop3A_739 : i32 to index
        %parallel_loop3A_1317 = arith.constant 688 : index
        %parallel_loop3A_1318 = tpu.vector_load %arg13[%parallel_loop3A_1316, %parallel_loop3A_1317] {strides = array<i32>} : memref<16x768xf32, #tpu.memory_space<vmem>>, vector<16xf32>,
        tpu.vector_store %arg13[%parallel_loop3A_1316, %parallel_loop3A_1317], %parallel_loop3A_1315 {strides = array<i32>} : memref<16x768xf32, #tpu.memory_space<vmem>>, vector<16xf32>,
        %parallel_loop3A_1319 = arith.addf %parallel_loop3A_1293, %parallel_loop3A_1315 : vector<16xf32>
        %parallel_loop3A_1320 = arith.mulf %parallel_loop3A_1315, %parallel_loop3A_1315 : vector<16xf32>
        %parallel_loop3A_1321 = arith.addf %parallel_loop3A_1295, %parallel_loop3A_1320 : vector<16xf32>
        %parallel_loop3A_1322 = arith.index_cast %parallel_loop3A_739 : i32 to index
        %parallel_loop3A_1323 = arith.constant 704 : index
        %parallel_loop3A_1324 = tpu.vector_load %arg11[%parallel_loop3A_1322, %parallel_loop3A_1323] {strides = array<i32>} : memref<16x768xf32, #tpu.memory_space<vmem>>, vector<16xf32>,
        %parallel_loop3A_1325 = arith.index_cast %parallel_loop3A_739 : i32 to index
        %parallel_loop3A_1326 = arith.constant 704 : index
        %parallel_loop3A_1327 = tpu.vector_load %arg12[%parallel_loop3A_1325, %parallel_loop3A_1326] {strides = array<i32>} : memref<16x768xf32, #tpu.memory_space<vmem>>, vector<16xf32>,
        %parallel_loop3A_1328 = arith.addf %parallel_loop3A_1324, %parallel_loop3A_1327 : vector<16xf32>
        %parallel_loop3A_1329 = arith.index_cast %parallel_loop3A_739 : i32 to index
        %parallel_loop3A_1330 = arith.constant 704 : index
        %parallel_loop3A_1331 = tpu.vector_load %arg13[%parallel_loop3A_1329, %parallel_loop3A_1330] {strides = array<i32>} : memref<16x768xf32, #tpu.memory_space<vmem>>, vector<16xf32>,
        tpu.vector_store %arg13[%parallel_loop3A_1329, %parallel_loop3A_1330], %parallel_loop3A_1328 {strides = array<i32>} : memref<16x768xf32, #tpu.memory_space<vmem>>, vector<16xf32>,
        %parallel_loop3A_1332 = arith.addf %parallel_loop3A_1306, %parallel_loop3A_1328 : vector<16xf32>
        %parallel_loop3A_1333 = arith.mulf %parallel_loop3A_1328, %parallel_loop3A_1328 : vector<16xf32>
        %parallel_loop3A_1334 = arith.addf %parallel_loop3A_1308, %parallel_loop3A_1333 : vector<16xf32>
        %parallel_loop3A_1335 = arith.index_cast %parallel_loop3A_739 : i32 to index
        %parallel_loop3A_1336 = arith.constant 720 : index
        %parallel_loop3A_1337 = tpu.vector_load %arg11[%parallel_loop3A_1335, %parallel_loop3A_1336] {strides = array<i32>} : memref<16x768xf32, #tpu.memory_space<vmem>>, vector<16xf32>,
        %parallel_loop3A_1338 = arith.index_cast %parallel_loop3A_739 : i32 to index
        %parallel_loop3A_1339 = arith.constant 720 : index
        %parallel_loop3A_1340 = tpu.vector_load %arg12[%parallel_loop3A_1338, %parallel_loop3A_1339] {strides = array<i32>} : memref<16x768xf32, #tpu.memory_space<vmem>>, vector<16xf32>,
        %parallel_loop3A_1341 = arith.addf %parallel_loop3A_1337, %parallel_loop3A_1340 : vector<16xf32>
        %parallel_loop3A_1342 = arith.index_cast %parallel_loop3A_739 : i32 to index
        %parallel_loop3A_1343 = arith.constant 720 : index
        %parallel_loop3A_1344 = tpu.vector_load %arg13[%parallel_loop3A_1342, %parallel_loop3A_1343] {strides = array<i32>} : memref<16x768xf32, #tpu.memory_space<vmem>>, vector<16xf32>,
        tpu.vector_store %arg13[%parallel_loop3A_1342, %parallel_loop3A_1343], %parallel_loop3A_1341 {strides = array<i32>} : memref<16x768xf32, #tpu.memory_space<vmem>>, vector<16xf32>,
        %parallel_loop3A_1345 = arith.addf %parallel_loop3A_1319, %parallel_loop3A_1341 : vector<16xf32>
        %parallel_loop3A_1346 = arith.mulf %parallel_loop3A_1341, %parallel_loop3A_1341 : vector<16xf32>
        %parallel_loop3A_1347 = arith.addf %parallel_loop3A_1321, %parallel_loop3A_1346 : vector<16xf32>
        %parallel_loop3A_1348 = arith.index_cast %parallel_loop3A_739 : i32 to index
        %parallel_loop3A_1349 = arith.constant 736 : index
        %parallel_loop3A_1350 = tpu.vector_load %arg11[%parallel_loop3A_1348, %parallel_loop3A_1349] {strides = array<i32>} : memref<16x768xf32, #tpu.memory_space<vmem>>, vector<16xf32>,
        %parallel_loop3A_1351 = arith.index_cast %parallel_loop3A_739 : i32 to index
        %parallel_loop3A_1352 = arith.constant 736 : index
        %parallel_loop3A_1353 = tpu.vector_load %arg12[%parallel_loop3A_1351, %parallel_loop3A_1352] {strides = array<i32>} : memref<16x768xf32, #tpu.memory_space<vmem>>, vector<16xf32>,
        %parallel_loop3A_1354 = arith.addf %parallel_loop3A_1350, %parallel_loop3A_1353 : vector<16xf32>
        %parallel_loop3A_1355 = arith.index_cast %parallel_loop3A_739 : i32 to index
        %parallel_loop3A_1356 = arith.constant 736 : index
        %parallel_loop3A_1357 = tpu.vector_load %arg13[%parallel_loop3A_1355, %parallel_loop3A_1356] {strides = array<i32>} : memref<16x768xf32, #tpu.memory_space<vmem>>, vector<16xf32>,
        tpu.vector_store %arg13[%parallel_loop3A_1355, %parallel_loop3A_1356], %parallel_loop3A_1354 {strides = array<i32>} : memref<16x768xf32, #tpu.memory_space<vmem>>, vector<16xf32>,
        %parallel_loop3A_1358 = arith.addf %parallel_loop3A_1332, %parallel_loop3A_1354 : vector<16xf32>
        %parallel_loop3A_1359 = arith.mulf %parallel_loop3A_1354, %parallel_loop3A_1354 : vector<16xf32>
        %parallel_loop3A_1360 = arith.addf %parallel_loop3A_1334, %parallel_loop3A_1359 : vector<16xf32>
        %parallel_loop3A_1361 = arith.index_cast %parallel_loop3A_739 : i32 to index
        %parallel_loop3A_1362 = arith.constant 752 : index
        %parallel_loop3A_1363 = tpu.vector_load %arg11[%parallel_loop3A_1361, %parallel_loop3A_1362] {strides = array<i32>} : memref<16x768xf32, #tpu.memory_space<vmem>>, vector<16xf32>,
        %parallel_loop3A_1364 = arith.index_cast %parallel_loop3A_739 : i32 to index
        %parallel_loop3A_1365 = arith.constant 752 : index
        %parallel_loop3A_1366 = tpu.vector_load %arg12[%parallel_loop3A_1364, %parallel_loop3A_1365] {strides = array<i32>} : memref<16x768xf32, #tpu.memory_space<vmem>>, vector<16xf32>,
        %parallel_loop3A_1367 = arith.addf %parallel_loop3A_1363, %parallel_loop3A_1366 : vector<16xf32>
        %parallel_loop3A_1368 = arith.index_cast %parallel_loop3A_739 : i32 to index
        %parallel_loop3A_1369 = arith.constant 752 : index
        %parallel_loop3A_1370 = tpu.vector_load %arg13[%parallel_loop3A_1368, %parallel_loop3A_1369] {strides = array<i32>} : memref<16x768xf32, #tpu.memory_space<vmem>>, vector<16xf32>,
        tpu.vector_store %arg13[%parallel_loop3A_1368, %parallel_loop3A_1369], %parallel_loop3A_1367 {strides = array<i32>} : memref<16x768xf32, #tpu.memory_space<vmem>>, vector<16xf32>,
        %parallel_loop3A_1371 = arith.addf %parallel_loop3A_1345, %parallel_loop3A_1367 : vector<16xf32>
        %parallel_loop3A_1372 = arith.mulf %parallel_loop3A_1367, %parallel_loop3A_1367 : vector<16xf32>
        %parallel_loop3A_1373 = arith.addf %parallel_loop3A_1347, %parallel_loop3A_1372 : vector<16xf32>
        %parallel_loop3A_1374 = arith.addf %parallel_loop3A_1358, %parallel_loop3A_1371 : vector<16xf32>
        %parallel_loop3A_1375 = arith.addf %parallel_loop3A_1360, %parallel_loop3A_1373 : vector<16xf32>
        %parallel_loop3A_1376 = arith.constant 8 : i32
        %parallel_loop3A_1377 = vector.broadcast %parallel_loop3A_1376 : i32 to vector<16xi32>
        %parallel_loop3A_1378 = arith.xori %iota3A, %parallel_loop3A_1377 : vector<16xi32>
        %parallel_loop3A_1379 = vector.shape_cast %parallel_loop3A_1378 : vector<16xi32> to vector<16x1xi32>
        %parallel_loop3A_1380 = vector.shape_cast %parallel_loop3A_1379 : vector<16x1xi32> to vector<16xi32>
        %parallel_loop3A_1381 = tpu.dynamic_gather %parallel_loop3A_1374[%parallel_loop3A_1380] in [0] : vector<16xf32>, vector<16xi32> -> vector<16xf32>
        %parallel_loop3A_1382 = arith.addf %parallel_loop3A_1374, %parallel_loop3A_1381 : vector<16xf32>
        %parallel_loop3A_1383 = vector.shape_cast %parallel_loop3A_1378 : vector<16xi32> to vector<16x1xi32>
        %parallel_loop3A_1384 = vector.shape_cast %parallel_loop3A_1383 : vector<16x1xi32> to vector<16xi32>
        %parallel_loop3A_1385 = tpu.dynamic_gather %parallel_loop3A_1375[%parallel_loop3A_1384] in [0] : vector<16xf32>, vector<16xi32> -> vector<16xf32>
        %parallel_loop3A_1386 = arith.addf %parallel_loop3A_1375, %parallel_loop3A_1385 : vector<16xf32>
        %parallel_loop3A_1387 = arith.constant 4 : i32
        %parallel_loop3A_1388 = vector.broadcast %parallel_loop3A_1387 : i32 to vector<16xi32>
        %parallel_loop3A_1389 = arith.xori %iota3A, %parallel_loop3A_1388 : vector<16xi32>
        %parallel_loop3A_1390 = vector.shape_cast %parallel_loop3A_1389 : vector<16xi32> to vector<16x1xi32>
        %parallel_loop3A_1391 = vector.shape_cast %parallel_loop3A_1390 : vector<16x1xi32> to vector<16xi32>
        %parallel_loop3A_1392 = tpu.dynamic_gather %parallel_loop3A_1382[%parallel_loop3A_1391] in [0] : vector<16xf32>, vector<16xi32> -> vector<16xf32>
        %parallel_loop3A_1393 = arith.addf %parallel_loop3A_1382, %parallel_loop3A_1392 : vector<16xf32>
        %parallel_loop3A_1394 = vector.shape_cast %parallel_loop3A_1389 : vector<16xi32> to vector<16x1xi32>
        %parallel_loop3A_1395 = vector.shape_cast %parallel_loop3A_1394 : vector<16x1xi32> to vector<16xi32>
        %parallel_loop3A_1396 = tpu.dynamic_gather %parallel_loop3A_1386[%parallel_loop3A_1395] in [0] : vector<16xf32>, vector<16xi32> -> vector<16xf32>
        %parallel_loop3A_1397 = arith.addf %parallel_loop3A_1386, %parallel_loop3A_1396 : vector<16xf32>
        %parallel_loop3A_1398 = arith.constant 2 : i32
        %parallel_loop3A_1399 = vector.broadcast %parallel_loop3A_1398 : i32 to vector<16xi32>
        %parallel_loop3A_1400 = arith.xori %iota3A, %parallel_loop3A_1399 : vector<16xi32>
        %parallel_loop3A_1401 = vector.shape_cast %parallel_loop3A_1400 : vector<16xi32> to vector<16x1xi32>
        %parallel_loop3A_1402 = vector.shape_cast %parallel_loop3A_1401 : vector<16x1xi32> to vector<16xi32>
        %parallel_loop3A_1403 = tpu.dynamic_gather %parallel_loop3A_1393[%parallel_loop3A_1402] in [0] : vector<16xf32>, vector<16xi32> -> vector<16xf32>
        %parallel_loop3A_1404 = arith.addf %parallel_loop3A_1393, %parallel_loop3A_1403 : vector<16xf32>
        %parallel_loop3A_1405 = vector.shape_cast %parallel_loop3A_1400 : vector<16xi32> to vector<16x1xi32>
        %parallel_loop3A_1406 = vector.shape_cast %parallel_loop3A_1405 : vector<16x1xi32> to vector<16xi32>
        %parallel_loop3A_1407 = tpu.dynamic_gather %parallel_loop3A_1397[%parallel_loop3A_1406] in [0] : vector<16xf32>, vector<16xi32> -> vector<16xf32>
        %parallel_loop3A_1408 = arith.addf %parallel_loop3A_1397, %parallel_loop3A_1407 : vector<16xf32>
        %parallel_loop3A_1409 = arith.constant 1 : i32
        %parallel_loop3A_1410 = vector.broadcast %parallel_loop3A_1409 : i32 to vector<16xi32>
        %parallel_loop3A_1411 = arith.xori %iota3A, %parallel_loop3A_1410 : vector<16xi32>
        %parallel_loop3A_1412 = vector.shape_cast %parallel_loop3A_1411 : vector<16xi32> to vector<16x1xi32>
        %parallel_loop3A_1413 = vector.shape_cast %parallel_loop3A_1412 : vector<16x1xi32> to vector<16xi32>
        %parallel_loop3A_1414 = tpu.dynamic_gather %parallel_loop3A_1404[%parallel_loop3A_1413] in [0] : vector<16xf32>, vector<16xi32> -> vector<16xf32>
        %parallel_loop3A_1415 = arith.addf %parallel_loop3A_1404, %parallel_loop3A_1414 : vector<16xf32>
        %parallel_loop3A_1416 = vector.shape_cast %parallel_loop3A_1411 : vector<16xi32> to vector<16x1xi32>
        %parallel_loop3A_1417 = vector.shape_cast %parallel_loop3A_1416 : vector<16x1xi32> to vector<16xi32>
        %parallel_loop3A_1418 = tpu.dynamic_gather %parallel_loop3A_1408[%parallel_loop3A_1417] in [0] : vector<16xf32>, vector<16xi32> -> vector<16xf32>
        %parallel_loop3A_1419 = arith.addf %parallel_loop3A_1408, %parallel_loop3A_1418 : vector<16xf32>
        %parallel_loop3A_1420 = vector.broadcast %scan3A_61 : f32 to vector<16xf32>
        %parallel_loop3A_1421 = arith.mulf %parallel_loop3A_1415, %parallel_loop3A_1420 : vector<16xf32>
        %parallel_loop3A_1422 = vector.broadcast %scan3A_61 : f32 to vector<16xf32>
        %parallel_loop3A_1423 = arith.mulf %parallel_loop3A_1419, %parallel_loop3A_1422 : vector<16xf32>
        %parallel_loop3A_1424 = arith.mulf %parallel_loop3A_1421, %parallel_loop3A_1421 : vector<16xf32>
        %parallel_loop3A_1425 = arith.subf %parallel_loop3A_1423, %parallel_loop3A_1424 : vector<16xf32>
        %parallel_loop3A_1426 = arith.constant 9.99999974E-6 : f32
        %parallel_loop3A_1427 = vector.broadcast %parallel_loop3A_1426 : f32 to vector<16xf32>
        %parallel_loop3A_1428 = arith.addf %parallel_loop3A_1425, %parallel_loop3A_1427 : vector<16xf32>
        %parallel_loop3A_1429 = vector.bitcast %parallel_loop3A_1428 : vector<16xf32> to vector<16xi32>
        %parallel_loop3A_1430 = arith.constant 1 : i32
        %parallel_loop3A_1431 = vector.broadcast %parallel_loop3A_1430 : i32 to vector<16xi32>
        %parallel_loop3A_1432 = arith.shrui %parallel_loop3A_1429, %parallel_loop3A_1431 : vector<16xi32>
        %parallel_loop3A_1433 = arith.constant 1597463007 : i32
        %parallel_loop3A_1434 = vector.broadcast %parallel_loop3A_1433 : i32 to vector<16xi32>
        %parallel_loop3A_1435 = arith.subi %parallel_loop3A_1434, %parallel_loop3A_1432 : vector<16xi32>
        %parallel_loop3A_1436 = vector.bitcast %parallel_loop3A_1435 : vector<16xi32> to vector<16xf32>
        %parallel_loop3A_1437 = arith.constant -5.000000e-01 : f32
        %parallel_loop3A_1438 = vector.broadcast %parallel_loop3A_1437 : f32 to vector<16xf32>
        %parallel_loop3A_1439 = arith.mulf %parallel_loop3A_1428, %parallel_loop3A_1438 : vector<16xf32>
        %parallel_loop3A_1440 = arith.mulf %parallel_loop3A_1439, %parallel_loop3A_1436 : vector<16xf32>
        %parallel_loop3A_1441 = arith.mulf %parallel_loop3A_1440, %parallel_loop3A_1436 : vector<16xf32>
        %parallel_loop3A_1442 = arith.constant 1.500000e+00 : f32
        %parallel_loop3A_1443 = vector.broadcast %parallel_loop3A_1442 : f32 to vector<16xf32>
        %parallel_loop3A_1444 = arith.addf %parallel_loop3A_1441, %parallel_loop3A_1443 : vector<16xf32>
        %parallel_loop3A_1445 = arith.mulf %parallel_loop3A_1436, %parallel_loop3A_1444 : vector<16xf32>
        %parallel_loop3A_1446 = arith.mulf %parallel_loop3A_1439, %parallel_loop3A_1445 : vector<16xf32>
        %parallel_loop3A_1447 = arith.mulf %parallel_loop3A_1446, %parallel_loop3A_1445 : vector<16xf32>
        %parallel_loop3A_1448 = arith.constant 1.500000e+00 : f32
        %parallel_loop3A_1449 = vector.broadcast %parallel_loop3A_1448 : f32 to vector<16xf32>
        %parallel_loop3A_1450 = arith.addf %parallel_loop3A_1447, %parallel_loop3A_1449 : vector<16xf32>
        %parallel_loop3A_1451 = arith.mulf %parallel_loop3A_1445, %parallel_loop3A_1450 : vector<16xf32>
        %parallel_loop3A_1452 = vector.broadcast %parallel_loop3A_739 : i32 to vector<16xi32>
        %parallel_loop3A_1453 = arith.cmpi eq, %iota3A, %parallel_loop3A_1452 : vector<16xi32>
        %parallel_loop3A_1454 = arith.select %parallel_loop3A_1453, %parallel_loop3A_1421, %parallel_loop3A_740 : vector<16xi1>, vector<16xf32>
        %parallel_loop3A_1455 = arith.select %parallel_loop3A_1453, %parallel_loop3A_1451, %parallel_loop3A_741 : vector<16xi1>, vector<16xf32>
        scf.yield %parallel_loop3A_1454, %parallel_loop3A_1455 : vector<16xf32>, vector<16xf32>
      } {sc.loop_unroll_factor = 2 : i64, sc.parallel_access}
      %gt3A = arith.constant 0 : i32
      %gt3A_98 = arith.cmpi sgt, %scan3A_76, %gt3A : i32
      %convert_element_type3A = arith.extui %gt3A_98 : i1 to i32
      %cond3A = arith.constant 0 : i32
      %cond3A_99 = arith.cmpi ne, %convert_element_type3A, %cond3A : i32
      scf.if %cond3A_99 {
        %dma_wait3A_739 = arith.constant 0 : i32
        %dma_wait3A_740 = tpu.memref_slice %arg7[%multiple_of3A, %dma_wait3A_739] : memref<32768x768xf32, #tpu.memory_space<hbm>> -> memref<16x768xf32, #tpu.memory_space<hbm>>
        %dma_wait3A_741 = arith.constant 0 : i32
        %dma_wait3A_742 = tpu.memref_slice %arg7[%multiple_of3A, %dma_wait3A_741] : memref<32768x768xf32, #tpu.memory_space<hbm>> -> memref<16x768xf32, #tpu.memory_space<hbm>>
        tpu.wait_dma2 semaphore(%arg21 : memref<!tpu.dma_semaphore, #tpu.memory_space<semaphore_mem>>) src(%arg13 : memref<16x768xf32, #tpu.memory_space<vmem>>) dst(%dma_wait3A_742 : memref<16x768xf32, #tpu.memory_space<hbm>>)
      } else {
      }
      %mul3A_100 = arith.constant 0 : i32
      %mul3A_101 = vector.broadcast %mul3A_100 : i32 to vector<16xi32>
      %mul3A_102 = arith.muli %iota3A, %mul3A_101 : vector<16xi32>
      %add3A_103 = arith.constant 0 : i32
      %add3A_104 = vector.broadcast %add3A_103 : i32 to vector<16xi32>
      %add3A_105 = arith.addi %mul3A_102, %add3A_104 : vector<16xi32>
      %broadcast_in_dim3A_106 = vector.shape_cast %add3A_105 : vector<16xi32> to vector<16x1xi32>
      %gather3A = vector.shape_cast %broadcast_in_dim3A_106 : vector<16x1xi32> to vector<16xi32>
      %gather3A_107 = tpu.dynamic_gather %parallel_loop3A_97#0[%gather3A] in [0] : vector<16xf32>, vector<16xi32> -> vector<16xf32>
      %mul3A_108 = arith.constant 0 : i32
      %mul3A_109 = vector.broadcast %mul3A_108 : i32 to vector<16xi32>
      %mul3A_110 = arith.muli %iota3A, %mul3A_109 : vector<16xi32>
      %add3A_111 = arith.constant 1 : i32
      %add3A_112 = vector.broadcast %add3A_111 : i32 to vector<16xi32>
      %add3A_113 = arith.addi %mul3A_110, %add3A_112 : vector<16xi32>
      %broadcast_in_dim3A_114 = vector.shape_cast %add3A_113 : vector<16xi32> to vector<16x1xi32>
      %gather3A_115 = vector.shape_cast %broadcast_in_dim3A_114 : vector<16x1xi32> to vector<16xi32>
      %gather3A_116 = tpu.dynamic_gather %parallel_loop3A_97#0[%gather3A_115] in [0] : vector<16xf32>, vector<16xi32> -> vector<16xf32>
      %mul3A_117 = arith.constant 0 : i32
      %mul3A_118 = vector.broadcast %mul3A_117 : i32 to vector<16xi32>
      %mul3A_119 = arith.muli %iota3A, %mul3A_118 : vector<16xi32>
      %add3A_120 = arith.constant 2 : i32
      %add3A_121 = vector.broadcast %add3A_120 : i32 to vector<16xi32>
      %add3A_122 = arith.addi %mul3A_119, %add3A_121 : vector<16xi32>
      %broadcast_in_dim3A_123 = vector.shape_cast %add3A_122 : vector<16xi32> to vector<16x1xi32>
      %gather3A_124 = vector.shape_cast %broadcast_in_dim3A_123 : vector<16x1xi32> to vector<16xi32>
      %gather3A_125 = tpu.dynamic_gather %parallel_loop3A_97#0[%gather3A_124] in [0] : vector<16xf32>, vector<16xi32> -> vector<16xf32>
      %mul3A_126 = arith.constant 0 : i32
      %mul3A_127 = vector.broadcast %mul3A_126 : i32 to vector<16xi32>
      %mul3A_128 = arith.muli %iota3A, %mul3A_127 : vector<16xi32>
      %add3A_129 = arith.constant 3 : i32
      %add3A_130 = vector.broadcast %add3A_129 : i32 to vector<16xi32>
      %add3A_131 = arith.addi %mul3A_128, %add3A_130 : vector<16xi32>
      %broadcast_in_dim3A_132 = vector.shape_cast %add3A_131 : vector<16xi32> to vector<16x1xi32>
      %gather3A_133 = vector.shape_cast %broadcast_in_dim3A_132 : vector<16x1xi32> to vector<16xi32>
      %gather3A_134 = tpu.dynamic_gather %parallel_loop3A_97#0[%gather3A_133] in [0] : vector<16xf32>, vector<16xi32> -> vector<16xf32>
      %mul3A_135 = arith.constant 0 : i32
      %mul3A_136 = vector.broadcast %mul3A_135 : i32 to vector<16xi32>
      %mul3A_137 = arith.muli %iota3A, %mul3A_136 : vector<16xi32>
      %add3A_138 = arith.constant 4 : i32
      %add3A_139 = vector.broadcast %add3A_138 : i32 to vector<16xi32>
      %add3A_140 = arith.addi %mul3A_137, %add3A_139 : vector<16xi32>
      %broadcast_in_dim3A_141 = vector.shape_cast %add3A_140 : vector<16xi32> to vector<16x1xi32>
      %gather3A_142 = vector.shape_cast %broadcast_in_dim3A_141 : vector<16x1xi32> to vector<16xi32>
      %gather3A_143 = tpu.dynamic_gather %parallel_loop3A_97#0[%gather3A_142] in [0] : vector<16xf32>, vector<16xi32> -> vector<16xf32>
      %mul3A_144 = arith.constant 0 : i32
      %mul3A_145 = vector.broadcast %mul3A_144 : i32 to vector<16xi32>
      %mul3A_146 = arith.muli %iota3A, %mul3A_145 : vector<16xi32>
      %add3A_147 = arith.constant 5 : i32
      %add3A_148 = vector.broadcast %add3A_147 : i32 to vector<16xi32>
      %add3A_149 = arith.addi %mul3A_146, %add3A_148 : vector<16xi32>
      %broadcast_in_dim3A_150 = vector.shape_cast %add3A_149 : vector<16xi32> to vector<16x1xi32>
      %gather3A_151 = vector.shape_cast %broadcast_in_dim3A_150 : vector<16x1xi32> to vector<16xi32>
      %gather3A_152 = tpu.dynamic_gather %parallel_loop3A_97#0[%gather3A_151] in [0] : vector<16xf32>, vector<16xi32> -> vector<16xf32>
      %mul3A_153 = arith.constant 0 : i32
      %mul3A_154 = vector.broadcast %mul3A_153 : i32 to vector<16xi32>
      %mul3A_155 = arith.muli %iota3A, %mul3A_154 : vector<16xi32>
      %add3A_156 = arith.constant 6 : i32
      %add3A_157 = vector.broadcast %add3A_156 : i32 to vector<16xi32>
      %add3A_158 = arith.addi %mul3A_155, %add3A_157 : vector<16xi32>
      %broadcast_in_dim3A_159 = vector.shape_cast %add3A_158 : vector<16xi32> to vector<16x1xi32>
      %gather3A_160 = vector.shape_cast %broadcast_in_dim3A_159 : vector<16x1xi32> to vector<16xi32>
      %gather3A_161 = tpu.dynamic_gather %parallel_loop3A_97#0[%gather3A_160] in [0] : vector<16xf32>, vector<16xi32> -> vector<16xf32>
      %mul3A_162 = arith.constant 0 : i32
      %mul3A_163 = vector.broadcast %mul3A_162 : i32 to vector<16xi32>
      %mul3A_164 = arith.muli %iota3A, %mul3A_163 : vector<16xi32>
      %add3A_165 = arith.constant 7 : i32
      %add3A_166 = vector.broadcast %add3A_165 : i32 to vector<16xi32>
      %add3A_167 = arith.addi %mul3A_164, %add3A_166 : vector<16xi32>
      %broadcast_in_dim3A_168 = vector.shape_cast %add3A_167 : vector<16xi32> to vector<16x1xi32>
      %gather3A_169 = vector.shape_cast %broadcast_in_dim3A_168 : vector<16x1xi32> to vector<16xi32>
      %gather3A_170 = tpu.dynamic_gather %parallel_loop3A_97#0[%gather3A_169] in [0] : vector<16xf32>, vector<16xi32> -> vector<16xf32>
      %mul3A_171 = arith.constant 0 : i32
      %mul3A_172 = vector.broadcast %mul3A_171 : i32 to vector<16xi32>
      %mul3A_173 = arith.muli %iota3A, %mul3A_172 : vector<16xi32>
      %add3A_174 = arith.constant 0 : i32
      %add3A_175 = vector.broadcast %add3A_174 : i32 to vector<16xi32>
      %add3A_176 = arith.addi %mul3A_173, %add3A_175 : vector<16xi32>
      %broadcast_in_dim3A_177 = vector.shape_cast %add3A_176 : vector<16xi32> to vector<16x1xi32>
      %gather3A_178 = vector.shape_cast %broadcast_in_dim3A_177 : vector<16x1xi32> to vector<16xi32>
      %gather3A_179 = tpu.dynamic_gather %parallel_loop3A_97#1[%gather3A_178] in [0] : vector<16xf32>, vector<16xi32> -> vector<16xf32>
      %mul3A_180 = arith.constant 0 : i32
      %mul3A_181 = vector.broadcast %mul3A_180 : i32 to vector<16xi32>
      %mul3A_182 = arith.muli %iota3A, %mul3A_181 : vector<16xi32>
      %add3A_183 = arith.constant 1 : i32
      %add3A_184 = vector.broadcast %add3A_183 : i32 to vector<16xi32>
      %add3A_185 = arith.addi %mul3A_182, %add3A_184 : vector<16xi32>
      %broadcast_in_dim3A_186 = vector.shape_cast %add3A_185 : vector<16xi32> to vector<16x1xi32>
      %gather3A_187 = vector.shape_cast %broadcast_in_dim3A_186 : vector<16x1xi32> to vector<16xi32>
      %gather3A_188 = tpu.dynamic_gather %parallel_loop3A_97#1[%gather3A_187] in [0] : vector<16xf32>, vector<16xi32> -> vector<16xf32>
      %mul3A_189 = arith.constant 0 : i32
      %mul3A_190 = vector.broadcast %mul3A_189 : i32 to vector<16xi32>
      %mul3A_191 = arith.muli %iota3A, %mul3A_190 : vector<16xi32>
      %add3A_192 = arith.constant 2 : i32
      %add3A_193 = vector.broadcast %add3A_192 : i32 to vector<16xi32>
      %add3A_194 = arith.addi %mul3A_191, %add3A_193 : vector<16xi32>
      %broadcast_in_dim3A_195 = vector.shape_cast %add3A_194 : vector<16xi32> to vector<16x1xi32>
      %gather3A_196 = vector.shape_cast %broadcast_in_dim3A_195 : vector<16x1xi32> to vector<16xi32>
      %gather3A_197 = tpu.dynamic_gather %parallel_loop3A_97#1[%gather3A_196] in [0] : vector<16xf32>, vector<16xi32> -> vector<16xf32>
      %mul3A_198 = arith.constant 0 : i32
      %mul3A_199 = vector.broadcast %mul3A_198 : i32 to vector<16xi32>
      %mul3A_200 = arith.muli %iota3A, %mul3A_199 : vector<16xi32>
      %add3A_201 = arith.constant 3 : i32
      %add3A_202 = vector.broadcast %add3A_201 : i32 to vector<16xi32>
      %add3A_203 = arith.addi %mul3A_200, %add3A_202 : vector<16xi32>
      %broadcast_in_dim3A_204 = vector.shape_cast %add3A_203 : vector<16xi32> to vector<16x1xi32>
      %gather3A_205 = vector.shape_cast %broadcast_in_dim3A_204 : vector<16x1xi32> to vector<16xi32>
      %gather3A_206 = tpu.dynamic_gather %parallel_loop3A_97#1[%gather3A_205] in [0] : vector<16xf32>, vector<16xi32> -> vector<16xf32>
      %mul3A_207 = arith.constant 0 : i32
      %mul3A_208 = vector.broadcast %mul3A_207 : i32 to vector<16xi32>
      %mul3A_209 = arith.muli %iota3A, %mul3A_208 : vector<16xi32>
      %add3A_210 = arith.constant 4 : i32
      %add3A_211 = vector.broadcast %add3A_210 : i32 to vector<16xi32>
      %add3A_212 = arith.addi %mul3A_209, %add3A_211 : vector<16xi32>
      %broadcast_in_dim3A_213 = vector.shape_cast %add3A_212 : vector<16xi32> to vector<16x1xi32>
      %gather3A_214 = vector.shape_cast %broadcast_in_dim3A_213 : vector<16x1xi32> to vector<16xi32>
      %gather3A_215 = tpu.dynamic_gather %parallel_loop3A_97#1[%gather3A_214] in [0] : vector<16xf32>, vector<16xi32> -> vector<16xf32>
      %mul3A_216 = arith.constant 0 : i32
      %mul3A_217 = vector.broadcast %mul3A_216 : i32 to vector<16xi32>
      %mul3A_218 = arith.muli %iota3A, %mul3A_217 : vector<16xi32>
      %add3A_219 = arith.constant 5 : i32
      %add3A_220 = vector.broadcast %add3A_219 : i32 to vector<16xi32>
      %add3A_221 = arith.addi %mul3A_218, %add3A_220 : vector<16xi32>
      %broadcast_in_dim3A_222 = vector.shape_cast %add3A_221 : vector<16xi32> to vector<16x1xi32>
      %gather3A_223 = vector.shape_cast %broadcast_in_dim3A_222 : vector<16x1xi32> to vector<16xi32>
      %gather3A_224 = tpu.dynamic_gather %parallel_loop3A_97#1[%gather3A_223] in [0] : vector<16xf32>, vector<16xi32> -> vector<16xf32>
      %mul3A_225 = arith.constant 0 : i32
      %mul3A_226 = vector.broadcast %mul3A_225 : i32 to vector<16xi32>
      %mul3A_227 = arith.muli %iota3A, %mul3A_226 : vector<16xi32>
      %add3A_228 = arith.constant 6 : i32
      %add3A_229 = vector.broadcast %add3A_228 : i32 to vector<16xi32>
      %add3A_230 = arith.addi %mul3A_227, %add3A_229 : vector<16xi32>
      %broadcast_in_dim3A_231 = vector.shape_cast %add3A_230 : vector<16xi32> to vector<16x1xi32>
      %gather3A_232 = vector.shape_cast %broadcast_in_dim3A_231 : vector<16x1xi32> to vector<16xi32>
      %gather3A_233 = tpu.dynamic_gather %parallel_loop3A_97#1[%gather3A_232] in [0] : vector<16xf32>, vector<16xi32> -> vector<16xf32>
      %mul3A_234 = arith.constant 0 : i32
      %mul3A_235 = vector.broadcast %mul3A_234 : i32 to vector<16xi32>
      %mul3A_236 = arith.muli %iota3A, %mul3A_235 : vector<16xi32>
      %add3A_237 = arith.constant 7 : i32
      %add3A_238 = vector.broadcast %add3A_237 : i32 to vector<16xi32>
      %add3A_239 = arith.addi %mul3A_236, %add3A_238 : vector<16xi32>
      %broadcast_in_dim3A_240 = vector.shape_cast %add3A_239 : vector<16xi32> to vector<16x1xi32>
      %gather3A_241 = vector.shape_cast %broadcast_in_dim3A_240 : vector<16x1xi32> to vector<16xi32>
      %gather3A_242 = tpu.dynamic_gather %parallel_loop3A_97#1[%gather3A_241] in [0] : vector<16xf32>, vector<16xi32> -> vector<16xf32>
      %parallel_loop3A_243 = arith.constant 0 : i32
      %parallel_loop3A_244 = arith.constant 48 : i32
      %parallel_loop3A_245 = arith.constant 1 : i32
      scf.for %parallel_loop3A_739 = %parallel_loop3A_243 to %parallel_loop3A_244 step %parallel_loop3A_245  : i32 {
        %parallel_loop3A_740 = arith.constant 16 : i32
        %parallel_loop3A_741 = arith.muli %parallel_loop3A_739, %parallel_loop3A_740 : i32
        %parallel_loop3A_742 = arith.index_cast %parallel_loop3A_741 : i32 to index
        %parallel_loop3A_743 = tpu.vector_load %arg17[%parallel_loop3A_742] {strides = array<i32>} : memref<768xf32, #tpu.memory_space<vmem>>, vector<16xf32>,
        %parallel_loop3A_744 = arith.index_cast %parallel_loop3A_741 : i32 to index
        %parallel_loop3A_745 = tpu.vector_load %arg18[%parallel_loop3A_744] {strides = array<i32>} : memref<768xf32, #tpu.memory_space<vmem>>, vector<16xf32>,
        %parallel_loop3A_746 = arith.constant 0 : i32
        %parallel_loop3A_747 = arith.index_cast %parallel_loop3A_746 : i32 to index
        %parallel_loop3A_748 = arith.index_cast %parallel_loop3A_741 : i32 to index
        %parallel_loop3A_749 = tpu.vector_load %arg13[%parallel_loop3A_747, %parallel_loop3A_748] {strides = array<i32>} : memref<16x768xf32, #tpu.memory_space<vmem>>, vector<16xf32>,
        %parallel_loop3A_750 = arith.subf %parallel_loop3A_749, %gather3A_107 : vector<16xf32>
        %parallel_loop3A_751 = arith.mulf %gather3A_179, %parallel_loop3A_743 : vector<16xf32>
        %parallel_loop3A_752 = arith.mulf %parallel_loop3A_750, %parallel_loop3A_751 : vector<16xf32>
        %parallel_loop3A_753 = arith.addf %parallel_loop3A_752, %parallel_loop3A_745 : vector<16xf32>
        %parallel_loop3A_754 = arith.constant 0 : i32
        %parallel_loop3A_755 = arith.index_cast %parallel_loop3A_754 : i32 to index
        %parallel_loop3A_756 = arith.index_cast %parallel_loop3A_741 : i32 to index
        %parallel_loop3A_757 = tpu.vector_load %arg13[%parallel_loop3A_755, %parallel_loop3A_756] {strides = array<i32>} : memref<16x768xf32, #tpu.memory_space<vmem>>, vector<16xf32>,
        tpu.vector_store %arg13[%parallel_loop3A_755, %parallel_loop3A_756], %parallel_loop3A_753 {strides = array<i32>} : memref<16x768xf32, #tpu.memory_space<vmem>>, vector<16xf32>,
        %parallel_loop3A_758 = arith.constant 1 : i32
        %parallel_loop3A_759 = arith.index_cast %parallel_loop3A_758 : i32 to index
        %parallel_loop3A_760 = arith.index_cast %parallel_loop3A_741 : i32 to index
        %parallel_loop3A_761 = tpu.vector_load %arg13[%parallel_loop3A_759, %parallel_loop3A_760] {strides = array<i32>} : memref<16x768xf32, #tpu.memory_space<vmem>>, vector<16xf32>,
        %parallel_loop3A_762 = arith.subf %parallel_loop3A_761, %gather3A_116 : vector<16xf32>
        %parallel_loop3A_763 = arith.mulf %gather3A_188, %parallel_loop3A_743 : vector<16xf32>
        %parallel_loop3A_764 = arith.mulf %parallel_loop3A_762, %parallel_loop3A_763 : vector<16xf32>
        %parallel_loop3A_765 = arith.addf %parallel_loop3A_764, %parallel_loop3A_745 : vector<16xf32>
        %parallel_loop3A_766 = arith.constant 1 : i32
        %parallel_loop3A_767 = arith.index_cast %parallel_loop3A_766 : i32 to index
        %parallel_loop3A_768 = arith.index_cast %parallel_loop3A_741 : i32 to index
        %parallel_loop3A_769 = tpu.vector_load %arg13[%parallel_loop3A_767, %parallel_loop3A_768] {strides = array<i32>} : memref<16x768xf32, #tpu.memory_space<vmem>>, vector<16xf32>,
        tpu.vector_store %arg13[%parallel_loop3A_767, %parallel_loop3A_768], %parallel_loop3A_765 {strides = array<i32>} : memref<16x768xf32, #tpu.memory_space<vmem>>, vector<16xf32>,
        %parallel_loop3A_770 = arith.constant 2 : i32
        %parallel_loop3A_771 = arith.index_cast %parallel_loop3A_770 : i32 to index
        %parallel_loop3A_772 = arith.index_cast %parallel_loop3A_741 : i32 to index
        %parallel_loop3A_773 = tpu.vector_load %arg13[%parallel_loop3A_771, %parallel_loop3A_772] {strides = array<i32>} : memref<16x768xf32, #tpu.memory_space<vmem>>, vector<16xf32>,
        %parallel_loop3A_774 = arith.subf %parallel_loop3A_773, %gather3A_125 : vector<16xf32>
        %parallel_loop3A_775 = arith.mulf %gather3A_197, %parallel_loop3A_743 : vector<16xf32>
        %parallel_loop3A_776 = arith.mulf %parallel_loop3A_774, %parallel_loop3A_775 : vector<16xf32>
        %parallel_loop3A_777 = arith.addf %parallel_loop3A_776, %parallel_loop3A_745 : vector<16xf32>
        %parallel_loop3A_778 = arith.constant 2 : i32
        %parallel_loop3A_779 = arith.index_cast %parallel_loop3A_778 : i32 to index
        %parallel_loop3A_780 = arith.index_cast %parallel_loop3A_741 : i32 to index
        %parallel_loop3A_781 = tpu.vector_load %arg13[%parallel_loop3A_779, %parallel_loop3A_780] {strides = array<i32>} : memref<16x768xf32, #tpu.memory_space<vmem>>, vector<16xf32>,
        tpu.vector_store %arg13[%parallel_loop3A_779, %parallel_loop3A_780], %parallel_loop3A_777 {strides = array<i32>} : memref<16x768xf32, #tpu.memory_space<vmem>>, vector<16xf32>,
        %parallel_loop3A_782 = arith.constant 3 : i32
        %parallel_loop3A_783 = arith.index_cast %parallel_loop3A_782 : i32 to index
        %parallel_loop3A_784 = arith.index_cast %parallel_loop3A_741 : i32 to index
        %parallel_loop3A_785 = tpu.vector_load %arg13[%parallel_loop3A_783, %parallel_loop3A_784] {strides = array<i32>} : memref<16x768xf32, #tpu.memory_space<vmem>>, vector<16xf32>,
        %parallel_loop3A_786 = arith.subf %parallel_loop3A_785, %gather3A_134 : vector<16xf32>
        %parallel_loop3A_787 = arith.mulf %gather3A_206, %parallel_loop3A_743 : vector<16xf32>
        %parallel_loop3A_788 = arith.mulf %parallel_loop3A_786, %parallel_loop3A_787 : vector<16xf32>
        %parallel_loop3A_789 = arith.addf %parallel_loop3A_788, %parallel_loop3A_745 : vector<16xf32>
        %parallel_loop3A_790 = arith.constant 3 : i32
        %parallel_loop3A_791 = arith.index_cast %parallel_loop3A_790 : i32 to index
        %parallel_loop3A_792 = arith.index_cast %parallel_loop3A_741 : i32 to index
        %parallel_loop3A_793 = tpu.vector_load %arg13[%parallel_loop3A_791, %parallel_loop3A_792] {strides = array<i32>} : memref<16x768xf32, #tpu.memory_space<vmem>>, vector<16xf32>,
        tpu.vector_store %arg13[%parallel_loop3A_791, %parallel_loop3A_792], %parallel_loop3A_789 {strides = array<i32>} : memref<16x768xf32, #tpu.memory_space<vmem>>, vector<16xf32>,
        %parallel_loop3A_794 = arith.constant 4 : i32
        %parallel_loop3A_795 = arith.index_cast %parallel_loop3A_794 : i32 to index
        %parallel_loop3A_796 = arith.index_cast %parallel_loop3A_741 : i32 to index
        %parallel_loop3A_797 = tpu.vector_load %arg13[%parallel_loop3A_795, %parallel_loop3A_796] {strides = array<i32>} : memref<16x768xf32, #tpu.memory_space<vmem>>, vector<16xf32>,
        %parallel_loop3A_798 = arith.subf %parallel_loop3A_797, %gather3A_143 : vector<16xf32>
        %parallel_loop3A_799 = arith.mulf %gather3A_215, %parallel_loop3A_743 : vector<16xf32>
        %parallel_loop3A_800 = arith.mulf %parallel_loop3A_798, %parallel_loop3A_799 : vector<16xf32>
        %parallel_loop3A_801 = arith.addf %parallel_loop3A_800, %parallel_loop3A_745 : vector<16xf32>
        %parallel_loop3A_802 = arith.constant 4 : i32
        %parallel_loop3A_803 = arith.index_cast %parallel_loop3A_802 : i32 to index
        %parallel_loop3A_804 = arith.index_cast %parallel_loop3A_741 : i32 to index
        %parallel_loop3A_805 = tpu.vector_load %arg13[%parallel_loop3A_803, %parallel_loop3A_804] {strides = array<i32>} : memref<16x768xf32, #tpu.memory_space<vmem>>, vector<16xf32>,
        tpu.vector_store %arg13[%parallel_loop3A_803, %parallel_loop3A_804], %parallel_loop3A_801 {strides = array<i32>} : memref<16x768xf32, #tpu.memory_space<vmem>>, vector<16xf32>,
        %parallel_loop3A_806 = arith.constant 5 : i32
        %parallel_loop3A_807 = arith.index_cast %parallel_loop3A_806 : i32 to index
        %parallel_loop3A_808 = arith.index_cast %parallel_loop3A_741 : i32 to index
        %parallel_loop3A_809 = tpu.vector_load %arg13[%parallel_loop3A_807, %parallel_loop3A_808] {strides = array<i32>} : memref<16x768xf32, #tpu.memory_space<vmem>>, vector<16xf32>,
        %parallel_loop3A_810 = arith.subf %parallel_loop3A_809, %gather3A_152 : vector<16xf32>
        %parallel_loop3A_811 = arith.mulf %gather3A_224, %parallel_loop3A_743 : vector<16xf32>
        %parallel_loop3A_812 = arith.mulf %parallel_loop3A_810, %parallel_loop3A_811 : vector<16xf32>
        %parallel_loop3A_813 = arith.addf %parallel_loop3A_812, %parallel_loop3A_745 : vector<16xf32>
        %parallel_loop3A_814 = arith.constant 5 : i32
        %parallel_loop3A_815 = arith.index_cast %parallel_loop3A_814 : i32 to index
        %parallel_loop3A_816 = arith.index_cast %parallel_loop3A_741 : i32 to index
        %parallel_loop3A_817 = tpu.vector_load %arg13[%parallel_loop3A_815, %parallel_loop3A_816] {strides = array<i32>} : memref<16x768xf32, #tpu.memory_space<vmem>>, vector<16xf32>,
        tpu.vector_store %arg13[%parallel_loop3A_815, %parallel_loop3A_816], %parallel_loop3A_813 {strides = array<i32>} : memref<16x768xf32, #tpu.memory_space<vmem>>, vector<16xf32>,
        %parallel_loop3A_818 = arith.constant 6 : i32
        %parallel_loop3A_819 = arith.index_cast %parallel_loop3A_818 : i32 to index
        %parallel_loop3A_820 = arith.index_cast %parallel_loop3A_741 : i32 to index
        %parallel_loop3A_821 = tpu.vector_load %arg13[%parallel_loop3A_819, %parallel_loop3A_820] {strides = array<i32>} : memref<16x768xf32, #tpu.memory_space<vmem>>, vector<16xf32>,
        %parallel_loop3A_822 = arith.subf %parallel_loop3A_821, %gather3A_161 : vector<16xf32>
        %parallel_loop3A_823 = arith.mulf %gather3A_233, %parallel_loop3A_743 : vector<16xf32>
        %parallel_loop3A_824 = arith.mulf %parallel_loop3A_822, %parallel_loop3A_823 : vector<16xf32>
        %parallel_loop3A_825 = arith.addf %parallel_loop3A_824, %parallel_loop3A_745 : vector<16xf32>
        %parallel_loop3A_826 = arith.constant 6 : i32
        %parallel_loop3A_827 = arith.index_cast %parallel_loop3A_826 : i32 to index
        %parallel_loop3A_828 = arith.index_cast %parallel_loop3A_741 : i32 to index
        %parallel_loop3A_829 = tpu.vector_load %arg13[%parallel_loop3A_827, %parallel_loop3A_828] {strides = array<i32>} : memref<16x768xf32, #tpu.memory_space<vmem>>, vector<16xf32>,
        tpu.vector_store %arg13[%parallel_loop3A_827, %parallel_loop3A_828], %parallel_loop3A_825 {strides = array<i32>} : memref<16x768xf32, #tpu.memory_space<vmem>>, vector<16xf32>,
        %parallel_loop3A_830 = arith.constant 7 : i32
        %parallel_loop3A_831 = arith.index_cast %parallel_loop3A_830 : i32 to index
        %parallel_loop3A_832 = arith.index_cast %parallel_loop3A_741 : i32 to index
        %parallel_loop3A_833 = tpu.vector_load %arg13[%parallel_loop3A_831, %parallel_loop3A_832] {strides = array<i32>} : memref<16x768xf32, #tpu.memory_space<vmem>>, vector<16xf32>,
        %parallel_loop3A_834 = arith.subf %parallel_loop3A_833, %gather3A_170 : vector<16xf32>
        %parallel_loop3A_835 = arith.mulf %gather3A_242, %parallel_loop3A_743 : vector<16xf32>
        %parallel_loop3A_836 = arith.mulf %parallel_loop3A_834, %parallel_loop3A_835 : vector<16xf32>
        %parallel_loop3A_837 = arith.addf %parallel_loop3A_836, %parallel_loop3A_745 : vector<16xf32>
        %parallel_loop3A_838 = arith.constant 7 : i32
        %parallel_loop3A_839 = arith.index_cast %parallel_loop3A_838 : i32 to index
        %parallel_loop3A_840 = arith.index_cast %parallel_loop3A_741 : i32 to index
        %parallel_loop3A_841 = tpu.vector_load %arg13[%parallel_loop3A_839, %parallel_loop3A_840] {strides = array<i32>} : memref<16x768xf32, #tpu.memory_space<vmem>>, vector<16xf32>,
        tpu.vector_store %arg13[%parallel_loop3A_839, %parallel_loop3A_840], %parallel_loop3A_837 {strides = array<i32>} : memref<16x768xf32, #tpu.memory_space<vmem>>, vector<16xf32>,
      } {sc.loop_unroll_factor = 1 : i64, sc.parallel_access}
      %mul3A_246 = arith.constant 0 : i32
      %mul3A_247 = vector.broadcast %mul3A_246 : i32 to vector<16xi32>
      %mul3A_248 = arith.muli %iota3A, %mul3A_247 : vector<16xi32>
      %add3A_249 = arith.constant 8 : i32
      %add3A_250 = vector.broadcast %add3A_249 : i32 to vector<16xi32>
      %add3A_251 = arith.addi %mul3A_248, %add3A_250 : vector<16xi32>
      %broadcast_in_dim3A_252 = vector.shape_cast %add3A_251 : vector<16xi32> to vector<16x1xi32>
      %gather3A_253 = vector.shape_cast %broadcast_in_dim3A_252 : vector<16x1xi32> to vector<16xi32>
      %gather3A_254 = tpu.dynamic_gather %parallel_loop3A_97#0[%gather3A_253] in [0] : vector<16xf32>, vector<16xi32> -> vector<16xf32>
      %mul3A_255 = arith.constant 0 : i32
      %mul3A_256 = vector.broadcast %mul3A_255 : i32 to vector<16xi32>
      %mul3A_257 = arith.muli %iota3A, %mul3A_256 : vector<16xi32>
      %add3A_258 = arith.constant 9 : i32
      %add3A_259 = vector.broadcast %add3A_258 : i32 to vector<16xi32>
      %add3A_260 = arith.addi %mul3A_257, %add3A_259 : vector<16xi32>
      %broadcast_in_dim3A_261 = vector.shape_cast %add3A_260 : vector<16xi32> to vector<16x1xi32>
      %gather3A_262 = vector.shape_cast %broadcast_in_dim3A_261 : vector<16x1xi32> to vector<16xi32>
      %gather3A_263 = tpu.dynamic_gather %parallel_loop3A_97#0[%gather3A_262] in [0] : vector<16xf32>, vector<16xi32> -> vector<16xf32>
      %mul3A_264 = arith.constant 0 : i32
      %mul3A_265 = vector.broadcast %mul3A_264 : i32 to vector<16xi32>
      %mul3A_266 = arith.muli %iota3A, %mul3A_265 : vector<16xi32>
      %add3A_267 = arith.constant 10 : i32
      %add3A_268 = vector.broadcast %add3A_267 : i32 to vector<16xi32>
      %add3A_269 = arith.addi %mul3A_266, %add3A_268 : vector<16xi32>
      %broadcast_in_dim3A_270 = vector.shape_cast %add3A_269 : vector<16xi32> to vector<16x1xi32>
      %gather3A_271 = vector.shape_cast %broadcast_in_dim3A_270 : vector<16x1xi32> to vector<16xi32>
      %gather3A_272 = tpu.dynamic_gather %parallel_loop3A_97#0[%gather3A_271] in [0] : vector<16xf32>, vector<16xi32> -> vector<16xf32>
      %mul3A_273 = arith.constant 0 : i32
      %mul3A_274 = vector.broadcast %mul3A_273 : i32 to vector<16xi32>
      %mul3A_275 = arith.muli %iota3A, %mul3A_274 : vector<16xi32>
      %add3A_276 = arith.constant 11 : i32
      %add3A_277 = vector.broadcast %add3A_276 : i32 to vector<16xi32>
      %add3A_278 = arith.addi %mul3A_275, %add3A_277 : vector<16xi32>
      %broadcast_in_dim3A_279 = vector.shape_cast %add3A_278 : vector<16xi32> to vector<16x1xi32>
      %gather3A_280 = vector.shape_cast %broadcast_in_dim3A_279 : vector<16x1xi32> to vector<16xi32>
      %gather3A_281 = tpu.dynamic_gather %parallel_loop3A_97#0[%gather3A_280] in [0] : vector<16xf32>, vector<16xi32> -> vector<16xf32>
      %mul3A_282 = arith.constant 0 : i32
      %mul3A_283 = vector.broadcast %mul3A_282 : i32 to vector<16xi32>
      %mul3A_284 = arith.muli %iota3A, %mul3A_283 : vector<16xi32>
      %add3A_285 = arith.constant 12 : i32
      %add3A_286 = vector.broadcast %add3A_285 : i32 to vector<16xi32>
      %add3A_287 = arith.addi %mul3A_284, %add3A_286 : vector<16xi32>
      %broadcast_in_dim3A_288 = vector.shape_cast %add3A_287 : vector<16xi32> to vector<16x1xi32>
      %gather3A_289 = vector.shape_cast %broadcast_in_dim3A_288 : vector<16x1xi32> to vector<16xi32>
      %gather3A_290 = tpu.dynamic_gather %parallel_loop3A_97#0[%gather3A_289] in [0] : vector<16xf32>, vector<16xi32> -> vector<16xf32>
      %mul3A_291 = arith.constant 0 : i32
      %mul3A_292 = vector.broadcast %mul3A_291 : i32 to vector<16xi32>
      %mul3A_293 = arith.muli %iota3A, %mul3A_292 : vector<16xi32>
      %add3A_294 = arith.constant 13 : i32
      %add3A_295 = vector.broadcast %add3A_294 : i32 to vector<16xi32>
      %add3A_296 = arith.addi %mul3A_293, %add3A_295 : vector<16xi32>
      %broadcast_in_dim3A_297 = vector.shape_cast %add3A_296 : vector<16xi32> to vector<16x1xi32>
      %gather3A_298 = vector.shape_cast %broadcast_in_dim3A_297 : vector<16x1xi32> to vector<16xi32>
      %gather3A_299 = tpu.dynamic_gather %parallel_loop3A_97#0[%gather3A_298] in [0] : vector<16xf32>, vector<16xi32> -> vector<16xf32>
      %mul3A_300 = arith.constant 0 : i32
      %mul3A_301 = vector.broadcast %mul3A_300 : i32 to vector<16xi32>
      %mul3A_302 = arith.muli %iota3A, %mul3A_301 : vector<16xi32>
      %add3A_303 = arith.constant 14 : i32
      %add3A_304 = vector.broadcast %add3A_303 : i32 to vector<16xi32>
      %add3A_305 = arith.addi %mul3A_302, %add3A_304 : vector<16xi32>
      %broadcast_in_dim3A_306 = vector.shape_cast %add3A_305 : vector<16xi32> to vector<16x1xi32>
      %gather3A_307 = vector.shape_cast %broadcast_in_dim3A_306 : vector<16x1xi32> to vector<16xi32>
      %gather3A_308 = tpu.dynamic_gather %parallel_loop3A_97#0[%gather3A_307] in [0] : vector<16xf32>, vector<16xi32> -> vector<16xf32>
      %mul3A_309 = arith.constant 0 : i32
      %mul3A_310 = vector.broadcast %mul3A_309 : i32 to vector<16xi32>
      %mul3A_311 = arith.muli %iota3A, %mul3A_310 : vector<16xi32>
      %add3A_312 = arith.constant 15 : i32
      %add3A_313 = vector.broadcast %add3A_312 : i32 to vector<16xi32>
      %add3A_314 = arith.addi %mul3A_311, %add3A_313 : vector<16xi32>
      %broadcast_in_dim3A_315 = vector.shape_cast %add3A_314 : vector<16xi32> to vector<16x1xi32>
      %gather3A_316 = vector.shape_cast %broadcast_in_dim3A_315 : vector<16x1xi32> to vector<16xi32>
      %gather3A_317 = tpu.dynamic_gather %parallel_loop3A_97#0[%gather3A_316] in [0] : vector<16xf32>, vector<16xi32> -> vector<16xf32>
      %mul3A_318 = arith.constant 0 : i32
      %mul3A_319 = vector.broadcast %mul3A_318 : i32 to vector<16xi32>
      %mul3A_320 = arith.muli %iota3A, %mul3A_319 : vector<16xi32>
      %add3A_321 = arith.constant 8 : i32
      %add3A_322 = vector.broadcast %add3A_321 : i32 to vector<16xi32>
      %add3A_323 = arith.addi %mul3A_320, %add3A_322 : vector<16xi32>
      %broadcast_in_dim3A_324 = vector.shape_cast %add3A_323 : vector<16xi32> to vector<16x1xi32>
      %gather3A_325 = vector.shape_cast %broadcast_in_dim3A_324 : vector<16x1xi32> to vector<16xi32>
      %gather3A_326 = tpu.dynamic_gather %parallel_loop3A_97#1[%gather3A_325] in [0] : vector<16xf32>, vector<16xi32> -> vector<16xf32>
      %mul3A_327 = arith.constant 0 : i32
      %mul3A_328 = vector.broadcast %mul3A_327 : i32 to vector<16xi32>
      %mul3A_329 = arith.muli %iota3A, %mul3A_328 : vector<16xi32>
      %add3A_330 = arith.constant 9 : i32
      %add3A_331 = vector.broadcast %add3A_330 : i32 to vector<16xi32>
      %add3A_332 = arith.addi %mul3A_329, %add3A_331 : vector<16xi32>
      %broadcast_in_dim3A_333 = vector.shape_cast %add3A_332 : vector<16xi32> to vector<16x1xi32>
      %gather3A_334 = vector.shape_cast %broadcast_in_dim3A_333 : vector<16x1xi32> to vector<16xi32>
      %gather3A_335 = tpu.dynamic_gather %parallel_loop3A_97#1[%gather3A_334] in [0] : vector<16xf32>, vector<16xi32> -> vector<16xf32>
      %mul3A_336 = arith.constant 0 : i32
      %mul3A_337 = vector.broadcast %mul3A_336 : i32 to vector<16xi32>
      %mul3A_338 = arith.muli %iota3A, %mul3A_337 : vector<16xi32>
      %add3A_339 = arith.constant 10 : i32
      %add3A_340 = vector.broadcast %add3A_339 : i32 to vector<16xi32>
      %add3A_341 = arith.addi %mul3A_338, %add3A_340 : vector<16xi32>
      %broadcast_in_dim3A_342 = vector.shape_cast %add3A_341 : vector<16xi32> to vector<16x1xi32>
      %gather3A_343 = vector.shape_cast %broadcast_in_dim3A_342 : vector<16x1xi32> to vector<16xi32>
      %gather3A_344 = tpu.dynamic_gather %parallel_loop3A_97#1[%gather3A_343] in [0] : vector<16xf32>, vector<16xi32> -> vector<16xf32>
      %mul3A_345 = arith.constant 0 : i32
      %mul3A_346 = vector.broadcast %mul3A_345 : i32 to vector<16xi32>
      %mul3A_347 = arith.muli %iota3A, %mul3A_346 : vector<16xi32>
      %add3A_348 = arith.constant 11 : i32
      %add3A_349 = vector.broadcast %add3A_348 : i32 to vector<16xi32>
      %add3A_350 = arith.addi %mul3A_347, %add3A_349 : vector<16xi32>
      %broadcast_in_dim3A_351 = vector.shape_cast %add3A_350 : vector<16xi32> to vector<16x1xi32>
      %gather3A_352 = vector.shape_cast %broadcast_in_dim3A_351 : vector<16x1xi32> to vector<16xi32>
      %gather3A_353 = tpu.dynamic_gather %parallel_loop3A_97#1[%gather3A_352] in [0] : vector<16xf32>, vector<16xi32> -> vector<16xf32>
      %mul3A_354 = arith.constant 0 : i32
      %mul3A_355 = vector.broadcast %mul3A_354 : i32 to vector<16xi32>
      %mul3A_356 = arith.muli %iota3A, %mul3A_355 : vector<16xi32>
      %add3A_357 = arith.constant 12 : i32
      %add3A_358 = vector.broadcast %add3A_357 : i32 to vector<16xi32>
      %add3A_359 = arith.addi %mul3A_356, %add3A_358 : vector<16xi32>
      %broadcast_in_dim3A_360 = vector.shape_cast %add3A_359 : vector<16xi32> to vector<16x1xi32>
      %gather3A_361 = vector.shape_cast %broadcast_in_dim3A_360 : vector<16x1xi32> to vector<16xi32>
      %gather3A_362 = tpu.dynamic_gather %parallel_loop3A_97#1[%gather3A_361] in [0] : vector<16xf32>, vector<16xi32> -> vector<16xf32>
      %mul3A_363 = arith.constant 0 : i32
      %mul3A_364 = vector.broadcast %mul3A_363 : i32 to vector<16xi32>
      %mul3A_365 = arith.muli %iota3A, %mul3A_364 : vector<16xi32>
      %add3A_366 = arith.constant 13 : i32
      %add3A_367 = vector.broadcast %add3A_366 : i32 to vector<16xi32>
      %add3A_368 = arith.addi %mul3A_365, %add3A_367 : vector<16xi32>
      %broadcast_in_dim3A_369 = vector.shape_cast %add3A_368 : vector<16xi32> to vector<16x1xi32>
      %gather3A_370 = vector.shape_cast %broadcast_in_dim3A_369 : vector<16x1xi32> to vector<16xi32>
      %gather3A_371 = tpu.dynamic_gather %parallel_loop3A_97#1[%gather3A_370] in [0] : vector<16xf32>, vector<16xi32> -> vector<16xf32>
      %mul3A_372 = arith.constant 0 : i32
      %mul3A_373 = vector.broadcast %mul3A_372 : i32 to vector<16xi32>
      %mul3A_374 = arith.muli %iota3A, %mul3A_373 : vector<16xi32>
      %add3A_375 = arith.constant 14 : i32
      %add3A_376 = vector.broadcast %add3A_375 : i32 to vector<16xi32>
      %add3A_377 = arith.addi %mul3A_374, %add3A_376 : vector<16xi32>
      %broadcast_in_dim3A_378 = vector.shape_cast %add3A_377 : vector<16xi32> to vector<16x1xi32>
      %gather3A_379 = vector.shape_cast %broadcast_in_dim3A_378 : vector<16x1xi32> to vector<16xi32>
      %gather3A_380 = tpu.dynamic_gather %parallel_loop3A_97#1[%gather3A_379] in [0] : vector<16xf32>, vector<16xi32> -> vector<16xf32>
      %mul3A_381 = arith.constant 0 : i32
      %mul3A_382 = vector.broadcast %mul3A_381 : i32 to vector<16xi32>
      %mul3A_383 = arith.muli %iota3A, %mul3A_382 : vector<16xi32>
      %add3A_384 = arith.constant 15 : i32
      %add3A_385 = vector.broadcast %add3A_384 : i32 to vector<16xi32>
      %add3A_386 = arith.addi %mul3A_383, %add3A_385 : vector<16xi32>
      %broadcast_in_dim3A_387 = vector.shape_cast %add3A_386 : vector<16xi32> to vector<16x1xi32>
      %gather3A_388 = vector.shape_cast %broadcast_in_dim3A_387 : vector<16x1xi32> to vector<16xi32>
      %gather3A_389 = tpu.dynamic_gather %parallel_loop3A_97#1[%gather3A_388] in [0] : vector<16xf32>, vector<16xi32> -> vector<16xf32>
      %parallel_loop3A_390 = arith.constant 0 : i32
      %parallel_loop3A_391 = arith.constant 48 : i32
      %parallel_loop3A_392 = arith.constant 1 : i32
      scf.for %parallel_loop3A_739 = %parallel_loop3A_390 to %parallel_loop3A_391 step %parallel_loop3A_392  : i32 {
        %parallel_loop3A_740 = arith.constant 16 : i32
        %parallel_loop3A_741 = arith.muli %parallel_loop3A_739, %parallel_loop3A_740 : i32
        %parallel_loop3A_742 = arith.index_cast %parallel_loop3A_741 : i32 to index
        %parallel_loop3A_743 = tpu.vector_load %arg17[%parallel_loop3A_742] {strides = array<i32>} : memref<768xf32, #tpu.memory_space<vmem>>, vector<16xf32>,
        %parallel_loop3A_744 = arith.index_cast %parallel_loop3A_741 : i32 to index
        %parallel_loop3A_745 = tpu.vector_load %arg18[%parallel_loop3A_744] {strides = array<i32>} : memref<768xf32, #tpu.memory_space<vmem>>, vector<16xf32>,
        %parallel_loop3A_746 = arith.constant 8 : i32
        %parallel_loop3A_747 = arith.index_cast %parallel_loop3A_746 : i32 to index
        %parallel_loop3A_748 = arith.index_cast %parallel_loop3A_741 : i32 to index
        %parallel_loop3A_749 = tpu.vector_load %arg13[%parallel_loop3A_747, %parallel_loop3A_748] {strides = array<i32>} : memref<16x768xf32, #tpu.memory_space<vmem>>, vector<16xf32>,
        %parallel_loop3A_750 = arith.subf %parallel_loop3A_749, %gather3A_254 : vector<16xf32>
        %parallel_loop3A_751 = arith.mulf %gather3A_326, %parallel_loop3A_743 : vector<16xf32>
        %parallel_loop3A_752 = arith.mulf %parallel_loop3A_750, %parallel_loop3A_751 : vector<16xf32>
        %parallel_loop3A_753 = arith.addf %parallel_loop3A_752, %parallel_loop3A_745 : vector<16xf32>
        %parallel_loop3A_754 = arith.constant 8 : i32
        %parallel_loop3A_755 = arith.index_cast %parallel_loop3A_754 : i32 to index
        %parallel_loop3A_756 = arith.index_cast %parallel_loop3A_741 : i32 to index
        %parallel_loop3A_757 = tpu.vector_load %arg13[%parallel_loop3A_755, %parallel_loop3A_756] {strides = array<i32>} : memref<16x768xf32, #tpu.memory_space<vmem>>, vector<16xf32>,
        tpu.vector_store %arg13[%parallel_loop3A_755, %parallel_loop3A_756], %parallel_loop3A_753 {strides = array<i32>} : memref<16x768xf32, #tpu.memory_space<vmem>>, vector<16xf32>,
        %parallel_loop3A_758 = arith.constant 9 : i32
        %parallel_loop3A_759 = arith.index_cast %parallel_loop3A_758 : i32 to index
        %parallel_loop3A_760 = arith.index_cast %parallel_loop3A_741 : i32 to index
        %parallel_loop3A_761 = tpu.vector_load %arg13[%parallel_loop3A_759, %parallel_loop3A_760] {strides = array<i32>} : memref<16x768xf32, #tpu.memory_space<vmem>>, vector<16xf32>,
        %parallel_loop3A_762 = arith.subf %parallel_loop3A_761, %gather3A_263 : vector<16xf32>
        %parallel_loop3A_763 = arith.mulf %gather3A_335, %parallel_loop3A_743 : vector<16xf32>
        %parallel_loop3A_764 = arith.mulf %parallel_loop3A_762, %parallel_loop3A_763 : vector<16xf32>
        %parallel_loop3A_765 = arith.addf %parallel_loop3A_764, %parallel_loop3A_745 : vector<16xf32>
        %parallel_loop3A_766 = arith.constant 9 : i32
        %parallel_loop3A_767 = arith.index_cast %parallel_loop3A_766 : i32 to index
        %parallel_loop3A_768 = arith.index_cast %parallel_loop3A_741 : i32 to index
        %parallel_loop3A_769 = tpu.vector_load %arg13[%parallel_loop3A_767, %parallel_loop3A_768] {strides = array<i32>} : memref<16x768xf32, #tpu.memory_space<vmem>>, vector<16xf32>,
        tpu.vector_store %arg13[%parallel_loop3A_767, %parallel_loop3A_768], %parallel_loop3A_765 {strides = array<i32>} : memref<16x768xf32, #tpu.memory_space<vmem>>, vector<16xf32>,
        %parallel_loop3A_770 = arith.constant 10 : i32
        %parallel_loop3A_771 = arith.index_cast %parallel_loop3A_770 : i32 to index
        %parallel_loop3A_772 = arith.index_cast %parallel_loop3A_741 : i32 to index
        %parallel_loop3A_773 = tpu.vector_load %arg13[%parallel_loop3A_771, %parallel_loop3A_772] {strides = array<i32>} : memref<16x768xf32, #tpu.memory_space<vmem>>, vector<16xf32>,
        %parallel_loop3A_774 = arith.subf %parallel_loop3A_773, %gather3A_272 : vector<16xf32>
        %parallel_loop3A_775 = arith.mulf %gather3A_344, %parallel_loop3A_743 : vector<16xf32>
        %parallel_loop3A_776 = arith.mulf %parallel_loop3A_774, %parallel_loop3A_775 : vector<16xf32>
        %parallel_loop3A_777 = arith.addf %parallel_loop3A_776, %parallel_loop3A_745 : vector<16xf32>
        %parallel_loop3A_778 = arith.constant 10 : i32
        %parallel_loop3A_779 = arith.index_cast %parallel_loop3A_778 : i32 to index
        %parallel_loop3A_780 = arith.index_cast %parallel_loop3A_741 : i32 to index
        %parallel_loop3A_781 = tpu.vector_load %arg13[%parallel_loop3A_779, %parallel_loop3A_780] {strides = array<i32>} : memref<16x768xf32, #tpu.memory_space<vmem>>, vector<16xf32>,
        tpu.vector_store %arg13[%parallel_loop3A_779, %parallel_loop3A_780], %parallel_loop3A_777 {strides = array<i32>} : memref<16x768xf32, #tpu.memory_space<vmem>>, vector<16xf32>,
        %parallel_loop3A_782 = arith.constant 11 : i32
        %parallel_loop3A_783 = arith.index_cast %parallel_loop3A_782 : i32 to index
        %parallel_loop3A_784 = arith.index_cast %parallel_loop3A_741 : i32 to index
        %parallel_loop3A_785 = tpu.vector_load %arg13[%parallel_loop3A_783, %parallel_loop3A_784] {strides = array<i32>} : memref<16x768xf32, #tpu.memory_space<vmem>>, vector<16xf32>,
        %parallel_loop3A_786 = arith.subf %parallel_loop3A_785, %gather3A_281 : vector<16xf32>
        %parallel_loop3A_787 = arith.mulf %gather3A_353, %parallel_loop3A_743 : vector<16xf32>
        %parallel_loop3A_788 = arith.mulf %parallel_loop3A_786, %parallel_loop3A_787 : vector<16xf32>
        %parallel_loop3A_789 = arith.addf %parallel_loop3A_788, %parallel_loop3A_745 : vector<16xf32>
        %parallel_loop3A_790 = arith.constant 11 : i32
        %parallel_loop3A_791 = arith.index_cast %parallel_loop3A_790 : i32 to index
        %parallel_loop3A_792 = arith.index_cast %parallel_loop3A_741 : i32 to index
        %parallel_loop3A_793 = tpu.vector_load %arg13[%parallel_loop3A_791, %parallel_loop3A_792] {strides = array<i32>} : memref<16x768xf32, #tpu.memory_space<vmem>>, vector<16xf32>,
        tpu.vector_store %arg13[%parallel_loop3A_791, %parallel_loop3A_792], %parallel_loop3A_789 {strides = array<i32>} : memref<16x768xf32, #tpu.memory_space<vmem>>, vector<16xf32>,
        %parallel_loop3A_794 = arith.constant 12 : i32
        %parallel_loop3A_795 = arith.index_cast %parallel_loop3A_794 : i32 to index
        %parallel_loop3A_796 = arith.index_cast %parallel_loop3A_741 : i32 to index
        %parallel_loop3A_797 = tpu.vector_load %arg13[%parallel_loop3A_795, %parallel_loop3A_796] {strides = array<i32>} : memref<16x768xf32, #tpu.memory_space<vmem>>, vector<16xf32>,
        %parallel_loop3A_798 = arith.subf %parallel_loop3A_797, %gather3A_290 : vector<16xf32>
        %parallel_loop3A_799 = arith.mulf %gather3A_362, %parallel_loop3A_743 : vector<16xf32>
        %parallel_loop3A_800 = arith.mulf %parallel_loop3A_798, %parallel_loop3A_799 : vector<16xf32>
        %parallel_loop3A_801 = arith.addf %parallel_loop3A_800, %parallel_loop3A_745 : vector<16xf32>
        %parallel_loop3A_802 = arith.constant 12 : i32
        %parallel_loop3A_803 = arith.index_cast %parallel_loop3A_802 : i32 to index
        %parallel_loop3A_804 = arith.index_cast %parallel_loop3A_741 : i32 to index
        %parallel_loop3A_805 = tpu.vector_load %arg13[%parallel_loop3A_803, %parallel_loop3A_804] {strides = array<i32>} : memref<16x768xf32, #tpu.memory_space<vmem>>, vector<16xf32>,
        tpu.vector_store %arg13[%parallel_loop3A_803, %parallel_loop3A_804], %parallel_loop3A_801 {strides = array<i32>} : memref<16x768xf32, #tpu.memory_space<vmem>>, vector<16xf32>,
        %parallel_loop3A_806 = arith.constant 13 : i32
        %parallel_loop3A_807 = arith.index_cast %parallel_loop3A_806 : i32 to index
        %parallel_loop3A_808 = arith.index_cast %parallel_loop3A_741 : i32 to index
        %parallel_loop3A_809 = tpu.vector_load %arg13[%parallel_loop3A_807, %parallel_loop3A_808] {strides = array<i32>} : memref<16x768xf32, #tpu.memory_space<vmem>>, vector<16xf32>,
        %parallel_loop3A_810 = arith.subf %parallel_loop3A_809, %gather3A_299 : vector<16xf32>
        %parallel_loop3A_811 = arith.mulf %gather3A_371, %parallel_loop3A_743 : vector<16xf32>
        %parallel_loop3A_812 = arith.mulf %parallel_loop3A_810, %parallel_loop3A_811 : vector<16xf32>
        %parallel_loop3A_813 = arith.addf %parallel_loop3A_812, %parallel_loop3A_745 : vector<16xf32>
        %parallel_loop3A_814 = arith.constant 13 : i32
        %parallel_loop3A_815 = arith.index_cast %parallel_loop3A_814 : i32 to index
        %parallel_loop3A_816 = arith.index_cast %parallel_loop3A_741 : i32 to index
        %parallel_loop3A_817 = tpu.vector_load %arg13[%parallel_loop3A_815, %parallel_loop3A_816] {strides = array<i32>} : memref<16x768xf32, #tpu.memory_space<vmem>>, vector<16xf32>,
        tpu.vector_store %arg13[%parallel_loop3A_815, %parallel_loop3A_816], %parallel_loop3A_813 {strides = array<i32>} : memref<16x768xf32, #tpu.memory_space<vmem>>, vector<16xf32>,
        %parallel_loop3A_818 = arith.constant 14 : i32
        %parallel_loop3A_819 = arith.index_cast %parallel_loop3A_818 : i32 to index
        %parallel_loop3A_820 = arith.index_cast %parallel_loop3A_741 : i32 to index
        %parallel_loop3A_821 = tpu.vector_load %arg13[%parallel_loop3A_819, %parallel_loop3A_820] {strides = array<i32>} : memref<16x768xf32, #tpu.memory_space<vmem>>, vector<16xf32>,
        %parallel_loop3A_822 = arith.subf %parallel_loop3A_821, %gather3A_308 : vector<16xf32>
        %parallel_loop3A_823 = arith.mulf %gather3A_380, %parallel_loop3A_743 : vector<16xf32>
        %parallel_loop3A_824 = arith.mulf %parallel_loop3A_822, %parallel_loop3A_823 : vector<16xf32>
        %parallel_loop3A_825 = arith.addf %parallel_loop3A_824, %parallel_loop3A_745 : vector<16xf32>
        %parallel_loop3A_826 = arith.constant 14 : i32
        %parallel_loop3A_827 = arith.index_cast %parallel_loop3A_826 : i32 to index
        %parallel_loop3A_828 = arith.index_cast %parallel_loop3A_741 : i32 to index
        %parallel_loop3A_829 = tpu.vector_load %arg13[%parallel_loop3A_827, %parallel_loop3A_828] {strides = array<i32>} : memref<16x768xf32, #tpu.memory_space<vmem>>, vector<16xf32>,
        tpu.vector_store %arg13[%parallel_loop3A_827, %parallel_loop3A_828], %parallel_loop3A_825 {strides = array<i32>} : memref<16x768xf32, #tpu.memory_space<vmem>>, vector<16xf32>,
        %parallel_loop3A_830 = arith.constant 15 : i32
        %parallel_loop3A_831 = arith.index_cast %parallel_loop3A_830 : i32 to index
        %parallel_loop3A_832 = arith.index_cast %parallel_loop3A_741 : i32 to index
        %parallel_loop3A_833 = tpu.vector_load %arg13[%parallel_loop3A_831, %parallel_loop3A_832] {strides = array<i32>} : memref<16x768xf32, #tpu.memory_space<vmem>>, vector<16xf32>,
        %parallel_loop3A_834 = arith.subf %parallel_loop3A_833, %gather3A_317 : vector<16xf32>
        %parallel_loop3A_835 = arith.mulf %gather3A_389, %parallel_loop3A_743 : vector<16xf32>
        %parallel_loop3A_836 = arith.mulf %parallel_loop3A_834, %parallel_loop3A_835 : vector<16xf32>
        %parallel_loop3A_837 = arith.addf %parallel_loop3A_836, %parallel_loop3A_745 : vector<16xf32>
        %parallel_loop3A_838 = arith.constant 15 : i32
        %parallel_loop3A_839 = arith.index_cast %parallel_loop3A_838 : i32 to index
        %parallel_loop3A_840 = arith.index_cast %parallel_loop3A_741 : i32 to index
        %parallel_loop3A_841 = tpu.vector_load %arg13[%parallel_loop3A_839, %parallel_loop3A_840] {strides = array<i32>} : memref<16x768xf32, #tpu.memory_space<vmem>>, vector<16xf32>,
        tpu.vector_store %arg13[%parallel_loop3A_839, %parallel_loop3A_840], %parallel_loop3A_837 {strides = array<i32>} : memref<16x768xf32, #tpu.memory_space<vmem>>, vector<16xf32>,
      } {sc.loop_unroll_factor = 1 : i64, sc.parallel_access}
      %lt3A = arith.constant 31 : i32
      %lt3A_393 = arith.cmpi slt, %scan3A_76, %lt3A : i32
      %convert_element_type3A_394 = arith.extui %lt3A_393 : i1 to i32
      %cond3A_395 = arith.constant 0 : i32
      %cond3A_396 = arith.cmpi ne, %convert_element_type3A_394, %cond3A_395 : i32
      scf.if %cond3A_396 {
        %add3A_739 = arith.constant 2 : i32
        %add3A_740 = arith.addi %add3A_81, %add3A_739 : i32
        %mul3A_741 = arith.constant 16 : i32
        %mul3A_742 = arith.muli %add3A_740, %mul3A_741 : i32
        %multiple_of3A_743 = tpu.assume_multiple %mul3A_742, 16 : i32
        %dma_start3A_744 = tpu.memref_slice %arg8[%multiple_of3A_743] : memref<1024xi32, #tpu.memory_space<vmem>> -> memref<16xi32, #tpu.memory_space<vmem>>
        %dma_start3A_745 = arith.constant 0 : i32
        %dma_start3A_746 = arith.constant 0 : i32
        %dma_start3A_747 = tpu.memref_slice %arg3[%dma_start3A_745, %dma_start3A_746] : memref<50265x768xf32, #tpu.memory_space<hbm>> -> memref<50265x768xf32, #tpu.memory_space<hbm>>
        tpu.enqueue_indirect_dma source(%dma_start3A_747 : memref<50265x768xf32, #tpu.memory_space<hbm>>) target(%arg11 : memref<16x768xf32, #tpu.memory_space<vmem>>) offsets(%dma_start3A_744 : memref<16xi32, #tpu.memory_space<vmem>>) semaphore(%arg19 : memref<!tpu.dma_semaphore, #tpu.memory_space<semaphore_mem>>)
        %dma_start3A_748 = tpu.memref_slice %arg10[%multiple_of3A_743] : memref<1024xi32, #tpu.memory_space<vmem>> -> memref<16xi32, #tpu.memory_space<vmem>>
        %dma_start3A_749 = arith.constant 0 : i32
        %dma_start3A_750 = arith.constant 0 : i32
        %dma_start3A_751 = tpu.memref_slice %arg4[%dma_start3A_749, %dma_start3A_750] : memref<8194x768xf32, #tpu.memory_space<hbm>> -> memref<8194x768xf32, #tpu.memory_space<hbm>>
        tpu.enqueue_indirect_dma source(%dma_start3A_751 : memref<8194x768xf32, #tpu.memory_space<hbm>>) target(%arg12 : memref<16x768xf32, #tpu.memory_space<vmem>>) offsets(%dma_start3A_748 : memref<16xi32, #tpu.memory_space<vmem>>) semaphore(%arg20 : memref<!tpu.dma_semaphore, #tpu.memory_space<semaphore_mem>>)
      } else {
      }
      %mul3A_397 = arith.constant 16 : i32
      %mul3A_398 = arith.muli %add3A_81, %mul3A_397 : i32
      %multiple_of3A_399 = tpu.assume_multiple %mul3A_398, 16 : i32
      %add3A_400 = arith.addi %multiple_of3A, %multiple_of3A_399 : i32
      %dma_start3A_401 = arith.constant 0 : i32
      %dma_start3A_402 = tpu.memref_slice %arg7[%add3A_400, %dma_start3A_401] : memref<32768x768xf32, #tpu.memory_space<hbm>> -> memref<16x768xf32, #tpu.memory_space<hbm>>
      %dma_start3A_403 = arith.constant 0 : i32
      %dma_start3A_404 = tpu.memref_slice %arg7[%add3A_400, %dma_start3A_403] : memref<32768x768xf32, #tpu.memory_space<hbm>> -> memref<16x768xf32, #tpu.memory_space<hbm>>
      tpu.enqueue_dma source(%arg13 : memref<16x768xf32, #tpu.memory_space<vmem>>) target(%dma_start3A_404 : memref<16x768xf32, #tpu.memory_space<hbm>>) target_semaphore(%arg21 : memref<!tpu.dma_semaphore, #tpu.memory_space<semaphore_mem>>)
      %mul3A_405 = arith.constant 2 : i32
      %mul3A_406 = arith.muli %mul3A_405, %scan3A_76 : i32
      %add3A_407 = arith.constant 1 : i32
      %add3A_408 = arith.addi %mul3A_406, %add3A_407 : i32
      %mul3A_409 = arith.constant 16 : i32
      %mul3A_410 = arith.muli %add3A_408, %mul3A_409 : i32
      %multiple_of3A_411 = tpu.assume_multiple %mul3A_410, 16 : i32
      %dma_wait3A_412 = tpu.memref_slice %arg8[%multiple_of3A_411] : memref<1024xi32, #tpu.memory_space<vmem>> -> memref<16xi32, #tpu.memory_space<vmem>>
      %dma_wait3A_413 = arith.constant 0 : i32
      %dma_wait3A_414 = arith.constant 0 : i32
      %dma_wait3A_415 = tpu.memref_slice %arg3[%dma_wait3A_413, %dma_wait3A_414] : memref<50265x768xf32, #tpu.memory_space<hbm>> -> memref<50265x768xf32, #tpu.memory_space<hbm>>
      tpu.wait_indirect_dma semaphore(%arg22 : memref<!tpu.dma_semaphore, #tpu.memory_space<semaphore_mem>>) src(%dma_wait3A_415 : memref<50265x768xf32, #tpu.memory_space<hbm>>) dst(%arg14 : memref<16x768xf32, #tpu.memory_space<vmem>>)
      %dma_wait3A_416 = tpu.memref_slice %arg10[%multiple_of3A_411] : memref<1024xi32, #tpu.memory_space<vmem>> -> memref<16xi32, #tpu.memory_space<vmem>>
      %dma_wait3A_417 = arith.constant 0 : i32
      %dma_wait3A_418 = arith.constant 0 : i32
      %dma_wait3A_419 = tpu.memref_slice %arg4[%dma_wait3A_417, %dma_wait3A_418] : memref<8194x768xf32, #tpu.memory_space<hbm>> -> memref<8194x768xf32, #tpu.memory_space<hbm>>
      tpu.wait_indirect_dma semaphore(%arg23 : memref<!tpu.dma_semaphore, #tpu.memory_space<semaphore_mem>>) src(%dma_wait3A_419 : memref<8194x768xf32, #tpu.memory_space<hbm>>) dst(%arg15 : memref<16x768xf32, #tpu.memory_space<vmem>>)
      %broadcast_in_dim3A_420 = arith.constant 0.000000e+00 : f32
      %broadcast_in_dim3A_421 = vector.broadcast %broadcast_in_dim3A_420 : f32 to vector<16xf32>
      %parallel_loop3A_422 = arith.constant 0 : i32
      %parallel_loop3A_423 = arith.constant 16 : i32
      %parallel_loop3A_424 = arith.constant 1 : i32
      %parallel_loop3A_425:2 = scf.for %parallel_loop3A_739 = %parallel_loop3A_422 to %parallel_loop3A_423 step %parallel_loop3A_424 iter_args(%parallel_loop3A_740 = %broadcast_in_dim3A_421, %parallel_loop3A_741 = %broadcast_in_dim3A_421) -> (vector<16xf32>, vector<16xf32>)  : i32 {
        %parallel_loop3A_742 = arith.constant 0.000000e+00 : f32
        %parallel_loop3A_743 = vector.broadcast %parallel_loop3A_742 : f32 to vector<16xf32>
        %parallel_loop3A_744 = arith.constant 0.000000e+00 : f32
        %parallel_loop3A_745 = vector.broadcast %parallel_loop3A_744 : f32 to vector<16xf32>
        %parallel_loop3A_746 = arith.constant 0.000000e+00 : f32
        %parallel_loop3A_747 = vector.broadcast %parallel_loop3A_746 : f32 to vector<16xf32>
        %parallel_loop3A_748 = arith.constant 0.000000e+00 : f32
        %parallel_loop3A_749 = vector.broadcast %parallel_loop3A_748 : f32 to vector<16xf32>
        %parallel_loop3A_750 = arith.index_cast %parallel_loop3A_739 : i32 to index
        %parallel_loop3A_751 = arith.constant 0 : index
        %parallel_loop3A_752 = tpu.vector_load %arg14[%parallel_loop3A_750, %parallel_loop3A_751] {strides = array<i32>} : memref<16x768xf32, #tpu.memory_space<vmem>>, vector<16xf32>,
        %parallel_loop3A_753 = arith.index_cast %parallel_loop3A_739 : i32 to index
        %parallel_loop3A_754 = arith.constant 0 : index
        %parallel_loop3A_755 = tpu.vector_load %arg15[%parallel_loop3A_753, %parallel_loop3A_754] {strides = array<i32>} : memref<16x768xf32, #tpu.memory_space<vmem>>, vector<16xf32>,
        %parallel_loop3A_756 = arith.addf %parallel_loop3A_752, %parallel_loop3A_755 : vector<16xf32>
        %parallel_loop3A_757 = arith.index_cast %parallel_loop3A_739 : i32 to index
        %parallel_loop3A_758 = arith.constant 0 : index
        %parallel_loop3A_759 = tpu.vector_load %arg16[%parallel_loop3A_757, %parallel_loop3A_758] {strides = array<i32>} : memref<16x768xf32, #tpu.memory_space<vmem>>, vector<16xf32>,
        tpu.vector_store %arg16[%parallel_loop3A_757, %parallel_loop3A_758], %parallel_loop3A_756 {strides = array<i32>} : memref<16x768xf32, #tpu.memory_space<vmem>>, vector<16xf32>,
        %parallel_loop3A_760 = arith.addf %parallel_loop3A_743, %parallel_loop3A_756 : vector<16xf32>
        %parallel_loop3A_761 = arith.mulf %parallel_loop3A_756, %parallel_loop3A_756 : vector<16xf32>
        %parallel_loop3A_762 = arith.addf %parallel_loop3A_747, %parallel_loop3A_761 : vector<16xf32>
        %parallel_loop3A_763 = arith.index_cast %parallel_loop3A_739 : i32 to index
        %parallel_loop3A_764 = arith.constant 16 : index
        %parallel_loop3A_765 = tpu.vector_load %arg14[%parallel_loop3A_763, %parallel_loop3A_764] {strides = array<i32>} : memref<16x768xf32, #tpu.memory_space<vmem>>, vector<16xf32>,
        %parallel_loop3A_766 = arith.index_cast %parallel_loop3A_739 : i32 to index
        %parallel_loop3A_767 = arith.constant 16 : index
        %parallel_loop3A_768 = tpu.vector_load %arg15[%parallel_loop3A_766, %parallel_loop3A_767] {strides = array<i32>} : memref<16x768xf32, #tpu.memory_space<vmem>>, vector<16xf32>,
        %parallel_loop3A_769 = arith.addf %parallel_loop3A_765, %parallel_loop3A_768 : vector<16xf32>
        %parallel_loop3A_770 = arith.index_cast %parallel_loop3A_739 : i32 to index
        %parallel_loop3A_771 = arith.constant 16 : index
        %parallel_loop3A_772 = tpu.vector_load %arg16[%parallel_loop3A_770, %parallel_loop3A_771] {strides = array<i32>} : memref<16x768xf32, #tpu.memory_space<vmem>>, vector<16xf32>,
        tpu.vector_store %arg16[%parallel_loop3A_770, %parallel_loop3A_771], %parallel_loop3A_769 {strides = array<i32>} : memref<16x768xf32, #tpu.memory_space<vmem>>, vector<16xf32>,
        %parallel_loop3A_773 = arith.addf %parallel_loop3A_745, %parallel_loop3A_769 : vector<16xf32>
        %parallel_loop3A_774 = arith.mulf %parallel_loop3A_769, %parallel_loop3A_769 : vector<16xf32>
        %parallel_loop3A_775 = arith.addf %parallel_loop3A_749, %parallel_loop3A_774 : vector<16xf32>
        %parallel_loop3A_776 = arith.index_cast %parallel_loop3A_739 : i32 to index
        %parallel_loop3A_777 = arith.constant 32 : index
        %parallel_loop3A_778 = tpu.vector_load %arg14[%parallel_loop3A_776, %parallel_loop3A_777] {strides = array<i32>} : memref<16x768xf32, #tpu.memory_space<vmem>>, vector<16xf32>,
        %parallel_loop3A_779 = arith.index_cast %parallel_loop3A_739 : i32 to index
        %parallel_loop3A_780 = arith.constant 32 : index
        %parallel_loop3A_781 = tpu.vector_load %arg15[%parallel_loop3A_779, %parallel_loop3A_780] {strides = array<i32>} : memref<16x768xf32, #tpu.memory_space<vmem>>, vector<16xf32>,
        %parallel_loop3A_782 = arith.addf %parallel_loop3A_778, %parallel_loop3A_781 : vector<16xf32>
        %parallel_loop3A_783 = arith.index_cast %parallel_loop3A_739 : i32 to index
        %parallel_loop3A_784 = arith.constant 32 : index
        %parallel_loop3A_785 = tpu.vector_load %arg16[%parallel_loop3A_783, %parallel_loop3A_784] {strides = array<i32>} : memref<16x768xf32, #tpu.memory_space<vmem>>, vector<16xf32>,
        tpu.vector_store %arg16[%parallel_loop3A_783, %parallel_loop3A_784], %parallel_loop3A_782 {strides = array<i32>} : memref<16x768xf32, #tpu.memory_space<vmem>>, vector<16xf32>,
        %parallel_loop3A_786 = arith.addf %parallel_loop3A_760, %parallel_loop3A_782 : vector<16xf32>
        %parallel_loop3A_787 = arith.mulf %parallel_loop3A_782, %parallel_loop3A_782 : vector<16xf32>
        %parallel_loop3A_788 = arith.addf %parallel_loop3A_762, %parallel_loop3A_787 : vector<16xf32>
        %parallel_loop3A_789 = arith.index_cast %parallel_loop3A_739 : i32 to index
        %parallel_loop3A_790 = arith.constant 48 : index
        %parallel_loop3A_791 = tpu.vector_load %arg14[%parallel_loop3A_789, %parallel_loop3A_790] {strides = array<i32>} : memref<16x768xf32, #tpu.memory_space<vmem>>, vector<16xf32>,
        %parallel_loop3A_792 = arith.index_cast %parallel_loop3A_739 : i32 to index
        %parallel_loop3A_793 = arith.constant 48 : index
        %parallel_loop3A_794 = tpu.vector_load %arg15[%parallel_loop3A_792, %parallel_loop3A_793] {strides = array<i32>} : memref<16x768xf32, #tpu.memory_space<vmem>>, vector<16xf32>,
        %parallel_loop3A_795 = arith.addf %parallel_loop3A_791, %parallel_loop3A_794 : vector<16xf32>
        %parallel_loop3A_796 = arith.index_cast %parallel_loop3A_739 : i32 to index
        %parallel_loop3A_797 = arith.constant 48 : index
        %parallel_loop3A_798 = tpu.vector_load %arg16[%parallel_loop3A_796, %parallel_loop3A_797] {strides = array<i32>} : memref<16x768xf32, #tpu.memory_space<vmem>>, vector<16xf32>,
        tpu.vector_store %arg16[%parallel_loop3A_796, %parallel_loop3A_797], %parallel_loop3A_795 {strides = array<i32>} : memref<16x768xf32, #tpu.memory_space<vmem>>, vector<16xf32>,
        %parallel_loop3A_799 = arith.addf %parallel_loop3A_773, %parallel_loop3A_795 : vector<16xf32>
        %parallel_loop3A_800 = arith.mulf %parallel_loop3A_795, %parallel_loop3A_795 : vector<16xf32>
        %parallel_loop3A_801 = arith.addf %parallel_loop3A_775, %parallel_loop3A_800 : vector<16xf32>
        %parallel_loop3A_802 = arith.index_cast %parallel_loop3A_739 : i32 to index
        %parallel_loop3A_803 = arith.constant 64 : index
        %parallel_loop3A_804 = tpu.vector_load %arg14[%parallel_loop3A_802, %parallel_loop3A_803] {strides = array<i32>} : memref<16x768xf32, #tpu.memory_space<vmem>>, vector<16xf32>,
        %parallel_loop3A_805 = arith.index_cast %parallel_loop3A_739 : i32 to index
        %parallel_loop3A_806 = arith.constant 64 : index
        %parallel_loop3A_807 = tpu.vector_load %arg15[%parallel_loop3A_805, %parallel_loop3A_806] {strides = array<i32>} : memref<16x768xf32, #tpu.memory_space<vmem>>, vector<16xf32>,
        %parallel_loop3A_808 = arith.addf %parallel_loop3A_804, %parallel_loop3A_807 : vector<16xf32>
        %parallel_loop3A_809 = arith.index_cast %parallel_loop3A_739 : i32 to index
        %parallel_loop3A_810 = arith.constant 64 : index
        %parallel_loop3A_811 = tpu.vector_load %arg16[%parallel_loop3A_809, %parallel_loop3A_810] {strides = array<i32>} : memref<16x768xf32, #tpu.memory_space<vmem>>, vector<16xf32>,
        tpu.vector_store %arg16[%parallel_loop3A_809, %parallel_loop3A_810], %parallel_loop3A_808 {strides = array<i32>} : memref<16x768xf32, #tpu.memory_space<vmem>>, vector<16xf32>,
        %parallel_loop3A_812 = arith.addf %parallel_loop3A_786, %parallel_loop3A_808 : vector<16xf32>
        %parallel_loop3A_813 = arith.mulf %parallel_loop3A_808, %parallel_loop3A_808 : vector<16xf32>
        %parallel_loop3A_814 = arith.addf %parallel_loop3A_788, %parallel_loop3A_813 : vector<16xf32>
        %parallel_loop3A_815 = arith.index_cast %parallel_loop3A_739 : i32 to index
        %parallel_loop3A_816 = arith.constant 80 : index
        %parallel_loop3A_817 = tpu.vector_load %arg14[%parallel_loop3A_815, %parallel_loop3A_816] {strides = array<i32>} : memref<16x768xf32, #tpu.memory_space<vmem>>, vector<16xf32>,
        %parallel_loop3A_818 = arith.index_cast %parallel_loop3A_739 : i32 to index
        %parallel_loop3A_819 = arith.constant 80 : index
        %parallel_loop3A_820 = tpu.vector_load %arg15[%parallel_loop3A_818, %parallel_loop3A_819] {strides = array<i32>} : memref<16x768xf32, #tpu.memory_space<vmem>>, vector<16xf32>,
        %parallel_loop3A_821 = arith.addf %parallel_loop3A_817, %parallel_loop3A_820 : vector<16xf32>
        %parallel_loop3A_822 = arith.index_cast %parallel_loop3A_739 : i32 to index
        %parallel_loop3A_823 = arith.constant 80 : index
        %parallel_loop3A_824 = tpu.vector_load %arg16[%parallel_loop3A_822, %parallel_loop3A_823] {strides = array<i32>} : memref<16x768xf32, #tpu.memory_space<vmem>>, vector<16xf32>,
        tpu.vector_store %arg16[%parallel_loop3A_822, %parallel_loop3A_823], %parallel_loop3A_821 {strides = array<i32>} : memref<16x768xf32, #tpu.memory_space<vmem>>, vector<16xf32>,
        %parallel_loop3A_825 = arith.addf %parallel_loop3A_799, %parallel_loop3A_821 : vector<16xf32>
        %parallel_loop3A_826 = arith.mulf %parallel_loop3A_821, %parallel_loop3A_821 : vector<16xf32>
        %parallel_loop3A_827 = arith.addf %parallel_loop3A_801, %parallel_loop3A_826 : vector<16xf32>
        %parallel_loop3A_828 = arith.index_cast %parallel_loop3A_739 : i32 to index
        %parallel_loop3A_829 = arith.constant 96 : index
        %parallel_loop3A_830 = tpu.vector_load %arg14[%parallel_loop3A_828, %parallel_loop3A_829] {strides = array<i32>} : memref<16x768xf32, #tpu.memory_space<vmem>>, vector<16xf32>,
        %parallel_loop3A_831 = arith.index_cast %parallel_loop3A_739 : i32 to index
        %parallel_loop3A_832 = arith.constant 96 : index
        %parallel_loop3A_833 = tpu.vector_load %arg15[%parallel_loop3A_831, %parallel_loop3A_832] {strides = array<i32>} : memref<16x768xf32, #tpu.memory_space<vmem>>, vector<16xf32>,
        %parallel_loop3A_834 = arith.addf %parallel_loop3A_830, %parallel_loop3A_833 : vector<16xf32>
        %parallel_loop3A_835 = arith.index_cast %parallel_loop3A_739 : i32 to index
        %parallel_loop3A_836 = arith.constant 96 : index
        %parallel_loop3A_837 = tpu.vector_load %arg16[%parallel_loop3A_835, %parallel_loop3A_836] {strides = array<i32>} : memref<16x768xf32, #tpu.memory_space<vmem>>, vector<16xf32>,
        tpu.vector_store %arg16[%parallel_loop3A_835, %parallel_loop3A_836], %parallel_loop3A_834 {strides = array<i32>} : memref<16x768xf32, #tpu.memory_space<vmem>>, vector<16xf32>,
        %parallel_loop3A_838 = arith.addf %parallel_loop3A_812, %parallel_loop3A_834 : vector<16xf32>
        %parallel_loop3A_839 = arith.mulf %parallel_loop3A_834, %parallel_loop3A_834 : vector<16xf32>
        %parallel_loop3A_840 = arith.addf %parallel_loop3A_814, %parallel_loop3A_839 : vector<16xf32>
        %parallel_loop3A_841 = arith.index_cast %parallel_loop3A_739 : i32 to index
        %parallel_loop3A_842 = arith.constant 112 : index
        %parallel_loop3A_843 = tpu.vector_load %arg14[%parallel_loop3A_841, %parallel_loop3A_842] {strides = array<i32>} : memref<16x768xf32, #tpu.memory_space<vmem>>, vector<16xf32>,
        %parallel_loop3A_844 = arith.index_cast %parallel_loop3A_739 : i32 to index
        %parallel_loop3A_845 = arith.constant 112 : index
        %parallel_loop3A_846 = tpu.vector_load %arg15[%parallel_loop3A_844, %parallel_loop3A_845] {strides = array<i32>} : memref<16x768xf32, #tpu.memory_space<vmem>>, vector<16xf32>,
        %parallel_loop3A_847 = arith.addf %parallel_loop3A_843, %parallel_loop3A_846 : vector<16xf32>
        %parallel_loop3A_848 = arith.index_cast %parallel_loop3A_739 : i32 to index
        %parallel_loop3A_849 = arith.constant 112 : index
        %parallel_loop3A_850 = tpu.vector_load %arg16[%parallel_loop3A_848, %parallel_loop3A_849] {strides = array<i32>} : memref<16x768xf32, #tpu.memory_space<vmem>>, vector<16xf32>,
        tpu.vector_store %arg16[%parallel_loop3A_848, %parallel_loop3A_849], %parallel_loop3A_847 {strides = array<i32>} : memref<16x768xf32, #tpu.memory_space<vmem>>, vector<16xf32>,
        %parallel_loop3A_851 = arith.addf %parallel_loop3A_825, %parallel_loop3A_847 : vector<16xf32>
        %parallel_loop3A_852 = arith.mulf %parallel_loop3A_847, %parallel_loop3A_847 : vector<16xf32>
        %parallel_loop3A_853 = arith.addf %parallel_loop3A_827, %parallel_loop3A_852 : vector<16xf32>
        %parallel_loop3A_854 = arith.index_cast %parallel_loop3A_739 : i32 to index
        %parallel_loop3A_855 = arith.constant 128 : index
        %parallel_loop3A_856 = tpu.vector_load %arg14[%parallel_loop3A_854, %parallel_loop3A_855] {strides = array<i32>} : memref<16x768xf32, #tpu.memory_space<vmem>>, vector<16xf32>,
        %parallel_loop3A_857 = arith.index_cast %parallel_loop3A_739 : i32 to index
        %parallel_loop3A_858 = arith.constant 128 : index
        %parallel_loop3A_859 = tpu.vector_load %arg15[%parallel_loop3A_857, %parallel_loop3A_858] {strides = array<i32>} : memref<16x768xf32, #tpu.memory_space<vmem>>, vector<16xf32>,
        %parallel_loop3A_860 = arith.addf %parallel_loop3A_856, %parallel_loop3A_859 : vector<16xf32>
        %parallel_loop3A_861 = arith.index_cast %parallel_loop3A_739 : i32 to index
        %parallel_loop3A_862 = arith.constant 128 : index
        %parallel_loop3A_863 = tpu.vector_load %arg16[%parallel_loop3A_861, %parallel_loop3A_862] {strides = array<i32>} : memref<16x768xf32, #tpu.memory_space<vmem>>, vector<16xf32>,
        tpu.vector_store %arg16[%parallel_loop3A_861, %parallel_loop3A_862], %parallel_loop3A_860 {strides = array<i32>} : memref<16x768xf32, #tpu.memory_space<vmem>>, vector<16xf32>,
        %parallel_loop3A_864 = arith.addf %parallel_loop3A_838, %parallel_loop3A_860 : vector<16xf32>
        %parallel_loop3A_865 = arith.mulf %parallel_loop3A_860, %parallel_loop3A_860 : vector<16xf32>
        %parallel_loop3A_866 = arith.addf %parallel_loop3A_840, %parallel_loop3A_865 : vector<16xf32>
        %parallel_loop3A_867 = arith.index_cast %parallel_loop3A_739 : i32 to index
        %parallel_loop3A_868 = arith.constant 144 : index
        %parallel_loop3A_869 = tpu.vector_load %arg14[%parallel_loop3A_867, %parallel_loop3A_868] {strides = array<i32>} : memref<16x768xf32, #tpu.memory_space<vmem>>, vector<16xf32>,
        %parallel_loop3A_870 = arith.index_cast %parallel_loop3A_739 : i32 to index
        %parallel_loop3A_871 = arith.constant 144 : index
        %parallel_loop3A_872 = tpu.vector_load %arg15[%parallel_loop3A_870, %parallel_loop3A_871] {strides = array<i32>} : memref<16x768xf32, #tpu.memory_space<vmem>>, vector<16xf32>,
        %parallel_loop3A_873 = arith.addf %parallel_loop3A_869, %parallel_loop3A_872 : vector<16xf32>
        %parallel_loop3A_874 = arith.index_cast %parallel_loop3A_739 : i32 to index
        %parallel_loop3A_875 = arith.constant 144 : index
        %parallel_loop3A_876 = tpu.vector_load %arg16[%parallel_loop3A_874, %parallel_loop3A_875] {strides = array<i32>} : memref<16x768xf32, #tpu.memory_space<vmem>>, vector<16xf32>,
        tpu.vector_store %arg16[%parallel_loop3A_874, %parallel_loop3A_875], %parallel_loop3A_873 {strides = array<i32>} : memref<16x768xf32, #tpu.memory_space<vmem>>, vector<16xf32>,
        %parallel_loop3A_877 = arith.addf %parallel_loop3A_851, %parallel_loop3A_873 : vector<16xf32>
        %parallel_loop3A_878 = arith.mulf %parallel_loop3A_873, %parallel_loop3A_873 : vector<16xf32>
        %parallel_loop3A_879 = arith.addf %parallel_loop3A_853, %parallel_loop3A_878 : vector<16xf32>
        %parallel_loop3A_880 = arith.index_cast %parallel_loop3A_739 : i32 to index
        %parallel_loop3A_881 = arith.constant 160 : index
        %parallel_loop3A_882 = tpu.vector_load %arg14[%parallel_loop3A_880, %parallel_loop3A_881] {strides = array<i32>} : memref<16x768xf32, #tpu.memory_space<vmem>>, vector<16xf32>,
        %parallel_loop3A_883 = arith.index_cast %parallel_loop3A_739 : i32 to index
        %parallel_loop3A_884 = arith.constant 160 : index
        %parallel_loop3A_885 = tpu.vector_load %arg15[%parallel_loop3A_883, %parallel_loop3A_884] {strides = array<i32>} : memref<16x768xf32, #tpu.memory_space<vmem>>, vector<16xf32>,
        %parallel_loop3A_886 = arith.addf %parallel_loop3A_882, %parallel_loop3A_885 : vector<16xf32>
        %parallel_loop3A_887 = arith.index_cast %parallel_loop3A_739 : i32 to index
        %parallel_loop3A_888 = arith.constant 160 : index
        %parallel_loop3A_889 = tpu.vector_load %arg16[%parallel_loop3A_887, %parallel_loop3A_888] {strides = array<i32>} : memref<16x768xf32, #tpu.memory_space<vmem>>, vector<16xf32>,
        tpu.vector_store %arg16[%parallel_loop3A_887, %parallel_loop3A_888], %parallel_loop3A_886 {strides = array<i32>} : memref<16x768xf32, #tpu.memory_space<vmem>>, vector<16xf32>,
        %parallel_loop3A_890 = arith.addf %parallel_loop3A_864, %parallel_loop3A_886 : vector<16xf32>
        %parallel_loop3A_891 = arith.mulf %parallel_loop3A_886, %parallel_loop3A_886 : vector<16xf32>
        %parallel_loop3A_892 = arith.addf %parallel_loop3A_866, %parallel_loop3A_891 : vector<16xf32>
        %parallel_loop3A_893 = arith.index_cast %parallel_loop3A_739 : i32 to index
        %parallel_loop3A_894 = arith.constant 176 : index
        %parallel_loop3A_895 = tpu.vector_load %arg14[%parallel_loop3A_893, %parallel_loop3A_894] {strides = array<i32>} : memref<16x768xf32, #tpu.memory_space<vmem>>, vector<16xf32>,
        %parallel_loop3A_896 = arith.index_cast %parallel_loop3A_739 : i32 to index
        %parallel_loop3A_897 = arith.constant 176 : index
        %parallel_loop3A_898 = tpu.vector_load %arg15[%parallel_loop3A_896, %parallel_loop3A_897] {strides = array<i32>} : memref<16x768xf32, #tpu.memory_space<vmem>>, vector<16xf32>,
        %parallel_loop3A_899 = arith.addf %parallel_loop3A_895, %parallel_loop3A_898 : vector<16xf32>
        %parallel_loop3A_900 = arith.index_cast %parallel_loop3A_739 : i32 to index
        %parallel_loop3A_901 = arith.constant 176 : index
        %parallel_loop3A_902 = tpu.vector_load %arg16[%parallel_loop3A_900, %parallel_loop3A_901] {strides = array<i32>} : memref<16x768xf32, #tpu.memory_space<vmem>>, vector<16xf32>,
        tpu.vector_store %arg16[%parallel_loop3A_900, %parallel_loop3A_901], %parallel_loop3A_899 {strides = array<i32>} : memref<16x768xf32, #tpu.memory_space<vmem>>, vector<16xf32>,
        %parallel_loop3A_903 = arith.addf %parallel_loop3A_877, %parallel_loop3A_899 : vector<16xf32>
        %parallel_loop3A_904 = arith.mulf %parallel_loop3A_899, %parallel_loop3A_899 : vector<16xf32>
        %parallel_loop3A_905 = arith.addf %parallel_loop3A_879, %parallel_loop3A_904 : vector<16xf32>
        %parallel_loop3A_906 = arith.index_cast %parallel_loop3A_739 : i32 to index
        %parallel_loop3A_907 = arith.constant 192 : index
        %parallel_loop3A_908 = tpu.vector_load %arg14[%parallel_loop3A_906, %parallel_loop3A_907] {strides = array<i32>} : memref<16x768xf32, #tpu.memory_space<vmem>>, vector<16xf32>,
        %parallel_loop3A_909 = arith.index_cast %parallel_loop3A_739 : i32 to index
        %parallel_loop3A_910 = arith.constant 192 : index
        %parallel_loop3A_911 = tpu.vector_load %arg15[%parallel_loop3A_909, %parallel_loop3A_910] {strides = array<i32>} : memref<16x768xf32, #tpu.memory_space<vmem>>, vector<16xf32>,
        %parallel_loop3A_912 = arith.addf %parallel_loop3A_908, %parallel_loop3A_911 : vector<16xf32>
        %parallel_loop3A_913 = arith.index_cast %parallel_loop3A_739 : i32 to index
        %parallel_loop3A_914 = arith.constant 192 : index
        %parallel_loop3A_915 = tpu.vector_load %arg16[%parallel_loop3A_913, %parallel_loop3A_914] {strides = array<i32>} : memref<16x768xf32, #tpu.memory_space<vmem>>, vector<16xf32>,
        tpu.vector_store %arg16[%parallel_loop3A_913, %parallel_loop3A_914], %parallel_loop3A_912 {strides = array<i32>} : memref<16x768xf32, #tpu.memory_space<vmem>>, vector<16xf32>,
        %parallel_loop3A_916 = arith.addf %parallel_loop3A_890, %parallel_loop3A_912 : vector<16xf32>
        %parallel_loop3A_917 = arith.mulf %parallel_loop3A_912, %parallel_loop3A_912 : vector<16xf32>
        %parallel_loop3A_918 = arith.addf %parallel_loop3A_892, %parallel_loop3A_917 : vector<16xf32>
        %parallel_loop3A_919 = arith.index_cast %parallel_loop3A_739 : i32 to index
        %parallel_loop3A_920 = arith.constant 208 : index
        %parallel_loop3A_921 = tpu.vector_load %arg14[%parallel_loop3A_919, %parallel_loop3A_920] {strides = array<i32>} : memref<16x768xf32, #tpu.memory_space<vmem>>, vector<16xf32>,
        %parallel_loop3A_922 = arith.index_cast %parallel_loop3A_739 : i32 to index
        %parallel_loop3A_923 = arith.constant 208 : index
        %parallel_loop3A_924 = tpu.vector_load %arg15[%parallel_loop3A_922, %parallel_loop3A_923] {strides = array<i32>} : memref<16x768xf32, #tpu.memory_space<vmem>>, vector<16xf32>,
        %parallel_loop3A_925 = arith.addf %parallel_loop3A_921, %parallel_loop3A_924 : vector<16xf32>
        %parallel_loop3A_926 = arith.index_cast %parallel_loop3A_739 : i32 to index
        %parallel_loop3A_927 = arith.constant 208 : index
        %parallel_loop3A_928 = tpu.vector_load %arg16[%parallel_loop3A_926, %parallel_loop3A_927] {strides = array<i32>} : memref<16x768xf32, #tpu.memory_space<vmem>>, vector<16xf32>,
        tpu.vector_store %arg16[%parallel_loop3A_926, %parallel_loop3A_927], %parallel_loop3A_925 {strides = array<i32>} : memref<16x768xf32, #tpu.memory_space<vmem>>, vector<16xf32>,
        %parallel_loop3A_929 = arith.addf %parallel_loop3A_903, %parallel_loop3A_925 : vector<16xf32>
        %parallel_loop3A_930 = arith.mulf %parallel_loop3A_925, %parallel_loop3A_925 : vector<16xf32>
        %parallel_loop3A_931 = arith.addf %parallel_loop3A_905, %parallel_loop3A_930 : vector<16xf32>
        %parallel_loop3A_932 = arith.index_cast %parallel_loop3A_739 : i32 to index
        %parallel_loop3A_933 = arith.constant 224 : index
        %parallel_loop3A_934 = tpu.vector_load %arg14[%parallel_loop3A_932, %parallel_loop3A_933] {strides = array<i32>} : memref<16x768xf32, #tpu.memory_space<vmem>>, vector<16xf32>,
        %parallel_loop3A_935 = arith.index_cast %parallel_loop3A_739 : i32 to index
        %parallel_loop3A_936 = arith.constant 224 : index
        %parallel_loop3A_937 = tpu.vector_load %arg15[%parallel_loop3A_935, %parallel_loop3A_936] {strides = array<i32>} : memref<16x768xf32, #tpu.memory_space<vmem>>, vector<16xf32>,
        %parallel_loop3A_938 = arith.addf %parallel_loop3A_934, %parallel_loop3A_937 : vector<16xf32>
        %parallel_loop3A_939 = arith.index_cast %parallel_loop3A_739 : i32 to index
        %parallel_loop3A_940 = arith.constant 224 : index
        %parallel_loop3A_941 = tpu.vector_load %arg16[%parallel_loop3A_939, %parallel_loop3A_940] {strides = array<i32>} : memref<16x768xf32, #tpu.memory_space<vmem>>, vector<16xf32>,
        tpu.vector_store %arg16[%parallel_loop3A_939, %parallel_loop3A_940], %parallel_loop3A_938 {strides = array<i32>} : memref<16x768xf32, #tpu.memory_space<vmem>>, vector<16xf32>,
        %parallel_loop3A_942 = arith.addf %parallel_loop3A_916, %parallel_loop3A_938 : vector<16xf32>
        %parallel_loop3A_943 = arith.mulf %parallel_loop3A_938, %parallel_loop3A_938 : vector<16xf32>
        %parallel_loop3A_944 = arith.addf %parallel_loop3A_918, %parallel_loop3A_943 : vector<16xf32>
        %parallel_loop3A_945 = arith.index_cast %parallel_loop3A_739 : i32 to index
        %parallel_loop3A_946 = arith.constant 240 : index
        %parallel_loop3A_947 = tpu.vector_load %arg14[%parallel_loop3A_945, %parallel_loop3A_946] {strides = array<i32>} : memref<16x768xf32, #tpu.memory_space<vmem>>, vector<16xf32>,
        %parallel_loop3A_948 = arith.index_cast %parallel_loop3A_739 : i32 to index
        %parallel_loop3A_949 = arith.constant 240 : index
        %parallel_loop3A_950 = tpu.vector_load %arg15[%parallel_loop3A_948, %parallel_loop3A_949] {strides = array<i32>} : memref<16x768xf32, #tpu.memory_space<vmem>>, vector<16xf32>,
        %parallel_loop3A_951 = arith.addf %parallel_loop3A_947, %parallel_loop3A_950 : vector<16xf32>
        %parallel_loop3A_952 = arith.index_cast %parallel_loop3A_739 : i32 to index
        %parallel_loop3A_953 = arith.constant 240 : index
        %parallel_loop3A_954 = tpu.vector_load %arg16[%parallel_loop3A_952, %parallel_loop3A_953] {strides = array<i32>} : memref<16x768xf32, #tpu.memory_space<vmem>>, vector<16xf32>,
        tpu.vector_store %arg16[%parallel_loop3A_952, %parallel_loop3A_953], %parallel_loop3A_951 {strides = array<i32>} : memref<16x768xf32, #tpu.memory_space<vmem>>, vector<16xf32>,
        %parallel_loop3A_955 = arith.addf %parallel_loop3A_929, %parallel_loop3A_951 : vector<16xf32>
        %parallel_loop3A_956 = arith.mulf %parallel_loop3A_951, %parallel_loop3A_951 : vector<16xf32>
        %parallel_loop3A_957 = arith.addf %parallel_loop3A_931, %parallel_loop3A_956 : vector<16xf32>
        %parallel_loop3A_958 = arith.index_cast %parallel_loop3A_739 : i32 to index
        %parallel_loop3A_959 = arith.constant 256 : index
        %parallel_loop3A_960 = tpu.vector_load %arg14[%parallel_loop3A_958, %parallel_loop3A_959] {strides = array<i32>} : memref<16x768xf32, #tpu.memory_space<vmem>>, vector<16xf32>,
        %parallel_loop3A_961 = arith.index_cast %parallel_loop3A_739 : i32 to index
        %parallel_loop3A_962 = arith.constant 256 : index
        %parallel_loop3A_963 = tpu.vector_load %arg15[%parallel_loop3A_961, %parallel_loop3A_962] {strides = array<i32>} : memref<16x768xf32, #tpu.memory_space<vmem>>, vector<16xf32>,
        %parallel_loop3A_964 = arith.addf %parallel_loop3A_960, %parallel_loop3A_963 : vector<16xf32>
        %parallel_loop3A_965 = arith.index_cast %parallel_loop3A_739 : i32 to index
        %parallel_loop3A_966 = arith.constant 256 : index
        %parallel_loop3A_967 = tpu.vector_load %arg16[%parallel_loop3A_965, %parallel_loop3A_966] {strides = array<i32>} : memref<16x768xf32, #tpu.memory_space<vmem>>, vector<16xf32>,
        tpu.vector_store %arg16[%parallel_loop3A_965, %parallel_loop3A_966], %parallel_loop3A_964 {strides = array<i32>} : memref<16x768xf32, #tpu.memory_space<vmem>>, vector<16xf32>,
        %parallel_loop3A_968 = arith.addf %parallel_loop3A_942, %parallel_loop3A_964 : vector<16xf32>
        %parallel_loop3A_969 = arith.mulf %parallel_loop3A_964, %parallel_loop3A_964 : vector<16xf32>
        %parallel_loop3A_970 = arith.addf %parallel_loop3A_944, %parallel_loop3A_969 : vector<16xf32>
        %parallel_loop3A_971 = arith.index_cast %parallel_loop3A_739 : i32 to index
        %parallel_loop3A_972 = arith.constant 272 : index
        %parallel_loop3A_973 = tpu.vector_load %arg14[%parallel_loop3A_971, %parallel_loop3A_972] {strides = array<i32>} : memref<16x768xf32, #tpu.memory_space<vmem>>, vector<16xf32>,
        %parallel_loop3A_974 = arith.index_cast %parallel_loop3A_739 : i32 to index
        %parallel_loop3A_975 = arith.constant 272 : index
        %parallel_loop3A_976 = tpu.vector_load %arg15[%parallel_loop3A_974, %parallel_loop3A_975] {strides = array<i32>} : memref<16x768xf32, #tpu.memory_space<vmem>>, vector<16xf32>,
        %parallel_loop3A_977 = arith.addf %parallel_loop3A_973, %parallel_loop3A_976 : vector<16xf32>
        %parallel_loop3A_978 = arith.index_cast %parallel_loop3A_739 : i32 to index
        %parallel_loop3A_979 = arith.constant 272 : index
        %parallel_loop3A_980 = tpu.vector_load %arg16[%parallel_loop3A_978, %parallel_loop3A_979] {strides = array<i32>} : memref<16x768xf32, #tpu.memory_space<vmem>>, vector<16xf32>,
        tpu.vector_store %arg16[%parallel_loop3A_978, %parallel_loop3A_979], %parallel_loop3A_977 {strides = array<i32>} : memref<16x768xf32, #tpu.memory_space<vmem>>, vector<16xf32>,
        %parallel_loop3A_981 = arith.addf %parallel_loop3A_955, %parallel_loop3A_977 : vector<16xf32>
        %parallel_loop3A_982 = arith.mulf %parallel_loop3A_977, %parallel_loop3A_977 : vector<16xf32>
        %parallel_loop3A_983 = arith.addf %parallel_loop3A_957, %parallel_loop3A_982 : vector<16xf32>
        %parallel_loop3A_984 = arith.index_cast %parallel_loop3A_739 : i32 to index
        %parallel_loop3A_985 = arith.constant 288 : index
        %parallel_loop3A_986 = tpu.vector_load %arg14[%parallel_loop3A_984, %parallel_loop3A_985] {strides = array<i32>} : memref<16x768xf32, #tpu.memory_space<vmem>>, vector<16xf32>,
        %parallel_loop3A_987 = arith.index_cast %parallel_loop3A_739 : i32 to index
        %parallel_loop3A_988 = arith.constant 288 : index
        %parallel_loop3A_989 = tpu.vector_load %arg15[%parallel_loop3A_987, %parallel_loop3A_988] {strides = array<i32>} : memref<16x768xf32, #tpu.memory_space<vmem>>, vector<16xf32>,
        %parallel_loop3A_990 = arith.addf %parallel_loop3A_986, %parallel_loop3A_989 : vector<16xf32>
        %parallel_loop3A_991 = arith.index_cast %parallel_loop3A_739 : i32 to index
        %parallel_loop3A_992 = arith.constant 288 : index
        %parallel_loop3A_993 = tpu.vector_load %arg16[%parallel_loop3A_991, %parallel_loop3A_992] {strides = array<i32>} : memref<16x768xf32, #tpu.memory_space<vmem>>, vector<16xf32>,
        tpu.vector_store %arg16[%parallel_loop3A_991, %parallel_loop3A_992], %parallel_loop3A_990 {strides = array<i32>} : memref<16x768xf32, #tpu.memory_space<vmem>>, vector<16xf32>,
        %parallel_loop3A_994 = arith.addf %parallel_loop3A_968, %parallel_loop3A_990 : vector<16xf32>
        %parallel_loop3A_995 = arith.mulf %parallel_loop3A_990, %parallel_loop3A_990 : vector<16xf32>
        %parallel_loop3A_996 = arith.addf %parallel_loop3A_970, %parallel_loop3A_995 : vector<16xf32>
        %parallel_loop3A_997 = arith.index_cast %parallel_loop3A_739 : i32 to index
        %parallel_loop3A_998 = arith.constant 304 : index
        %parallel_loop3A_999 = tpu.vector_load %arg14[%parallel_loop3A_997, %parallel_loop3A_998] {strides = array<i32>} : memref<16x768xf32, #tpu.memory_space<vmem>>, vector<16xf32>,
        %parallel_loop3A_1000 = arith.index_cast %parallel_loop3A_739 : i32 to index
        %parallel_loop3A_1001 = arith.constant 304 : index
        %parallel_loop3A_1002 = tpu.vector_load %arg15[%parallel_loop3A_1000, %parallel_loop3A_1001] {strides = array<i32>} : memref<16x768xf32, #tpu.memory_space<vmem>>, vector<16xf32>,
        %parallel_loop3A_1003 = arith.addf %parallel_loop3A_999, %parallel_loop3A_1002 : vector<16xf32>
        %parallel_loop3A_1004 = arith.index_cast %parallel_loop3A_739 : i32 to index
        %parallel_loop3A_1005 = arith.constant 304 : index
        %parallel_loop3A_1006 = tpu.vector_load %arg16[%parallel_loop3A_1004, %parallel_loop3A_1005] {strides = array<i32>} : memref<16x768xf32, #tpu.memory_space<vmem>>, vector<16xf32>,
        tpu.vector_store %arg16[%parallel_loop3A_1004, %parallel_loop3A_1005], %parallel_loop3A_1003 {strides = array<i32>} : memref<16x768xf32, #tpu.memory_space<vmem>>, vector<16xf32>,
        %parallel_loop3A_1007 = arith.addf %parallel_loop3A_981, %parallel_loop3A_1003 : vector<16xf32>
        %parallel_loop3A_1008 = arith.mulf %parallel_loop3A_1003, %parallel_loop3A_1003 : vector<16xf32>
        %parallel_loop3A_1009 = arith.addf %parallel_loop3A_983, %parallel_loop3A_1008 : vector<16xf32>
        %parallel_loop3A_1010 = arith.index_cast %parallel_loop3A_739 : i32 to index
        %parallel_loop3A_1011 = arith.constant 320 : index
        %parallel_loop3A_1012 = tpu.vector_load %arg14[%parallel_loop3A_1010, %parallel_loop3A_1011] {strides = array<i32>} : memref<16x768xf32, #tpu.memory_space<vmem>>, vector<16xf32>,
        %parallel_loop3A_1013 = arith.index_cast %parallel_loop3A_739 : i32 to index
        %parallel_loop3A_1014 = arith.constant 320 : index
        %parallel_loop3A_1015 = tpu.vector_load %arg15[%parallel_loop3A_1013, %parallel_loop3A_1014] {strides = array<i32>} : memref<16x768xf32, #tpu.memory_space<vmem>>, vector<16xf32>,
        %parallel_loop3A_1016 = arith.addf %parallel_loop3A_1012, %parallel_loop3A_1015 : vector<16xf32>
        %parallel_loop3A_1017 = arith.index_cast %parallel_loop3A_739 : i32 to index
        %parallel_loop3A_1018 = arith.constant 320 : index
        %parallel_loop3A_1019 = tpu.vector_load %arg16[%parallel_loop3A_1017, %parallel_loop3A_1018] {strides = array<i32>} : memref<16x768xf32, #tpu.memory_space<vmem>>, vector<16xf32>,
        tpu.vector_store %arg16[%parallel_loop3A_1017, %parallel_loop3A_1018], %parallel_loop3A_1016 {strides = array<i32>} : memref<16x768xf32, #tpu.memory_space<vmem>>, vector<16xf32>,
        %parallel_loop3A_1020 = arith.addf %parallel_loop3A_994, %parallel_loop3A_1016 : vector<16xf32>
        %parallel_loop3A_1021 = arith.mulf %parallel_loop3A_1016, %parallel_loop3A_1016 : vector<16xf32>
        %parallel_loop3A_1022 = arith.addf %parallel_loop3A_996, %parallel_loop3A_1021 : vector<16xf32>
        %parallel_loop3A_1023 = arith.index_cast %parallel_loop3A_739 : i32 to index
        %parallel_loop3A_1024 = arith.constant 336 : index
        %parallel_loop3A_1025 = tpu.vector_load %arg14[%parallel_loop3A_1023, %parallel_loop3A_1024] {strides = array<i32>} : memref<16x768xf32, #tpu.memory_space<vmem>>, vector<16xf32>,
        %parallel_loop3A_1026 = arith.index_cast %parallel_loop3A_739 : i32 to index
        %parallel_loop3A_1027 = arith.constant 336 : index
        %parallel_loop3A_1028 = tpu.vector_load %arg15[%parallel_loop3A_1026, %parallel_loop3A_1027] {strides = array<i32>} : memref<16x768xf32, #tpu.memory_space<vmem>>, vector<16xf32>,
        %parallel_loop3A_1029 = arith.addf %parallel_loop3A_1025, %parallel_loop3A_1028 : vector<16xf32>
        %parallel_loop3A_1030 = arith.index_cast %parallel_loop3A_739 : i32 to index
        %parallel_loop3A_1031 = arith.constant 336 : index
        %parallel_loop3A_1032 = tpu.vector_load %arg16[%parallel_loop3A_1030, %parallel_loop3A_1031] {strides = array<i32>} : memref<16x768xf32, #tpu.memory_space<vmem>>, vector<16xf32>,
        tpu.vector_store %arg16[%parallel_loop3A_1030, %parallel_loop3A_1031], %parallel_loop3A_1029 {strides = array<i32>} : memref<16x768xf32, #tpu.memory_space<vmem>>, vector<16xf32>,
        %parallel_loop3A_1033 = arith.addf %parallel_loop3A_1007, %parallel_loop3A_1029 : vector<16xf32>
        %parallel_loop3A_1034 = arith.mulf %parallel_loop3A_1029, %parallel_loop3A_1029 : vector<16xf32>
        %parallel_loop3A_1035 = arith.addf %parallel_loop3A_1009, %parallel_loop3A_1034 : vector<16xf32>
        %parallel_loop3A_1036 = arith.index_cast %parallel_loop3A_739 : i32 to index
        %parallel_loop3A_1037 = arith.constant 352 : index
        %parallel_loop3A_1038 = tpu.vector_load %arg14[%parallel_loop3A_1036, %parallel_loop3A_1037] {strides = array<i32>} : memref<16x768xf32, #tpu.memory_space<vmem>>, vector<16xf32>,
        %parallel_loop3A_1039 = arith.index_cast %parallel_loop3A_739 : i32 to index
        %parallel_loop3A_1040 = arith.constant 352 : index
        %parallel_loop3A_1041 = tpu.vector_load %arg15[%parallel_loop3A_1039, %parallel_loop3A_1040] {strides = array<i32>} : memref<16x768xf32, #tpu.memory_space<vmem>>, vector<16xf32>,
        %parallel_loop3A_1042 = arith.addf %parallel_loop3A_1038, %parallel_loop3A_1041 : vector<16xf32>
        %parallel_loop3A_1043 = arith.index_cast %parallel_loop3A_739 : i32 to index
        %parallel_loop3A_1044 = arith.constant 352 : index
        %parallel_loop3A_1045 = tpu.vector_load %arg16[%parallel_loop3A_1043, %parallel_loop3A_1044] {strides = array<i32>} : memref<16x768xf32, #tpu.memory_space<vmem>>, vector<16xf32>,
        tpu.vector_store %arg16[%parallel_loop3A_1043, %parallel_loop3A_1044], %parallel_loop3A_1042 {strides = array<i32>} : memref<16x768xf32, #tpu.memory_space<vmem>>, vector<16xf32>,
        %parallel_loop3A_1046 = arith.addf %parallel_loop3A_1020, %parallel_loop3A_1042 : vector<16xf32>
        %parallel_loop3A_1047 = arith.mulf %parallel_loop3A_1042, %parallel_loop3A_1042 : vector<16xf32>
        %parallel_loop3A_1048 = arith.addf %parallel_loop3A_1022, %parallel_loop3A_1047 : vector<16xf32>
        %parallel_loop3A_1049 = arith.index_cast %parallel_loop3A_739 : i32 to index
        %parallel_loop3A_1050 = arith.constant 368 : index
        %parallel_loop3A_1051 = tpu.vector_load %arg14[%parallel_loop3A_1049, %parallel_loop3A_1050] {strides = array<i32>} : memref<16x768xf32, #tpu.memory_space<vmem>>, vector<16xf32>,
        %parallel_loop3A_1052 = arith.index_cast %parallel_loop3A_739 : i32 to index
        %parallel_loop3A_1053 = arith.constant 368 : index
        %parallel_loop3A_1054 = tpu.vector_load %arg15[%parallel_loop3A_1052, %parallel_loop3A_1053] {strides = array<i32>} : memref<16x768xf32, #tpu.memory_space<vmem>>, vector<16xf32>,
        %parallel_loop3A_1055 = arith.addf %parallel_loop3A_1051, %parallel_loop3A_1054 : vector<16xf32>
        %parallel_loop3A_1056 = arith.index_cast %parallel_loop3A_739 : i32 to index
        %parallel_loop3A_1057 = arith.constant 368 : index
        %parallel_loop3A_1058 = tpu.vector_load %arg16[%parallel_loop3A_1056, %parallel_loop3A_1057] {strides = array<i32>} : memref<16x768xf32, #tpu.memory_space<vmem>>, vector<16xf32>,
        tpu.vector_store %arg16[%parallel_loop3A_1056, %parallel_loop3A_1057], %parallel_loop3A_1055 {strides = array<i32>} : memref<16x768xf32, #tpu.memory_space<vmem>>, vector<16xf32>,
        %parallel_loop3A_1059 = arith.addf %parallel_loop3A_1033, %parallel_loop3A_1055 : vector<16xf32>
        %parallel_loop3A_1060 = arith.mulf %parallel_loop3A_1055, %parallel_loop3A_1055 : vector<16xf32>
        %parallel_loop3A_1061 = arith.addf %parallel_loop3A_1035, %parallel_loop3A_1060 : vector<16xf32>
        %parallel_loop3A_1062 = arith.index_cast %parallel_loop3A_739 : i32 to index
        %parallel_loop3A_1063 = arith.constant 384 : index
        %parallel_loop3A_1064 = tpu.vector_load %arg14[%parallel_loop3A_1062, %parallel_loop3A_1063] {strides = array<i32>} : memref<16x768xf32, #tpu.memory_space<vmem>>, vector<16xf32>,
        %parallel_loop3A_1065 = arith.index_cast %parallel_loop3A_739 : i32 to index
        %parallel_loop3A_1066 = arith.constant 384 : index
        %parallel_loop3A_1067 = tpu.vector_load %arg15[%parallel_loop3A_1065, %parallel_loop3A_1066] {strides = array<i32>} : memref<16x768xf32, #tpu.memory_space<vmem>>, vector<16xf32>,
        %parallel_loop3A_1068 = arith.addf %parallel_loop3A_1064, %parallel_loop3A_1067 : vector<16xf32>
        %parallel_loop3A_1069 = arith.index_cast %parallel_loop3A_739 : i32 to index
        %parallel_loop3A_1070 = arith.constant 384 : index
        %parallel_loop3A_1071 = tpu.vector_load %arg16[%parallel_loop3A_1069, %parallel_loop3A_1070] {strides = array<i32>} : memref<16x768xf32, #tpu.memory_space<vmem>>, vector<16xf32>,
        tpu.vector_store %arg16[%parallel_loop3A_1069, %parallel_loop3A_1070], %parallel_loop3A_1068 {strides = array<i32>} : memref<16x768xf32, #tpu.memory_space<vmem>>, vector<16xf32>,
        %parallel_loop3A_1072 = arith.addf %parallel_loop3A_1046, %parallel_loop3A_1068 : vector<16xf32>
        %parallel_loop3A_1073 = arith.mulf %parallel_loop3A_1068, %parallel_loop3A_1068 : vector<16xf32>
        %parallel_loop3A_1074 = arith.addf %parallel_loop3A_1048, %parallel_loop3A_1073 : vector<16xf32>
        %parallel_loop3A_1075 = arith.index_cast %parallel_loop3A_739 : i32 to index
        %parallel_loop3A_1076 = arith.constant 400 : index
        %parallel_loop3A_1077 = tpu.vector_load %arg14[%parallel_loop3A_1075, %parallel_loop3A_1076] {strides = array<i32>} : memref<16x768xf32, #tpu.memory_space<vmem>>, vector<16xf32>,
        %parallel_loop3A_1078 = arith.index_cast %parallel_loop3A_739 : i32 to index
        %parallel_loop3A_1079 = arith.constant 400 : index
        %parallel_loop3A_1080 = tpu.vector_load %arg15[%parallel_loop3A_1078, %parallel_loop3A_1079] {strides = array<i32>} : memref<16x768xf32, #tpu.memory_space<vmem>>, vector<16xf32>,
        %parallel_loop3A_1081 = arith.addf %parallel_loop3A_1077, %parallel_loop3A_1080 : vector<16xf32>
        %parallel_loop3A_1082 = arith.index_cast %parallel_loop3A_739 : i32 to index
        %parallel_loop3A_1083 = arith.constant 400 : index
        %parallel_loop3A_1084 = tpu.vector_load %arg16[%parallel_loop3A_1082, %parallel_loop3A_1083] {strides = array<i32>} : memref<16x768xf32, #tpu.memory_space<vmem>>, vector<16xf32>,
        tpu.vector_store %arg16[%parallel_loop3A_1082, %parallel_loop3A_1083], %parallel_loop3A_1081 {strides = array<i32>} : memref<16x768xf32, #tpu.memory_space<vmem>>, vector<16xf32>,
        %parallel_loop3A_1085 = arith.addf %parallel_loop3A_1059, %parallel_loop3A_1081 : vector<16xf32>
        %parallel_loop3A_1086 = arith.mulf %parallel_loop3A_1081, %parallel_loop3A_1081 : vector<16xf32>
        %parallel_loop3A_1087 = arith.addf %parallel_loop3A_1061, %parallel_loop3A_1086 : vector<16xf32>
        %parallel_loop3A_1088 = arith.index_cast %parallel_loop3A_739 : i32 to index
        %parallel_loop3A_1089 = arith.constant 416 : index
        %parallel_loop3A_1090 = tpu.vector_load %arg14[%parallel_loop3A_1088, %parallel_loop3A_1089] {strides = array<i32>} : memref<16x768xf32, #tpu.memory_space<vmem>>, vector<16xf32>,
        %parallel_loop3A_1091 = arith.index_cast %parallel_loop3A_739 : i32 to index
        %parallel_loop3A_1092 = arith.constant 416 : index
        %parallel_loop3A_1093 = tpu.vector_load %arg15[%parallel_loop3A_1091, %parallel_loop3A_1092] {strides = array<i32>} : memref<16x768xf32, #tpu.memory_space<vmem>>, vector<16xf32>,
        %parallel_loop3A_1094 = arith.addf %parallel_loop3A_1090, %parallel_loop3A_1093 : vector<16xf32>
        %parallel_loop3A_1095 = arith.index_cast %parallel_loop3A_739 : i32 to index
        %parallel_loop3A_1096 = arith.constant 416 : index
        %parallel_loop3A_1097 = tpu.vector_load %arg16[%parallel_loop3A_1095, %parallel_loop3A_1096] {strides = array<i32>} : memref<16x768xf32, #tpu.memory_space<vmem>>, vector<16xf32>,
        tpu.vector_store %arg16[%parallel_loop3A_1095, %parallel_loop3A_1096], %parallel_loop3A_1094 {strides = array<i32>} : memref<16x768xf32, #tpu.memory_space<vmem>>, vector<16xf32>,
        %parallel_loop3A_1098 = arith.addf %parallel_loop3A_1072, %parallel_loop3A_1094 : vector<16xf32>
        %parallel_loop3A_1099 = arith.mulf %parallel_loop3A_1094, %parallel_loop3A_1094 : vector<16xf32>
        %parallel_loop3A_1100 = arith.addf %parallel_loop3A_1074, %parallel_loop3A_1099 : vector<16xf32>
        %parallel_loop3A_1101 = arith.index_cast %parallel_loop3A_739 : i32 to index
        %parallel_loop3A_1102 = arith.constant 432 : index
        %parallel_loop3A_1103 = tpu.vector_load %arg14[%parallel_loop3A_1101, %parallel_loop3A_1102] {strides = array<i32>} : memref<16x768xf32, #tpu.memory_space<vmem>>, vector<16xf32>,
        %parallel_loop3A_1104 = arith.index_cast %parallel_loop3A_739 : i32 to index
        %parallel_loop3A_1105 = arith.constant 432 : index
        %parallel_loop3A_1106 = tpu.vector_load %arg15[%parallel_loop3A_1104, %parallel_loop3A_1105] {strides = array<i32>} : memref<16x768xf32, #tpu.memory_space<vmem>>, vector<16xf32>,
        %parallel_loop3A_1107 = arith.addf %parallel_loop3A_1103, %parallel_loop3A_1106 : vector<16xf32>
        %parallel_loop3A_1108 = arith.index_cast %parallel_loop3A_739 : i32 to index
        %parallel_loop3A_1109 = arith.constant 432 : index
        %parallel_loop3A_1110 = tpu.vector_load %arg16[%parallel_loop3A_1108, %parallel_loop3A_1109] {strides = array<i32>} : memref<16x768xf32, #tpu.memory_space<vmem>>, vector<16xf32>,
        tpu.vector_store %arg16[%parallel_loop3A_1108, %parallel_loop3A_1109], %parallel_loop3A_1107 {strides = array<i32>} : memref<16x768xf32, #tpu.memory_space<vmem>>, vector<16xf32>,
        %parallel_loop3A_1111 = arith.addf %parallel_loop3A_1085, %parallel_loop3A_1107 : vector<16xf32>
        %parallel_loop3A_1112 = arith.mulf %parallel_loop3A_1107, %parallel_loop3A_1107 : vector<16xf32>
        %parallel_loop3A_1113 = arith.addf %parallel_loop3A_1087, %parallel_loop3A_1112 : vector<16xf32>
        %parallel_loop3A_1114 = arith.index_cast %parallel_loop3A_739 : i32 to index
        %parallel_loop3A_1115 = arith.constant 448 : index
        %parallel_loop3A_1116 = tpu.vector_load %arg14[%parallel_loop3A_1114, %parallel_loop3A_1115] {strides = array<i32>} : memref<16x768xf32, #tpu.memory_space<vmem>>, vector<16xf32>,
        %parallel_loop3A_1117 = arith.index_cast %parallel_loop3A_739 : i32 to index
        %parallel_loop3A_1118 = arith.constant 448 : index
        %parallel_loop3A_1119 = tpu.vector_load %arg15[%parallel_loop3A_1117, %parallel_loop3A_1118] {strides = array<i32>} : memref<16x768xf32, #tpu.memory_space<vmem>>, vector<16xf32>,
        %parallel_loop3A_1120 = arith.addf %parallel_loop3A_1116, %parallel_loop3A_1119 : vector<16xf32>
        %parallel_loop3A_1121 = arith.index_cast %parallel_loop3A_739 : i32 to index
        %parallel_loop3A_1122 = arith.constant 448 : index
        %parallel_loop3A_1123 = tpu.vector_load %arg16[%parallel_loop3A_1121, %parallel_loop3A_1122] {strides = array<i32>} : memref<16x768xf32, #tpu.memory_space<vmem>>, vector<16xf32>,
        tpu.vector_store %arg16[%parallel_loop3A_1121, %parallel_loop3A_1122], %parallel_loop3A_1120 {strides = array<i32>} : memref<16x768xf32, #tpu.memory_space<vmem>>, vector<16xf32>,
        %parallel_loop3A_1124 = arith.addf %parallel_loop3A_1098, %parallel_loop3A_1120 : vector<16xf32>
        %parallel_loop3A_1125 = arith.mulf %parallel_loop3A_1120, %parallel_loop3A_1120 : vector<16xf32>
        %parallel_loop3A_1126 = arith.addf %parallel_loop3A_1100, %parallel_loop3A_1125 : vector<16xf32>
        %parallel_loop3A_1127 = arith.index_cast %parallel_loop3A_739 : i32 to index
        %parallel_loop3A_1128 = arith.constant 464 : index
        %parallel_loop3A_1129 = tpu.vector_load %arg14[%parallel_loop3A_1127, %parallel_loop3A_1128] {strides = array<i32>} : memref<16x768xf32, #tpu.memory_space<vmem>>, vector<16xf32>,
        %parallel_loop3A_1130 = arith.index_cast %parallel_loop3A_739 : i32 to index
        %parallel_loop3A_1131 = arith.constant 464 : index
        %parallel_loop3A_1132 = tpu.vector_load %arg15[%parallel_loop3A_1130, %parallel_loop3A_1131] {strides = array<i32>} : memref<16x768xf32, #tpu.memory_space<vmem>>, vector<16xf32>,
        %parallel_loop3A_1133 = arith.addf %parallel_loop3A_1129, %parallel_loop3A_1132 : vector<16xf32>
        %parallel_loop3A_1134 = arith.index_cast %parallel_loop3A_739 : i32 to index
        %parallel_loop3A_1135 = arith.constant 464 : index
        %parallel_loop3A_1136 = tpu.vector_load %arg16[%parallel_loop3A_1134, %parallel_loop3A_1135] {strides = array<i32>} : memref<16x768xf32, #tpu.memory_space<vmem>>, vector<16xf32>,
        tpu.vector_store %arg16[%parallel_loop3A_1134, %parallel_loop3A_1135], %parallel_loop3A_1133 {strides = array<i32>} : memref<16x768xf32, #tpu.memory_space<vmem>>, vector<16xf32>,
        %parallel_loop3A_1137 = arith.addf %parallel_loop3A_1111, %parallel_loop3A_1133 : vector<16xf32>
        %parallel_loop3A_1138 = arith.mulf %parallel_loop3A_1133, %parallel_loop3A_1133 : vector<16xf32>
        %parallel_loop3A_1139 = arith.addf %parallel_loop3A_1113, %parallel_loop3A_1138 : vector<16xf32>
        %parallel_loop3A_1140 = arith.index_cast %parallel_loop3A_739 : i32 to index
        %parallel_loop3A_1141 = arith.constant 480 : index
        %parallel_loop3A_1142 = tpu.vector_load %arg14[%parallel_loop3A_1140, %parallel_loop3A_1141] {strides = array<i32>} : memref<16x768xf32, #tpu.memory_space<vmem>>, vector<16xf32>,
        %parallel_loop3A_1143 = arith.index_cast %parallel_loop3A_739 : i32 to index
        %parallel_loop3A_1144 = arith.constant 480 : index
        %parallel_loop3A_1145 = tpu.vector_load %arg15[%parallel_loop3A_1143, %parallel_loop3A_1144] {strides = array<i32>} : memref<16x768xf32, #tpu.memory_space<vmem>>, vector<16xf32>,
        %parallel_loop3A_1146 = arith.addf %parallel_loop3A_1142, %parallel_loop3A_1145 : vector<16xf32>
        %parallel_loop3A_1147 = arith.index_cast %parallel_loop3A_739 : i32 to index
        %parallel_loop3A_1148 = arith.constant 480 : index
        %parallel_loop3A_1149 = tpu.vector_load %arg16[%parallel_loop3A_1147, %parallel_loop3A_1148] {strides = array<i32>} : memref<16x768xf32, #tpu.memory_space<vmem>>, vector<16xf32>,
        tpu.vector_store %arg16[%parallel_loop3A_1147, %parallel_loop3A_1148], %parallel_loop3A_1146 {strides = array<i32>} : memref<16x768xf32, #tpu.memory_space<vmem>>, vector<16xf32>,
        %parallel_loop3A_1150 = arith.addf %parallel_loop3A_1124, %parallel_loop3A_1146 : vector<16xf32>
        %parallel_loop3A_1151 = arith.mulf %parallel_loop3A_1146, %parallel_loop3A_1146 : vector<16xf32>
        %parallel_loop3A_1152 = arith.addf %parallel_loop3A_1126, %parallel_loop3A_1151 : vector<16xf32>
        %parallel_loop3A_1153 = arith.index_cast %parallel_loop3A_739 : i32 to index
        %parallel_loop3A_1154 = arith.constant 496 : index
        %parallel_loop3A_1155 = tpu.vector_load %arg14[%parallel_loop3A_1153, %parallel_loop3A_1154] {strides = array<i32>} : memref<16x768xf32, #tpu.memory_space<vmem>>, vector<16xf32>,
        %parallel_loop3A_1156 = arith.index_cast %parallel_loop3A_739 : i32 to index
        %parallel_loop3A_1157 = arith.constant 496 : index
        %parallel_loop3A_1158 = tpu.vector_load %arg15[%parallel_loop3A_1156, %parallel_loop3A_1157] {strides = array<i32>} : memref<16x768xf32, #tpu.memory_space<vmem>>, vector<16xf32>,
        %parallel_loop3A_1159 = arith.addf %parallel_loop3A_1155, %parallel_loop3A_1158 : vector<16xf32>
        %parallel_loop3A_1160 = arith.index_cast %parallel_loop3A_739 : i32 to index
        %parallel_loop3A_1161 = arith.constant 496 : index
        %parallel_loop3A_1162 = tpu.vector_load %arg16[%parallel_loop3A_1160, %parallel_loop3A_1161] {strides = array<i32>} : memref<16x768xf32, #tpu.memory_space<vmem>>, vector<16xf32>,
        tpu.vector_store %arg16[%parallel_loop3A_1160, %parallel_loop3A_1161], %parallel_loop3A_1159 {strides = array<i32>} : memref<16x768xf32, #tpu.memory_space<vmem>>, vector<16xf32>,
        %parallel_loop3A_1163 = arith.addf %parallel_loop3A_1137, %parallel_loop3A_1159 : vector<16xf32>
        %parallel_loop3A_1164 = arith.mulf %parallel_loop3A_1159, %parallel_loop3A_1159 : vector<16xf32>
        %parallel_loop3A_1165 = arith.addf %parallel_loop3A_1139, %parallel_loop3A_1164 : vector<16xf32>
        %parallel_loop3A_1166 = arith.index_cast %parallel_loop3A_739 : i32 to index
        %parallel_loop3A_1167 = arith.constant 512 : index
        %parallel_loop3A_1168 = tpu.vector_load %arg14[%parallel_loop3A_1166, %parallel_loop3A_1167] {strides = array<i32>} : memref<16x768xf32, #tpu.memory_space<vmem>>, vector<16xf32>,
        %parallel_loop3A_1169 = arith.index_cast %parallel_loop3A_739 : i32 to index
        %parallel_loop3A_1170 = arith.constant 512 : index
        %parallel_loop3A_1171 = tpu.vector_load %arg15[%parallel_loop3A_1169, %parallel_loop3A_1170] {strides = array<i32>} : memref<16x768xf32, #tpu.memory_space<vmem>>, vector<16xf32>,
        %parallel_loop3A_1172 = arith.addf %parallel_loop3A_1168, %parallel_loop3A_1171 : vector<16xf32>
        %parallel_loop3A_1173 = arith.index_cast %parallel_loop3A_739 : i32 to index
        %parallel_loop3A_1174 = arith.constant 512 : index
        %parallel_loop3A_1175 = tpu.vector_load %arg16[%parallel_loop3A_1173, %parallel_loop3A_1174] {strides = array<i32>} : memref<16x768xf32, #tpu.memory_space<vmem>>, vector<16xf32>,
        tpu.vector_store %arg16[%parallel_loop3A_1173, %parallel_loop3A_1174], %parallel_loop3A_1172 {strides = array<i32>} : memref<16x768xf32, #tpu.memory_space<vmem>>, vector<16xf32>,
        %parallel_loop3A_1176 = arith.addf %parallel_loop3A_1150, %parallel_loop3A_1172 : vector<16xf32>
        %parallel_loop3A_1177 = arith.mulf %parallel_loop3A_1172, %parallel_loop3A_1172 : vector<16xf32>
        %parallel_loop3A_1178 = arith.addf %parallel_loop3A_1152, %parallel_loop3A_1177 : vector<16xf32>
        %parallel_loop3A_1179 = arith.index_cast %parallel_loop3A_739 : i32 to index
        %parallel_loop3A_1180 = arith.constant 528 : index
        %parallel_loop3A_1181 = tpu.vector_load %arg14[%parallel_loop3A_1179, %parallel_loop3A_1180] {strides = array<i32>} : memref<16x768xf32, #tpu.memory_space<vmem>>, vector<16xf32>,
        %parallel_loop3A_1182 = arith.index_cast %parallel_loop3A_739 : i32 to index
        %parallel_loop3A_1183 = arith.constant 528 : index
        %parallel_loop3A_1184 = tpu.vector_load %arg15[%parallel_loop3A_1182, %parallel_loop3A_1183] {strides = array<i32>} : memref<16x768xf32, #tpu.memory_space<vmem>>, vector<16xf32>,
        %parallel_loop3A_1185 = arith.addf %parallel_loop3A_1181, %parallel_loop3A_1184 : vector<16xf32>
        %parallel_loop3A_1186 = arith.index_cast %parallel_loop3A_739 : i32 to index
        %parallel_loop3A_1187 = arith.constant 528 : index
        %parallel_loop3A_1188 = tpu.vector_load %arg16[%parallel_loop3A_1186, %parallel_loop3A_1187] {strides = array<i32>} : memref<16x768xf32, #tpu.memory_space<vmem>>, vector<16xf32>,
        tpu.vector_store %arg16[%parallel_loop3A_1186, %parallel_loop3A_1187], %parallel_loop3A_1185 {strides = array<i32>} : memref<16x768xf32, #tpu.memory_space<vmem>>, vector<16xf32>,
        %parallel_loop3A_1189 = arith.addf %parallel_loop3A_1163, %parallel_loop3A_1185 : vector<16xf32>
        %parallel_loop3A_1190 = arith.mulf %parallel_loop3A_1185, %parallel_loop3A_1185 : vector<16xf32>
        %parallel_loop3A_1191 = arith.addf %parallel_loop3A_1165, %parallel_loop3A_1190 : vector<16xf32>
        %parallel_loop3A_1192 = arith.index_cast %parallel_loop3A_739 : i32 to index
        %parallel_loop3A_1193 = arith.constant 544 : index
        %parallel_loop3A_1194 = tpu.vector_load %arg14[%parallel_loop3A_1192, %parallel_loop3A_1193] {strides = array<i32>} : memref<16x768xf32, #tpu.memory_space<vmem>>, vector<16xf32>,
        %parallel_loop3A_1195 = arith.index_cast %parallel_loop3A_739 : i32 to index
        %parallel_loop3A_1196 = arith.constant 544 : index
        %parallel_loop3A_1197 = tpu.vector_load %arg15[%parallel_loop3A_1195, %parallel_loop3A_1196] {strides = array<i32>} : memref<16x768xf32, #tpu.memory_space<vmem>>, vector<16xf32>,
        %parallel_loop3A_1198 = arith.addf %parallel_loop3A_1194, %parallel_loop3A_1197 : vector<16xf32>
        %parallel_loop3A_1199 = arith.index_cast %parallel_loop3A_739 : i32 to index
        %parallel_loop3A_1200 = arith.constant 544 : index
        %parallel_loop3A_1201 = tpu.vector_load %arg16[%parallel_loop3A_1199, %parallel_loop3A_1200] {strides = array<i32>} : memref<16x768xf32, #tpu.memory_space<vmem>>, vector<16xf32>,
        tpu.vector_store %arg16[%parallel_loop3A_1199, %parallel_loop3A_1200], %parallel_loop3A_1198 {strides = array<i32>} : memref<16x768xf32, #tpu.memory_space<vmem>>, vector<16xf32>,
        %parallel_loop3A_1202 = arith.addf %parallel_loop3A_1176, %parallel_loop3A_1198 : vector<16xf32>
        %parallel_loop3A_1203 = arith.mulf %parallel_loop3A_1198, %parallel_loop3A_1198 : vector<16xf32>
        %parallel_loop3A_1204 = arith.addf %parallel_loop3A_1178, %parallel_loop3A_1203 : vector<16xf32>
        %parallel_loop3A_1205 = arith.index_cast %parallel_loop3A_739 : i32 to index
        %parallel_loop3A_1206 = arith.constant 560 : index
        %parallel_loop3A_1207 = tpu.vector_load %arg14[%parallel_loop3A_1205, %parallel_loop3A_1206] {strides = array<i32>} : memref<16x768xf32, #tpu.memory_space<vmem>>, vector<16xf32>,
        %parallel_loop3A_1208 = arith.index_cast %parallel_loop3A_739 : i32 to index
        %parallel_loop3A_1209 = arith.constant 560 : index
        %parallel_loop3A_1210 = tpu.vector_load %arg15[%parallel_loop3A_1208, %parallel_loop3A_1209] {strides = array<i32>} : memref<16x768xf32, #tpu.memory_space<vmem>>, vector<16xf32>,
        %parallel_loop3A_1211 = arith.addf %parallel_loop3A_1207, %parallel_loop3A_1210 : vector<16xf32>
        %parallel_loop3A_1212 = arith.index_cast %parallel_loop3A_739 : i32 to index
        %parallel_loop3A_1213 = arith.constant 560 : index
        %parallel_loop3A_1214 = tpu.vector_load %arg16[%parallel_loop3A_1212, %parallel_loop3A_1213] {strides = array<i32>} : memref<16x768xf32, #tpu.memory_space<vmem>>, vector<16xf32>,
        tpu.vector_store %arg16[%parallel_loop3A_1212, %parallel_loop3A_1213], %parallel_loop3A_1211 {strides = array<i32>} : memref<16x768xf32, #tpu.memory_space<vmem>>, vector<16xf32>,
        %parallel_loop3A_1215 = arith.addf %parallel_loop3A_1189, %parallel_loop3A_1211 : vector<16xf32>
        %parallel_loop3A_1216 = arith.mulf %parallel_loop3A_1211, %parallel_loop3A_1211 : vector<16xf32>
        %parallel_loop3A_1217 = arith.addf %parallel_loop3A_1191, %parallel_loop3A_1216 : vector<16xf32>
        %parallel_loop3A_1218 = arith.index_cast %parallel_loop3A_739 : i32 to index
        %parallel_loop3A_1219 = arith.constant 576 : index
        %parallel_loop3A_1220 = tpu.vector_load %arg14[%parallel_loop3A_1218, %parallel_loop3A_1219] {strides = array<i32>} : memref<16x768xf32, #tpu.memory_space<vmem>>, vector<16xf32>,
        %parallel_loop3A_1221 = arith.index_cast %parallel_loop3A_739 : i32 to index
        %parallel_loop3A_1222 = arith.constant 576 : index
        %parallel_loop3A_1223 = tpu.vector_load %arg15[%parallel_loop3A_1221, %parallel_loop3A_1222] {strides = array<i32>} : memref<16x768xf32, #tpu.memory_space<vmem>>, vector<16xf32>,
        %parallel_loop3A_1224 = arith.addf %parallel_loop3A_1220, %parallel_loop3A_1223 : vector<16xf32>
        %parallel_loop3A_1225 = arith.index_cast %parallel_loop3A_739 : i32 to index
        %parallel_loop3A_1226 = arith.constant 576 : index
        %parallel_loop3A_1227 = tpu.vector_load %arg16[%parallel_loop3A_1225, %parallel_loop3A_1226] {strides = array<i32>} : memref<16x768xf32, #tpu.memory_space<vmem>>, vector<16xf32>,
        tpu.vector_store %arg16[%parallel_loop3A_1225, %parallel_loop3A_1226], %parallel_loop3A_1224 {strides = array<i32>} : memref<16x768xf32, #tpu.memory_space<vmem>>, vector<16xf32>,
        %parallel_loop3A_1228 = arith.addf %parallel_loop3A_1202, %parallel_loop3A_1224 : vector<16xf32>
        %parallel_loop3A_1229 = arith.mulf %parallel_loop3A_1224, %parallel_loop3A_1224 : vector<16xf32>
        %parallel_loop3A_1230 = arith.addf %parallel_loop3A_1204, %parallel_loop3A_1229 : vector<16xf32>
        %parallel_loop3A_1231 = arith.index_cast %parallel_loop3A_739 : i32 to index
        %parallel_loop3A_1232 = arith.constant 592 : index
        %parallel_loop3A_1233 = tpu.vector_load %arg14[%parallel_loop3A_1231, %parallel_loop3A_1232] {strides = array<i32>} : memref<16x768xf32, #tpu.memory_space<vmem>>, vector<16xf32>,
        %parallel_loop3A_1234 = arith.index_cast %parallel_loop3A_739 : i32 to index
        %parallel_loop3A_1235 = arith.constant 592 : index
        %parallel_loop3A_1236 = tpu.vector_load %arg15[%parallel_loop3A_1234, %parallel_loop3A_1235] {strides = array<i32>} : memref<16x768xf32, #tpu.memory_space<vmem>>, vector<16xf32>,
        %parallel_loop3A_1237 = arith.addf %parallel_loop3A_1233, %parallel_loop3A_1236 : vector<16xf32>
        %parallel_loop3A_1238 = arith.index_cast %parallel_loop3A_739 : i32 to index
        %parallel_loop3A_1239 = arith.constant 592 : index
        %parallel_loop3A_1240 = tpu.vector_load %arg16[%parallel_loop3A_1238, %parallel_loop3A_1239] {strides = array<i32>} : memref<16x768xf32, #tpu.memory_space<vmem>>, vector<16xf32>,
        tpu.vector_store %arg16[%parallel_loop3A_1238, %parallel_loop3A_1239], %parallel_loop3A_1237 {strides = array<i32>} : memref<16x768xf32, #tpu.memory_space<vmem>>, vector<16xf32>,
        %parallel_loop3A_1241 = arith.addf %parallel_loop3A_1215, %parallel_loop3A_1237 : vector<16xf32>
        %parallel_loop3A_1242 = arith.mulf %parallel_loop3A_1237, %parallel_loop3A_1237 : vector<16xf32>
        %parallel_loop3A_1243 = arith.addf %parallel_loop3A_1217, %parallel_loop3A_1242 : vector<16xf32>
        %parallel_loop3A_1244 = arith.index_cast %parallel_loop3A_739 : i32 to index
        %parallel_loop3A_1245 = arith.constant 608 : index
        %parallel_loop3A_1246 = tpu.vector_load %arg14[%parallel_loop3A_1244, %parallel_loop3A_1245] {strides = array<i32>} : memref<16x768xf32, #tpu.memory_space<vmem>>, vector<16xf32>,
        %parallel_loop3A_1247 = arith.index_cast %parallel_loop3A_739 : i32 to index
        %parallel_loop3A_1248 = arith.constant 608 : index
        %parallel_loop3A_1249 = tpu.vector_load %arg15[%parallel_loop3A_1247, %parallel_loop3A_1248] {strides = array<i32>} : memref<16x768xf32, #tpu.memory_space<vmem>>, vector<16xf32>,
        %parallel_loop3A_1250 = arith.addf %parallel_loop3A_1246, %parallel_loop3A_1249 : vector<16xf32>
        %parallel_loop3A_1251 = arith.index_cast %parallel_loop3A_739 : i32 to index
        %parallel_loop3A_1252 = arith.constant 608 : index
        %parallel_loop3A_1253 = tpu.vector_load %arg16[%parallel_loop3A_1251, %parallel_loop3A_1252] {strides = array<i32>} : memref<16x768xf32, #tpu.memory_space<vmem>>, vector<16xf32>,
        tpu.vector_store %arg16[%parallel_loop3A_1251, %parallel_loop3A_1252], %parallel_loop3A_1250 {strides = array<i32>} : memref<16x768xf32, #tpu.memory_space<vmem>>, vector<16xf32>,
        %parallel_loop3A_1254 = arith.addf %parallel_loop3A_1228, %parallel_loop3A_1250 : vector<16xf32>
        %parallel_loop3A_1255 = arith.mulf %parallel_loop3A_1250, %parallel_loop3A_1250 : vector<16xf32>
        %parallel_loop3A_1256 = arith.addf %parallel_loop3A_1230, %parallel_loop3A_1255 : vector<16xf32>
        %parallel_loop3A_1257 = arith.index_cast %parallel_loop3A_739 : i32 to index
        %parallel_loop3A_1258 = arith.constant 624 : index
        %parallel_loop3A_1259 = tpu.vector_load %arg14[%parallel_loop3A_1257, %parallel_loop3A_1258] {strides = array<i32>} : memref<16x768xf32, #tpu.memory_space<vmem>>, vector<16xf32>,
        %parallel_loop3A_1260 = arith.index_cast %parallel_loop3A_739 : i32 to index
        %parallel_loop3A_1261 = arith.constant 624 : index
        %parallel_loop3A_1262 = tpu.vector_load %arg15[%parallel_loop3A_1260, %parallel_loop3A_1261] {strides = array<i32>} : memref<16x768xf32, #tpu.memory_space<vmem>>, vector<16xf32>,
        %parallel_loop3A_1263 = arith.addf %parallel_loop3A_1259, %parallel_loop3A_1262 : vector<16xf32>
        %parallel_loop3A_1264 = arith.index_cast %parallel_loop3A_739 : i32 to index
        %parallel_loop3A_1265 = arith.constant 624 : index
        %parallel_loop3A_1266 = tpu.vector_load %arg16[%parallel_loop3A_1264, %parallel_loop3A_1265] {strides = array<i32>} : memref<16x768xf32, #tpu.memory_space<vmem>>, vector<16xf32>,
        tpu.vector_store %arg16[%parallel_loop3A_1264, %parallel_loop3A_1265], %parallel_loop3A_1263 {strides = array<i32>} : memref<16x768xf32, #tpu.memory_space<vmem>>, vector<16xf32>,
        %parallel_loop3A_1267 = arith.addf %parallel_loop3A_1241, %parallel_loop3A_1263 : vector<16xf32>
        %parallel_loop3A_1268 = arith.mulf %parallel_loop3A_1263, %parallel_loop3A_1263 : vector<16xf32>
        %parallel_loop3A_1269 = arith.addf %parallel_loop3A_1243, %parallel_loop3A_1268 : vector<16xf32>
        %parallel_loop3A_1270 = arith.index_cast %parallel_loop3A_739 : i32 to index
        %parallel_loop3A_1271 = arith.constant 640 : index
        %parallel_loop3A_1272 = tpu.vector_load %arg14[%parallel_loop3A_1270, %parallel_loop3A_1271] {strides = array<i32>} : memref<16x768xf32, #tpu.memory_space<vmem>>, vector<16xf32>,
        %parallel_loop3A_1273 = arith.index_cast %parallel_loop3A_739 : i32 to index
        %parallel_loop3A_1274 = arith.constant 640 : index
        %parallel_loop3A_1275 = tpu.vector_load %arg15[%parallel_loop3A_1273, %parallel_loop3A_1274] {strides = array<i32>} : memref<16x768xf32, #tpu.memory_space<vmem>>, vector<16xf32>,
        %parallel_loop3A_1276 = arith.addf %parallel_loop3A_1272, %parallel_loop3A_1275 : vector<16xf32>
        %parallel_loop3A_1277 = arith.index_cast %parallel_loop3A_739 : i32 to index
        %parallel_loop3A_1278 = arith.constant 640 : index
        %parallel_loop3A_1279 = tpu.vector_load %arg16[%parallel_loop3A_1277, %parallel_loop3A_1278] {strides = array<i32>} : memref<16x768xf32, #tpu.memory_space<vmem>>, vector<16xf32>,
        tpu.vector_store %arg16[%parallel_loop3A_1277, %parallel_loop3A_1278], %parallel_loop3A_1276 {strides = array<i32>} : memref<16x768xf32, #tpu.memory_space<vmem>>, vector<16xf32>,
        %parallel_loop3A_1280 = arith.addf %parallel_loop3A_1254, %parallel_loop3A_1276 : vector<16xf32>
        %parallel_loop3A_1281 = arith.mulf %parallel_loop3A_1276, %parallel_loop3A_1276 : vector<16xf32>
        %parallel_loop3A_1282 = arith.addf %parallel_loop3A_1256, %parallel_loop3A_1281 : vector<16xf32>
        %parallel_loop3A_1283 = arith.index_cast %parallel_loop3A_739 : i32 to index
        %parallel_loop3A_1284 = arith.constant 656 : index
        %parallel_loop3A_1285 = tpu.vector_load %arg14[%parallel_loop3A_1283, %parallel_loop3A_1284] {strides = array<i32>} : memref<16x768xf32, #tpu.memory_space<vmem>>, vector<16xf32>,
        %parallel_loop3A_1286 = arith.index_cast %parallel_loop3A_739 : i32 to index
        %parallel_loop3A_1287 = arith.constant 656 : index
        %parallel_loop3A_1288 = tpu.vector_load %arg15[%parallel_loop3A_1286, %parallel_loop3A_1287] {strides = array<i32>} : memref<16x768xf32, #tpu.memory_space<vmem>>, vector<16xf32>,
        %parallel_loop3A_1289 = arith.addf %parallel_loop3A_1285, %parallel_loop3A_1288 : vector<16xf32>
        %parallel_loop3A_1290 = arith.index_cast %parallel_loop3A_739 : i32 to index
        %parallel_loop3A_1291 = arith.constant 656 : index
        %parallel_loop3A_1292 = tpu.vector_load %arg16[%parallel_loop3A_1290, %parallel_loop3A_1291] {strides = array<i32>} : memref<16x768xf32, #tpu.memory_space<vmem>>, vector<16xf32>,
        tpu.vector_store %arg16[%parallel_loop3A_1290, %parallel_loop3A_1291], %parallel_loop3A_1289 {strides = array<i32>} : memref<16x768xf32, #tpu.memory_space<vmem>>, vector<16xf32>,
        %parallel_loop3A_1293 = arith.addf %parallel_loop3A_1267, %parallel_loop3A_1289 : vector<16xf32>
        %parallel_loop3A_1294 = arith.mulf %parallel_loop3A_1289, %parallel_loop3A_1289 : vector<16xf32>
        %parallel_loop3A_1295 = arith.addf %parallel_loop3A_1269, %parallel_loop3A_1294 : vector<16xf32>
        %parallel_loop3A_1296 = arith.index_cast %parallel_loop3A_739 : i32 to index
        %parallel_loop3A_1297 = arith.constant 672 : index
        %parallel_loop3A_1298 = tpu.vector_load %arg14[%parallel_loop3A_1296, %parallel_loop3A_1297] {strides = array<i32>} : memref<16x768xf32, #tpu.memory_space<vmem>>, vector<16xf32>,
        %parallel_loop3A_1299 = arith.index_cast %parallel_loop3A_739 : i32 to index
        %parallel_loop3A_1300 = arith.constant 672 : index
        %parallel_loop3A_1301 = tpu.vector_load %arg15[%parallel_loop3A_1299, %parallel_loop3A_1300] {strides = array<i32>} : memref<16x768xf32, #tpu.memory_space<vmem>>, vector<16xf32>,
        %parallel_loop3A_1302 = arith.addf %parallel_loop3A_1298, %parallel_loop3A_1301 : vector<16xf32>
        %parallel_loop3A_1303 = arith.index_cast %parallel_loop3A_739 : i32 to index
        %parallel_loop3A_1304 = arith.constant 672 : index
        %parallel_loop3A_1305 = tpu.vector_load %arg16[%parallel_loop3A_1303, %parallel_loop3A_1304] {strides = array<i32>} : memref<16x768xf32, #tpu.memory_space<vmem>>, vector<16xf32>,
        tpu.vector_store %arg16[%parallel_loop3A_1303, %parallel_loop3A_1304], %parallel_loop3A_1302 {strides = array<i32>} : memref<16x768xf32, #tpu.memory_space<vmem>>, vector<16xf32>,
        %parallel_loop3A_1306 = arith.addf %parallel_loop3A_1280, %parallel_loop3A_1302 : vector<16xf32>
        %parallel_loop3A_1307 = arith.mulf %parallel_loop3A_1302, %parallel_loop3A_1302 : vector<16xf32>
        %parallel_loop3A_1308 = arith.addf %parallel_loop3A_1282, %parallel_loop3A_1307 : vector<16xf32>
        %parallel_loop3A_1309 = arith.index_cast %parallel_loop3A_739 : i32 to index
        %parallel_loop3A_1310 = arith.constant 688 : index
        %parallel_loop3A_1311 = tpu.vector_load %arg14[%parallel_loop3A_1309, %parallel_loop3A_1310] {strides = array<i32>} : memref<16x768xf32, #tpu.memory_space<vmem>>, vector<16xf32>,
        %parallel_loop3A_1312 = arith.index_cast %parallel_loop3A_739 : i32 to index
        %parallel_loop3A_1313 = arith.constant 688 : index
        %parallel_loop3A_1314 = tpu.vector_load %arg15[%parallel_loop3A_1312, %parallel_loop3A_1313] {strides = array<i32>} : memref<16x768xf32, #tpu.memory_space<vmem>>, vector<16xf32>,
        %parallel_loop3A_1315 = arith.addf %parallel_loop3A_1311, %parallel_loop3A_1314 : vector<16xf32>
        %parallel_loop3A_1316 = arith.index_cast %parallel_loop3A_739 : i32 to index
        %parallel_loop3A_1317 = arith.constant 688 : index
        %parallel_loop3A_1318 = tpu.vector_load %arg16[%parallel_loop3A_1316, %parallel_loop3A_1317] {strides = array<i32>} : memref<16x768xf32, #tpu.memory_space<vmem>>, vector<16xf32>,
        tpu.vector_store %arg16[%parallel_loop3A_1316, %parallel_loop3A_1317], %parallel_loop3A_1315 {strides = array<i32>} : memref<16x768xf32, #tpu.memory_space<vmem>>, vector<16xf32>,
        %parallel_loop3A_1319 = arith.addf %parallel_loop3A_1293, %parallel_loop3A_1315 : vector<16xf32>
        %parallel_loop3A_1320 = arith.mulf %parallel_loop3A_1315, %parallel_loop3A_1315 : vector<16xf32>
        %parallel_loop3A_1321 = arith.addf %parallel_loop3A_1295, %parallel_loop3A_1320 : vector<16xf32>
        %parallel_loop3A_1322 = arith.index_cast %parallel_loop3A_739 : i32 to index
        %parallel_loop3A_1323 = arith.constant 704 : index
        %parallel_loop3A_1324 = tpu.vector_load %arg14[%parallel_loop3A_1322, %parallel_loop3A_1323] {strides = array<i32>} : memref<16x768xf32, #tpu.memory_space<vmem>>, vector<16xf32>,
        %parallel_loop3A_1325 = arith.index_cast %parallel_loop3A_739 : i32 to index
        %parallel_loop3A_1326 = arith.constant 704 : index
        %parallel_loop3A_1327 = tpu.vector_load %arg15[%parallel_loop3A_1325, %parallel_loop3A_1326] {strides = array<i32>} : memref<16x768xf32, #tpu.memory_space<vmem>>, vector<16xf32>,
        %parallel_loop3A_1328 = arith.addf %parallel_loop3A_1324, %parallel_loop3A_1327 : vector<16xf32>
        %parallel_loop3A_1329 = arith.index_cast %parallel_loop3A_739 : i32 to index
        %parallel_loop3A_1330 = arith.constant 704 : index
        %parallel_loop3A_1331 = tpu.vector_load %arg16[%parallel_loop3A_1329, %parallel_loop3A_1330] {strides = array<i32>} : memref<16x768xf32, #tpu.memory_space<vmem>>, vector<16xf32>,
        tpu.vector_store %arg16[%parallel_loop3A_1329, %parallel_loop3A_1330], %parallel_loop3A_1328 {strides = array<i32>} : memref<16x768xf32, #tpu.memory_space<vmem>>, vector<16xf32>,
        %parallel_loop3A_1332 = arith.addf %parallel_loop3A_1306, %parallel_loop3A_1328 : vector<16xf32>
        %parallel_loop3A_1333 = arith.mulf %parallel_loop3A_1328, %parallel_loop3A_1328 : vector<16xf32>
        %parallel_loop3A_1334 = arith.addf %parallel_loop3A_1308, %parallel_loop3A_1333 : vector<16xf32>
        %parallel_loop3A_1335 = arith.index_cast %parallel_loop3A_739 : i32 to index
        %parallel_loop3A_1336 = arith.constant 720 : index
        %parallel_loop3A_1337 = tpu.vector_load %arg14[%parallel_loop3A_1335, %parallel_loop3A_1336] {strides = array<i32>} : memref<16x768xf32, #tpu.memory_space<vmem>>, vector<16xf32>,
        %parallel_loop3A_1338 = arith.index_cast %parallel_loop3A_739 : i32 to index
        %parallel_loop3A_1339 = arith.constant 720 : index
        %parallel_loop3A_1340 = tpu.vector_load %arg15[%parallel_loop3A_1338, %parallel_loop3A_1339] {strides = array<i32>} : memref<16x768xf32, #tpu.memory_space<vmem>>, vector<16xf32>,
        %parallel_loop3A_1341 = arith.addf %parallel_loop3A_1337, %parallel_loop3A_1340 : vector<16xf32>
        %parallel_loop3A_1342 = arith.index_cast %parallel_loop3A_739 : i32 to index
        %parallel_loop3A_1343 = arith.constant 720 : index
        %parallel_loop3A_1344 = tpu.vector_load %arg16[%parallel_loop3A_1342, %parallel_loop3A_1343] {strides = array<i32>} : memref<16x768xf32, #tpu.memory_space<vmem>>, vector<16xf32>,
        tpu.vector_store %arg16[%parallel_loop3A_1342, %parallel_loop3A_1343], %parallel_loop3A_1341 {strides = array<i32>} : memref<16x768xf32, #tpu.memory_space<vmem>>, vector<16xf32>,
        %parallel_loop3A_1345 = arith.addf %parallel_loop3A_1319, %parallel_loop3A_1341 : vector<16xf32>
        %parallel_loop3A_1346 = arith.mulf %parallel_loop3A_1341, %parallel_loop3A_1341 : vector<16xf32>
        %parallel_loop3A_1347 = arith.addf %parallel_loop3A_1321, %parallel_loop3A_1346 : vector<16xf32>
        %parallel_loop3A_1348 = arith.index_cast %parallel_loop3A_739 : i32 to index
        %parallel_loop3A_1349 = arith.constant 736 : index
        %parallel_loop3A_1350 = tpu.vector_load %arg14[%parallel_loop3A_1348, %parallel_loop3A_1349] {strides = array<i32>} : memref<16x768xf32, #tpu.memory_space<vmem>>, vector<16xf32>,
        %parallel_loop3A_1351 = arith.index_cast %parallel_loop3A_739 : i32 to index
        %parallel_loop3A_1352 = arith.constant 736 : index
        %parallel_loop3A_1353 = tpu.vector_load %arg15[%parallel_loop3A_1351, %parallel_loop3A_1352] {strides = array<i32>} : memref<16x768xf32, #tpu.memory_space<vmem>>, vector<16xf32>,
        %parallel_loop3A_1354 = arith.addf %parallel_loop3A_1350, %parallel_loop3A_1353 : vector<16xf32>
        %parallel_loop3A_1355 = arith.index_cast %parallel_loop3A_739 : i32 to index
        %parallel_loop3A_1356 = arith.constant 736 : index
        %parallel_loop3A_1357 = tpu.vector_load %arg16[%parallel_loop3A_1355, %parallel_loop3A_1356] {strides = array<i32>} : memref<16x768xf32, #tpu.memory_space<vmem>>, vector<16xf32>,
        tpu.vector_store %arg16[%parallel_loop3A_1355, %parallel_loop3A_1356], %parallel_loop3A_1354 {strides = array<i32>} : memref<16x768xf32, #tpu.memory_space<vmem>>, vector<16xf32>,
        %parallel_loop3A_1358 = arith.addf %parallel_loop3A_1332, %parallel_loop3A_1354 : vector<16xf32>
        %parallel_loop3A_1359 = arith.mulf %parallel_loop3A_1354, %parallel_loop3A_1354 : vector<16xf32>
        %parallel_loop3A_1360 = arith.addf %parallel_loop3A_1334, %parallel_loop3A_1359 : vector<16xf32>
        %parallel_loop3A_1361 = arith.index_cast %parallel_loop3A_739 : i32 to index
        %parallel_loop3A_1362 = arith.constant 752 : index
        %parallel_loop3A_1363 = tpu.vector_load %arg14[%parallel_loop3A_1361, %parallel_loop3A_1362] {strides = array<i32>} : memref<16x768xf32, #tpu.memory_space<vmem>>, vector<16xf32>,
        %parallel_loop3A_1364 = arith.index_cast %parallel_loop3A_739 : i32 to index
        %parallel_loop3A_1365 = arith.constant 752 : index
        %parallel_loop3A_1366 = tpu.vector_load %arg15[%parallel_loop3A_1364, %parallel_loop3A_1365] {strides = array<i32>} : memref<16x768xf32, #tpu.memory_space<vmem>>, vector<16xf32>,
        %parallel_loop3A_1367 = arith.addf %parallel_loop3A_1363, %parallel_loop3A_1366 : vector<16xf32>
        %parallel_loop3A_1368 = arith.index_cast %parallel_loop3A_739 : i32 to index
        %parallel_loop3A_1369 = arith.constant 752 : index
        %parallel_loop3A_1370 = tpu.vector_load %arg16[%parallel_loop3A_1368, %parallel_loop3A_1369] {strides = array<i32>} : memref<16x768xf32, #tpu.memory_space<vmem>>, vector<16xf32>,
        tpu.vector_store %arg16[%parallel_loop3A_1368, %parallel_loop3A_1369], %parallel_loop3A_1367 {strides = array<i32>} : memref<16x768xf32, #tpu.memory_space<vmem>>, vector<16xf32>,
        %parallel_loop3A_1371 = arith.addf %parallel_loop3A_1345, %parallel_loop3A_1367 : vector<16xf32>
        %parallel_loop3A_1372 = arith.mulf %parallel_loop3A_1367, %parallel_loop3A_1367 : vector<16xf32>
        %parallel_loop3A_1373 = arith.addf %parallel_loop3A_1347, %parallel_loop3A_1372 : vector<16xf32>
        %parallel_loop3A_1374 = arith.addf %parallel_loop3A_1358, %parallel_loop3A_1371 : vector<16xf32>
        %parallel_loop3A_1375 = arith.addf %parallel_loop3A_1360, %parallel_loop3A_1373 : vector<16xf32>
        %parallel_loop3A_1376 = arith.constant 8 : i32
        %parallel_loop3A_1377 = vector.broadcast %parallel_loop3A_1376 : i32 to vector<16xi32>
        %parallel_loop3A_1378 = arith.xori %iota3A, %parallel_loop3A_1377 : vector<16xi32>
        %parallel_loop3A_1379 = vector.shape_cast %parallel_loop3A_1378 : vector<16xi32> to vector<16x1xi32>
        %parallel_loop3A_1380 = vector.shape_cast %parallel_loop3A_1379 : vector<16x1xi32> to vector<16xi32>
        %parallel_loop3A_1381 = tpu.dynamic_gather %parallel_loop3A_1374[%parallel_loop3A_1380] in [0] : vector<16xf32>, vector<16xi32> -> vector<16xf32>
        %parallel_loop3A_1382 = arith.addf %parallel_loop3A_1374, %parallel_loop3A_1381 : vector<16xf32>
        %parallel_loop3A_1383 = vector.shape_cast %parallel_loop3A_1378 : vector<16xi32> to vector<16x1xi32>
        %parallel_loop3A_1384 = vector.shape_cast %parallel_loop3A_1383 : vector<16x1xi32> to vector<16xi32>
        %parallel_loop3A_1385 = tpu.dynamic_gather %parallel_loop3A_1375[%parallel_loop3A_1384] in [0] : vector<16xf32>, vector<16xi32> -> vector<16xf32>
        %parallel_loop3A_1386 = arith.addf %parallel_loop3A_1375, %parallel_loop3A_1385 : vector<16xf32>
        %parallel_loop3A_1387 = arith.constant 4 : i32
        %parallel_loop3A_1388 = vector.broadcast %parallel_loop3A_1387 : i32 to vector<16xi32>
        %parallel_loop3A_1389 = arith.xori %iota3A, %parallel_loop3A_1388 : vector<16xi32>
        %parallel_loop3A_1390 = vector.shape_cast %parallel_loop3A_1389 : vector<16xi32> to vector<16x1xi32>
        %parallel_loop3A_1391 = vector.shape_cast %parallel_loop3A_1390 : vector<16x1xi32> to vector<16xi32>
        %parallel_loop3A_1392 = tpu.dynamic_gather %parallel_loop3A_1382[%parallel_loop3A_1391] in [0] : vector<16xf32>, vector<16xi32> -> vector<16xf32>
        %parallel_loop3A_1393 = arith.addf %parallel_loop3A_1382, %parallel_loop3A_1392 : vector<16xf32>
        %parallel_loop3A_1394 = vector.shape_cast %parallel_loop3A_1389 : vector<16xi32> to vector<16x1xi32>
        %parallel_loop3A_1395 = vector.shape_cast %parallel_loop3A_1394 : vector<16x1xi32> to vector<16xi32>
        %parallel_loop3A_1396 = tpu.dynamic_gather %parallel_loop3A_1386[%parallel_loop3A_1395] in [0] : vector<16xf32>, vector<16xi32> -> vector<16xf32>
        %parallel_loop3A_1397 = arith.addf %parallel_loop3A_1386, %parallel_loop3A_1396 : vector<16xf32>
        %parallel_loop3A_1398 = arith.constant 2 : i32
        %parallel_loop3A_1399 = vector.broadcast %parallel_loop3A_1398 : i32 to vector<16xi32>
        %parallel_loop3A_1400 = arith.xori %iota3A, %parallel_loop3A_1399 : vector<16xi32>
        %parallel_loop3A_1401 = vector.shape_cast %parallel_loop3A_1400 : vector<16xi32> to vector<16x1xi32>
        %parallel_loop3A_1402 = vector.shape_cast %parallel_loop3A_1401 : vector<16x1xi32> to vector<16xi32>
        %parallel_loop3A_1403 = tpu.dynamic_gather %parallel_loop3A_1393[%parallel_loop3A_1402] in [0] : vector<16xf32>, vector<16xi32> -> vector<16xf32>
        %parallel_loop3A_1404 = arith.addf %parallel_loop3A_1393, %parallel_loop3A_1403 : vector<16xf32>
        %parallel_loop3A_1405 = vector.shape_cast %parallel_loop3A_1400 : vector<16xi32> to vector<16x1xi32>
        %parallel_loop3A_1406 = vector.shape_cast %parallel_loop3A_1405 : vector<16x1xi32> to vector<16xi32>
        %parallel_loop3A_1407 = tpu.dynamic_gather %parallel_loop3A_1397[%parallel_loop3A_1406] in [0] : vector<16xf32>, vector<16xi32> -> vector<16xf32>
        %parallel_loop3A_1408 = arith.addf %parallel_loop3A_1397, %parallel_loop3A_1407 : vector<16xf32>
        %parallel_loop3A_1409 = arith.constant 1 : i32
        %parallel_loop3A_1410 = vector.broadcast %parallel_loop3A_1409 : i32 to vector<16xi32>
        %parallel_loop3A_1411 = arith.xori %iota3A, %parallel_loop3A_1410 : vector<16xi32>
        %parallel_loop3A_1412 = vector.shape_cast %parallel_loop3A_1411 : vector<16xi32> to vector<16x1xi32>
        %parallel_loop3A_1413 = vector.shape_cast %parallel_loop3A_1412 : vector<16x1xi32> to vector<16xi32>
        %parallel_loop3A_1414 = tpu.dynamic_gather %parallel_loop3A_1404[%parallel_loop3A_1413] in [0] : vector<16xf32>, vector<16xi32> -> vector<16xf32>
        %parallel_loop3A_1415 = arith.addf %parallel_loop3A_1404, %parallel_loop3A_1414 : vector<16xf32>
        %parallel_loop3A_1416 = vector.shape_cast %parallel_loop3A_1411 : vector<16xi32> to vector<16x1xi32>
        %parallel_loop3A_1417 = vector.shape_cast %parallel_loop3A_1416 : vector<16x1xi32> to vector<16xi32>
        %parallel_loop3A_1418 = tpu.dynamic_gather %parallel_loop3A_1408[%parallel_loop3A_1417] in [0] : vector<16xf32>, vector<16xi32> -> vector<16xf32>
        %parallel_loop3A_1419 = arith.addf %parallel_loop3A_1408, %parallel_loop3A_1418 : vector<16xf32>
        %parallel_loop3A_1420 = vector.broadcast %scan3A_61 : f32 to vector<16xf32>
        %parallel_loop3A_1421 = arith.mulf %parallel_loop3A_1415, %parallel_loop3A_1420 : vector<16xf32>
        %parallel_loop3A_1422 = vector.broadcast %scan3A_61 : f32 to vector<16xf32>
        %parallel_loop3A_1423 = arith.mulf %parallel_loop3A_1419, %parallel_loop3A_1422 : vector<16xf32>
        %parallel_loop3A_1424 = arith.mulf %parallel_loop3A_1421, %parallel_loop3A_1421 : vector<16xf32>
        %parallel_loop3A_1425 = arith.subf %parallel_loop3A_1423, %parallel_loop3A_1424 : vector<16xf32>
        %parallel_loop3A_1426 = arith.constant 9.99999974E-6 : f32
        %parallel_loop3A_1427 = vector.broadcast %parallel_loop3A_1426 : f32 to vector<16xf32>
        %parallel_loop3A_1428 = arith.addf %parallel_loop3A_1425, %parallel_loop3A_1427 : vector<16xf32>
        %parallel_loop3A_1429 = vector.bitcast %parallel_loop3A_1428 : vector<16xf32> to vector<16xi32>
        %parallel_loop3A_1430 = arith.constant 1 : i32
        %parallel_loop3A_1431 = vector.broadcast %parallel_loop3A_1430 : i32 to vector<16xi32>
        %parallel_loop3A_1432 = arith.shrui %parallel_loop3A_1429, %parallel_loop3A_1431 : vector<16xi32>
        %parallel_loop3A_1433 = arith.constant 1597463007 : i32
        %parallel_loop3A_1434 = vector.broadcast %parallel_loop3A_1433 : i32 to vector<16xi32>
        %parallel_loop3A_1435 = arith.subi %parallel_loop3A_1434, %parallel_loop3A_1432 : vector<16xi32>
        %parallel_loop3A_1436 = vector.bitcast %parallel_loop3A_1435 : vector<16xi32> to vector<16xf32>
        %parallel_loop3A_1437 = arith.constant -5.000000e-01 : f32
        %parallel_loop3A_1438 = vector.broadcast %parallel_loop3A_1437 : f32 to vector<16xf32>
        %parallel_loop3A_1439 = arith.mulf %parallel_loop3A_1428, %parallel_loop3A_1438 : vector<16xf32>
        %parallel_loop3A_1440 = arith.mulf %parallel_loop3A_1439, %parallel_loop3A_1436 : vector<16xf32>
        %parallel_loop3A_1441 = arith.mulf %parallel_loop3A_1440, %parallel_loop3A_1436 : vector<16xf32>
        %parallel_loop3A_1442 = arith.constant 1.500000e+00 : f32
        %parallel_loop3A_1443 = vector.broadcast %parallel_loop3A_1442 : f32 to vector<16xf32>
        %parallel_loop3A_1444 = arith.addf %parallel_loop3A_1441, %parallel_loop3A_1443 : vector<16xf32>
        %parallel_loop3A_1445 = arith.mulf %parallel_loop3A_1436, %parallel_loop3A_1444 : vector<16xf32>
        %parallel_loop3A_1446 = arith.mulf %parallel_loop3A_1439, %parallel_loop3A_1445 : vector<16xf32>
        %parallel_loop3A_1447 = arith.mulf %parallel_loop3A_1446, %parallel_loop3A_1445 : vector<16xf32>
        %parallel_loop3A_1448 = arith.constant 1.500000e+00 : f32
        %parallel_loop3A_1449 = vector.broadcast %parallel_loop3A_1448 : f32 to vector<16xf32>
        %parallel_loop3A_1450 = arith.addf %parallel_loop3A_1447, %parallel_loop3A_1449 : vector<16xf32>
        %parallel_loop3A_1451 = arith.mulf %parallel_loop3A_1445, %parallel_loop3A_1450 : vector<16xf32>
        %parallel_loop3A_1452 = vector.broadcast %parallel_loop3A_739 : i32 to vector<16xi32>
        %parallel_loop3A_1453 = arith.cmpi eq, %iota3A, %parallel_loop3A_1452 : vector<16xi32>
        %parallel_loop3A_1454 = arith.select %parallel_loop3A_1453, %parallel_loop3A_1421, %parallel_loop3A_740 : vector<16xi1>, vector<16xf32>
        %parallel_loop3A_1455 = arith.select %parallel_loop3A_1453, %parallel_loop3A_1451, %parallel_loop3A_741 : vector<16xi1>, vector<16xf32>
        scf.yield %parallel_loop3A_1454, %parallel_loop3A_1455 : vector<16xf32>, vector<16xf32>
      } {sc.loop_unroll_factor = 2 : i64, sc.parallel_access}
      %gt3A_426 = arith.constant 0 : i32
      %gt3A_427 = arith.cmpi sgt, %scan3A_76, %gt3A_426 : i32
      %convert_element_type3A_428 = arith.extui %gt3A_427 : i1 to i32
      %cond3A_429 = arith.constant 0 : i32
      %cond3A_430 = arith.cmpi ne, %convert_element_type3A_428, %cond3A_429 : i32
      scf.if %cond3A_430 {
        %dma_wait3A_739 = arith.constant 0 : i32
        %dma_wait3A_740 = tpu.memref_slice %arg7[%multiple_of3A, %dma_wait3A_739] : memref<32768x768xf32, #tpu.memory_space<hbm>> -> memref<16x768xf32, #tpu.memory_space<hbm>>
        %dma_wait3A_741 = arith.constant 0 : i32
        %dma_wait3A_742 = tpu.memref_slice %arg7[%multiple_of3A, %dma_wait3A_741] : memref<32768x768xf32, #tpu.memory_space<hbm>> -> memref<16x768xf32, #tpu.memory_space<hbm>>
        tpu.wait_dma2 semaphore(%arg24 : memref<!tpu.dma_semaphore, #tpu.memory_space<semaphore_mem>>) src(%arg16 : memref<16x768xf32, #tpu.memory_space<vmem>>) dst(%dma_wait3A_742 : memref<16x768xf32, #tpu.memory_space<hbm>>)
      } else {
      }
      %mul3A_431 = arith.constant 0 : i32
      %mul3A_432 = vector.broadcast %mul3A_431 : i32 to vector<16xi32>
      %mul3A_433 = arith.muli %iota3A, %mul3A_432 : vector<16xi32>
      %add3A_434 = arith.constant 0 : i32
      %add3A_435 = vector.broadcast %add3A_434 : i32 to vector<16xi32>
      %add3A_436 = arith.addi %mul3A_433, %add3A_435 : vector<16xi32>
      %broadcast_in_dim3A_437 = vector.shape_cast %add3A_436 : vector<16xi32> to vector<16x1xi32>
      %gather3A_438 = vector.shape_cast %broadcast_in_dim3A_437 : vector<16x1xi32> to vector<16xi32>
      %gather3A_439 = tpu.dynamic_gather %parallel_loop3A_425#0[%gather3A_438] in [0] : vector<16xf32>, vector<16xi32> -> vector<16xf32>
      %mul3A_440 = arith.constant 0 : i32
      %mul3A_441 = vector.broadcast %mul3A_440 : i32 to vector<16xi32>
      %mul3A_442 = arith.muli %iota3A, %mul3A_441 : vector<16xi32>
      %add3A_443 = arith.constant 1 : i32
      %add3A_444 = vector.broadcast %add3A_443 : i32 to vector<16xi32>
      %add3A_445 = arith.addi %mul3A_442, %add3A_444 : vector<16xi32>
      %broadcast_in_dim3A_446 = vector.shape_cast %add3A_445 : vector<16xi32> to vector<16x1xi32>
      %gather3A_447 = vector.shape_cast %broadcast_in_dim3A_446 : vector<16x1xi32> to vector<16xi32>
      %gather3A_448 = tpu.dynamic_gather %parallel_loop3A_425#0[%gather3A_447] in [0] : vector<16xf32>, vector<16xi32> -> vector<16xf32>
      %mul3A_449 = arith.constant 0 : i32
      %mul3A_450 = vector.broadcast %mul3A_449 : i32 to vector<16xi32>
      %mul3A_451 = arith.muli %iota3A, %mul3A_450 : vector<16xi32>
      %add3A_452 = arith.constant 2 : i32
      %add3A_453 = vector.broadcast %add3A_452 : i32 to vector<16xi32>
      %add3A_454 = arith.addi %mul3A_451, %add3A_453 : vector<16xi32>
      %broadcast_in_dim3A_455 = vector.shape_cast %add3A_454 : vector<16xi32> to vector<16x1xi32>
      %gather3A_456 = vector.shape_cast %broadcast_in_dim3A_455 : vector<16x1xi32> to vector<16xi32>
      %gather3A_457 = tpu.dynamic_gather %parallel_loop3A_425#0[%gather3A_456] in [0] : vector<16xf32>, vector<16xi32> -> vector<16xf32>
      %mul3A_458 = arith.constant 0 : i32
      %mul3A_459 = vector.broadcast %mul3A_458 : i32 to vector<16xi32>
      %mul3A_460 = arith.muli %iota3A, %mul3A_459 : vector<16xi32>
      %add3A_461 = arith.constant 3 : i32
      %add3A_462 = vector.broadcast %add3A_461 : i32 to vector<16xi32>
      %add3A_463 = arith.addi %mul3A_460, %add3A_462 : vector<16xi32>
      %broadcast_in_dim3A_464 = vector.shape_cast %add3A_463 : vector<16xi32> to vector<16x1xi32>
      %gather3A_465 = vector.shape_cast %broadcast_in_dim3A_464 : vector<16x1xi32> to vector<16xi32>
      %gather3A_466 = tpu.dynamic_gather %parallel_loop3A_425#0[%gather3A_465] in [0] : vector<16xf32>, vector<16xi32> -> vector<16xf32>
      %mul3A_467 = arith.constant 0 : i32
      %mul3A_468 = vector.broadcast %mul3A_467 : i32 to vector<16xi32>
      %mul3A_469 = arith.muli %iota3A, %mul3A_468 : vector<16xi32>
      %add3A_470 = arith.constant 4 : i32
      %add3A_471 = vector.broadcast %add3A_470 : i32 to vector<16xi32>
      %add3A_472 = arith.addi %mul3A_469, %add3A_471 : vector<16xi32>
      %broadcast_in_dim3A_473 = vector.shape_cast %add3A_472 : vector<16xi32> to vector<16x1xi32>
      %gather3A_474 = vector.shape_cast %broadcast_in_dim3A_473 : vector<16x1xi32> to vector<16xi32>
      %gather3A_475 = tpu.dynamic_gather %parallel_loop3A_425#0[%gather3A_474] in [0] : vector<16xf32>, vector<16xi32> -> vector<16xf32>
      %mul3A_476 = arith.constant 0 : i32
      %mul3A_477 = vector.broadcast %mul3A_476 : i32 to vector<16xi32>
      %mul3A_478 = arith.muli %iota3A, %mul3A_477 : vector<16xi32>
      %add3A_479 = arith.constant 5 : i32
      %add3A_480 = vector.broadcast %add3A_479 : i32 to vector<16xi32>
      %add3A_481 = arith.addi %mul3A_478, %add3A_480 : vector<16xi32>
      %broadcast_in_dim3A_482 = vector.shape_cast %add3A_481 : vector<16xi32> to vector<16x1xi32>
      %gather3A_483 = vector.shape_cast %broadcast_in_dim3A_482 : vector<16x1xi32> to vector<16xi32>
      %gather3A_484 = tpu.dynamic_gather %parallel_loop3A_425#0[%gather3A_483] in [0] : vector<16xf32>, vector<16xi32> -> vector<16xf32>
      %mul3A_485 = arith.constant 0 : i32
      %mul3A_486 = vector.broadcast %mul3A_485 : i32 to vector<16xi32>
      %mul3A_487 = arith.muli %iota3A, %mul3A_486 : vector<16xi32>
      %add3A_488 = arith.constant 6 : i32
      %add3A_489 = vector.broadcast %add3A_488 : i32 to vector<16xi32>
      %add3A_490 = arith.addi %mul3A_487, %add3A_489 : vector<16xi32>
      %broadcast_in_dim3A_491 = vector.shape_cast %add3A_490 : vector<16xi32> to vector<16x1xi32>
      %gather3A_492 = vector.shape_cast %broadcast_in_dim3A_491 : vector<16x1xi32> to vector<16xi32>
      %gather3A_493 = tpu.dynamic_gather %parallel_loop3A_425#0[%gather3A_492] in [0] : vector<16xf32>, vector<16xi32> -> vector<16xf32>
      %mul3A_494 = arith.constant 0 : i32
      %mul3A_495 = vector.broadcast %mul3A_494 : i32 to vector<16xi32>
      %mul3A_496 = arith.muli %iota3A, %mul3A_495 : vector<16xi32>
      %add3A_497 = arith.constant 7 : i32
      %add3A_498 = vector.broadcast %add3A_497 : i32 to vector<16xi32>
      %add3A_499 = arith.addi %mul3A_496, %add3A_498 : vector<16xi32>
      %broadcast_in_dim3A_500 = vector.shape_cast %add3A_499 : vector<16xi32> to vector<16x1xi32>
      %gather3A_501 = vector.shape_cast %broadcast_in_dim3A_500 : vector<16x1xi32> to vector<16xi32>
      %gather3A_502 = tpu.dynamic_gather %parallel_loop3A_425#0[%gather3A_501] in [0] : vector<16xf32>, vector<16xi32> -> vector<16xf32>
      %mul3A_503 = arith.constant 0 : i32
      %mul3A_504 = vector.broadcast %mul3A_503 : i32 to vector<16xi32>
      %mul3A_505 = arith.muli %iota3A, %mul3A_504 : vector<16xi32>
      %add3A_506 = arith.constant 0 : i32
      %add3A_507 = vector.broadcast %add3A_506 : i32 to vector<16xi32>
      %add3A_508 = arith.addi %mul3A_505, %add3A_507 : vector<16xi32>
      %broadcast_in_dim3A_509 = vector.shape_cast %add3A_508 : vector<16xi32> to vector<16x1xi32>
      %gather3A_510 = vector.shape_cast %broadcast_in_dim3A_509 : vector<16x1xi32> to vector<16xi32>
      %gather3A_511 = tpu.dynamic_gather %parallel_loop3A_425#1[%gather3A_510] in [0] : vector<16xf32>, vector<16xi32> -> vector<16xf32>
      %mul3A_512 = arith.constant 0 : i32
      %mul3A_513 = vector.broadcast %mul3A_512 : i32 to vector<16xi32>
      %mul3A_514 = arith.muli %iota3A, %mul3A_513 : vector<16xi32>
      %add3A_515 = arith.constant 1 : i32
      %add3A_516 = vector.broadcast %add3A_515 : i32 to vector<16xi32>
      %add3A_517 = arith.addi %mul3A_514, %add3A_516 : vector<16xi32>
      %broadcast_in_dim3A_518 = vector.shape_cast %add3A_517 : vector<16xi32> to vector<16x1xi32>
      %gather3A_519 = vector.shape_cast %broadcast_in_dim3A_518 : vector<16x1xi32> to vector<16xi32>
      %gather3A_520 = tpu.dynamic_gather %parallel_loop3A_425#1[%gather3A_519] in [0] : vector<16xf32>, vector<16xi32> -> vector<16xf32>
      %mul3A_521 = arith.constant 0 : i32
      %mul3A_522 = vector.broadcast %mul3A_521 : i32 to vector<16xi32>
      %mul3A_523 = arith.muli %iota3A, %mul3A_522 : vector<16xi32>
      %add3A_524 = arith.constant 2 : i32
      %add3A_525 = vector.broadcast %add3A_524 : i32 to vector<16xi32>
      %add3A_526 = arith.addi %mul3A_523, %add3A_525 : vector<16xi32>
      %broadcast_in_dim3A_527 = vector.shape_cast %add3A_526 : vector<16xi32> to vector<16x1xi32>
      %gather3A_528 = vector.shape_cast %broadcast_in_dim3A_527 : vector<16x1xi32> to vector<16xi32>
      %gather3A_529 = tpu.dynamic_gather %parallel_loop3A_425#1[%gather3A_528] in [0] : vector<16xf32>, vector<16xi32> -> vector<16xf32>
      %mul3A_530 = arith.constant 0 : i32
      %mul3A_531 = vector.broadcast %mul3A_530 : i32 to vector<16xi32>
      %mul3A_532 = arith.muli %iota3A, %mul3A_531 : vector<16xi32>
      %add3A_533 = arith.constant 3 : i32
      %add3A_534 = vector.broadcast %add3A_533 : i32 to vector<16xi32>
      %add3A_535 = arith.addi %mul3A_532, %add3A_534 : vector<16xi32>
      %broadcast_in_dim3A_536 = vector.shape_cast %add3A_535 : vector<16xi32> to vector<16x1xi32>
      %gather3A_537 = vector.shape_cast %broadcast_in_dim3A_536 : vector<16x1xi32> to vector<16xi32>
      %gather3A_538 = tpu.dynamic_gather %parallel_loop3A_425#1[%gather3A_537] in [0] : vector<16xf32>, vector<16xi32> -> vector<16xf32>
      %mul3A_539 = arith.constant 0 : i32
      %mul3A_540 = vector.broadcast %mul3A_539 : i32 to vector<16xi32>
      %mul3A_541 = arith.muli %iota3A, %mul3A_540 : vector<16xi32>
      %add3A_542 = arith.constant 4 : i32
      %add3A_543 = vector.broadcast %add3A_542 : i32 to vector<16xi32>
      %add3A_544 = arith.addi %mul3A_541, %add3A_543 : vector<16xi32>
      %broadcast_in_dim3A_545 = vector.shape_cast %add3A_544 : vector<16xi32> to vector<16x1xi32>
      %gather3A_546 = vector.shape_cast %broadcast_in_dim3A_545 : vector<16x1xi32> to vector<16xi32>
      %gather3A_547 = tpu.dynamic_gather %parallel_loop3A_425#1[%gather3A_546] in [0] : vector<16xf32>, vector<16xi32> -> vector<16xf32>
      %mul3A_548 = arith.constant 0 : i32
      %mul3A_549 = vector.broadcast %mul3A_548 : i32 to vector<16xi32>
      %mul3A_550 = arith.muli %iota3A, %mul3A_549 : vector<16xi32>
      %add3A_551 = arith.constant 5 : i32
      %add3A_552 = vector.broadcast %add3A_551 : i32 to vector<16xi32>
      %add3A_553 = arith.addi %mul3A_550, %add3A_552 : vector<16xi32>
      %broadcast_in_dim3A_554 = vector.shape_cast %add3A_553 : vector<16xi32> to vector<16x1xi32>
      %gather3A_555 = vector.shape_cast %broadcast_in_dim3A_554 : vector<16x1xi32> to vector<16xi32>
      %gather3A_556 = tpu.dynamic_gather %parallel_loop3A_425#1[%gather3A_555] in [0] : vector<16xf32>, vector<16xi32> -> vector<16xf32>
      %mul3A_557 = arith.constant 0 : i32
      %mul3A_558 = vector.broadcast %mul3A_557 : i32 to vector<16xi32>
      %mul3A_559 = arith.muli %iota3A, %mul3A_558 : vector<16xi32>
      %add3A_560 = arith.constant 6 : i32
      %add3A_561 = vector.broadcast %add3A_560 : i32 to vector<16xi32>
      %add3A_562 = arith.addi %mul3A_559, %add3A_561 : vector<16xi32>
      %broadcast_in_dim3A_563 = vector.shape_cast %add3A_562 : vector<16xi32> to vector<16x1xi32>
      %gather3A_564 = vector.shape_cast %broadcast_in_dim3A_563 : vector<16x1xi32> to vector<16xi32>
      %gather3A_565 = tpu.dynamic_gather %parallel_loop3A_425#1[%gather3A_564] in [0] : vector<16xf32>, vector<16xi32> -> vector<16xf32>
      %mul3A_566 = arith.constant 0 : i32
      %mul3A_567 = vector.broadcast %mul3A_566 : i32 to vector<16xi32>
      %mul3A_568 = arith.muli %iota3A, %mul3A_567 : vector<16xi32>
      %add3A_569 = arith.constant 7 : i32
      %add3A_570 = vector.broadcast %add3A_569 : i32 to vector<16xi32>
      %add3A_571 = arith.addi %mul3A_568, %add3A_570 : vector<16xi32>
      %broadcast_in_dim3A_572 = vector.shape_cast %add3A_571 : vector<16xi32> to vector<16x1xi32>
      %gather3A_573 = vector.shape_cast %broadcast_in_dim3A_572 : vector<16x1xi32> to vector<16xi32>
      %gather3A_574 = tpu.dynamic_gather %parallel_loop3A_425#1[%gather3A_573] in [0] : vector<16xf32>, vector<16xi32> -> vector<16xf32>
      %parallel_loop3A_575 = arith.constant 0 : i32
      %parallel_loop3A_576 = arith.constant 48 : i32
      %parallel_loop3A_577 = arith.constant 1 : i32
      scf.for %parallel_loop3A_739 = %parallel_loop3A_575 to %parallel_loop3A_576 step %parallel_loop3A_577  : i32 {
        %parallel_loop3A_740 = arith.constant 16 : i32
        %parallel_loop3A_741 = arith.muli %parallel_loop3A_739, %parallel_loop3A_740 : i32
        %parallel_loop3A_742 = arith.index_cast %parallel_loop3A_741 : i32 to index
        %parallel_loop3A_743 = tpu.vector_load %arg17[%parallel_loop3A_742] {strides = array<i32>} : memref<768xf32, #tpu.memory_space<vmem>>, vector<16xf32>,
        %parallel_loop3A_744 = arith.index_cast %parallel_loop3A_741 : i32 to index
        %parallel_loop3A_745 = tpu.vector_load %arg18[%parallel_loop3A_744] {strides = array<i32>} : memref<768xf32, #tpu.memory_space<vmem>>, vector<16xf32>,
        %parallel_loop3A_746 = arith.constant 0 : i32
        %parallel_loop3A_747 = arith.index_cast %parallel_loop3A_746 : i32 to index
        %parallel_loop3A_748 = arith.index_cast %parallel_loop3A_741 : i32 to index
        %parallel_loop3A_749 = tpu.vector_load %arg16[%parallel_loop3A_747, %parallel_loop3A_748] {strides = array<i32>} : memref<16x768xf32, #tpu.memory_space<vmem>>, vector<16xf32>,
        %parallel_loop3A_750 = arith.subf %parallel_loop3A_749, %gather3A_439 : vector<16xf32>
        %parallel_loop3A_751 = arith.mulf %gather3A_511, %parallel_loop3A_743 : vector<16xf32>
        %parallel_loop3A_752 = arith.mulf %parallel_loop3A_750, %parallel_loop3A_751 : vector<16xf32>
        %parallel_loop3A_753 = arith.addf %parallel_loop3A_752, %parallel_loop3A_745 : vector<16xf32>
        %parallel_loop3A_754 = arith.constant 0 : i32
        %parallel_loop3A_755 = arith.index_cast %parallel_loop3A_754 : i32 to index
        %parallel_loop3A_756 = arith.index_cast %parallel_loop3A_741 : i32 to index
        %parallel_loop3A_757 = tpu.vector_load %arg16[%parallel_loop3A_755, %parallel_loop3A_756] {strides = array<i32>} : memref<16x768xf32, #tpu.memory_space<vmem>>, vector<16xf32>,
        tpu.vector_store %arg16[%parallel_loop3A_755, %parallel_loop3A_756], %parallel_loop3A_753 {strides = array<i32>} : memref<16x768xf32, #tpu.memory_space<vmem>>, vector<16xf32>,
        %parallel_loop3A_758 = arith.constant 1 : i32
        %parallel_loop3A_759 = arith.index_cast %parallel_loop3A_758 : i32 to index
        %parallel_loop3A_760 = arith.index_cast %parallel_loop3A_741 : i32 to index
        %parallel_loop3A_761 = tpu.vector_load %arg16[%parallel_loop3A_759, %parallel_loop3A_760] {strides = array<i32>} : memref<16x768xf32, #tpu.memory_space<vmem>>, vector<16xf32>,
        %parallel_loop3A_762 = arith.subf %parallel_loop3A_761, %gather3A_448 : vector<16xf32>
        %parallel_loop3A_763 = arith.mulf %gather3A_520, %parallel_loop3A_743 : vector<16xf32>
        %parallel_loop3A_764 = arith.mulf %parallel_loop3A_762, %parallel_loop3A_763 : vector<16xf32>
        %parallel_loop3A_765 = arith.addf %parallel_loop3A_764, %parallel_loop3A_745 : vector<16xf32>
        %parallel_loop3A_766 = arith.constant 1 : i32
        %parallel_loop3A_767 = arith.index_cast %parallel_loop3A_766 : i32 to index
        %parallel_loop3A_768 = arith.index_cast %parallel_loop3A_741 : i32 to index
        %parallel_loop3A_769 = tpu.vector_load %arg16[%parallel_loop3A_767, %parallel_loop3A_768] {strides = array<i32>} : memref<16x768xf32, #tpu.memory_space<vmem>>, vector<16xf32>,
        tpu.vector_store %arg16[%parallel_loop3A_767, %parallel_loop3A_768], %parallel_loop3A_765 {strides = array<i32>} : memref<16x768xf32, #tpu.memory_space<vmem>>, vector<16xf32>,
        %parallel_loop3A_770 = arith.constant 2 : i32
        %parallel_loop3A_771 = arith.index_cast %parallel_loop3A_770 : i32 to index
        %parallel_loop3A_772 = arith.index_cast %parallel_loop3A_741 : i32 to index
        %parallel_loop3A_773 = tpu.vector_load %arg16[%parallel_loop3A_771, %parallel_loop3A_772] {strides = array<i32>} : memref<16x768xf32, #tpu.memory_space<vmem>>, vector<16xf32>,
        %parallel_loop3A_774 = arith.subf %parallel_loop3A_773, %gather3A_457 : vector<16xf32>
        %parallel_loop3A_775 = arith.mulf %gather3A_529, %parallel_loop3A_743 : vector<16xf32>
        %parallel_loop3A_776 = arith.mulf %parallel_loop3A_774, %parallel_loop3A_775 : vector<16xf32>
        %parallel_loop3A_777 = arith.addf %parallel_loop3A_776, %parallel_loop3A_745 : vector<16xf32>
        %parallel_loop3A_778 = arith.constant 2 : i32
        %parallel_loop3A_779 = arith.index_cast %parallel_loop3A_778 : i32 to index
        %parallel_loop3A_780 = arith.index_cast %parallel_loop3A_741 : i32 to index
        %parallel_loop3A_781 = tpu.vector_load %arg16[%parallel_loop3A_779, %parallel_loop3A_780] {strides = array<i32>} : memref<16x768xf32, #tpu.memory_space<vmem>>, vector<16xf32>,
        tpu.vector_store %arg16[%parallel_loop3A_779, %parallel_loop3A_780], %parallel_loop3A_777 {strides = array<i32>} : memref<16x768xf32, #tpu.memory_space<vmem>>, vector<16xf32>,
        %parallel_loop3A_782 = arith.constant 3 : i32
        %parallel_loop3A_783 = arith.index_cast %parallel_loop3A_782 : i32 to index
        %parallel_loop3A_784 = arith.index_cast %parallel_loop3A_741 : i32 to index
        %parallel_loop3A_785 = tpu.vector_load %arg16[%parallel_loop3A_783, %parallel_loop3A_784] {strides = array<i32>} : memref<16x768xf32, #tpu.memory_space<vmem>>, vector<16xf32>,
        %parallel_loop3A_786 = arith.subf %parallel_loop3A_785, %gather3A_466 : vector<16xf32>
        %parallel_loop3A_787 = arith.mulf %gather3A_538, %parallel_loop3A_743 : vector<16xf32>
        %parallel_loop3A_788 = arith.mulf %parallel_loop3A_786, %parallel_loop3A_787 : vector<16xf32>
        %parallel_loop3A_789 = arith.addf %parallel_loop3A_788, %parallel_loop3A_745 : vector<16xf32>
        %parallel_loop3A_790 = arith.constant 3 : i32
        %parallel_loop3A_791 = arith.index_cast %parallel_loop3A_790 : i32 to index
        %parallel_loop3A_792 = arith.index_cast %parallel_loop3A_741 : i32 to index
        %parallel_loop3A_793 = tpu.vector_load %arg16[%parallel_loop3A_791, %parallel_loop3A_792] {strides = array<i32>} : memref<16x768xf32, #tpu.memory_space<vmem>>, vector<16xf32>,
        tpu.vector_store %arg16[%parallel_loop3A_791, %parallel_loop3A_792], %parallel_loop3A_789 {strides = array<i32>} : memref<16x768xf32, #tpu.memory_space<vmem>>, vector<16xf32>,
        %parallel_loop3A_794 = arith.constant 4 : i32
        %parallel_loop3A_795 = arith.index_cast %parallel_loop3A_794 : i32 to index
        %parallel_loop3A_796 = arith.index_cast %parallel_loop3A_741 : i32 to index
        %parallel_loop3A_797 = tpu.vector_load %arg16[%parallel_loop3A_795, %parallel_loop3A_796] {strides = array<i32>} : memref<16x768xf32, #tpu.memory_space<vmem>>, vector<16xf32>,
        %parallel_loop3A_798 = arith.subf %parallel_loop3A_797, %gather3A_475 : vector<16xf32>
        %parallel_loop3A_799 = arith.mulf %gather3A_547, %parallel_loop3A_743 : vector<16xf32>
        %parallel_loop3A_800 = arith.mulf %parallel_loop3A_798, %parallel_loop3A_799 : vector<16xf32>
        %parallel_loop3A_801 = arith.addf %parallel_loop3A_800, %parallel_loop3A_745 : vector<16xf32>
        %parallel_loop3A_802 = arith.constant 4 : i32
        %parallel_loop3A_803 = arith.index_cast %parallel_loop3A_802 : i32 to index
        %parallel_loop3A_804 = arith.index_cast %parallel_loop3A_741 : i32 to index
        %parallel_loop3A_805 = tpu.vector_load %arg16[%parallel_loop3A_803, %parallel_loop3A_804] {strides = array<i32>} : memref<16x768xf32, #tpu.memory_space<vmem>>, vector<16xf32>,
        tpu.vector_store %arg16[%parallel_loop3A_803, %parallel_loop3A_804], %parallel_loop3A_801 {strides = array<i32>} : memref<16x768xf32, #tpu.memory_space<vmem>>, vector<16xf32>,
        %parallel_loop3A_806 = arith.constant 5 : i32
        %parallel_loop3A_807 = arith.index_cast %parallel_loop3A_806 : i32 to index
        %parallel_loop3A_808 = arith.index_cast %parallel_loop3A_741 : i32 to index
        %parallel_loop3A_809 = tpu.vector_load %arg16[%parallel_loop3A_807, %parallel_loop3A_808] {strides = array<i32>} : memref<16x768xf32, #tpu.memory_space<vmem>>, vector<16xf32>,
        %parallel_loop3A_810 = arith.subf %parallel_loop3A_809, %gather3A_484 : vector<16xf32>
        %parallel_loop3A_811 = arith.mulf %gather3A_556, %parallel_loop3A_743 : vector<16xf32>
        %parallel_loop3A_812 = arith.mulf %parallel_loop3A_810, %parallel_loop3A_811 : vector<16xf32>
        %parallel_loop3A_813 = arith.addf %parallel_loop3A_812, %parallel_loop3A_745 : vector<16xf32>
        %parallel_loop3A_814 = arith.constant 5 : i32
        %parallel_loop3A_815 = arith.index_cast %parallel_loop3A_814 : i32 to index
        %parallel_loop3A_816 = arith.index_cast %parallel_loop3A_741 : i32 to index
        %parallel_loop3A_817 = tpu.vector_load %arg16[%parallel_loop3A_815, %parallel_loop3A_816] {strides = array<i32>} : memref<16x768xf32, #tpu.memory_space<vmem>>, vector<16xf32>,
        tpu.vector_store %arg16[%parallel_loop3A_815, %parallel_loop3A_816], %parallel_loop3A_813 {strides = array<i32>} : memref<16x768xf32, #tpu.memory_space<vmem>>, vector<16xf32>,
        %parallel_loop3A_818 = arith.constant 6 : i32
        %parallel_loop3A_819 = arith.index_cast %parallel_loop3A_818 : i32 to index
        %parallel_loop3A_820 = arith.index_cast %parallel_loop3A_741 : i32 to index
        %parallel_loop3A_821 = tpu.vector_load %arg16[%parallel_loop3A_819, %parallel_loop3A_820] {strides = array<i32>} : memref<16x768xf32, #tpu.memory_space<vmem>>, vector<16xf32>,
        %parallel_loop3A_822 = arith.subf %parallel_loop3A_821, %gather3A_493 : vector<16xf32>
        %parallel_loop3A_823 = arith.mulf %gather3A_565, %parallel_loop3A_743 : vector<16xf32>
        %parallel_loop3A_824 = arith.mulf %parallel_loop3A_822, %parallel_loop3A_823 : vector<16xf32>
        %parallel_loop3A_825 = arith.addf %parallel_loop3A_824, %parallel_loop3A_745 : vector<16xf32>
        %parallel_loop3A_826 = arith.constant 6 : i32
        %parallel_loop3A_827 = arith.index_cast %parallel_loop3A_826 : i32 to index
        %parallel_loop3A_828 = arith.index_cast %parallel_loop3A_741 : i32 to index
        %parallel_loop3A_829 = tpu.vector_load %arg16[%parallel_loop3A_827, %parallel_loop3A_828] {strides = array<i32>} : memref<16x768xf32, #tpu.memory_space<vmem>>, vector<16xf32>,
        tpu.vector_store %arg16[%parallel_loop3A_827, %parallel_loop3A_828], %parallel_loop3A_825 {strides = array<i32>} : memref<16x768xf32, #tpu.memory_space<vmem>>, vector<16xf32>,
        %parallel_loop3A_830 = arith.constant 7 : i32
        %parallel_loop3A_831 = arith.index_cast %parallel_loop3A_830 : i32 to index
        %parallel_loop3A_832 = arith.index_cast %parallel_loop3A_741 : i32 to index
        %parallel_loop3A_833 = tpu.vector_load %arg16[%parallel_loop3A_831, %parallel_loop3A_832] {strides = array<i32>} : memref<16x768xf32, #tpu.memory_space<vmem>>, vector<16xf32>,
        %parallel_loop3A_834 = arith.subf %parallel_loop3A_833, %gather3A_502 : vector<16xf32>
        %parallel_loop3A_835 = arith.mulf %gather3A_574, %parallel_loop3A_743 : vector<16xf32>
        %parallel_loop3A_836 = arith.mulf %parallel_loop3A_834, %parallel_loop3A_835 : vector<16xf32>
        %parallel_loop3A_837 = arith.addf %parallel_loop3A_836, %parallel_loop3A_745 : vector<16xf32>
        %parallel_loop3A_838 = arith.constant 7 : i32
        %parallel_loop3A_839 = arith.index_cast %parallel_loop3A_838 : i32 to index
        %parallel_loop3A_840 = arith.index_cast %parallel_loop3A_741 : i32 to index
        %parallel_loop3A_841 = tpu.vector_load %arg16[%parallel_loop3A_839, %parallel_loop3A_840] {strides = array<i32>} : memref<16x768xf32, #tpu.memory_space<vmem>>, vector<16xf32>,
        tpu.vector_store %arg16[%parallel_loop3A_839, %parallel_loop3A_840], %parallel_loop3A_837 {strides = array<i32>} : memref<16x768xf32, #tpu.memory_space<vmem>>, vector<16xf32>,
      } {sc.loop_unroll_factor = 1 : i64, sc.parallel_access}
      %mul3A_578 = arith.constant 0 : i32
      %mul3A_579 = vector.broadcast %mul3A_578 : i32 to vector<16xi32>
      %mul3A_580 = arith.muli %iota3A, %mul3A_579 : vector<16xi32>
      %add3A_581 = arith.constant 8 : i32
      %add3A_582 = vector.broadcast %add3A_581 : i32 to vector<16xi32>
      %add3A_583 = arith.addi %mul3A_580, %add3A_582 : vector<16xi32>
      %broadcast_in_dim3A_584 = vector.shape_cast %add3A_583 : vector<16xi32> to vector<16x1xi32>
      %gather3A_585 = vector.shape_cast %broadcast_in_dim3A_584 : vector<16x1xi32> to vector<16xi32>
      %gather3A_586 = tpu.dynamic_gather %parallel_loop3A_425#0[%gather3A_585] in [0] : vector<16xf32>, vector<16xi32> -> vector<16xf32>
      %mul3A_587 = arith.constant 0 : i32
      %mul3A_588 = vector.broadcast %mul3A_587 : i32 to vector<16xi32>
      %mul3A_589 = arith.muli %iota3A, %mul3A_588 : vector<16xi32>
      %add3A_590 = arith.constant 9 : i32
      %add3A_591 = vector.broadcast %add3A_590 : i32 to vector<16xi32>
      %add3A_592 = arith.addi %mul3A_589, %add3A_591 : vector<16xi32>
      %broadcast_in_dim3A_593 = vector.shape_cast %add3A_592 : vector<16xi32> to vector<16x1xi32>
      %gather3A_594 = vector.shape_cast %broadcast_in_dim3A_593 : vector<16x1xi32> to vector<16xi32>
      %gather3A_595 = tpu.dynamic_gather %parallel_loop3A_425#0[%gather3A_594] in [0] : vector<16xf32>, vector<16xi32> -> vector<16xf32>
      %mul3A_596 = arith.constant 0 : i32
      %mul3A_597 = vector.broadcast %mul3A_596 : i32 to vector<16xi32>
      %mul3A_598 = arith.muli %iota3A, %mul3A_597 : vector<16xi32>
      %add3A_599 = arith.constant 10 : i32
      %add3A_600 = vector.broadcast %add3A_599 : i32 to vector<16xi32>
      %add3A_601 = arith.addi %mul3A_598, %add3A_600 : vector<16xi32>
      %broadcast_in_dim3A_602 = vector.shape_cast %add3A_601 : vector<16xi32> to vector<16x1xi32>
      %gather3A_603 = vector.shape_cast %broadcast_in_dim3A_602 : vector<16x1xi32> to vector<16xi32>
      %gather3A_604 = tpu.dynamic_gather %parallel_loop3A_425#0[%gather3A_603] in [0] : vector<16xf32>, vector<16xi32> -> vector<16xf32>
      %mul3A_605 = arith.constant 0 : i32
      %mul3A_606 = vector.broadcast %mul3A_605 : i32 to vector<16xi32>
      %mul3A_607 = arith.muli %iota3A, %mul3A_606 : vector<16xi32>
      %add3A_608 = arith.constant 11 : i32
      %add3A_609 = vector.broadcast %add3A_608 : i32 to vector<16xi32>
      %add3A_610 = arith.addi %mul3A_607, %add3A_609 : vector<16xi32>
      %broadcast_in_dim3A_611 = vector.shape_cast %add3A_610 : vector<16xi32> to vector<16x1xi32>
      %gather3A_612 = vector.shape_cast %broadcast_in_dim3A_611 : vector<16x1xi32> to vector<16xi32>
      %gather3A_613 = tpu.dynamic_gather %parallel_loop3A_425#0[%gather3A_612] in [0] : vector<16xf32>, vector<16xi32> -> vector<16xf32>
      %mul3A_614 = arith.constant 0 : i32
      %mul3A_615 = vector.broadcast %mul3A_614 : i32 to vector<16xi32>
      %mul3A_616 = arith.muli %iota3A, %mul3A_615 : vector<16xi32>
      %add3A_617 = arith.constant 12 : i32
      %add3A_618 = vector.broadcast %add3A_617 : i32 to vector<16xi32>
      %add3A_619 = arith.addi %mul3A_616, %add3A_618 : vector<16xi32>
      %broadcast_in_dim3A_620 = vector.shape_cast %add3A_619 : vector<16xi32> to vector<16x1xi32>
      %gather3A_621 = vector.shape_cast %broadcast_in_dim3A_620 : vector<16x1xi32> to vector<16xi32>
      %gather3A_622 = tpu.dynamic_gather %parallel_loop3A_425#0[%gather3A_621] in [0] : vector<16xf32>, vector<16xi32> -> vector<16xf32>
      %mul3A_623 = arith.constant 0 : i32
      %mul3A_624 = vector.broadcast %mul3A_623 : i32 to vector<16xi32>
      %mul3A_625 = arith.muli %iota3A, %mul3A_624 : vector<16xi32>
      %add3A_626 = arith.constant 13 : i32
      %add3A_627 = vector.broadcast %add3A_626 : i32 to vector<16xi32>
      %add3A_628 = arith.addi %mul3A_625, %add3A_627 : vector<16xi32>
      %broadcast_in_dim3A_629 = vector.shape_cast %add3A_628 : vector<16xi32> to vector<16x1xi32>
      %gather3A_630 = vector.shape_cast %broadcast_in_dim3A_629 : vector<16x1xi32> to vector<16xi32>
      %gather3A_631 = tpu.dynamic_gather %parallel_loop3A_425#0[%gather3A_630] in [0] : vector<16xf32>, vector<16xi32> -> vector<16xf32>
      %mul3A_632 = arith.constant 0 : i32
      %mul3A_633 = vector.broadcast %mul3A_632 : i32 to vector<16xi32>
      %mul3A_634 = arith.muli %iota3A, %mul3A_633 : vector<16xi32>
      %add3A_635 = arith.constant 14 : i32
      %add3A_636 = vector.broadcast %add3A_635 : i32 to vector<16xi32>
      %add3A_637 = arith.addi %mul3A_634, %add3A_636 : vector<16xi32>
      %broadcast_in_dim3A_638 = vector.shape_cast %add3A_637 : vector<16xi32> to vector<16x1xi32>
      %gather3A_639 = vector.shape_cast %broadcast_in_dim3A_638 : vector<16x1xi32> to vector<16xi32>
      %gather3A_640 = tpu.dynamic_gather %parallel_loop3A_425#0[%gather3A_639] in [0] : vector<16xf32>, vector<16xi32> -> vector<16xf32>
      %mul3A_641 = arith.constant 0 : i32
      %mul3A_642 = vector.broadcast %mul3A_641 : i32 to vector<16xi32>
      %mul3A_643 = arith.muli %iota3A, %mul3A_642 : vector<16xi32>
      %add3A_644 = arith.constant 15 : i32
      %add3A_645 = vector.broadcast %add3A_644 : i32 to vector<16xi32>
      %add3A_646 = arith.addi %mul3A_643, %add3A_645 : vector<16xi32>
      %broadcast_in_dim3A_647 = vector.shape_cast %add3A_646 : vector<16xi32> to vector<16x1xi32>
      %gather3A_648 = vector.shape_cast %broadcast_in_dim3A_647 : vector<16x1xi32> to vector<16xi32>
      %gather3A_649 = tpu.dynamic_gather %parallel_loop3A_425#0[%gather3A_648] in [0] : vector<16xf32>, vector<16xi32> -> vector<16xf32>
      %mul3A_650 = arith.constant 0 : i32
      %mul3A_651 = vector.broadcast %mul3A_650 : i32 to vector<16xi32>
      %mul3A_652 = arith.muli %iota3A, %mul3A_651 : vector<16xi32>
      %add3A_653 = arith.constant 8 : i32
      %add3A_654 = vector.broadcast %add3A_653 : i32 to vector<16xi32>
      %add3A_655 = arith.addi %mul3A_652, %add3A_654 : vector<16xi32>
      %broadcast_in_dim3A_656 = vector.shape_cast %add3A_655 : vector<16xi32> to vector<16x1xi32>
      %gather3A_657 = vector.shape_cast %broadcast_in_dim3A_656 : vector<16x1xi32> to vector<16xi32>
      %gather3A_658 = tpu.dynamic_gather %parallel_loop3A_425#1[%gather3A_657] in [0] : vector<16xf32>, vector<16xi32> -> vector<16xf32>
      %mul3A_659 = arith.constant 0 : i32
      %mul3A_660 = vector.broadcast %mul3A_659 : i32 to vector<16xi32>
      %mul3A_661 = arith.muli %iota3A, %mul3A_660 : vector<16xi32>
      %add3A_662 = arith.constant 9 : i32
      %add3A_663 = vector.broadcast %add3A_662 : i32 to vector<16xi32>
      %add3A_664 = arith.addi %mul3A_661, %add3A_663 : vector<16xi32>
      %broadcast_in_dim3A_665 = vector.shape_cast %add3A_664 : vector<16xi32> to vector<16x1xi32>
      %gather3A_666 = vector.shape_cast %broadcast_in_dim3A_665 : vector<16x1xi32> to vector<16xi32>
      %gather3A_667 = tpu.dynamic_gather %parallel_loop3A_425#1[%gather3A_666] in [0] : vector<16xf32>, vector<16xi32> -> vector<16xf32>
      %mul3A_668 = arith.constant 0 : i32
      %mul3A_669 = vector.broadcast %mul3A_668 : i32 to vector<16xi32>
      %mul3A_670 = arith.muli %iota3A, %mul3A_669 : vector<16xi32>
      %add3A_671 = arith.constant 10 : i32
      %add3A_672 = vector.broadcast %add3A_671 : i32 to vector<16xi32>
      %add3A_673 = arith.addi %mul3A_670, %add3A_672 : vector<16xi32>
      %broadcast_in_dim3A_674 = vector.shape_cast %add3A_673 : vector<16xi32> to vector<16x1xi32>
      %gather3A_675 = vector.shape_cast %broadcast_in_dim3A_674 : vector<16x1xi32> to vector<16xi32>
      %gather3A_676 = tpu.dynamic_gather %parallel_loop3A_425#1[%gather3A_675] in [0] : vector<16xf32>, vector<16xi32> -> vector<16xf32>
      %mul3A_677 = arith.constant 0 : i32
      %mul3A_678 = vector.broadcast %mul3A_677 : i32 to vector<16xi32>
      %mul3A_679 = arith.muli %iota3A, %mul3A_678 : vector<16xi32>
      %add3A_680 = arith.constant 11 : i32
      %add3A_681 = vector.broadcast %add3A_680 : i32 to vector<16xi32>
      %add3A_682 = arith.addi %mul3A_679, %add3A_681 : vector<16xi32>
      %broadcast_in_dim3A_683 = vector.shape_cast %add3A_682 : vector<16xi32> to vector<16x1xi32>
      %gather3A_684 = vector.shape_cast %broadcast_in_dim3A_683 : vector<16x1xi32> to vector<16xi32>
      %gather3A_685 = tpu.dynamic_gather %parallel_loop3A_425#1[%gather3A_684] in [0] : vector<16xf32>, vector<16xi32> -> vector<16xf32>
      %mul3A_686 = arith.constant 0 : i32
      %mul3A_687 = vector.broadcast %mul3A_686 : i32 to vector<16xi32>
      %mul3A_688 = arith.muli %iota3A, %mul3A_687 : vector<16xi32>
      %add3A_689 = arith.constant 12 : i32
      %add3A_690 = vector.broadcast %add3A_689 : i32 to vector<16xi32>
      %add3A_691 = arith.addi %mul3A_688, %add3A_690 : vector<16xi32>
      %broadcast_in_dim3A_692 = vector.shape_cast %add3A_691 : vector<16xi32> to vector<16x1xi32>
      %gather3A_693 = vector.shape_cast %broadcast_in_dim3A_692 : vector<16x1xi32> to vector<16xi32>
      %gather3A_694 = tpu.dynamic_gather %parallel_loop3A_425#1[%gather3A_693] in [0] : vector<16xf32>, vector<16xi32> -> vector<16xf32>
      %mul3A_695 = arith.constant 0 : i32
      %mul3A_696 = vector.broadcast %mul3A_695 : i32 to vector<16xi32>
      %mul3A_697 = arith.muli %iota3A, %mul3A_696 : vector<16xi32>
      %add3A_698 = arith.constant 13 : i32
      %add3A_699 = vector.broadcast %add3A_698 : i32 to vector<16xi32>
      %add3A_700 = arith.addi %mul3A_697, %add3A_699 : vector<16xi32>
      %broadcast_in_dim3A_701 = vector.shape_cast %add3A_700 : vector<16xi32> to vector<16x1xi32>
      %gather3A_702 = vector.shape_cast %broadcast_in_dim3A_701 : vector<16x1xi32> to vector<16xi32>
      %gather3A_703 = tpu.dynamic_gather %parallel_loop3A_425#1[%gather3A_702] in [0] : vector<16xf32>, vector<16xi32> -> vector<16xf32>
      %mul3A_704 = arith.constant 0 : i32
      %mul3A_705 = vector.broadcast %mul3A_704 : i32 to vector<16xi32>
      %mul3A_706 = arith.muli %iota3A, %mul3A_705 : vector<16xi32>
      %add3A_707 = arith.constant 14 : i32
      %add3A_708 = vector.broadcast %add3A_707 : i32 to vector<16xi32>
      %add3A_709 = arith.addi %mul3A_706, %add3A_708 : vector<16xi32>
      %broadcast_in_dim3A_710 = vector.shape_cast %add3A_709 : vector<16xi32> to vector<16x1xi32>
      %gather3A_711 = vector.shape_cast %broadcast_in_dim3A_710 : vector<16x1xi32> to vector<16xi32>
      %gather3A_712 = tpu.dynamic_gather %parallel_loop3A_425#1[%gather3A_711] in [0] : vector<16xf32>, vector<16xi32> -> vector<16xf32>
      %mul3A_713 = arith.constant 0 : i32
      %mul3A_714 = vector.broadcast %mul3A_713 : i32 to vector<16xi32>
      %mul3A_715 = arith.muli %iota3A, %mul3A_714 : vector<16xi32>
      %add3A_716 = arith.constant 15 : i32
      %add3A_717 = vector.broadcast %add3A_716 : i32 to vector<16xi32>
      %add3A_718 = arith.addi %mul3A_715, %add3A_717 : vector<16xi32>
      %broadcast_in_dim3A_719 = vector.shape_cast %add3A_718 : vector<16xi32> to vector<16x1xi32>
      %gather3A_720 = vector.shape_cast %broadcast_in_dim3A_719 : vector<16x1xi32> to vector<16xi32>
      %gather3A_721 = tpu.dynamic_gather %parallel_loop3A_425#1[%gather3A_720] in [0] : vector<16xf32>, vector<16xi32> -> vector<16xf32>
      %parallel_loop3A_722 = arith.constant 0 : i32
      %parallel_loop3A_723 = arith.constant 48 : i32
      %parallel_loop3A_724 = arith.constant 1 : i32
      scf.for %parallel_loop3A_739 = %parallel_loop3A_722 to %parallel_loop3A_723 step %parallel_loop3A_724  : i32 {
        %parallel_loop3A_740 = arith.constant 16 : i32
        %parallel_loop3A_741 = arith.muli %parallel_loop3A_739, %parallel_loop3A_740 : i32
        %parallel_loop3A_742 = arith.index_cast %parallel_loop3A_741 : i32 to index
        %parallel_loop3A_743 = tpu.vector_load %arg17[%parallel_loop3A_742] {strides = array<i32>} : memref<768xf32, #tpu.memory_space<vmem>>, vector<16xf32>,
        %parallel_loop3A_744 = arith.index_cast %parallel_loop3A_741 : i32 to index
        %parallel_loop3A_745 = tpu.vector_load %arg18[%parallel_loop3A_744] {strides = array<i32>} : memref<768xf32, #tpu.memory_space<vmem>>, vector<16xf32>,
        %parallel_loop3A_746 = arith.constant 8 : i32
        %parallel_loop3A_747 = arith.index_cast %parallel_loop3A_746 : i32 to index
        %parallel_loop3A_748 = arith.index_cast %parallel_loop3A_741 : i32 to index
        %parallel_loop3A_749 = tpu.vector_load %arg16[%parallel_loop3A_747, %parallel_loop3A_748] {strides = array<i32>} : memref<16x768xf32, #tpu.memory_space<vmem>>, vector<16xf32>,
        %parallel_loop3A_750 = arith.subf %parallel_loop3A_749, %gather3A_586 : vector<16xf32>
        %parallel_loop3A_751 = arith.mulf %gather3A_658, %parallel_loop3A_743 : vector<16xf32>
        %parallel_loop3A_752 = arith.mulf %parallel_loop3A_750, %parallel_loop3A_751 : vector<16xf32>
        %parallel_loop3A_753 = arith.addf %parallel_loop3A_752, %parallel_loop3A_745 : vector<16xf32>
        %parallel_loop3A_754 = arith.constant 8 : i32
        %parallel_loop3A_755 = arith.index_cast %parallel_loop3A_754 : i32 to index
        %parallel_loop3A_756 = arith.index_cast %parallel_loop3A_741 : i32 to index
        %parallel_loop3A_757 = tpu.vector_load %arg16[%parallel_loop3A_755, %parallel_loop3A_756] {strides = array<i32>} : memref<16x768xf32, #tpu.memory_space<vmem>>, vector<16xf32>,
        tpu.vector_store %arg16[%parallel_loop3A_755, %parallel_loop3A_756], %parallel_loop3A_753 {strides = array<i32>} : memref<16x768xf32, #tpu.memory_space<vmem>>, vector<16xf32>,
        %parallel_loop3A_758 = arith.constant 9 : i32
        %parallel_loop3A_759 = arith.index_cast %parallel_loop3A_758 : i32 to index
        %parallel_loop3A_760 = arith.index_cast %parallel_loop3A_741 : i32 to index
        %parallel_loop3A_761 = tpu.vector_load %arg16[%parallel_loop3A_759, %parallel_loop3A_760] {strides = array<i32>} : memref<16x768xf32, #tpu.memory_space<vmem>>, vector<16xf32>,
        %parallel_loop3A_762 = arith.subf %parallel_loop3A_761, %gather3A_595 : vector<16xf32>
        %parallel_loop3A_763 = arith.mulf %gather3A_667, %parallel_loop3A_743 : vector<16xf32>
        %parallel_loop3A_764 = arith.mulf %parallel_loop3A_762, %parallel_loop3A_763 : vector<16xf32>
        %parallel_loop3A_765 = arith.addf %parallel_loop3A_764, %parallel_loop3A_745 : vector<16xf32>
        %parallel_loop3A_766 = arith.constant 9 : i32
        %parallel_loop3A_767 = arith.index_cast %parallel_loop3A_766 : i32 to index
        %parallel_loop3A_768 = arith.index_cast %parallel_loop3A_741 : i32 to index
        %parallel_loop3A_769 = tpu.vector_load %arg16[%parallel_loop3A_767, %parallel_loop3A_768] {strides = array<i32>} : memref<16x768xf32, #tpu.memory_space<vmem>>, vector<16xf32>,
        tpu.vector_store %arg16[%parallel_loop3A_767, %parallel_loop3A_768], %parallel_loop3A_765 {strides = array<i32>} : memref<16x768xf32, #tpu.memory_space<vmem>>, vector<16xf32>,
        %parallel_loop3A_770 = arith.constant 10 : i32
        %parallel_loop3A_771 = arith.index_cast %parallel_loop3A_770 : i32 to index
        %parallel_loop3A_772 = arith.index_cast %parallel_loop3A_741 : i32 to index
        %parallel_loop3A_773 = tpu.vector_load %arg16[%parallel_loop3A_771, %parallel_loop3A_772] {strides = array<i32>} : memref<16x768xf32, #tpu.memory_space<vmem>>, vector<16xf32>,
        %parallel_loop3A_774 = arith.subf %parallel_loop3A_773, %gather3A_604 : vector<16xf32>
        %parallel_loop3A_775 = arith.mulf %gather3A_676, %parallel_loop3A_743 : vector<16xf32>
        %parallel_loop3A_776 = arith.mulf %parallel_loop3A_774, %parallel_loop3A_775 : vector<16xf32>
        %parallel_loop3A_777 = arith.addf %parallel_loop3A_776, %parallel_loop3A_745 : vector<16xf32>
        %parallel_loop3A_778 = arith.constant 10 : i32
        %parallel_loop3A_779 = arith.index_cast %parallel_loop3A_778 : i32 to index
        %parallel_loop3A_780 = arith.index_cast %parallel_loop3A_741 : i32 to index
        %parallel_loop3A_781 = tpu.vector_load %arg16[%parallel_loop3A_779, %parallel_loop3A_780] {strides = array<i32>} : memref<16x768xf32, #tpu.memory_space<vmem>>, vector<16xf32>,
        tpu.vector_store %arg16[%parallel_loop3A_779, %parallel_loop3A_780], %parallel_loop3A_777 {strides = array<i32>} : memref<16x768xf32, #tpu.memory_space<vmem>>, vector<16xf32>,
        %parallel_loop3A_782 = arith.constant 11 : i32
        %parallel_loop3A_783 = arith.index_cast %parallel_loop3A_782 : i32 to index
        %parallel_loop3A_784 = arith.index_cast %parallel_loop3A_741 : i32 to index
        %parallel_loop3A_785 = tpu.vector_load %arg16[%parallel_loop3A_783, %parallel_loop3A_784] {strides = array<i32>} : memref<16x768xf32, #tpu.memory_space<vmem>>, vector<16xf32>,
        %parallel_loop3A_786 = arith.subf %parallel_loop3A_785, %gather3A_613 : vector<16xf32>
        %parallel_loop3A_787 = arith.mulf %gather3A_685, %parallel_loop3A_743 : vector<16xf32>
        %parallel_loop3A_788 = arith.mulf %parallel_loop3A_786, %parallel_loop3A_787 : vector<16xf32>
        %parallel_loop3A_789 = arith.addf %parallel_loop3A_788, %parallel_loop3A_745 : vector<16xf32>
        %parallel_loop3A_790 = arith.constant 11 : i32
        %parallel_loop3A_791 = arith.index_cast %parallel_loop3A_790 : i32 to index
        %parallel_loop3A_792 = arith.index_cast %parallel_loop3A_741 : i32 to index
        %parallel_loop3A_793 = tpu.vector_load %arg16[%parallel_loop3A_791, %parallel_loop3A_792] {strides = array<i32>} : memref<16x768xf32, #tpu.memory_space<vmem>>, vector<16xf32>,
        tpu.vector_store %arg16[%parallel_loop3A_791, %parallel_loop3A_792], %parallel_loop3A_789 {strides = array<i32>} : memref<16x768xf32, #tpu.memory_space<vmem>>, vector<16xf32>,
        %parallel_loop3A_794 = arith.constant 12 : i32
        %parallel_loop3A_795 = arith.index_cast %parallel_loop3A_794 : i32 to index
        %parallel_loop3A_796 = arith.index_cast %parallel_loop3A_741 : i32 to index
        %parallel_loop3A_797 = tpu.vector_load %arg16[%parallel_loop3A_795, %parallel_loop3A_796] {strides = array<i32>} : memref<16x768xf32, #tpu.memory_space<vmem>>, vector<16xf32>,
        %parallel_loop3A_798 = arith.subf %parallel_loop3A_797, %gather3A_622 : vector<16xf32>
        %parallel_loop3A_799 = arith.mulf %gather3A_694, %parallel_loop3A_743 : vector<16xf32>
        %parallel_loop3A_800 = arith.mulf %parallel_loop3A_798, %parallel_loop3A_799 : vector<16xf32>
        %parallel_loop3A_801 = arith.addf %parallel_loop3A_800, %parallel_loop3A_745 : vector<16xf32>
        %parallel_loop3A_802 = arith.constant 12 : i32
        %parallel_loop3A_803 = arith.index_cast %parallel_loop3A_802 : i32 to index
        %parallel_loop3A_804 = arith.index_cast %parallel_loop3A_741 : i32 to index
        %parallel_loop3A_805 = tpu.vector_load %arg16[%parallel_loop3A_803, %parallel_loop3A_804] {strides = array<i32>} : memref<16x768xf32, #tpu.memory_space<vmem>>, vector<16xf32>,
        tpu.vector_store %arg16[%parallel_loop3A_803, %parallel_loop3A_804], %parallel_loop3A_801 {strides = array<i32>} : memref<16x768xf32, #tpu.memory_space<vmem>>, vector<16xf32>,
        %parallel_loop3A_806 = arith.constant 13 : i32
        %parallel_loop3A_807 = arith.index_cast %parallel_loop3A_806 : i32 to index
        %parallel_loop3A_808 = arith.index_cast %parallel_loop3A_741 : i32 to index
        %parallel_loop3A_809 = tpu.vector_load %arg16[%parallel_loop3A_807, %parallel_loop3A_808] {strides = array<i32>} : memref<16x768xf32, #tpu.memory_space<vmem>>, vector<16xf32>,
        %parallel_loop3A_810 = arith.subf %parallel_loop3A_809, %gather3A_631 : vector<16xf32>
        %parallel_loop3A_811 = arith.mulf %gather3A_703, %parallel_loop3A_743 : vector<16xf32>
        %parallel_loop3A_812 = arith.mulf %parallel_loop3A_810, %parallel_loop3A_811 : vector<16xf32>
        %parallel_loop3A_813 = arith.addf %parallel_loop3A_812, %parallel_loop3A_745 : vector<16xf32>
        %parallel_loop3A_814 = arith.constant 13 : i32
        %parallel_loop3A_815 = arith.index_cast %parallel_loop3A_814 : i32 to index
        %parallel_loop3A_816 = arith.index_cast %parallel_loop3A_741 : i32 to index
        %parallel_loop3A_817 = tpu.vector_load %arg16[%parallel_loop3A_815, %parallel_loop3A_816] {strides = array<i32>} : memref<16x768xf32, #tpu.memory_space<vmem>>, vector<16xf32>,
        tpu.vector_store %arg16[%parallel_loop3A_815, %parallel_loop3A_816], %parallel_loop3A_813 {strides = array<i32>} : memref<16x768xf32, #tpu.memory_space<vmem>>, vector<16xf32>,
        %parallel_loop3A_818 = arith.constant 14 : i32
        %parallel_loop3A_819 = arith.index_cast %parallel_loop3A_818 : i32 to index
        %parallel_loop3A_820 = arith.index_cast %parallel_loop3A_741 : i32 to index
        %parallel_loop3A_821 = tpu.vector_load %arg16[%parallel_loop3A_819, %parallel_loop3A_820] {strides = array<i32>} : memref<16x768xf32, #tpu.memory_space<vmem>>, vector<16xf32>,
        %parallel_loop3A_822 = arith.subf %parallel_loop3A_821, %gather3A_640 : vector<16xf32>
        %parallel_loop3A_823 = arith.mulf %gather3A_712, %parallel_loop3A_743 : vector<16xf32>
        %parallel_loop3A_824 = arith.mulf %parallel_loop3A_822, %parallel_loop3A_823 : vector<16xf32>
        %parallel_loop3A_825 = arith.addf %parallel_loop3A_824, %parallel_loop3A_745 : vector<16xf32>
        %parallel_loop3A_826 = arith.constant 14 : i32
        %parallel_loop3A_827 = arith.index_cast %parallel_loop3A_826 : i32 to index
        %parallel_loop3A_828 = arith.index_cast %parallel_loop3A_741 : i32 to index
        %parallel_loop3A_829 = tpu.vector_load %arg16[%parallel_loop3A_827, %parallel_loop3A_828] {strides = array<i32>} : memref<16x768xf32, #tpu.memory_space<vmem>>, vector<16xf32>,
        tpu.vector_store %arg16[%parallel_loop3A_827, %parallel_loop3A_828], %parallel_loop3A_825 {strides = array<i32>} : memref<16x768xf32, #tpu.memory_space<vmem>>, vector<16xf32>,
        %parallel_loop3A_830 = arith.constant 15 : i32
        %parallel_loop3A_831 = arith.index_cast %parallel_loop3A_830 : i32 to index
        %parallel_loop3A_832 = arith.index_cast %parallel_loop3A_741 : i32 to index
        %parallel_loop3A_833 = tpu.vector_load %arg16[%parallel_loop3A_831, %parallel_loop3A_832] {strides = array<i32>} : memref<16x768xf32, #tpu.memory_space<vmem>>, vector<16xf32>,
        %parallel_loop3A_834 = arith.subf %parallel_loop3A_833, %gather3A_649 : vector<16xf32>
        %parallel_loop3A_835 = arith.mulf %gather3A_721, %parallel_loop3A_743 : vector<16xf32>
        %parallel_loop3A_836 = arith.mulf %parallel_loop3A_834, %parallel_loop3A_835 : vector<16xf32>
        %parallel_loop3A_837 = arith.addf %parallel_loop3A_836, %parallel_loop3A_745 : vector<16xf32>
        %parallel_loop3A_838 = arith.constant 15 : i32
        %parallel_loop3A_839 = arith.index_cast %parallel_loop3A_838 : i32 to index
        %parallel_loop3A_840 = arith.index_cast %parallel_loop3A_741 : i32 to index
        %parallel_loop3A_841 = tpu.vector_load %arg16[%parallel_loop3A_839, %parallel_loop3A_840] {strides = array<i32>} : memref<16x768xf32, #tpu.memory_space<vmem>>, vector<16xf32>,
        tpu.vector_store %arg16[%parallel_loop3A_839, %parallel_loop3A_840], %parallel_loop3A_837 {strides = array<i32>} : memref<16x768xf32, #tpu.memory_space<vmem>>, vector<16xf32>,
      } {sc.loop_unroll_factor = 1 : i64, sc.parallel_access}
      %lt3A_725 = arith.constant 31 : i32
      %lt3A_726 = arith.cmpi slt, %scan3A_76, %lt3A_725 : i32
      %convert_element_type3A_727 = arith.extui %lt3A_726 : i1 to i32
      %cond3A_728 = arith.constant 0 : i32
      %cond3A_729 = arith.cmpi ne, %convert_element_type3A_727, %cond3A_728 : i32
      scf.if %cond3A_729 {
        %add3A_739 = arith.constant 2 : i32
        %add3A_740 = arith.addi %add3A_408, %add3A_739 : i32
        %mul3A_741 = arith.constant 16 : i32
        %mul3A_742 = arith.muli %add3A_740, %mul3A_741 : i32
        %multiple_of3A_743 = tpu.assume_multiple %mul3A_742, 16 : i32
        %dma_start3A_744 = tpu.memref_slice %arg8[%multiple_of3A_743] : memref<1024xi32, #tpu.memory_space<vmem>> -> memref<16xi32, #tpu.memory_space<vmem>>
        %dma_start3A_745 = arith.constant 0 : i32
        %dma_start3A_746 = arith.constant 0 : i32
        %dma_start3A_747 = tpu.memref_slice %arg3[%dma_start3A_745, %dma_start3A_746] : memref<50265x768xf32, #tpu.memory_space<hbm>> -> memref<50265x768xf32, #tpu.memory_space<hbm>>
        tpu.enqueue_indirect_dma source(%dma_start3A_747 : memref<50265x768xf32, #tpu.memory_space<hbm>>) target(%arg14 : memref<16x768xf32, #tpu.memory_space<vmem>>) offsets(%dma_start3A_744 : memref<16xi32, #tpu.memory_space<vmem>>) semaphore(%arg22 : memref<!tpu.dma_semaphore, #tpu.memory_space<semaphore_mem>>)
        %dma_start3A_748 = tpu.memref_slice %arg10[%multiple_of3A_743] : memref<1024xi32, #tpu.memory_space<vmem>> -> memref<16xi32, #tpu.memory_space<vmem>>
        %dma_start3A_749 = arith.constant 0 : i32
        %dma_start3A_750 = arith.constant 0 : i32
        %dma_start3A_751 = tpu.memref_slice %arg4[%dma_start3A_749, %dma_start3A_750] : memref<8194x768xf32, #tpu.memory_space<hbm>> -> memref<8194x768xf32, #tpu.memory_space<hbm>>
        tpu.enqueue_indirect_dma source(%dma_start3A_751 : memref<8194x768xf32, #tpu.memory_space<hbm>>) target(%arg15 : memref<16x768xf32, #tpu.memory_space<vmem>>) offsets(%dma_start3A_748 : memref<16xi32, #tpu.memory_space<vmem>>) semaphore(%arg23 : memref<!tpu.dma_semaphore, #tpu.memory_space<semaphore_mem>>)
      } else {
      }
      %mul3A_730 = arith.constant 16 : i32
      %mul3A_731 = arith.muli %add3A_408, %mul3A_730 : i32
      %multiple_of3A_732 = tpu.assume_multiple %mul3A_731, 16 : i32
      %add3A_733 = arith.addi %multiple_of3A, %multiple_of3A_732 : i32
      %dma_start3A_734 = arith.constant 0 : i32
      %dma_start3A_735 = tpu.memref_slice %arg7[%add3A_733, %dma_start3A_734] : memref<32768x768xf32, #tpu.memory_space<hbm>> -> memref<16x768xf32, #tpu.memory_space<hbm>>
      %dma_start3A_736 = arith.constant 0 : i32
      %dma_start3A_737 = tpu.memref_slice %arg7[%add3A_733, %dma_start3A_736] : memref<32768x768xf32, #tpu.memory_space<hbm>> -> memref<16x768xf32, #tpu.memory_space<hbm>>
      tpu.enqueue_dma source(%arg16 : memref<16x768xf32, #tpu.memory_space<vmem>>) target(%dma_start3A_737 : memref<16x768xf32, #tpu.memory_space<hbm>>) target_semaphore(%arg24 : memref<!tpu.dma_semaphore, #tpu.memory_space<semaphore_mem>>)
      %scan3A_738 = arith.constant 0 : i32
      scf.yield %scan3A_738 : i32
    }
    %scan3A_68 = arith.constant 32 : i32
    %dma_wait3A = arith.constant 0 : i32
    %dma_wait3A_69 = tpu.memref_slice %arg7[%multiple_of3A, %dma_wait3A] : memref<32768x768xf32, #tpu.memory_space<hbm>> -> memref<16x768xf32, #tpu.memory_space<hbm>>
    %dma_wait3A_70 = arith.constant 0 : i32
    %dma_wait3A_71 = tpu.memref_slice %arg7[%multiple_of3A, %dma_wait3A_70] : memref<32768x768xf32, #tpu.memory_space<hbm>> -> memref<16x768xf32, #tpu.memory_space<hbm>>
    tpu.wait_dma2 semaphore(%arg21 : memref<!tpu.dma_semaphore, #tpu.memory_space<semaphore_mem>>) src(%arg13 : memref<16x768xf32, #tpu.memory_space<vmem>>) dst(%dma_wait3A_71 : memref<16x768xf32, #tpu.memory_space<hbm>>)
    %dma_wait3A_72 = arith.constant 0 : i32
    %dma_wait3A_73 = tpu.memref_slice %arg7[%multiple_of3A, %dma_wait3A_72] : memref<32768x768xf32, #tpu.memory_space<hbm>> -> memref<16x768xf32, #tpu.memory_space<hbm>>
    %dma_wait3A_74 = arith.constant 0 : i32
    %dma_wait3A_75 = tpu.memref_slice %arg7[%multiple_of3A, %dma_wait3A_74] : memref<32768x768xf32, #tpu.memory_space<hbm>> -> memref<16x768xf32, #tpu.memory_space<hbm>>
    tpu.wait_dma2 semaphore(%arg24 : memref<!tpu.dma_semaphore, #tpu.memory_space<semaphore_mem>>) src(%arg16 : memref<16x768xf32, #tpu.memory_space<vmem>>) dst(%dma_wait3A_75 : memref<16x768xf32, #tpu.memory_space<hbm>>)
    return
  }
}

</mosaic_0001>

<sc_bundles>
// kernel: _run.3.cloned.1.call-start
scs
__scs_entry_jumppad:
0x0: {  	(pc) =	sbr.rel $0x88, $3  }
0x1: {  	(tag) =	ssettag $0x0;
	lr =	simm.s32 $0x1  }
0x2: {  	[smem:$0x3F9C] =	sst lr;
	_ =	strace $0xD0000000  }
0x3: {  	_ = 	snop  }
0x4: {  	_ = 	snop  }
0x5: {  	_ = 	snop  }
0x6: {  	_ = 	snop  }
0x7: {  	_ = 	snop  }
__scs_overlays_trampoline_lowered:
0x8: {  	[smem:$0x3FAB] =	sst s0  }
0x9: {  	[smem:$0x3FAC] =	sst s1  }
0xa: {  	[smem:$0x3FAD] =	sst s2  }
0xb: {  	[smem:$0x3FAE] =	sst s3  }
0xc: {  	[smem:$0x3FAF] =	sst s4  }
0xd: {  	[smem:$0x3FB0] =	sst s5  }
0xe: {  	[smem:$0x3FB1] =	sst s6  }
0xf: {  	[smem:$0x3FB2] =	sst s7  }
0x10: {  	[smem:$0x3FB3] =	sst s8  }
0x11: {  	[smem:$0x3FB4] =	sst s9;
	s0 =	simm.s32 @!p0 $0x0  }
0x12: {  	s1 =	sld [smem:$0x3F9A];
	s0 =	simm.s32 @p0 $0x1  }
0x13: {  	[smem:$0x3FB5] =	sst s0;
	s0 =	simm.s32 @!p1 $0x0  }
0x14: {  	s2 =	sld [smem:$0x3F99];
	s0 =	simm.s32 @p1 $0x1  }
0x15: {  	[smem:$0x3FB6] =	sst s0;
	s0 =	simm.s32 @!p2 $0x0  }
0x16: {  	s3 =	sld [smem:$0x3FDB];
	s0 =	simm.s32 @p2 $0x1  }
0x17: {  	s4 =	simm.s32 $0x1BF5;
	[smem:$0x3FB8] =	sst s0  }
0x18: {  	s0 =	sld [smem:$0x3F9B];
	_ =	swait.ge [sflag:s4], $0x0  }
0x19: {  	s7 =	sld [smem:$0x3F9C]  }
0x1a: {  	s8 =	sadd.s32 $0xFFFFE003, lr  }
0x1b: {  	s9 =	sadd.s32 $0xFFFFFEF7, lr;
	s5 =	simm.s32 $0xFFFFFFFF;
	p2 =	slt.u32 s8, $0xFFFFF086  }
0x1c: {  	p1 =	slt.u32 s9, $0xF7A;
	s5 =	simm.s32 @!p2 $0x0  }
0x1d: {  	s5 =	simm.s32 @p1 $0x1;
	p0 =	seq.s32 s7, s2  }
0x1e: {  	s7 =	smul.u32 @!p0 $0xF7A, s2;
	p2 =	seq.s32 @!p0 s5, $0x0  }
0x1f: {  	s9 =	smul.u32 $0xF7A, s1;
	s8 =	simm.s32 @!p0 $0x1BF5;
	p2 =	por !p2, p0  }
0x20: {  	[sflag:s8] =	ssyncset.s32 @!p0 $0xFFFFF086;
	s6 =	sadd.s32 @!p0 s3, s7;
	s7 =	simm.s32 @!p0 $0x108  }
0x21: {  	s3 =	sadd.s32 s3, s9;
	s6 =	sadd.s32 @!p0 $0x88, s6;
	s7 =	simm.s32 @p2 $0x1082  }
0x22: {  	[simem:s7], [sflag:s8] =	dma.local @!p0 [hbm:s6], $0xF7A  }
0x23: {  	s9 =	sor.u32 $0xD0000000, s2;
	s6 =	simm.s32 $0x108;
	_ =	swait.ge @!p0 [sflag:s8], $0x0  }
0x24: {  	s3 =	sadd.s32 $0x88, s3;
	s6 =	simm.s32 @!p1 $0x1082;
	[sflag:s4] =	ssyncset.s32 $0xFFFFF086  }
0x25: {  	[simem:s6], [sflag:s4] =	dma.local [hbm:s3], $0xF7A  }
0x26: {  	[smem:$0x3F9C] =	sst s1;
	(tag) =	ssettag s2;
	_ =	strace s9  }
0x27: {  	s1 =	sld [smem:$0x3FAC]  }
0x28: {  	s2 =	sld [smem:$0x3FAD]  }
0x29: {  	s4 =	sld [smem:$0x3FAF]  }
0x2a: {  	p0 =	seq.s32 s5, $0x0;
	s5 =	sld [smem:$0x3FB0]  }
0x2b: {  	s6 =	sld [smem:$0x3FB1]  }
0x2c: {  	s7 =	sld [smem:$0x3FB2]  }
0x2d: {  	s3 =	simm.s32 $0x108;
	s8 =	sld [smem:$0x3FB3]  }
0x2e: {  	s3 =	simm.s32 @!p0 $0x1082;
	s9 =	sld [smem:$0x3FB4]  }
0x2f: {  	lr =	sadd.s32 s0, s3;
	s0 =	sld [smem:$0x3FAB]  }
0x30: {  	s3 =	sld [smem:$0x3FAE]  }
0x31: {  	[smem:$0x3FB7] =	sst s10  }
0x32: {  	s10 =	sld [smem:$0x3FB5];
	_ =	sdelay $0x3  }
0x33: {  	p0 =	seq.s32 s10, $0x1;
	s10 =	sld [smem:$0x3FB7];
	_ =	sdelay $0x3  }
0x34: {  	[smem:$0x3FB7] =	sst s10  }
0x35: {  	s10 =	sld [smem:$0x3FB6];
	_ =	sdelay $0x3  }
0x36: {  	p1 =	seq.s32 s10, $0x1;
	s10 =	sld [smem:$0x3FB7];
	_ =	sdelay $0x3  }
0x37: {  	[smem:$0x3FB7] =	sst s10  }
0x38: {  	s10 =	sld [smem:$0x3FB8]  }
0x39: {  	_ = 	snop;
	(pc) =	sbr.ind lr, $3  }
0x3a: {  	_ = 	snop  }
0x3b: {  	_ = 	snop  }
0x3c: {  	p2 =	seq.s32 s10, $0x1;
	s10 =	sld [smem:$0x3FB7]  }
0x3d: {  	_ =	shalt  }
0x3e: {  	_ =	shalt  }
0x3f: {  	_ =	shalt  }
0x40: {  	_ =	shalt  }
0x41: {  	_ =	shalt  }
0x42: {  	_ =	shalt  }
0x43: {  	_ =	shalt  }
0x44: {  	_ =	shalt  }
0x45: {  	_ =	shalt  }
0x46: {  	_ =	shalt  }
0x47: {  	_ =	shalt  }
0x48: {  	_ =	shalt  }
0x49: {  	_ =	shalt  }
0x4a: {  	_ =	shalt  }
0x4b: {  	_ =	shalt  }
0x4c: {  	_ =	shalt  }
0x4d: {  	_ =	shalt  }
0x4e: {  	_ =	shalt  }
0x4f: {  	_ =	shalt  }
0x50: {  	_ =	shalt  }
0x51: {  	_ =	shalt  }
0x52: {  	_ =	shalt  }
0x53: {  	_ =	shalt  }
0x54: {  	_ =	shalt  }
0x55: {  	_ =	shalt  }
0x56: {  	_ =	shalt  }
0x57: {  	_ =	shalt  }
0x58: {  	_ =	shalt  }
0x59: {  	_ =	shalt  }
0x5a: {  	_ =	shalt  }
0x5b: {  	_ =	shalt  }
0x5c: {  	_ =	shalt  }
0x5d: {  	_ =	shalt  }
0x5e: {  	_ =	shalt  }
0x5f: {  	_ =	shalt  }
0x60: {  	_ =	shalt  }
0x61: {  	_ =	shalt  }
0x62: {  	_ =	shalt  }
0x63: {  	_ =	shalt  }
0x64: {  	_ =	shalt  }
0x65: {  	_ =	shalt  }
0x66: {  	_ =	shalt  }
0x67: {  	_ =	shalt  }
0x68: {  	_ =	shalt  }
0x69: {  	_ =	shalt  }
0x6a: {  	_ =	shalt  }
0x6b: {  	_ =	shalt  }
0x6c: {  	_ =	shalt  }
0x6d: {  	_ =	shalt  }
0x6e: {  	_ =	shalt  }
0x6f: {  	_ =	shalt  }
0x70: {  	_ =	shalt  }
0x71: {  	_ =	shalt  }
0x72: {  	_ =	shalt  }
0x73: {  	_ =	shalt  }
0x74: {  	_ =	shalt  }
0x75: {  	_ =	shalt  }
0x76: {  	_ =	shalt  }
0x77: {  	_ =	shalt  }
0x78: {  	_ =	shalt  }
0x79: {  	_ =	shalt  }
0x7a: {  	_ =	shalt  }
0x7b: {  	_ =	shalt  }
0x7c: {  	_ =	shalt  }
0x7d: {  	_ =	shalt  }
0x7e: {  	_ =	shalt  }
0x7f: {  	_ =	shalt  }
0x80: {  	_ =	shalt  }
0x81: {  	_ =	shalt  }
0x82: {  	_ =	shalt  }
0x83: {  	_ =	shalt  }
0x84: {  	_ =	shalt  }
0x85: {  	_ =	shalt  }
0x86: {  	_ =	shalt  }
0x87: {  	_ =	shalt  }
.Lfunc_end0:
.L_simem_size_0:
called_computation_lowered:
.L_overlay_start_0:
0x88: {  	s2 =	sld [smem:$0x3FD9]  }
0x89: {  	s3 =	sld [smem:$0x3FFE];
	_ =	sdelay $0x1  }
0x8a: {  	s1 =	srdreg.scid  }
0x8b: {  	s0 =	sand.u32 $0x1, s1  }
0x8c: {  	s18 =	sshll.u32 s0, $0xA;
	s2 =	sadd.s32 s3, s2  }
0x8d: {  	s2 =	sadd.s32 s2, s18  }
0x8e: {  	[smem:$0x3FC3] =	sst s2  }
0x8f: {  	_ = 	snop  }
0x90: {  	s2 =	sld [smem:$0x3FC9]  }
0x91: {  	s19 =	sld [smem:$0x3FC8]  }
0x92: {  	s4 =	sld [smem:$0x3FC7]  }
0x93: {  	s5 =	sld [smem:$0x3FC6]  }
0x94: {  	s6 =	sld [smem:$0x3FC5]  }
0x95: {  	s7 =	sld [smem:$0x3FD0];
	(tm) =	ssettm $0x1  }
0x96: {  	s8 =	sld [smem:$0x3FFB];
	_ =	sdelay $0x3  }
0x97: {  	_ =	strace s8  }
0x98: {  	s8 =	sld [smem:$0x3FFC];
	_ =	sdelay $0x3  }
0x99: {  	_ =	strace s8  }
0x9a: {  	s8 =	sld [smem:$0x3FFD];
	_ =	sdelay $0x3  }
0x9b: {  	_ =	strace s8  }
0x9c: {  	_ =	strace $0x8FFFFFFF  }
0x9d: {  	s20 =	sld [smem:$0x3FDB];
	_ =	sdelay $0x1  }
0x9e: {  	s9 =	simm.s32 $_scs_section_size  }
0x9f: {  	s10 =	simm.s32 $_size__tile_overlayer_lowered;
	s11 =	simm.s32 $_tile_overlayer_lowered  }
0xa0: {  	s23 =	simm.s32 $0x1BFF;
	s22 =	sshll.u32 s11, $0x1;
	s8 =	sadd.s32 s9, s20  }
0xa1: {  	s12 =	simm.s32 $0x0;
	s21 =	sshll.u32 s10, $0x1;
	s10 =	sadd.s32 s22, s8  }
0xa2: {  	[timem:s12], [sflag:s23] =	dma.local [hbm:s10], s21  }
0xa3: {  	_ =	swait.ge [sflag:s23], s21  }
0xa4: {  	s9 =	ssub.s32 $0x0, s21;
	[sflag:s23] =	ssyncset.done $0x0  }
0xa5: {  	[sflag:s23] =	ssyncadd.s32 s9;
	_ =	sdelay $0x1  }
0xa6: {  	s24 =	simm.s32 $0x1B8B  }
0xa7: {  	_ =	swait.ge [sflag:s24], $0x1  }
0xa8: {  	[sflag:s24] =	ssyncset.done $0x0  }
0xa9: {  	s25 =	simm.s32 $0x1B8E;
	[sflag:s24] =	ssyncadd.s32 $0xFFFFFFFF  }
0xaa: {  	s26 =	simm.s32 $execute0_lowered;
	[smem:$0x3FD2] =	sst s25  }
0xab: {  	s9 =	sshll.u32 s26, $0x1;
	_ =	strace $0x80000046;
	[dreg:$0x1] =	wrdreg $0xFFFFFFFF  }
0xac: {  	s28 =	simm.s32 $_size_execute0_lowered;
	s8 =	sadd.s32 s8, s9;
	[dreg:$0x0] =	wrdreg $0x0  }
0xad: {  	s9 =	sshll.u32 s28, $0x1;
	[dreg:$0x2] =	wrdreg s8  }
0xae: {  	[dreg:$0x3] =	wrdreg s9  }
0xaf: {  	[dreg:$0x4] =	wrdreg $0xC0  }
0xb0: {  	_ =	task [dreg:s12], $0x5FFFF  }
0xb1: {  	[dreg:$0x1] =	wrdreg $0xFFFFFFFF  }
0xb2: {  	[dreg:$0x0] =	wrdreg $0x60  }
0xb3: {  	[dreg:$0x2] =	wrdreg s2  }
0xb4: {  	[dreg:$0x3] =	wrdreg s19  }
0xb5: {  	[dreg:$0x4] =	wrdreg s4  }
0xb6: {  	[dreg:$0x5] =	wrdreg s5  }
0xb7: {  	[dreg:$0x6] =	wrdreg s6  }
0xb8: {  	[dreg:$0x7] =	wrdreg s7  }
0xb9: {  	[dreg:$0x8] =	wrdreg $0x9  }
0xba: {  	_ =	task.clear_ibuf [dreg:s12], $0x9FFFF;
	_ =	strace $0x90000046  }
0xbb: {  	s29 =	simm.s32 $0x9;
	_ =	strace $0x80000048  }
0xbc: {  	_ =	swait.ge [sflag:s29], $0x1  }
0xbd: {  	[sflag:s29] =	ssyncadd.s32 $0xFFFFFFFF  }
0xbe: {  	_ =	strace $0x90000048  }
0xbf: {  	_ =	sfence  }
0xc0: {  	s30 =	sld [smem:$0x0];
	_ =	sdelay $0x2  }
0xc1: {  	s31 =	sshll.u32 s1, $0xD;
	s1 =	sshrl.u32 s1, $0x2  }
0xc2: {  	s3 =	sand.u32 $0x4000, s31;
	s1 =	sadd.s32 s1, s30  }
0xc3: {  	s0 =	sor.u32 s3, s0;
	s1 =	sshll.u32 s1, $0x11  }
0xc4: {  	s0 =	sor.u32 s1, s0  }
0xc5: {  	s0 =	sadd.s32 $0x8F2B, s0  }
0xc6: {  	[sflag:s0] =	ssyncadd.remote.s32 $0x1  }
0xc7: {  	_ =	sfence.sel $0xFFFF  }
0xc8: {  	[dreg:$0x0] =	wrdreg $0xFFFFFFFF;
	(pc) =	sbr.abs _section_cstart, $3  }
0xc9: {  	[dreg:$0x1] =	wrdreg $0xFFFFFFFF  }
0xca: {  	_ =	task.clear_ibuf [dreg:s12], $0x2FFFF;
	_ =	strace $0x9FFFFFFF  }
0xcb: {  	(tm) =	ssettm $0x7FFFFFFF  }
tec
execute0_lowered:
.L_overlay_start_1:
0x0: {  	(tag) =	ssettag $0x1  }
0x1: {  	s1 =	rddreg [dreg:$0x0]  }
0x2: {  	s0 =	rddreg [dreg:$0x1];
	v0 =	vimm.s32 $0xFEDCBA98;
	v39 =	vlaneseq.u32;
	v2 =	vimm.s32 $0x76543210  }
0x3: {  	s2 =	rddreg [dreg:$0x2];
	v62 =	vimm.s32 $0xBA98FEDC;
	v3 =	vimm.s32 $0x32107654;
	v4 =	vimm.s32 $0xDCFE98BA  }
0x4: {  	s6 =	rddreg [dreg:$0x5];
	v5 =	vimm.s32 $0x54761032;
	v6 =	vimm.s32 $0xEFCDAB89;
	v7 =	vimm.s32 $0x67452301  }
0x5: {  	s3 =	srdreg.scid;
	s5 =	stileid.u32;
	v0 =	vunpack.c.l.s4.s8 v0;
	v10 =	vand.u32 $0x7, v39;
	v1 =	vshrl.u32 v39, $0x3  }
0x6: {  	s7 =	simm.s32 $0x0;
	s4 =	sshll.u32 s5, $0x1;
	s5 =	sshll.u32 s5, $0xB;
	v61 =	vunpack.c.l.s4.s8 v2;
	v2 =	vunpack.c.l.s4.s8 v62;
	v3 =	vunpack.c.l.s4.s8 v3  }
0x7: {  	s31 =	simm.s32 $0x1;
	s15 =	simm.s32 $0x11400;
	v4 =	vunpack.c.l.s4.s8 v4;
	v5 =	vunpack.c.l.s4.s8 v5;
	v6 =	vunpack.c.l.s4.s8 v6;
	s9 =	sand.u32 $0x6000, s5  }
0x8: {  	s14 =	simm.s32 $0x0;
	s3 =	sand.u32 $0x1, s3;
	[smem:$0x7FF] =	sst s7;
	v7 =	vunpack.c.l.s4.s8 v7;
	v11 =	vmul.u32 $0x8, v1;
	v8 =	vmov s9  }
0x9: {  	s16 =	sadd.s32 $0x100, s0;
	s17 =	sadd.s32 $0x100, s2;
	s4 =	sor.u32 s3, s4;
	v0 =	vunpack.c.0.s8.s32 v0;
	v2 =	vunpack.c.0.s8.s32 v2;
	v3 =	vunpack.c.0.s8.s32 v3  }
0xa: {  	_ =	strace $0x80000047;
	s11 =	ssub.s32 $0x2, s3;
	[tilespmem:$0x1FF90] =	vst v10;
	s8 =	sshll.u32 s4, $0xA;
	v4 =	vunpack.c.0.s8.s32 v4;
	v5 =	vunpack.c.0.s8.s32 v5;
	v6 =	vunpack.c.0.s8.s32 v6  }
0xb: {  	s3 =	sshll.u32 s3, $0xA;
	s12 =	sshrl.u32 s11, $0x1;
	s4 =	sshll.u32 s4, $0x7;
	v7 =	vunpack.c.0.s8.s32 v7;
	v1 =	vunpack.c.0.s8.s32 v61;
	v9 =	vmov s8;
	[tilespmem:$0x1FF70] =	vst v8  }
0xc: {  	s3 =	sor.u32 s3, s5;
	s9 =	sadd.s32 $0x200, s0;
	s5 =	simm.s32 $0x5;
	[tilespmem:$0x1FFA0] =	vst v11;
	v2 =	vcombine.low v3, v2;
	v0 =	vand.u32 $0xF, v0;
	v63 =	vcombine.low v5, v4  }
0xd: {  	s10 =	smax.u32 s8, $0x1C00;
	s3 =	smax.u32 s3, $0x1C00;
	s28 =	ssub.s32 s11, s12;
	v4 =	vcombine.low v7, v6;
	v7 =	vor.u32 $0x8, v39;
	[tilespmem:$0x1FF80] =	vst v9;
	v41 =	vcombine.low v0, v1  }
0xe: {  	s4 =	sadd.s32 s1, s4;
	s26 =	sadd.s32 $0xFFFFE400, s10;
	s10 =	sadd.s32 $0x200, s2;
	[tilespmem:$0x1FFB0] =	vst v7  }
0xf: {  	[dreg:$0x7] =	wrdreg s4;
	s29 =	sadd.s32 $0xFFFFE400, s3;
	s30 =	smax.u32 s28, $0x1;
	v42 =	vand.u32 $0xF, v2;
	[tilespmem:$0x1FFC0] =	vst v41  }
0x10: {  	s3 =	simm.s32 $0x8400;
	s13 =	sshrl.u32 s26, $0x3;
	[dreg:$0x9] =	wrdreg s29;
	v43 =	vand.u32 $0xF, v63;
	[tilespmem:$0x1FFD0] =	vst v42  }
0x11: {  	s4 =	simm.s32 $0x4;
	[dreg:$0xa] =	wrdreg s30;
	s1 =	sadd.s32 s1, s13;
	v44 =	vand.u32 $0xF, v4;
	[tilespmem:$0x1FFE0] =	vst v43  }
0x12: {  	vm0 =	vmmov $0xffff;
	v40 =	vimm.s32 $0x0;
	s13 =	sadd.s32 $0x600, s6;
	[dreg:$0x8] =	wrdreg s1;
	s1 =	simm.s32 $0x2;
	[tilespmem:$0x1FFF0] =	vst v44  }
.LBB2_1:
0x13: {  	[dreg:$0xb] =	wrdreg s14  }
0x14: {  	s11 =	rddreg [dreg:$0x3];
	s12 =	simm.s32 $0x14400;
	s24 =	simm.s32 $0x7  }
0x15: {  	[tilespmem:s12], [sflag:$0x7] =	stream.linear.gather [hbm4b:s11+s7], $0x300, $0x38;
	[tilespmem:$0x14A00] =	vst v63  }
0x16: {  	_ =	swait.ge [sflag:s24], $0x300  }
0x17: {  	[sflag:s24] =	ssyncset.done $0x0  }
0x18: {  	[sflag:s24] =	ssyncadd.s32 $0xFFFFFD00  }
0x19: {  	s26 =	simm.s32 $0x14700;
	s25 =	rddreg [dreg:$0x4]  }
0x1a: {  	[tilespmem:s26], [sflag:$0x7] =	stream.linear.gather [hbm4b:s25+s7], $0x300, $0x38;
	[tilespmem:$0x14A00] =	vst v63  }
0x1b: {  	_ =	swait.ge [sflag:s24], $0x300  }
0x1c: {  	[sflag:s24] =	ssyncset.done $0x0  }
0x1d: {  	s28 =	rddreg [dreg:$0x7];
	[sflag:s24] =	ssyncadd.s32 $0xFFFFFD00  }
0x1e: {  	[tilespmem:s7], [sflag:$0x7] =	stream.linear.gather [hbm4b:s28+s7], $0x400, $0x38;
	[tilespmem:$0x14A00] =	vst v63  }
0x1f: {  	_ =	swait.ge [sflag:s24], $0x400  }
0x20: {  	[sflag:s24] =	ssyncset.done $0x0  }
0x21: {  	s30 =	simm.s32 $0x400;
	s29 =	rddreg [dreg:$0x8];
	[sflag:s24] =	ssyncadd.s32 $0xFFFFFC00  }
0x22: {  	[tilespmem:s30], [sflag:$0x7] =	stream.linear.gather [hbm4b:s29+s7], $0x1C00, $0x38;
	[tilespmem:$0x14A00] =	vst v63  }
0x23: {  	_ =	swait.ge [sflag:s24], $0x1C00  }
0x24: {  	[sflag:s24] =	ssyncset.done $0x0  }
0x25: {  	[sflag:s24] =	ssyncadd.s32 $0xFFFFE400  }
0x26: {  	v0 =	vld [tilespmem:$0x0];
	_ =	sdelay $0x4  }
0x27: {  	v1 =	vshrl.u32 v0, $0x3  }
0x28: {  	v1 =	vmul.u32 $0x30, v1  }
0x29: {  	v0 =	vand.u32 $0x7, v0  }
0x2a: {  	v0 =	vor.u32 v0, v1  }
0x2b: {  	v1 =	vperm.xlane v0, v10;
	_ =	sdelay $0x1  }
0x2c: {  	v1 =	vadd.s32 v11, v1;
	_ =	sdelay $0x3  }
0x2d: {  	s12 =	simm.s32 $0x2400;
	v0 =	vperm.xlane v0, v7  }
0x2e: {  	[tilespmem:s12], [sflag:$0x1] =	stream.indirect_vreg.gather [hbm4b:s0+s7], $0x80, v1, vm0, $0xb8;
	[tilespmem:$0x14A00] =	vst v63  }
0x2f: {  	s14 =	simm.s32 $0x2C00;
	v0 =	vadd.s32 v11, v0  }
0x30: {  	[tilespmem:s14], [sflag:$0x1] =	stream.indirect_vreg.gather [hbm4b:s16+s7], $0x80, v1, vm0, $0xb8;
	[tilespmem:$0x14A00] =	vst v63  }
0x31: {  	s18 =	simm.s32 $0x3400  }
0x32: {  	[tilespmem:s18], [sflag:$0x1] =	stream.indirect_vreg.gather [hbm4b:s9+s7], $0x80, v1, vm0, $0xb8;
	[tilespmem:$0x14A00] =	vst v63  }
0x33: {  	s19 =	simm.s32 $0x3C00  }
0x34: {  	[tilespmem:s19], [sflag:$0x1] =	stream.indirect_vreg.gather [hbm4b:s0+s7], $0x80, v0, vm0, $0xb8;
	[tilespmem:$0x14A00] =	vst v63  }
0x35: {  	s20 =	simm.s32 $0x4400  }
0x36: {  	[tilespmem:s20], [sflag:$0x1] =	stream.indirect_vreg.gather [hbm4b:s16+s7], $0x80, v0, vm0, $0xb8;
	[tilespmem:$0x14A00] =	vst v63  }
0x37: {  	s21 =	simm.s32 $0x4C00  }
0x38: {  	[tilespmem:s21], [sflag:$0x1] =	stream.indirect_vreg.gather [hbm4b:s9+s7], $0x80, v0, vm0, $0xb8;
	[tilespmem:$0x14A00] =	vst v63  }
0x39: {  	v0 =	vld [tilespmem:$0x10];
	_ =	sdelay $0x4  }
0x3a: {  	v1 =	vshrl.u32 v0, $0x3  }
0x3b: {  	v1 =	vmul.u32 $0x30, v1  }
0x3c: {  	v0 =	vand.u32 $0x7, v0  }
0x3d: {  	v0 =	vor.u32 v0, v1  }
0x3e: {  	v1 =	vperm.xlane v0, v10;
	_ =	sdelay $0x1  }
0x3f: {  	v1 =	vadd.s32 v11, v1;
	_ =	sdelay $0x3  }
0x40: {  	s22 =	simm.s32 $0xB400;
	v0 =	vperm.xlane v0, v7  }
0x41: {  	[tilespmem:s22], [sflag:$0x4] =	stream.indirect_vreg.gather [hbm4b:s0+s7], $0x80, v1, vm0, $0xb8;
	[tilespmem:$0x14A00] =	vst v63  }
0x42: {  	s23 =	simm.s32 $0xBC00;
	v0 =	vadd.s32 v11, v0  }
0x43: {  	[tilespmem:s23], [sflag:$0x4] =	stream.indirect_vreg.gather [hbm4b:s16+s7], $0x80, v1, vm0, $0xb8;
	[tilespmem:$0x14A00] =	vst v63  }
0x44: {  	s24 =	simm.s32 $0xC400  }
0x45: {  	[tilespmem:s24], [sflag:$0x4] =	stream.indirect_vreg.gather [hbm4b:s9+s7], $0x80, v1, vm0, $0xb8;
	[tilespmem:$0x14A00] =	vst v63  }
0x46: {  	s25 =	simm.s32 $0xCC00  }
0x47: {  	[tilespmem:s25], [sflag:$0x4] =	stream.indirect_vreg.gather [hbm4b:s0+s7], $0x80, v0, vm0, $0xb8;
	[tilespmem:$0x14A00] =	vst v63  }
0x48: {  	s26 =	simm.s32 $0xD400  }
0x49: {  	[tilespmem:s26], [sflag:$0x4] =	stream.indirect_vreg.gather [hbm4b:s16+s7], $0x80, v0, vm0, $0xb8;
	[tilespmem:$0x14A00] =	vst v63  }
0x4a: {  	s28 =	simm.s32 $0xDC00;
	s29 =	simm.s32 $0x0  }
0x4b: {  	[tilespmem:s28], [sflag:$0x4] =	stream.indirect_vreg.gather [hbm4b:s9+s7], $0x80, v0, vm0, $0xb8;
	[tilespmem:$0x14A00] =	vst v63  }
0x4c: {  	v1 =	vld [tilespmem:s29+$0x400];
	_ =	sdelay $0x1  }
0x4d: {  	s30 =	rddreg [dreg:$0x9]  }
0x4e: {  	v0 =	vor.u32 s30, v39  }
0x4f: {  	s11 =	simm.s32 $0x40;
	s12 =	smov.u32 s30;
	vm1 =	vge.u32 v0, v8;
	vm2 =	vlt.u32 v0, v9;
	v0 =	vimm.s32 $0x0  }
.LBB2_2:
0x50: {  	s14 =	sshra.s32 s11, $0x2;
	p0 =	sne.s32 s11, $0x6FC0;
	s11 =	sadd.s32 $0x40, s11;
	vm1 =	vmand vm1, vm2;
	vm2 =	vne.s32 v1, $0x1  }
.Ltmp0:
0x51: {  	v1 =	vld [tilespmem:s14+$0x400];
	vm1 =	vmand vm1, vm2;
	(pc) =	sbr.rel @p0 .LBB2_2-.Ltmp0, $4  }
0x52: {  	v2 =	vsel vm1, $0x1, v40  }
0x53: {  	s12 =	sadd.s32 $0x10, s12;
	v0 =	vadd.s32 v2, v0  }
0x54: {  	v2 =	vor.u32 s12, v39  }
0x55: {  	vm1 =	vge.u32 v2, v8;
	vm2 =	vlt.u32 v2, v9  }
0x56: {  	vm1 =	vmand vm1, vm2;
	vm2 =	vne.s32 v1, $0x1  }
0x57: {  	vm1 =	vmand vm1, vm2  }
0x58: {  	v1 =	vsel vm1, $0x1, v40  }
0x59: {  	v0 =	vadd.s32 v1, v0  }
0x5a: {  	(xrf0) =	vadd.scan.msk.s32 $0xffff, v0;
	_ =	sdelay $0x2  }
0x5b: {  	s18 =	simm.s32 $0x0  }
0x5c: {  	v1 =	vld [tilespmem:s18+$0x0];
	_ =	sdelay $0x1  }
0x5d: {  	s12 =	simm.s32 $0x10;
	v0, _, _ =	vpop (xrf0)  }
0x5e: {  	s11 =	simm.s32 $0x20;
	(v2sf) =	vpush v0, $0xF;
	v0 =	vld [tilespmem:s12+$0x0]  }
0x5f: {  	v2 =	vld [tilespmem:s11+$0x0]  }
0x60: {  	vm1 =	vne.s32 v1, $0x1  }
0x61: {  	v1 =	vsel vm1, $0x1, v40  }
0x62: {  	(xrf0) =	vadd.scan.msk.s32 $0xffff, v1  }
0x63: {  	vm2 =	vne.s32 v0, $0x1  }
0x64: {  	vm3 =	vne.s32 v2, $0x1;
	v0 =	vsel vm2, $0x1, v40  }
0x65: {  	(xrf0) =	vadd.scan.msk.s32 $0xffff, v0;
	v0 =	vsel vm3, $0x1, v40  }
0x66: {  	(xrf0) =	vadd.scan.msk.s32 $0xffff, v0;
	_ =	sdelay $0x1  }
0x67: {  	v2, _, _ =	vpop (xrf0)  }
0x68: {  	(v2sf) =	vpush v2, $0xF;
	_ =	sdelay $0x1  }
0x69: {  	s20 =	simm.s32 $0x30;
	v1, _, _ =	vpop (xrf0)  }
0x6a: {  	v3 =	vld [tilespmem:s20+$0x0];
	(v2sf) =	vpush v1, $0xF;
	v0, _, _ =	vpop (xrf0)  }
0x6b: {  	s19 =	spop (v2sf);
	(v2sf) =	vpush v0, $0xF;
	_ =	sdelay $0x3  }
0x6c: {  	vm5 =	vne.s32 v3, $0x1;
	vm1 =	vmmov vm1  }
0x6d: {  	s14 =	simm.s32 $0x40;
	v3 =	vsel vm5, $0x1, v40;
	vm1 =	vmmov vm1  }
0x6e: {  	vm1 =	vmmov vm1;
	vm2 =	vmmov vm2;
	(xrf0) =	vadd.scan.msk.s32 $0xffff, v3;
	v3 =	vld [tilespmem:s14+$0x0]  }
0x6f: {  	vm1 =	vmmov vm1;
	vm2 =	vmmov vm2;
	v4 =	vmov s19  }
0x70: {  	vm3 =	vmmov vm3;
	vm2 =	vmmov vm2;
	v4 =	vadd.s32 $0x1, v4  }
0x71: {  	s21 =	simm.s32 $0x140;
	vm4 =	vmmov vm3;
	vm3 =	vmmov vm5;
	v4 =	vbroadcast v4, $0x0  }
.LBB2_4:
0x72: {  	s23 =	sshra.s32 s21, $0x2;
	p0 =	sne.s32 s21, $0xFC0  }
.Ltmp1:
0x73: {  	s21 =	sadd.s32 $0x40, s21;
	vm5 =	vne.s32 v3, $0x1;
	v6 =	vadd.s32 v2, v4;
	s24 =	spop (v2sf);
	(pc) =	sbr.rel @p0 .LBB2_4-.Ltmp1, $4  }
0x74: {  	v2 =	vmovc v1;
	v1 =	vmovc v0;
	v3 =	vld [tilespmem:s23+$0x0];
	v4 =	vsel vm5, $0x1, v40;
	v5 =	vnsel vm1, $0x1, v6;
	s19 =	sadd.s32 s19, s24;
	vm1 =	vmmov vm2  }
0x75: {  	vm2 =	vmmov vm4;
	(xrf0) =	vadd.scan.msk.s32 $0xffff, v4;
	v0, _, _ =	vpop (xrf0);
	v4 =	vmov s19;
	[tilespmem:s18+$0x2000] =	vst v5;
	s18 =	smov.u32 s12;
	s12 =	smov.u32 s11;
	s11 =	smov.u32 s20  }
0x76: {  	vm4 =	vmmov vm3;
	s20 =	smov.u32 s14;
	s14 =	smov.u32 s23;
	(v2sf) =	vpush v0, $0xF;
	v4 =	vadd.s32 $0x1, v4  }
0x77: {  	vm3 =	vmmov vm5;
	v4 =	vbroadcast v4, $0x0  }
0x78: {  	_ =	sdelay $0x2  }
0x79: {  	v5, _, _ =	vpop (xrf0)  }
0x7a: {  	(v2sf) =	vpush v5, $0xF;
	_ =	sdelay $0x8  }
0x7b: {  	s21 =	spop (v2sf)  }
0x7c: {  	s19 =	sadd.s32 s19, s21  }
0x7d: {  	vm3 =	vmmov vm3;
	v2 =	vadd.s32 v2, v4;
	s28 =	spop (v2sf);
	v6 =	vmov s19  }
0x7e: {  	vm5 =	vne.s32 v3, $0x1;
	v2 =	vnsel vm1, $0x1, v2;
	s19 =	sadd.s32 s19, s28;
	v6 =	vadd.s32 $0x1, v6  }
0x7f: {  	v3 =	vsel vm5, $0x1, v40;
	v53 =	vmov s19;
	v52 =	vbroadcast v6, $0x0  }
0x80: {  	vm1 =	vmmov vm2;
	vm2 =	vmmov vm4;
	(xrf0) =	vadd.scan.msk.s32 $0xffff, v3;
	v54 =	vadd.s32 $0x1, v53;
	s29 =	spop (v2sf)  }
0x81: {  	vm15 =	vmmov vm5;
	v3 =	vbroadcast v54, $0x0;
	v1 =	vadd.s32 v1, v52;
	s19 =	sadd.s32 s19, s29;
	s30 =	spop (v2sf)  }
0x82: {  	v1 =	vnsel vm1, $0x1, v1;
	vm1 =	vmmov vm2;
	v55 =	vmov s19;
	s19 =	sadd.s32 s19, s30  }
0x83: {  	v0 =	vadd.s32 v0, v3;
	v56 =	vadd.s32 $0x1, v55;
	v57 =	vmov s19  }
0x84: {  	vm2 =	vmmov vm3;
	v3 =	vbroadcast v56, $0x0;
	v4 =	vadd.s32 $0x1, v57  }
0x85: {  	[tilespmem:s18+$0x2000] =	vst v2;
	vm3 =	vmmov vm15;
	v0 =	vnsel vm1, $0x1, v0;
	v58 =	vbroadcast v4, $0x0  }
0x86: {  	[tilespmem:s12+$0x2000] =	vst v1;
	vm1 =	vmmov vm2;
	vm2 =	vmmov vm3;
	v59, _, _ =	vpop (xrf0);
	v3 =	vadd.s32 v5, v3  }
0x87: {  	[tilespmem:s11+$0x2000] =	vst v0;
	v60 =	vnsel vm1, $0x1, v3;
	vm1 =	vmmov vm2;
	v2 =	vadd.s32 v59, v58  }
0x88: {  	[tilespmem:s20+$0x2000] =	vst v60;
	v61 =	vnsel vm1, $0x1, v2  }
0x89: {  	[tilespmem:s14+$0x2000] =	vst v61  }
0x8a: {  	v0 =	vld [tilespmem:$0x2000];
	_ =	sdelay $0x4  }
0x8b: {  	v62 =	vshrl.u32 v0, $0x3  }
0x8c: {  	v2 =	vmul.u32 $0x30, v62  }
0x8d: {  	v0 =	vand.u32 $0x7, v0  }
0x8e: {  	v0 =	vor.u32 v0, v2  }
0x8f: {  	v2 =	vperm.xlane v0, v10;
	_ =	sdelay $0x1  }
0x90: {  	v2 =	vadd.s32 v11, v2;
	_ =	sdelay $0x3  }
0x91: {  	s23 =	simm.s32 $0x0;
	s12 =	simm.s32 $0x5400;
	v0 =	vperm.xlane v0, v7  }
0x92: {  	[tilespmem:s12], [sflag:$0x2] =	stream.indirect_vreg.gather [hbm4b:s2+s23], $0x80, v2, vm0, $0xb8;
	[tilespmem:$0x14A00] =	vst v63  }
0x93: {  	s14 =	simm.s32 $0x5C00;
	v0 =	vadd.s32 v11, v0  }
0x94: {  	[tilespmem:s14], [sflag:$0x2] =	stream.indirect_vreg.gather [hbm4b:s17+s23], $0x80, v2, vm0, $0xb8;
	[tilespmem:$0x14A00] =	vst v63  }
0x95: {  	s18 =	simm.s32 $0x6400  }
0x96: {  	[tilespmem:s18], [sflag:$0x2] =	stream.indirect_vreg.gather [hbm4b:s10+s23], $0x80, v2, vm0, $0xb8;
	[tilespmem:$0x14A00] =	vst v63  }
0x97: {  	s19 =	simm.s32 $0x6C00  }
0x98: {  	[tilespmem:s19], [sflag:$0x2] =	stream.indirect_vreg.gather [hbm4b:s2+s23], $0x80, v0, vm0, $0xb8;
	[tilespmem:$0x14A00] =	vst v63  }
0x99: {  	s20 =	simm.s32 $0x7400  }
0x9a: {  	[tilespmem:s20], [sflag:$0x2] =	stream.indirect_vreg.gather [hbm4b:s17+s23], $0x80, v0, vm0, $0xb8;
	[tilespmem:$0x14A00] =	vst v63  }
0x9b: {  	s21 =	simm.s32 $0x7C00  }
0x9c: {  	[tilespmem:s21], [sflag:$0x2] =	stream.indirect_vreg.gather [hbm4b:s10+s23], $0x80, v0, vm0, $0xb8;
	[tilespmem:$0x14A00] =	vst v63  }
0x9d: {  	v0 =	vld [tilespmem:$0x2010];
	_ =	sdelay $0x4  }
0x9e: {  	v63 =	vshrl.u32 v0, $0x3  }
0x9f: {  	v2 =	vmul.u32 $0x30, v63  }
0xa0: {  	v0 =	vand.u32 $0x7, v0  }
0xa1: {  	v0 =	vor.u32 v0, v2  }
0xa2: {  	v2 =	vperm.xlane v0, v10  }
0xa3: {  	(v2sf) =	vpush v59, $0xF  }
0xa4: {  	v2 =	vadd.s32 v11, v2;
	_ =	sdelay $0x3  }
0xa5: {  	s22 =	simm.s32 $0xE400;
	v0 =	vperm.xlane v0, v7  }
0xa6: {  	[tilespmem:s22], [sflag:$0x5] =	stream.indirect_vreg.gather [hbm4b:s2+s23], $0x80, v2, vm0, $0xb8;
	[tilespmem:$0x14A00] =	vst v63  }
0xa7: {  	s24 =	simm.s32 $0xEC00;
	v0 =	vadd.s32 v11, v0  }
0xa8: {  	[tilespmem:s24], [sflag:$0x5] =	stream.indirect_vreg.gather [hbm4b:s17+s23], $0x80, v2, vm0, $0xb8;
	[tilespmem:$0x14A00] =	vst v63  }
0xa9: {  	s25 =	simm.s32 $0xF400  }
0xaa: {  	[tilespmem:s25], [sflag:$0x5] =	stream.indirect_vreg.gather [hbm4b:s10+s23], $0x80, v2, vm0, $0xb8;
	[tilespmem:$0x14A00] =	vst v63  }
0xab: {  	s26 =	simm.s32 $0xFC00  }
0xac: {  	[tilespmem:s26], [sflag:$0x5] =	stream.indirect_vreg.gather [hbm4b:s2+s23], $0x80, v0, vm0, $0xb8;
	[tilespmem:$0x14A00] =	vst v63  }
0xad: {  	s28 =	simm.s32 $0x10400  }
0xae: {  	[tilespmem:s28], [sflag:$0x5] =	stream.indirect_vreg.gather [hbm4b:s17+s23], $0x80, v0, vm0, $0xb8;
	[tilespmem:$0x14A00] =	vst v63  }
0xaf: {  	s29 =	simm.s32 $0x10C00;
	s30 =	spop (v2sf)  }
0xb0: {  	[tilespmem:s29], [sflag:$0x5] =	stream.indirect_vreg.gather [hbm4b:s10+s23], $0x80, v0, vm0, $0xb8;
	[tilespmem:$0x14A00] =	vst v63  }
.LBB2_6:
0xb1: {  	_ =	swait.ge [sflag:s31], $0x3000  }
0xb2: {  	[sflag:s31] =	ssyncset.done $0x0  }
0xb3: {  	s11 =	simm.s32 $0x0;
	[sflag:s31] =	ssyncadd.s32 $0xFFFFD000  }
0xb4: {  	s24 =	simm.s32 $0x80;
	s18 =	smul.u32 $0x1800, s11;
	_ =	swait.ge [sflag:s1], $0x3000  }
0xb5: {  	s12 =	sand.u32 $0x380, s24;
	[sflag:s1] =	ssyncset.done $0x0  }
0xb6: {  	s14 =	sor.u32 s18, s12;
	[sflag:s1] =	ssyncadd.s32 $0xFFFFD000  }
0xb7: {  	v0 =	vld [tilespmem:s14+$0x2800]  }
0xb8: {  	v3 =	vld [tilespmem:s14+$0x5800]  }
0xb9: {  	v4 =	vld [tilespmem:s14+$0x2810]  }
0xba: {  	v5 =	vld [tilespmem:s14+$0x5810]  }
0xbb: {  	v9 =	vld [tilespmem:s14+$0x2820]  }
0xbc: {  	v10 =	vld [tilespmem:s14+$0x5820]  }
0xbd: {  	v11 =	vld [tilespmem:s14+$0x2830]  }
0xbe: {  	v12 =	vld [tilespmem:s14+$0x5830]  }
0xbf: {  	v13 =	vld [tilespmem:s14+$0x2840]  }
0xc0: {  	v14 =	vld [tilespmem:s14+$0x5840]  }
0xc1: {  	v15 =	vld [tilespmem:s14+$0x2850]  }
0xc2: {  	v16 =	vld [tilespmem:s14+$0x5850]  }
0xc3: {  	v17 =	vld [tilespmem:s14+$0x2860]  }
0xc4: {  	s21 =	simm.s32 $0x0;
	v18 =	vld [tilespmem:s14+$0x5860]  }
0xc5: {  	s11 =	sand.u32 $0x300, s21;
	v19 =	vld [tilespmem:s14+$0x2870]  }
0xc6: {  	s20 =	sor.u32 s11, s18;
	v20 =	vld [tilespmem:s14+$0x5870]  }
0xc7: {  	v56 =	vld [tilespmem:s20+$0x2800]  }
0xc8: {  	v23 =	vld [tilespmem:s20+$0x5800]  }
0xc9: {  	v25 =	vld [tilespmem:s20+$0x2810]  }
0xca: {  	v27 =	vld [tilespmem:s20+$0x5810]  }
0xcb: {  	v28 =	vld [tilespmem:s20+$0x2820]  }
0xcc: {  	v29 =	vld [tilespmem:s20+$0x5820]  }
0xcd: {  	v30 =	vld [tilespmem:s20+$0x2830]  }
0xce: {  	v31 =	vld [tilespmem:s20+$0x5830]  }
0xcf: {  	v32 =	vld [tilespmem:s20+$0x2840]  }
0xd0: {  	v33 =	vld [tilespmem:s20+$0x5840]  }
0xd1: {  	v34 =	vld [tilespmem:s20+$0x2850]  }
0xd2: {  	v35 =	vld [tilespmem:s20+$0x5850]  }
0xd3: {  	v36 =	vld [tilespmem:s20+$0x2860]  }
0xd4: {  	v37 =	vld [tilespmem:s20+$0x5860]  }
0xd5: {  	v38 =	vld [tilespmem:s20+$0x2870]  }
0xd6: {  	v39 =	vld [tilespmem:s20+$0x5870]  }
0xd7: {  	v1 =	vld [tilespmem:s14+$0x2460]  }
0xd8: {  	v6 =	vld [tilespmem:s14+$0x5460]  }
0xd9: {  	v24 =	vld [tilespmem:s14+$0x2440]  }
0xda: {  	v26 =	vld [tilespmem:s14+$0x5440]  }
0xdb: {  	v7 =	vld [tilespmem:s14+$0x2420]  }
0xdc: {  	v40 =	vld [tilespmem:s14+$0x5420]  }
0xdd: {  	v2 =	vld [tilespmem:s14+$0x2400]  }
0xde: {  	v8 =	vld [tilespmem:s14+$0x5400]  }
0xdf: {  	v41 =	vld [tilespmem:s14+$0x2410]  }
0xe0: {  	v42 =	vld [tilespmem:s14+$0x5410]  }
0xe1: {  	v43 =	vld [tilespmem:s14+$0x2430]  }
0xe2: {  	v44 =	vld [tilespmem:s14+$0x5430]  }
0xe3: {  	v45 =	vld [tilespmem:s14+$0x2450]  }
0xe4: {  	v46 =	vld [tilespmem:s14+$0x5450];
	v8 =	vadd.f32 v8, v2  }
0xe5: {  	v22 =	vld [tilespmem:s14+$0x2470];
	v21 =	vadd.f32 v42, v41  }
0xe6: {  	v58 =	vld [tilespmem:s14+$0x5470];
	v7 =	vadd.f32 v40, v7;
	[tilespmem:s14+$0x8400] =	vst v8  }
0xe7: {  	v47 =	vld [tilespmem:s20+$0x2460];
	v49 =	vadd.f32 v44, v43;
	[tilespmem:s14+$0x8410] =	vst v21  }
0xe8: {  	v48 =	vld [tilespmem:s20+$0x5460];
	v40 =	vadd.f32 v26, v24;
	[tilespmem:s14+$0x8420] =	vst v7  }
0xe9: {  	v59 =	vld [tilespmem:s20+$0x2440];
	v41 =	vadd.f32 v46, v45;
	[tilespmem:s14+$0x8430] =	vst v49  }
0xea: {  	v60 =	vld [tilespmem:s20+$0x5440];
	v24 =	vadd.f32 v6, v1;
	[tilespmem:s14+$0x8440] =	vst v40  }
0xeb: {  	v61 =	vld [tilespmem:s20+$0x2450];
	v22 =	vadd.f32 v58, v22;
	[tilespmem:s14+$0x8450] =	vst v41  }
0xec: {  	v62 =	vld [tilespmem:s20+$0x2420];
	v2 =	vadd.f32 v10, v9;
	[tilespmem:s14+$0x8460] =	vst v24  }
0xed: {  	v42 =	vadd.f32 v3, v0;
	v0 =	vld [tilespmem:s20+$0x5420];
	[tilespmem:s14+$0x8470] =	vst v22  }
0xee: {  	v26 =	vadd.f32 v5, v4;
	v5 =	vld [tilespmem:s20+$0x2400];
	v4 =	vadd.f32 v12, v11;
	[tilespmem:$0x1FE40] =	vst v2  }
0xef: {  	[tilespmem:s14+$0x8800] =	vst v42  }
0xf0: {  	v1 =	vadd.f32 v14, v13;
	v9 =	vld [tilespmem:s20+$0x5400];
	[tilespmem:$0x1FE50] =	vst v4  }
0xf1: {  	[tilespmem:s14+$0x8810] =	vst v26  }
0xf2: {  	v3 =	vadd.f32 v16, v15;
	v10 =	vld [tilespmem:s20+$0x2410];
	[tilespmem:$0x1FE70] =	vst v1  }
0xf3: {  	[tilespmem:s14+$0x8820] =	vst v2  }
0xf4: {  	v11 =	vld [tilespmem:s20+$0x5410];
	v2 =	vadd.f32 v18, v17;
	[tilespmem:$0x1FE80] =	vst v3  }
0xf5: {  	[tilespmem:s14+$0x8830] =	vst v4  }
0xf6: {  	v12 =	vld [tilespmem:s20+$0x2430];
	[tilespmem:$0x1FE90] =	vst v2  }
0xf7: {  	[tilespmem:s14+$0x8840] =	vst v1;
	v1 =	vadd.f32 v20, v19;
	_ =	sdelay $0x1  }
0xf8: {  	v13 =	vld [tilespmem:s20+$0x5430];
	[tilespmem:$0x1FEA0] =	vst v1  }
0xf9: {  	[tilespmem:s14+$0x8850] =	vst v3  }
0xfa: {  	v9 =	vadd.f32 v9, v5;
	[tilespmem:s14+$0x8860] =	vst v2  }
0xfb: {  	v10 =	vadd.f32 v11, v10;
	v16 =	vld [tilespmem:s20+$0x5450];
	[tilespmem:s14+$0x8870] =	vst v1  }
0xfc: {  	s19 =	sadd.s32 $0x800, s18;
	v55 =	vadd.f32 v0, v62;
	v5 =	vld [tilespmem:s20+$0x2470];
	[tilespmem:s20+$0x8400] =	vst v9  }
0xfd: {  	s22 =	sor.u32 s12, s19;
	v53 =	vadd.f32 v60, v59;
	v11 =	vld [tilespmem:s20+$0x5470];
	[tilespmem:s20+$0x8410] =	vst v10  }
0xfe: {  	v51 =	vadd.f32 v48, v47;
	[tilespmem:s20+$0x8420] =	vst v55;
	v0 =	vld [tilespmem:s22+$0x2400]  }
0xff: {  	v48 =	vadd.f32 v23, v56;
	[tilespmem:s20+$0x8440] =	vst v53;
	v19 =	vld [tilespmem:s22+$0x2420]  }
0x100: {  	v47 =	vadd.f32 v27, v25;
	[tilespmem:s20+$0x8460] =	vst v51;
	v20 =	vld [tilespmem:s22+$0x5430]  }
0x101: {  	v45 =	vadd.f32 v29, v28;
	[tilespmem:s20+$0x8800] =	vst v48;
	v23 =	vld [tilespmem:s22+$0x2440]  }
0x102: {  	v46 =	vadd.f32 v31, v30;
	[tilespmem:s20+$0x8810] =	vst v47;
	v25 =	vld [tilespmem:s22+$0x5440]  }
0x103: {  	v43 =	vadd.f32 v33, v32;
	[tilespmem:s20+$0x8820] =	vst v45;
	v27 =	vld [tilespmem:s22+$0x2450]  }
0x104: {  	[tilespmem:s20+$0x8830] =	vst v46;
	v28 =	vld [tilespmem:s22+$0x5450];
	v54 =	vadd.f32 v13, v12  }
0x105: {  	[tilespmem:s20+$0x8840] =	vst v43;
	v12 =	vld [tilespmem:s22+$0x5400];
	v52 =	vadd.f32 v16, v61  }
0x106: {  	v13 =	vld [tilespmem:s22+$0x2410];
	[tilespmem:s20+$0x8430] =	vst v54;
	v50 =	vadd.f32 v11, v5  }
0x107: {  	v2 =	vadd.f32 v37, v36;
	v16 =	vld [tilespmem:s22+$0x5410];
	[tilespmem:s20+$0x8450] =	vst v52  }
0x108: {  	v44 =	vadd.f32 v35, v34;
	v5 =	vld [tilespmem:s22+$0x5420];
	[tilespmem:s20+$0x8470] =	vst v50  }
0x109: {  	v1 =	vadd.f32 v39, v38;
	v11 =	vld [tilespmem:s22+$0x2430];
	[tilespmem:$0x1FEB0] =	vst v2  }
0x10a: {  	[tilespmem:s20+$0x8850] =	vst v44  }
0x10b: {  	v29 =	vld [tilespmem:s22+$0x2460];
	[tilespmem:$0x1FEC0] =	vst v1  }
0x10c: {  	v30 =	vld [tilespmem:s22+$0x5460]  }
0x10d: {  	[tilespmem:s20+$0x8860] =	vst v2;
	v31 =	vld [tilespmem:s22+$0x2470]  }
0x10e: {  	s19 =	sor.u32 s11, s19;
	[tilespmem:s20+$0x8870] =	vst v1;
	v63 =	vld [tilespmem:s22+$0x5470]  }
0x10f: {  	v3 =	vld [tilespmem:s19+$0x2400]  }
0x110: {  	v34 =	vld [tilespmem:s19+$0x5400]  }
0x111: {  	v35 =	vld [tilespmem:s19+$0x2410]  }
0x112: {  	v36 =	vld [tilespmem:s19+$0x5410]  }
0x113: {  	v0 =	vadd.f32 v12, v0;
	v37 =	vld [tilespmem:s19+$0x2420]  }
0x114: {  	v1 =	vadd.f32 v16, v13;
	v38 =	vld [tilespmem:s19+$0x5420]  }
0x115: {  	v39 =	vld [tilespmem:s19+$0x2430];
	[tilespmem:$0x1FEE0] =	vst v0  }
0x116: {  	v56 =	vld [tilespmem:s19+$0x5430];
	[tilespmem:$0x1FEF0] =	vst v1  }
0x117: {  	[tilespmem:s22+$0x8400] =	vst v0;
	v0 =	vadd.f32 v5, v19;
	_ =	sdelay $0x1  }
0x118: {  	v57 =	vld [tilespmem:s19+$0x2440];
	[tilespmem:$0x1FF00] =	vst v0  }
0x119: {  	[tilespmem:s22+$0x8410] =	vst v1;
	v1 =	vadd.f32 v20, v11;
	_ =	sdelay $0x1  }
0x11a: {  	v19 =	vld [tilespmem:s19+$0x5440];
	[tilespmem:$0x1FF10] =	vst v1  }
0x11b: {  	[tilespmem:s22+$0x8420] =	vst v0;
	v0 =	vadd.f32 v25, v23;
	_ =	sdelay $0x1  }
0x11c: {  	v20 =	vld [tilespmem:s19+$0x2450];
	[tilespmem:$0x1FF30] =	vst v0  }
0x11d: {  	[tilespmem:s22+$0x8430] =	vst v1;
	v1 =	vadd.f32 v28, v27;
	_ =	sdelay $0x1  }
0x11e: {  	v58 =	vld [tilespmem:s19+$0x5450];
	[tilespmem:$0x1FF40] =	vst v1  }
0x11f: {  	v30 =	vadd.f32 v30, v29;
	v28 =	vld [tilespmem:s19+$0x2460];
	[tilespmem:s22+$0x8440] =	vst v0  }
0x120: {  	v31 =	vadd.f32 v63, v31;
	v29 =	vld [tilespmem:s19+$0x5460];
	[tilespmem:s22+$0x8450] =	vst v1  }
0x121: {  	s25 =	sadd.s32 $0xC00, s18;
	v32 =	vld [tilespmem:s19+$0x2470];
	[tilespmem:s22+$0x8460] =	vst v30  }
0x122: {  	s26 =	sor.u32 s12, s25;
	v59 =	vld [tilespmem:s19+$0x5470];
	[tilespmem:s22+$0x8470] =	vst v31  }
0x123: {  	v60 =	vld [tilespmem:s26+$0x2400]  }
0x124: {  	v61 =	vld [tilespmem:s26+$0x5400]  }
0x125: {  	v62 =	vld [tilespmem:s26+$0x2410]  }
0x126: {  	v63 =	vld [tilespmem:s26+$0x5410]  }
0x127: {  	v25 =	vadd.f32 v34, v3;
	v0 =	vld [tilespmem:s26+$0x2420]  }
0x128: {  	v2 =	vadd.f32 v38, v37;
	v33 =	vld [tilespmem:s26+$0x5420]  }
0x129: {  	[tilespmem:s19+$0x8400] =	vst v25;
	v34 =	vld [tilespmem:s26+$0x2430]  }
0x12a: {  	v23 =	vadd.f32 v36, v35;
	v35 =	vld [tilespmem:s26+$0x5430];
	[tilespmem:$0x1FF20] =	vst v2  }
0x12b: {  	[tilespmem:s19+$0x8420] =	vst v2;
	v2 =	vadd.f32 v19, v57  }
0x12c: {  	v1 =	vld [tilespmem:s26+$0x2440];
	[tilespmem:s19+$0x8410] =	vst v23  }
0x12d: {  	v27 =	vadd.f32 v56, v39;
	v56 =	vld [tilespmem:s26+$0x5440];
	[tilespmem:$0x1FF50] =	vst v2  }
0x12e: {  	v57 =	vld [tilespmem:s26+$0x2450]  }
0x12f: {  	v20 =	vadd.f32 v58, v20;
	[tilespmem:s19+$0x8430] =	vst v27;
	v58 =	vld [tilespmem:s26+$0x5450]  }
0x130: {  	[tilespmem:s19+$0x8440] =	vst v2;
	v29 =	vadd.f32 v29, v28;
	v28 =	vld [tilespmem:s26+$0x2460]  }
0x131: {  	[tilespmem:s19+$0x8450] =	vst v20;
	v36 =	vadd.f32 v59, v32;
	v4 =	vld [tilespmem:s26+$0x5460]  }
0x132: {  	v59 =	vld [tilespmem:s26+$0x2470];
	[tilespmem:s19+$0x8460] =	vst v29  }
0x133: {  	s25 =	sor.u32 s11, s25;
	v3 =	vld [tilespmem:s26+$0x5470];
	[tilespmem:s19+$0x8470] =	vst v36  }
0x134: {  	v17 =	vld [tilespmem:s25+$0x2400]  }
0x135: {  	v37 =	vadd.f32 v61, v60;
	v60 =	vld [tilespmem:s25+$0x5400]  }
0x136: {  	v14 =	vld [tilespmem:s25+$0x2410]  }
0x137: {  	v38 =	vadd.f32 v63, v62;
	v62 =	vld [tilespmem:s25+$0x5410]  }
0x138: {  	v39 =	vmul.f32 v49, v49;
	v2 =	vmul.f32 v9, v9;
	v12 =	vld [tilespmem:s25+$0x2420]  }
0x139: {  	v33 =	vadd.f32 v33, v0;
	v0 =	vmul.f32 v8, v8;
	v8 =	vadd.f32 $0.0e+00, v8;
	v63 =	vld [tilespmem:s25+$0x5420]  }
0x13a: {  	v35 =	vadd.f32 v35, v34;
	v34 =	vmul.f32 v21, v21;
	v32 =	vadd.f32 v56, v1;
	v11 =	vld [tilespmem:s25+$0x5430]  }
0x13b: {  	v61 =	vmul.f32 v7, v7;
	[tilespmem:s26+$0x8400] =	vst v37;
	v7 =	vadd.f32 v7, v8;
	v8 =	vadd.f32 $0.0e+00, v9;
	v9 =	vld [tilespmem:s25+$0x2450]  }
0x13c: {  	v56 =	vadd.f32 v39, v34;
	[tilespmem:s26+$0x8410] =	vst v38;
	v34 =	vadd.f32 v58, v57;
	v57 =	vld [tilespmem:s25+$0x2430]  }
0x13d: {  	v39 =	vmul.f32 v10, v10;
	[tilespmem:s26+$0x8420] =	vst v33;
	v10 =	vadd.f32 $0.0e+00, v10;
	v58 =	vld [tilespmem:s25+$0x2440]  }
0x13e: {  	[tilespmem:s26+$0x8430] =	vst v35;
	v13 =	vadd.f32 v3, v59;
	v3 =	vadd.f32 $0.0e+00, v21;
	v21 =	vld [tilespmem:s25+$0x5440]  }
0x13f: {  	v1 =	vmul.f32 v55, v55;
	[tilespmem:s26+$0x8440] =	vst v32;
	v6 =	vadd.f32 v4, v28;
	v8 =	vadd.f32 v55, v8;
	v55 =	vld [tilespmem:s25+$0x2460]  }
0x140: {  	v61 =	vadd.f32 v61, v0;
	v0 =	vmul.f32 v54, v54;
	v10 =	vadd.f32 v54, v10;
	v54 =	vld [tilespmem:s25+$0x5460];
	[tilespmem:s26+$0x8450] =	vst v34  }
0x141: {  	v3 =	vadd.f32 v49, v3;
	v49 =	vld [tilespmem:s25+$0x5450];
	[tilespmem:$0x1FE20] =	vst v6  }
0x142: {  	v5 =	vadd.f32 v1, v2;
	v2 =	vmul.f32 v52, v52;
	v4 =	vadd.f32 v0, v39;
	[tilespmem:s26+$0x8460] =	vst v6  }
0x143: {  	s28 =	sadd.s32 $0x1000, s18;
	v1 =	vmul.f32 v53, v53;
	v6 =	vld [tilespmem:s25+$0x2470];
	[tilespmem:$0x1FE30] =	vst v13  }
0x144: {  	s29 =	sor.u32 s12, s28;
	v39 =	vmul.f32 v40, v40;
	v2 =	vadd.f32 v2, v4;
	[tilespmem:s26+$0x8470] =	vst v13;
	v4 =	vld [tilespmem:s25+$0x5470]  }
0x145: {  	v0 =	vmul.f32 v41, v41;
	v1 =	vadd.f32 v1, v5;
	v18 =	vld [tilespmem:s29+$0x2400]  }
0x146: {  	v5 =	vadd.f32 v40, v7;
	v59 =	vadd.f32 v39, v61;
	v16 =	vld [tilespmem:s29+$0x5400]  }
0x147: {  	v0 =	vadd.f32 v0, v56;
	v8 =	vadd.f32 v53, v8;
	v15 =	vld [tilespmem:s29+$0x2410]  }
0x148: {  	v40 =	vmul.f32 v24, v24;
	v10 =	vadd.f32 v52, v10;
	v5 =	vadd.f32 v24, v5;
	v7 =	vld [tilespmem:s29+$0x5410]  }
0x149: {  	v61 =	vmul.f32 v51, v51;
	v53 =	vadd.f32 v63, v12;
	v3 =	vadd.f32 v41, v3;
	v13 =	vld [tilespmem:s29+$0x2420]  }
0x14a: {  	v56 =	vmul.f32 v50, v50;
	v40 =	vadd.f32 v40, v59;
	v59 =	vadd.f32 v60, v17;
	v17 =	vld [tilespmem:s29+$0x5420]  }
0x14b: {  	v1 =	vadd.f32 v61, v1;
	v61 =	vadd.f32 v62, v14;
	v14 =	vld [tilespmem:s29+$0x2430]  }
0x14c: {  	v2 =	vadd.f32 v56, v2;
	v8 =	vadd.f32 v51, v8;
	[tilespmem:s25+$0x8400] =	vst v59;
	v12 =	vld [tilespmem:s29+$0x5430]  }
0x14d: {  	v41 =	vmul.f32 v22, v22;
	v10 =	vadd.f32 v50, v10;
	v56 =	vadd.f32 v11, v57;
	[tilespmem:s25+$0x8410] =	vst v61;
	v11 =	vld [tilespmem:s29+$0x2440]  }
0x14e: {  	v24 =	vmul.f32 v26, v26;
	v50 =	vadd.f32 v21, v58;
	[tilespmem:s25+$0x8420] =	vst v53;
	v52 =	vadd.f32 v49, v9;
	v9 =	vld [tilespmem:s29+$0x2450]  }
0x14f: {  	v0 =	vadd.f32 v41, v0;
	v3 =	vadd.f32 v22, v3;
	v22 =	vmul.f32 v42, v42;
	[tilespmem:s25+$0x8430] =	vst v56;
	v51 =	vld [tilespmem:s29+$0x5450]  }
0x150: {  	v41 =	vadd.f32 v54, v55;
	[tilespmem:s25+$0x8440] =	vst v50;
	v54 =	vld [tilespmem:s29+$0x2470]  }
0x151: {  	v21 =	vadd.f32 v22, v40;
	v22 =	vld [tilespmem:s29+$0x5440];
	v0 =	vadd.f32 v24, v0;
	v24 =	vmul.f32 v47, v47;
	[tilespmem:s25+$0x8450] =	vst v52  }
0x152: {  	v28 =	vld [tilespmem:$0x1FE40];
	v19 =	vadd.f32 v4, v6  }
0x153: {  	v2 =	vadd.f32 v24, v2;
	v24 =	vld [tilespmem:s29+$0x5460];
	[tilespmem:s25+$0x8460] =	vst v41  }
0x154: {  	v60 =	vmul.f32 v48, v48;
	v4 =	vld [tilespmem:s29+$0x2460];
	[tilespmem:$0x1FE60] =	vst v19  }
0x155: {  	v5 =	vadd.f32 v42, v5;
	v62 =	vld [tilespmem:$0x1FE50];
	[tilespmem:s25+$0x8470] =	vst v19  }
0x156: {  	v63 =	vmul.f32 v45, v45;
	v1 =	vadd.f32 v60, v1;
	v19 =	vld [tilespmem:$0x1FE70]  }
0x157: {  	v8 =	vadd.f32 v48, v8;
	v6 =	vmul.f32 v28, v28;
	v5 =	vadd.f32 v28, v5;
	v28 =	vld [tilespmem:$0x1FE80]  }
0x158: {  	s30 =	sor.u32 s11, s28;
	v10 =	vadd.f32 v47, v10;
	v49 =	vmul.f32 v43, v43;
	v1 =	vadd.f32 v63, v1;
	v55 =	vld [tilespmem:s29+$0x5470]  }
0x159: {  	v3 =	vadd.f32 v26, v3;
	v8 =	vadd.f32 v45, v8;
	v57 =	vld [tilespmem:s30+$0x2410]  }
0x15a: {  	v10 =	vadd.f32 v46, v10;
	v1 =	vadd.f32 v49, v1;
	v58 =	vld [tilespmem:s30+$0x5410];
	v26 =	vmul.f32 v62, v62  }
0x15b: {  	v49 =	vadd.f32 v7, v15;
	v45 =	vadd.f32 v22, v11;
	v60 =	vld [tilespmem:s30+$0x2420]  }
0x15c: {  	v7 =	vld [tilespmem:s30+$0x2430];
	v0 =	vadd.f32 v26, v0;
	v39 =	vmul.f32 v19, v19;
	v48 =	vmul.f32 v28, v28  }
0x15d: {  	v11 =	vld [tilespmem:s30+$0x5440];
	v6 =	vadd.f32 v6, v21;
	v21 =	vmul.f32 v46, v46;
	v46 =	vadd.f32 v51, v9  }
0x15e: {  	v9 =	vld [tilespmem:s30+$0x2450];
	v0 =	vadd.f32 v48, v0;
	v48 =	vadd.f32 v16, v18  }
0x15f: {  	v47 =	vmul.f32 v44, v44;
	[tilespmem:s29+$0x8410] =	vst v49;
	v26 =	vld [tilespmem:s30+$0x2400];
	v2 =	vadd.f32 v21, v2;
	v5 =	vadd.f32 v19, v5  }
0x160: {  	v21 =	vld [tilespmem:s30+$0x5400];
	v6 =	vadd.f32 v39, v6;
	v39 =	vmov v44;
	v44 =	vadd.f32 v17, v13;
	[tilespmem:s29+$0x8400] =	vst v48  }
0x161: {  	v2 =	vadd.f32 v47, v2;
	v47 =	vadd.f32 v12, v14;
	v19 =	vld [tilespmem:$0x1FE90]  }
0x162: {  	v16 =	vld [tilespmem:s30+$0x5420];
	[tilespmem:s29+$0x8420] =	vst v44  }
0x163: {  	v18 =	vld [tilespmem:$0x1FEA0];
	[tilespmem:s29+$0x8430] =	vst v47  }
0x164: {  	v42 =	vadd.f32 v24, v4;
	v24 =	vld [tilespmem:$0x1FEB0];
	[tilespmem:s29+$0x8440] =	vst v45  }
0x165: {  	v22 =	vld [tilespmem:$0x1FEC0]  }
0x166: {  	v13 =	vld [tilespmem:s30+$0x5430];
	v14 =	vmul.f32 v19, v19  }
0x167: {  	v8 =	vadd.f32 v43, v8;
	v3 =	vadd.f32 v62, v3;
	v12 =	vld [tilespmem:s30+$0x2440]  }
0x168: {  	v43 =	vadd.f32 v55, v54;
	[tilespmem:s29+$0x8450] =	vst v46;
	v15 =	vmul.f32 v18, v18;
	v6 =	vadd.f32 v14, v6;
	v14 =	vld [tilespmem:s30+$0x5450]  }
0x169: {  	v63 =	vadd.f32 v58, v57;
	v17 =	vld [tilespmem:s30+$0x2460];
	v62 =	vadd.f32 v21, v26;
	[tilespmem:s29+$0x8460] =	vst v42;
	v4 =	vmul.f32 v24, v24  }
0x16a: {  	v57 =	vadd.f32 v16, v60;
	v16 =	vld [tilespmem:s30+$0x5470];
	[tilespmem:s29+$0x8470] =	vst v43;
	v0 =	vadd.f32 v15, v0;
	v15 =	vmul.f32 v22, v22  }
0x16b: {  	s18 =	sadd.s32 $0x1400, s18;
	v60 =	vadd.f32 v13, v7;
	[tilespmem:s30+$0x8400] =	vst v62;
	v7 =	vimm.f32 $0.0e+00;
	v1 =	vadd.f32 v4, v1;
	v4 =	vld [tilespmem:s30+$0x5460]  }
0x16c: {  	s12 =	sor.u32 s12, s18;
	v2 =	vadd.f32 v15, v2;
	v15 =	vld [tilespmem:s30+$0x2470];
	[tilespmem:$0x1FED0] =	vst v7  }
0x16d: {  	v3 =	vadd.f32 v28, v3;
	v58 =	vadd.f32 v14, v9;
	v14 =	vld [tilespmem:s12+$0x2460]  }
0x16e: {  	v10 =	vadd.f32 v39, v10;
	[tilespmem:s30+$0x8410] =	vst v63;
	v21 =	vld [tilespmem:s12+$0x5460]  }
0x16f: {  	v55 =	vadd.f32 v11, v12;
	v3 =	vadd.f32 v18, v3;
	v18 =	vld [tilespmem:$0x1FEE0];
	[tilespmem:s30+$0x8420] =	vst v57  }
0x170: {  	v13 =	vld [tilespmem:$0x1FEF0];
	[tilespmem:s30+$0x8430] =	vst v60  }
0x171: {  	v10 =	vadd.f32 v22, v10;
	v22 =	vld [tilespmem:s12+$0x2470];
	[tilespmem:s30+$0x8440] =	vst v55;
	v51 =	vadd.f32 v4, v17  }
0x172: {  	v7 =	vadd.f32 v24, v8;
	v24 =	vld [tilespmem:s12+$0x5470];
	[tilespmem:s30+$0x8450] =	vst v58  }
0x173: {  	v5 =	vadd.f32 v19, v5;
	v54 =	vadd.f32 v16, v15;
	v16 =	vld [tilespmem:$0x1FF00];
	[tilespmem:s30+$0x8460] =	vst v51  }
0x174: {  	v12 =	vmul.f32 v25, v25;
	v10 =	vadd.f32 v23, v10;
	v17 =	vld [tilespmem:$0x1FF10]  }
0x175: {  	v4 =	vmul.f32 v23, v23;
	v8 =	vmul.f32 v18, v18;
	v5 =	vadd.f32 v18, v5;
	v18 =	vld [tilespmem:$0x1FF20];
	[tilespmem:s30+$0x8470] =	vst v54  }
0x176: {  	v7 =	vadd.f32 v25, v7;
	v25 =	vadd.f32 v27, v10;
	v11 =	vmul.f32 v13, v13;
	v28 =	vld [tilespmem:$0x1FF30]  }
0x177: {  	v2 =	vadd.f32 v4, v2;
	v3 =	vadd.f32 v13, v3;
	v13 =	vmul.f32 v27, v27;
	v39 =	vld [tilespmem:$0x1FF40]  }
0x178: {  	s11 =	sor.u32 s11, s18;
	v40 =	vld [tilespmem:$0x1FF50];
	v6 =	vadd.f32 v8, v6;
	v8 =	vadd.f32 v11, v0;
	v9 =	vmul.f32 v16, v16  }
0x179: {  	v11 =	vadd.f32 v12, v1;
	v0 =	vld [tilespmem:s11+$0x2460];
	v23 =	vadd.f32 v13, v2;
	v13 =	vmul.f32 v30, v30  }
0x17a: {  	v1 =	vld [tilespmem:s11+$0x5460];
	v5 =	vadd.f32 v16, v5;
	v4 =	vmul.f32 v17, v17;
	v12 =	vmul.f32 v18, v18  }
0x17b: {  	v9 =	vadd.f32 v9, v6;
	v6 =	vld [tilespmem:s11+$0x2470];
	v17 =	vadd.f32 v17, v3;
	v3 =	vmul.f32 v20, v20  }
0x17c: {  	v19 =	vadd.f32 v18, v7;
	v18 =	vmul.f32 v31, v31;
	v7 =	vld [tilespmem:s12+$0x2450];
	v15 =	vmul.f32 v28, v28  }
0x17d: {  	v2 =	vmul.f32 v39, v39;
	v8 =	vadd.f32 v4, v8;
	v11 =	vadd.f32 v12, v11;
	v12 =	vld [tilespmem:s11+$0x5470]  }
0x17e: {  	v16 =	vmul.f32 v40, v40;
	v4 =	vld [tilespmem:s12+$0x2440];
	v10 =	vadd.f32 v3, v23;
	v3 =	vadd.f32 v28, v5  }
0x17f: {  	v23 =	vmul.f32 v29, v29;
	v5 =	vld [tilespmem:s12+$0x5450];
	v26 =	vadd.f32 v15, v9;
	v15 =	vadd.f32 v20, v25  }
0x180: {  	v20 =	vmul.f32 v36, v36;
	v27 =	vadd.f32 v2, v8;
	v2 =	vld [tilespmem:s12+$0x5440];
	v9 =	vadd.f32 v16, v11  }
0x181: {  	v25 =	vimm.f32 $0.0e+00;
	v11 =	vadd.f32 v39, v17;
	v17 =	vadd.f32 v40, v19;
	v8 =	vld [tilespmem:s11+$0x2440]  }
0x182: {  	s26 =	simm.s32 $0x2;
	s25 =	simm.s32 $0x0;
	v19 =	vmul.f32 v37, v37;
	v16 =	vadd.f32 v13, v26;
	v13 =	vld [tilespmem:s11+$0x5440];
	[tilespmem:$0x1FF60] =	vst v25;
	v18 =	vadd.f32 v18, v27  }
.LBB2_7:
0x183: {  	v25 =	vmul.f32 v59, v59;
	v26 =	vld [tilespmem:s11+$0x5450];
	v9 =	vadd.f32 v23, v9;
	v10 =	vadd.f32 v20, v10  }
0x184: {  	v39 =	vld [tilespmem:s11+$0x5420];
	v23 =	vmul.f32 v38, v38;
	v3 =	vadd.f32 v30, v3;
	v11 =	vadd.f32 v31, v11  }
0x185: {  	v27 =	vmul.f32 v61, v61;
	v28 =	vld [tilespmem:s11+$0x5430];
	v17 =	vadd.f32 v29, v17;
	v15 =	vadd.f32 v36, v15  }
0x186: {  	v20 =	vld [tilespmem:s11+$0x2450];
	v16 =	vadd.f32 v19, v16;
	v19 =	vmul.f32 v33, v33;
	v18 =	vadd.f32 v23, v18  }
0x187: {  	v30 =	vld [tilespmem:s12+$0x2420];
	v31 =	vmul.f32 v53, v53;
	v9 =	vadd.f32 v25, v9;
	v10 =	vadd.f32 v27, v10  }
0x188: {  	v36 =	vld [tilespmem:s12+$0x5430];
	v25 =	vmul.f32 v35, v35;
	v3 =	vadd.f32 v37, v3;
	v11 =	vadd.f32 v38, v11  }
0x189: {  	v23 =	vld [tilespmem:s12+$0x5420];
	v17 =	vadd.f32 v59, v17;
	v15 =	vadd.f32 v61, v15;
	v59 =	vmul.f32 v56, v56  }
0x18a: {  	v27 =	vld [tilespmem:s12+$0x2430];
	v16 =	vadd.f32 v19, v16;
	v18 =	vadd.f32 v25, v18  }
0x18b: {  	v38 =	vld [tilespmem:s11+$0x2420];
	v9 =	vadd.f32 v31, v9;
	v10 =	vadd.f32 v59, v10  }
0x18c: {  	v19 =	vmul.f32 v32, v32;
	v25 =	vld [tilespmem:s11+$0x2430];
	v3 =	vadd.f32 v33, v3;
	v11 =	vadd.f32 v35, v11  }
0x18d: {  	v61 =	vmul.f32 v50, v50;
	v17 =	vadd.f32 v53, v17;
	v15 =	vadd.f32 v56, v15;
	v35 =	vld [tilespmem:s12+$0x2400]  }
0x18e: {  	v31 =	vmul.f32 v34, v34;
	v29 =	vadd.f32 v19, v16;
	v16 =	vld [tilespmem:s12+$0x5400];
	v53 =	vadd.f32 v21, v14  }
0x18f: {  	v40 =	vmul.f32 v52, v52;
	v19 =	vld [tilespmem:s12+$0x2410];
	v59 =	vadd.f32 v1, v0;
	v56 =	vadd.f32 v12, v6  }
0x190: {  	v21 =	vld [tilespmem:s11+$0x2410];
	v18 =	vadd.f32 v31, v18;
	v31 =	vadd.f32 v61, v9  }
0x191: {  	v0 =	vld [tilespmem:s11+$0x5410];
	v33 =	vadd.f32 v40, v10;
	v3 =	vadd.f32 v32, v3  }
0x192: {  	v32 =	vadd.f32 v34, v11;
	v34 =	vld [tilespmem:s12+$0x5410];
	v17 =	vadd.f32 v50, v17  }
0x193: {  	v37 =	vadd.f32 v52, v15;
	v52 =	vld [tilespmem:s11+$0x2400];
	v50 =	vadd.f32 v24, v22  }
0x194: {  	v40 =	vld [tilespmem:s11+$0x5400];
	v61 =	vadd.f32 v2, v4;
	v2 =	vadd.f32 v5, v7  }
0x195: {  	v7 =	vadd.f32 v13, v8;
	v8 =	vadd.f32 v26, v20;
	v22 =	vld [tilespmem:$0x1FE20];
	v5 =	vmul.f32 v41, v41  }
0x196: {  	v24 =	vld [tilespmem:$0x1FE60];
	v26 =	vadd.f32 v23, v30;
	v27 =	vadd.f32 v36, v27  }
0x197: {  	v9 =	vadd.f32 v39, v38;
	v23 =	vld [tilespmem:$0x1FE30];
	v5 =	vadd.f32 v5, v31  }
0x198: {  	v17 =	vadd.f32 v41, v17;
	v10 =	vadd.f32 v28, v25  }
0x199: {  	v13 =	vmul.f32 v49, v49;
	v25 =	vadd.f32 v16, v35;
	v38 =	vadd.f32 v0, v21  }
0x19a: {  	v17 =	vadd.f32 v62, v17;
	v1 =	vmul.f32 v22, v22;
	v34 =	vadd.f32 v34, v19  }
0x19b: {  	v12 =	vmul.f32 v24, v24;
	v35 =	vadd.f32 v40, v52;
	v3 =	vadd.f32 v22, v3  }
0x19c: {  	v28 =	vadd.f32 v24, v37;
	v4 =	vmul.f32 v23, v23;
	v23 =	vadd.f32 v23, v32  }
0x19d: {  	v30 =	vmul.f32 v45, v45;
	v17 =	vadd.f32 v57, v17;
	v0 =	vadd.f32 v1, v29  }
0x19e: {  	v12 =	vadd.f32 v12, v33;
	v29 =	vmul.f32 v63, v63;
	v3 =	vadd.f32 v48, v3  }
0x19f: {  	s14 =	sshrl.u32 s26, $0x3;
	v28 =	vadd.f32 v63, v28;
	v1 =	vadd.f32 v4, v18;
	v4 =	vmul.f32 v48, v48  }
0x1a0: {  	s24 =	sadd.s32 $0x100, s24;
	s29 =	smul.u32 $0x1800, s14;
	v18 =	vmul.f32 v62, v62;
	v23 =	vadd.f32 v49, v23;
	v62 =	vadd.f32 v55, v17  }
0x1a1: {  	s28 =	sand.u32 $0x380, s24;
	v48 =	vmul.f32 v42, v42;
	v12 =	vadd.f32 v29, v12;
	v31 =	vadd.f32 v44, v3  }
0x1a2: {  	s18 =	sor.u32 s29, s28;
	[tilespmem:s12+$0x8460] =	vst v53;
	v29 =	vmul.f32 v60, v60;
	v28 =	vadd.f32 v60, v28;
	v0 =	vadd.f32 v4, v0  }
0x1a3: {  	v14 =	vld [tilespmem:s18+$0x2800];
	v1 =	vadd.f32 v13, v1;
	v4 =	vmul.f32 v44, v44;
	v5 =	vadd.f32 v18, v5  }
0x1a4: {  	[tilespmem:s11+$0x8460] =	vst v59;
	v6 =	vld [tilespmem:s18+$0x5800];
	v13 =	vmul.f32 v47, v47;
	v23 =	vadd.f32 v47, v23;
	v12 =	vadd.f32 v29, v12  }
0x1a5: {  	[tilespmem:s11+$0x8470] =	vst v56;
	v11 =	vld [tilespmem:s18+$0x2810];
	v18 =	vmul.f32 v57, v57;
	v31 =	vadd.f32 v45, v31;
	v28 =	vadd.f32 v58, v28  }
0x1a6: {  	v15 =	vld [tilespmem:s18+$0x5810];
	[tilespmem:s11+$0x8440] =	vst v7;
	v47 =	vmul.f32 v58, v58;
	v58 =	vadd.f32 v51, v62;
	v0 =	vadd.f32 v4, v0  }
0x1a7: {  	v20 =	vld [tilespmem:s18+$0x2830];
	[tilespmem:s11+$0x8450] =	vst v8;
	v49 =	vmul.f32 v51, v51;
	v13 =	vadd.f32 v13, v1;
	v18 =	vadd.f32 v18, v5  }
0x1a8: {  	v16 =	vld [tilespmem:s18+$0x2820];
	[tilespmem:s11+$0x8420] =	vst v9;
	v29 =	vmul.f32 v55, v55;
	v57 =	vadd.f32 v46, v23;
	v32 =	vadd.f32 v47, v12  }
0x1a9: {  	v21 =	vld [tilespmem:s18+$0x5830];
	[tilespmem:s11+$0x8430] =	vst v10;
	v5 =	vmul.f32 v46, v46;
	v42 =	vadd.f32 v42, v31;
	v28 =	vadd.f32 v54, v28  }
0x1aa: {  	v19 =	vld [tilespmem:s18+$0x5820];
	[tilespmem:s11+$0x8410] =	vst v38;
	v23 =	vmul.f32 v54, v54;
	v44 =	vadd.f32 v35, v58;
	v0 =	vadd.f32 v30, v0  }
0x1ab: {  	v22 =	vld [tilespmem:s18+$0x2840];
	[tilespmem:s12+$0x8400] =	vst v25;
	v55 =	vmul.f32 v35, v35;
	v30 =	vadd.f32 v5, v13;
	v29 =	vadd.f32 v29, v18  }
0x1ac: {  	[tilespmem:s11+$0x8400] =	vst v35;
	v18 =	vmul.f32 v43, v43;
	v57 =	vadd.f32 v43, v57;
	v41 =	vadd.f32 v23, v32  }
0x1ad: {  	s20 =	sadd.s32 $0xFFFFFF80, s24;
	v24 =	vld [tilespmem:s18+$0x5840];
	[tilespmem:s12+$0x8410] =	vst v34;
	v62 =	vmul.f32 v38, v38;
	v42 =	vadd.f32 v25, v42;
	v28 =	vadd.f32 v38, v28  }
0x1ae: {  	s11 =	sand.u32 $0x300, s20;
	v33 =	vld [tilespmem:s18+$0x2850];
	[tilespmem:s12+$0x8420] =	vst v26;
	v0 =	vadd.f32 v48, v0;
	v63 =	vadd.f32 v18, v30;
	v48 =	vmul.f32 v25, v25  }
0x1af: {  	s21 =	sor.u32 s11, s29;
	v36 =	vld [tilespmem:s18+$0x5850];
	v29 =	vadd.f32 v49, v29;
	v49 =	vmul.f32 v34, v34;
	v43 =	vadd.f32 v34, v57  }
0x1b0: {  	v3 =	vld [tilespmem:s21+$0x2800];
	v57 =	vmul.f32 v10, v10;
	v41 =	vadd.f32 v62, v41;
	v10 =	vadd.f32 v10, v28  }
0x1b1: {  	v60 =	vld [tilespmem:s21+$0x2820];
	v54 =	vmul.f32 v27, v27;
	v46 =	vadd.f32 v48, v0;
	v40 =	vadd.f32 v49, v63  }
0x1b2: {  	[tilespmem:s12+$0x8430] =	vst v27;
	v17 =	vld [tilespmem:s21+$0x5820];
	v63 =	vmul.f32 v26, v26;
	v29 =	vadd.f32 v55, v29;
	v26 =	vadd.f32 v26, v42  }
0x1b3: {  	v37 =	vld [tilespmem:s18+$0x2860];
	[tilespmem:s12+$0x8440] =	vst v61;
	v55 =	vmul.f32 v9, v9;
	v27 =	vadd.f32 v27, v43;
	v9 =	vadd.f32 v9, v44  }
0x1b4: {  	v39 =	vld [tilespmem:s18+$0x5860];
	[tilespmem:s12+$0x8450] =	vst v2;
	v28 =	vmul.f32 v8, v8;
	v41 =	vadd.f32 v57, v41;
	v8 =	vadd.f32 v8, v10  }
0x1b5: {  	v52 =	vld [tilespmem:s18+$0x2870];
	v58 =	vmul.f32 v61, v61;
	v46 =	vadd.f32 v63, v46;
	v40 =	vadd.f32 v54, v40  }
0x1b6: {  	[tilespmem:s12+$0x8470] =	vst v50;
	v4 =	vld [tilespmem:s21+$0x5800];
	v62 =	vmul.f32 v2, v2;
	v29 =	vadd.f32 v55, v29;
	v26 =	vadd.f32 v61, v26  }
0x1b7: {  	v1 =	vld [tilespmem:s18+$0x5870];
	v63 =	vmul.f32 v7, v7;
	v2 =	vadd.f32 v2, v27;
	v7 =	vadd.f32 v7, v9  }
0x1b8: {  	v12 =	vld [tilespmem:s21+$0x5810];
	v54 =	vmul.f32 v53, v53;
	v28 =	vadd.f32 v28, v41;
	v8 =	vadd.f32 v56, v8  }
0x1b9: {  	v31 =	vld [tilespmem:s21+$0x5840];
	v55 =	vmul.f32 v59, v59;
	v51 =	vadd.f32 v58, v46;
	v40 =	vadd.f32 v62, v40  }
0x1ba: {  	v35 =	vld [tilespmem:s21+$0x2870];
	v56 =	vmul.f32 v56, v56;
	v29 =	vadd.f32 v63, v29;
	v7 =	vadd.f32 v59, v7  }
0x1bb: {  	v13 =	vld [tilespmem:$0x1FFC0];
	v26 =	vadd.f32 v53, v26;
	v2 =	vadd.f32 v50, v2;
	v58 =	vmul.f32 v50, v50  }
0x1bc: {  	v57 =	vld [tilespmem:s18+$0x2400];
	v28 =	vadd.f32 v56, v28;
	v10 =	vadd.f32 v55, v29  }
0x1bd: {  	v9 =	vld [tilespmem:s18+$0x2420];
	v29 =	vadd.f32 v54, v51;
	v40 =	vadd.f32 v58, v40  }
0x1be: {  	v41 =	vld [tilespmem:s18+$0x5420];
	v7 =	vadd.f32 v8, v7;
	v2 =	vadd.f32 v2, v26  }
0x1bf: {  	v8 =	vld [tilespmem:s18+$0x2410];
	v10 =	vadd.f32 v28, v10;
	v40 =	vadd.f32 v40, v29  }
0x1c0: {  	v26 =	vld [tilespmem:s18+$0x5410];
	v28 =	vperm.xlane v7, v13;
	v29 =	vperm.xlane v2, v13  }
0x1c1: {  	v42 =	vadd.f32 v6, v14;
	v62 =	vperm.xlane v10, v13;
	v6 =	vperm.xlane v40, v13;
	v13 =	vld [tilespmem:$0x1FFD0]  }
0x1c2: {  	v59 =	vld [tilespmem:s18+$0x5400]  }
0x1c3: {  	v45 =	vld [tilespmem:s18+$0x2470]  }
0x1c4: {  	v38 =	vld [tilespmem:s21+$0x5870];
	v2 =	vadd.f32 v2, v29  }
0x1c5: {  	v43 =	vld [tilespmem:s18+$0x2460];
	v7 =	vadd.f32 v7, v28;
	v29 =	vadd.f32 v26, v8  }
0x1c6: {  	v44 =	vld [tilespmem:s18+$0x5460];
	v10 =	vadd.f32 v10, v62;
	v6 =	vadd.f32 v40, v6;
	v26 =	vperm.xlane v2, v13  }
0x1c7: {  	v48 =	vld [tilespmem:s18+$0x2430];
	v49 =	vadd.f32 v41, v9;
	v28 =	vadd.f32 v59, v57;
	v59 =	vperm.xlane v7, v13  }
0x1c8: {  	v9 =	vperm.xlane v10, v13;
	v2 =	vadd.f32 v26, v2;
	v26 =	vperm.xlane v6, v13;
	v13 =	vld [tilespmem:$0x1FFE0]  }
0x1c9: {  	v8 =	vld [tilespmem:s18+$0x5470]  }
0x1ca: {  	v14 =	vld [tilespmem:s18+$0x5450]  }
0x1cb: {  	v27 =	vld [tilespmem:s18+$0x5440];
	v7 =	vadd.f32 v59, v7  }
0x1cc: {  	v61 =	vld [tilespmem:s18+$0x5430]  }
0x1cd: {  	v46 =	vld [tilespmem:s18+$0x2440];
	v9 =	vadd.f32 v9, v10;
	v6 =	vadd.f32 v26, v6;
	v10 =	vperm.xlane v7, v13  }
0x1ce: {  	v63 =	vld [tilespmem:s18+$0x2450];
	v51 =	vadd.f32 v8, v45;
	v26 =	vperm.xlane v2, v13  }
0x1cf: {  	v8 =	vperm.xlane v6, v13;
	v7 =	vadd.f32 v10, v7;
	v10 =	vperm.xlane v9, v13;
	v13 =	vld [tilespmem:$0x1FFF0]  }
0x1d0: {  	v47 =	vadd.f32 v24, v22;
	v5 =	vld [tilespmem:s21+$0x2810]  }
0x1d1: {  	v23 =	vld [tilespmem:s21+$0x5830];
	v22 =	vadd.f32 v1, v52;
	v54 =	vadd.f32 v44, v43  }
0x1d2: {  	v32 =	vld [tilespmem:s21+$0x2850];
	[tilespmem:s18+$0x8840] =	vst v47;
	v58 =	vadd.f32 v38, v35;
	v50 =	vadd.f32 v61, v48  }
0x1d3: {  	[tilespmem:s18+$0x8800] =	vst v42;
	v53 =	vld [tilespmem:s21+$0x2450];
	v48 =	vadd.f32 v27, v46;
	v2 =	vadd.f32 v26, v2  }
0x1d4: {  	[tilespmem:$0x1FD90] =	vst v22;
	v56 =	vld [tilespmem:s21+$0x5460];
	v14 =	vadd.f32 v14, v63;
	v9 =	vadd.f32 v10, v9;
	v10 =	vperm.xlane v7, v13  }
0x1d5: {  	[tilespmem:s18+$0x8870] =	vst v22;
	v27 =	vld [tilespmem:s21+$0x5440];
	v63 =	vadd.f32 v19, v16;
	v6 =	vadd.f32 v8, v6;
	v8 =	vperm.xlane v2, v13  }
0x1d6: {  	[tilespmem:s18+$0x8460] =	vst v54;
	v57 =	vld [tilespmem:s21+$0x2440];
	v62 =	vadd.f32 v15, v11;
	v7 =	vadd.f32 v10, v7;
	v10 =	vperm.xlane v9, v13  }
0x1d7: {  	[tilespmem:s21+$0x8870] =	vst v58;
	v11 =	vld [tilespmem:s21+$0x2400];
	v59 =	vadd.f32 v21, v20;
	v19 =	vperm.xlane v6, v13;
	v8 =	vadd.f32 v8, v2  }
0x1d8: {  	[tilespmem:s18+$0x8430] =	vst v50;
	v15 =	vld [tilespmem:s21+$0x5400];
	v21 =	vadd.f32 v36, v33;
	v9 =	vadd.f32 v10, v9;
	v2 =	vmul.f32 $1.302083370e-03, v7  }
0x1d9: {  	[tilespmem:s18+$0x8420] =	vst v49;
	v7 =	vld [tilespmem:s21+$0x2430];
	v10 =	vadd.f32 v19, v6;
	v6 =	vmul.f32 $1.302083370e-03, v8  }
0x1da: {  	[tilespmem:$0x1FD70] =	vst v21;
	v8 =	vld [tilespmem:s21+$0x5430];
	v1 =	vmul.f32 $1.302083370e-03, v9;
	v9 =	vmul.f32 v2, v2  }
0x1db: {  	[tilespmem:s18+$0x8850] =	vst v21;
	v19 =	vld [tilespmem:s21+$0x5450];
	v10 =	vmul.f32 $1.302083370e-03, v10;
	v21 =	vmul.f32 v6, v6  }
0x1dc: {  	v55 =	vld [tilespmem:s21+$0x2460];
	[tilespmem:s18+$0x8440] =	vst v48;
	v9 =	vsub.f32 v1, v9  }
0x1dd: {  	[tilespmem:s18+$0x8450] =	vst v14;
	v33 =	vadd.f32 v15, v11;
	v11 =	vld [tilespmem:s21+$0x2470];
	v10 =	vsub.f32 v10, v21  }
0x1de: {  	[tilespmem:$0x1FD50] =	vst v63;
	v15 =	vld [tilespmem:s21+$0x5470];
	v9 =	vadd.f32 $9.999999740e-06, v9  }
0x1df: {  	v18 =	vld [tilespmem:s21+$0x2830];
	[tilespmem:$0x1FD60] =	vst v59;
	v24 =	vadd.f32 v8, v7;
	v8 =	vadd.f32 $9.999999740e-06, v10  }
0x1e0: {  	v30 =	vld [tilespmem:s21+$0x2840];
	v52 =	vadd.f32 v27, v57;
	[tilespmem:s18+$0x8830] =	vst v59;
	v59 =	vadd.f32 v19, v53;
	v19 =	vshrl.u32 v9, $0x1  }
0x1e1: {  	v25 =	vld [tilespmem:s21+$0x2860];
	[tilespmem:s18+$0x8820] =	vst v63;
	v9 =	vmul.f32 $-5.000000000e-01, v9;
	v21 =	vshrl.u32 v8, $0x1;
	v8 =	vmul.f32 $-5.000000000e-01, v8  }
0x1e2: {  	v16 =	vld [tilespmem:s21+$0x2410];
	[tilespmem:s18+$0x8400] =	vst v28;
	v53 =	vadd.f32 v56, v55;
	v19 =	vsub.s32 $0x5F3759DF, v19;
	v27 =	vsub.s32 $0x5F3759DF, v21  }
0x1e3: {  	[tilespmem:s18+$0x8410] =	vst v29;
	v20 =	vld [tilespmem:s21+$0x5410];
	v56 =	vadd.f32 v15, v11;
	v22 =	vmul.f32 v19, v9;
	v15 =	vmul.f32 v27, v8  }
0x1e4: {  	v61 =	vld [tilespmem:s21+$0x2420];
	[tilespmem:$0x1FD40] =	vst v62;
	v13 =	vadd.f32 v39, v37;
	v21 =	vadd.f32 v4, v3  }
0x1e5: {  	[tilespmem:s18+$0x8810] =	vst v62;
	v26 =	vld [tilespmem:s21+$0x5420];
	v4 =	vmul.f32 v19, v22;
	v22 =	vadd.f32 v12, v5;
	v12 =	vmul.f32 v27, v15  }
0x1e6: {  	s14 =	sadd.s32 $0x800, s29;
	v0 =	vld [tilespmem:s21+$0x5850];
	[tilespmem:s18+$0x8470] =	vst v51  }
0x1e7: {  	s22 =	sor.u32 s28, s14;
	v34 =	vld [tilespmem:s21+$0x5860];
	v63 =	vadd.f32 v23, v18;
	[tilespmem:s18+$0x8860] =	vst v13;
	v12 =	vadd.f32 $1.500000000e+00, v12  }
0x1e8: {  	v62 =	vadd.f32 v17, v60;
	[tilespmem:$0x1FD80] =	vst v13;
	v13 =	vadd.f32 v20, v16;
	v16 =	vld [tilespmem:s22+$0x2400]  }
0x1e9: {  	[tilespmem:s21+$0x8830] =	vst v63;
	v60 =	vadd.f32 v31, v30;
	v20 =	vld [tilespmem:s22+$0x5410];
	v12 =	vmul.f32 v27, v12  }
0x1ea: {  	[tilespmem:s21+$0x8820] =	vst v62;
	v61 =	vadd.f32 v26, v61;
	v26 =	vld [tilespmem:s22+$0x2420];
	v4 =	vadd.f32 $1.500000000e+00, v4  }
0x1eb: {  	v57 =	vadd.f32 v0, v32;
	[tilespmem:s21+$0x8840] =	vst v60;
	v17 =	vld [tilespmem:s22+$0x5440];
	v8 =	vmul.f32 v12, v8  }
0x1ec: {  	[tilespmem:s21+$0x8440] =	vst v52;
	v18 =	vld [tilespmem:s22+$0x2450];
	v4 =	vmul.f32 v19, v4  }
0x1ed: {  	[tilespmem:s21+$0x8850] =	vst v57;
	v0 =	vld [tilespmem:s22+$0x5450];
	v8 =	vmul.f32 v8, v12  }
0x1ee: {  	[tilespmem:s21+$0x8400] =	vst v33;
	v23 =	vld [tilespmem:s22+$0x5460];
	v9 =	vmul.f32 v4, v9  }
0x1ef: {  	[tilespmem:s21+$0x8420] =	vst v61;
	v7 =	vld [tilespmem:s22+$0x5400];
	v8 =	vadd.f32 $1.500000000e+00, v8  }
0x1f0: {  	[tilespmem:s21+$0x8410] =	vst v13;
	v11 =	vld [tilespmem:s22+$0x5420];
	v9 =	vmul.f32 v9, v4  }
0x1f1: {  	[tilespmem:s21+$0x8430] =	vst v24;
	v8 =	vmul.f32 v8, v12;
	v12 =	vld [tilespmem:$0x1FED0]  }
0x1f2: {  	v55 =	vadd.f32 v34, v25;
	v25 =	vld [tilespmem:s22+$0x2470];
	[tilespmem:s21+$0x8450] =	vst v59;
	v9 =	vadd.f32 $1.500000000e+00, v9  }
0x1f3: {  	v10 =	vld [tilespmem:s22+$0x2410];
	[tilespmem:s21+$0x8460] =	vst v53  }
0x1f4: {  	v1 =	vlaneseq.u32;
	[tilespmem:s21+$0x8470] =	vst v56;
	v3 =	vld [tilespmem:s22+$0x2430];
	v4 =	vmul.f32 v9, v4;
	v9 =	vmov s25  }
0x1f5: {  	[tilespmem:s21+$0x8860] =	vst v55;
	v5 =	vld [tilespmem:s22+$0x5430];
	vm1 =	veq.s32 v9, v1  }
0x1f6: {  	[tilespmem:s21+$0x8800] =	vst v21;
	v2 =	vsel vm1, v2, v12;
	v12 =	vld [tilespmem:$0x1FF60]  }
0x1f7: {  	s20 =	sor.u32 s11, s14;
	v15 =	vld [tilespmem:s22+$0x2440];
	[tilespmem:s21+$0x8810] =	vst v22  }
0x1f8: {  	v32 =	vld [tilespmem:s20+$0x2400]  }
0x1f9: {  	s30 =	sadd.s32 $0x1, s25;
	v34 =	vld [tilespmem:s20+$0x5400]  }
0x1fa: {  	v35 =	vld [tilespmem:s20+$0x2410];
	v3 =	vadd.f32 v5, v3;
	v9 =	vmov s30  }
0x1fb: {  	v19 =	vld [tilespmem:s22+$0x2460];
	v4 =	vsel vm1, v4, v12;
	vm1 =	veq.s32 v9, v1  }
0x1fc: {  	v36 =	vld [tilespmem:s20+$0x5410];
	[tilespmem:$0x1FDE0] =	vst v3;
	v1 =	vsel vm1, v6, v2  }
0x1fd: {  	v37 =	vld [tilespmem:s20+$0x2420];
	[tilespmem:$0x1FED0] =	vst v1;
	v1 =	vsel vm1, v8, v4  }
0x1fe: {  	v27 =	vld [tilespmem:s22+$0x5470];
	[tilespmem:$0x1FF60] =	vst v1;
	v1 =	vadd.f32 v7, v16  }
0x1ff: {  	[tilespmem:s22+$0x8430] =	vst v3;
	v3 =	vadd.f32 v0, v18;
	v0 =	vld [tilespmem:s20+$0x2460]  }
0x200: {  	v44 =	vadd.f32 v23, v19;
	v23 =	vld [tilespmem:s20+$0x5460];
	[tilespmem:$0x1FDB0] =	vst v1  }
0x201: {  	v9 =	vld [tilespmem:s20+$0x5420];
	[tilespmem:s22+$0x8400] =	vst v1;
	v1 =	vadd.f32 v11, v26  }
0x202: {  	[tilespmem:s22+$0x8450] =	vst v3;
	v2 =	vld [tilespmem:s20+$0x2430]  }
0x203: {  	v6 =	vld [tilespmem:s20+$0x5430];
	[tilespmem:$0x1FDD0] =	vst v1  }
0x204: {  	v8 =	vld [tilespmem:s20+$0x5440];
	[tilespmem:s22+$0x8420] =	vst v1;
	v1 =	vadd.f32 v17, v15  }
0x205: {  	[tilespmem:s22+$0x8460] =	vst v44;
	v4 =	vadd.f32 v20, v10;
	v10 =	vld [tilespmem:s20+$0x2450]  }
0x206: {  	v7 =	vld [tilespmem:s20+$0x2440];
	[tilespmem:$0x1FDF0] =	vst v1  }
0x207: {  	v16 =	vld [tilespmem:s20+$0x5450];
	[tilespmem:s22+$0x8440] =	vst v1;
	v1 =	vadd.f32 v27, v25  }
0x208: {  	s12 =	sadd.s32 $0xC00, s29;
	[tilespmem:s22+$0x8410] =	vst v4;
	v26 =	vld [tilespmem:s20+$0x5470]  }
0x209: {  	s18 =	sor.u32 s28, s12;
	v25 =	vld [tilespmem:s20+$0x2470];
	[tilespmem:s22+$0x8470] =	vst v1  }
0x20a: {  	v27 =	vld [tilespmem:s18+$0x2400]  }
0x20b: {  	v38 =	vld [tilespmem:s18+$0x5400]  }
0x20c: {  	v39 =	vld [tilespmem:s18+$0x2410]  }
0x20d: {  	v30 =	vld [tilespmem:s18+$0x5410]  }
0x20e: {  	[tilespmem:$0x1FD30] =	vst v42;
	v41 =	vadd.f32 v34, v32;
	v31 =	vld [tilespmem:s18+$0x2420]  }
0x20f: {  	v40 =	vadd.f32 v36, v35;
	[tilespmem:$0x1FE00] =	vst v3;
	v15 =	vld [tilespmem:s18+$0x5420]  }
0x210: {  	[tilespmem:s20+$0x8400] =	vst v41;
	v42 =	vadd.f32 v23, v0;
	v32 =	vld [tilespmem:s18+$0x2430]  }
0x211: {  	[tilespmem:s20+$0x8410] =	vst v40;
	v34 =	vld [tilespmem:s18+$0x5430]  }
0x212: {  	[tilespmem:s20+$0x8460] =	vst v42;
	v45 =	vadd.f32 v9, v37;
	v9 =	vld [tilespmem:s18+$0x2440]  }
0x213: {  	[tilespmem:$0x1FDC0] =	vst v4;
	v4 =	vld [tilespmem:s18+$0x5440]  }
0x214: {  	v43 =	vadd.f32 v6, v2;
	[tilespmem:s20+$0x8420] =	vst v45;
	v6 =	vld [tilespmem:s18+$0x2450]  }
0x215: {  	v46 =	vadd.f32 v16, v10;
	[tilespmem:$0x1FDA0] =	vst v1;
	v1 =	vadd.f32 v8, v7;
	v7 =	vld [tilespmem:s18+$0x5450]  }
0x216: {  	[tilespmem:s20+$0x8430] =	vst v43;
	v3 =	vld [tilespmem:s18+$0x2460]  }
0x217: {  	[tilespmem:s20+$0x8450] =	vst v46;
	v10 =	vld [tilespmem:s18+$0x5460];
	v18 =	vadd.f32 v26, v25  }
0x218: {  	v23 =	vld [tilespmem:s18+$0x2470];
	[tilespmem:s20+$0x8440] =	vst v1  }
0x219: {  	s19 =	sor.u32 s11, s12;
	v25 =	vld [tilespmem:s18+$0x5470];
	[tilespmem:s20+$0x8470] =	vst v18  }
0x21a: {  	v26 =	vld [tilespmem:s19+$0x2400]  }
0x21b: {  	v35 =	vld [tilespmem:s19+$0x5400]  }
0x21c: {  	v36 =	vld [tilespmem:s19+$0x2410]  }
0x21d: {  	v37 =	vld [tilespmem:s19+$0x5410]  }
0x21e: {  	v11 =	vld [tilespmem:s19+$0x2420]  }
0x21f: {  	v0 =	vmul.f32 v49, v49;
	[tilespmem:$0x1FE10] =	vst v1;
	v1 =	vmul.f32 v28, v28;
	v5 =	vld [tilespmem:s19+$0x5420]  }
0x220: {  	v2 =	vmul.f32 v29, v29;
	v29 =	vadd.f32 $0.0e+00, v29;
	v28 =	vadd.f32 $0.0e+00, v28;
	v8 =	vld [tilespmem:s19+$0x2430]  }
0x221: {  	v0 =	vadd.f32 v0, v1;
	v20 =	vadd.f32 v38, v27;
	v27 =	vld [tilespmem:s19+$0x5430]  }
0x222: {  	v1 =	vmul.f32 v24, v24;
	v38 =	vmul.f32 v50, v50;
	v12 =	vadd.f32 v30, v39;
	v39 =	vld [tilespmem:s19+$0x2440]  }
0x223: {  	v30 =	vadd.f32 $0.0e+00, v33;
	v33 =	vmul.f32 v33, v33;
	v16 =	vadd.f32 v15, v31;
	v31 =	vld [tilespmem:s19+$0x5440];
	[tilespmem:s18+$0x8400] =	vst v20  }
0x224: {  	v15 =	vadd.f32 $0.0e+00, v13;
	v19 =	vadd.f32 v34, v32;
	v34 =	vmul.f32 v61, v61;
	v32 =	vld [tilespmem:s19+$0x2450];
	[tilespmem:s18+$0x8410] =	vst v12  }
0x225: {  	v13 =	vmul.f32 v13, v13;
	v17 =	vadd.f32 v4, v9;
	v4 =	vld [tilespmem:s19+$0x5450];
	[tilespmem:s18+$0x8420] =	vst v16;
	v2 =	vadd.f32 v38, v2  }
0x226: {  	[tilespmem:s18+$0x8430] =	vst v19;
	v38 =	vadd.f32 v7, v6;
	v6 =	vadd.f32 v34, v33;
	v7 =	vld [tilespmem:s19+$0x2460]  }
0x227: {  	[tilespmem:s18+$0x8440] =	vst v17;
	v33 =	vadd.f32 v10, v3;
	v1 =	vadd.f32 v1, v13;
	v3 =	vld [tilespmem:s19+$0x5460]  }
0x228: {  	v9 =	vmul.f32 v48, v48;
	v34 =	vadd.f32 v25, v23;
	v23 =	vld [tilespmem:s19+$0x2470];
	v25 =	vadd.f32 v49, v28;
	[tilespmem:s18+$0x8450] =	vst v38  }
0x229: {  	s20 =	sadd.s32 $0x1000, s29;
	v10 =	vmul.f32 v14, v14;
	v28 =	vadd.f32 v50, v29;
	v29 =	vadd.f32 v61, v30;
	v30 =	vld [tilespmem:s19+$0x5470];
	[tilespmem:s18+$0x8460] =	vst v33  }
0x22a: {  	s21 =	sor.u32 s28, s20;
	v15 =	vadd.f32 v24, v15;
	v24 =	vmul.f32 v59, v59;
	[tilespmem:s18+$0x8470] =	vst v34;
	v25 =	vadd.f32 v48, v25;
	v48 =	vld [tilespmem:$0x1FD50]  }
0x22b: {  	v2 =	vadd.f32 v10, v2;
	v10 =	vld [tilespmem:s21+$0x2400]  }
0x22c: {  	v1 =	vadd.f32 v24, v1;
	v24 =	vld [tilespmem:s21+$0x5400]  }
0x22d: {  	v0 =	vadd.f32 v9, v0;
	v9 =	vmul.f32 v54, v54;
	v14 =	vadd.f32 v14, v28;
	v28 =	vld [tilespmem:s21+$0x2410]  }
0x22e: {  	v49 =	vld [tilespmem:s21+$0x5410]  }
0x22f: {  	v13 =	vmul.f32 v52, v52;
	v0 =	vadd.f32 v9, v0;
	v9 =	vld [tilespmem:s21+$0x2420]  }
0x230: {  	v15 =	vadd.f32 v59, v15;
	v59 =	vadd.f32 v35, v26;
	v26 =	vld [tilespmem:s21+$0x2430]  }
0x231: {  	v6 =	vadd.f32 v13, v6;
	v13 =	vmul.f32 v51, v51;
	v35 =	vld [tilespmem:$0x1FD30]  }
0x232: {  	[tilespmem:$0x1FE20] =	vst v33;
	v33 =	vmul.f32 v53, v53;
	v29 =	vadd.f32 v52, v29;
	v52 =	vadd.f32 v4, v32;
	v4 =	vld [tilespmem:s21+$0x5450]  }
0x233: {  	v2 =	vadd.f32 v13, v2;
	v13 =	vld [tilespmem:s21+$0x5420]  }
0x234: {  	v61 =	vmul.f32 v56, v56;
	v50 =	vadd.f32 v31, v39;
	v6 =	vadd.f32 v33, v6;
	v33 =	vld [tilespmem:s21+$0x5430]  }
0x235: {  	v29 =	vadd.f32 v53, v29;
	v53 =	vadd.f32 v5, v11;
	v11 =	vld [tilespmem:s21+$0x2440];
	[tilespmem:s19+$0x8400] =	vst v59  }
0x236: {  	v1 =	vadd.f32 v61, v1;
	v61 =	vadd.f32 v37, v36;
	v37 =	vld [tilespmem:$0x1FD40];
	[tilespmem:s19+$0x8440] =	vst v50  }
0x237: {  	v15 =	vadd.f32 v56, v15;
	v56 =	vadd.f32 v27, v8;
	v27 =	vld [tilespmem:s21+$0x5440];
	[tilespmem:s19+$0x8450] =	vst v52  }
0x238: {  	v25 =	vadd.f32 v54, v25;
	v54 =	vld [tilespmem:$0x1FD60];
	[tilespmem:s19+$0x8410] =	vst v61  }
0x239: {  	v31 =	vmul.f32 v22, v22;
	v39 =	vadd.f32 v3, v7;
	v7 =	vld [tilespmem:s21+$0x2460];
	[tilespmem:s19+$0x8420] =	vst v53  }
0x23a: {  	v14 =	vadd.f32 v51, v14;
	v51 =	vadd.f32 v30, v23;
	v23 =	vld [tilespmem:s21+$0x5460];
	[tilespmem:s19+$0x8430] =	vst v56  }
0x23b: {  	v1 =	vadd.f32 v31, v1;
	v31 =	vld [tilespmem:s21+$0x2470];
	[tilespmem:s19+$0x8460] =	vst v39  }
0x23c: {  	v36 =	vmul.f32 v21, v21;
	v21 =	vadd.f32 v21, v29;
	v29 =	vld [tilespmem:s21+$0x5470];
	[tilespmem:$0x1FE60] =	vst v51  }
0x23d: {  	s22 =	sor.u32 s11, s20;
	v15 =	vadd.f32 v22, v15;
	v22 =	vmul.f32 v63, v63;
	[tilespmem:s19+$0x8470] =	vst v51;
	v51 =	vld [tilespmem:$0x1FD70]  }
0x23e: {  	v32 =	vld [tilespmem:s22+$0x2400]  }
0x23f: {  	v30 =	vmul.f32 v62, v62;
	v6 =	vadd.f32 v36, v6;
	v1 =	vadd.f32 v22, v1;
	v22 =	vld [tilespmem:s22+$0x2410]  }
0x240: {  	v5 =	vmul.f32 v35, v35;
	v25 =	vadd.f32 v35, v25;
	v21 =	vadd.f32 v62, v21;
	v35 =	vld [tilespmem:s22+$0x5410]  }
0x241: {  	v15 =	vadd.f32 v63, v15;
	v8 =	vmul.f32 v37, v37;
	v14 =	vadd.f32 v37, v14;
	v37 =	vld [tilespmem:s22+$0x2420]  }
0x242: {  	v62 =	vmul.f32 v57, v57;
	v36 =	vmovc v18;
	v18 =	vadd.f32 v27, v11;
	v0 =	vadd.f32 v5, v0;
	v5 =	vld [tilespmem:s21+$0x2450]  }
0x243: {  	v3 =	vmul.f32 v48, v48;
	v25 =	vadd.f32 v48, v25;
	v11 =	vadd.f32 v57, v15;
	v15 =	vld [tilespmem:s22+$0x2450]  }
0x244: {  	[tilespmem:$0x1FE30] =	vst v34;
	v34 =	vmovc v38;
	v38 =	vmov v12;
	v1 =	vadd.f32 v62, v1;
	v12 =	vadd.f32 v23, v7;
	v23 =	vld [tilespmem:s22+$0x2460]  }
0x245: {  	v7 =	vmul.f32 v58, v58;
	v0 =	vadd.f32 v3, v0;
	v3 =	vadd.f32 v30, v6;
	v6 =	vld [tilespmem:s22+$0x5400]  }
0x246: {  	v14 =	vadd.f32 v54, v14;
	v30 =	vmov v44;
	v44 =	vadd.f32 v13, v9;
	v9 =	vld [tilespmem:s22+$0x2440]  }
0x247: {  	v2 =	vadd.f32 v8, v2;
	v8 =	vmul.f32 v54, v54;
	v1 =	vadd.f32 v7, v1;
	v7 =	vld [tilespmem:s22+$0x5470]  }
0x248: {  	v54 =	vmul.f32 v60, v60;
	v13 =	vadd.f32 v51, v14;
	v14 =	vadd.f32 v60, v21;
	v21 =	vld [tilespmem:s22+$0x5440]  }
0x249: {  	v48 =	vmul.f32 v51, v51;
	v25 =	vadd.f32 v47, v25;
	v2 =	vadd.f32 v8, v2;
	v51 =	vld [tilespmem:$0x1FD80]  }
0x24a: {  	v8 =	vmul.f32 v47, v47;
	v47 =	vadd.f32 v33, v26;
	v33 =	vmovc v16;
	v16 =	vadd.f32 v29, v31;
	v31 =	vld [tilespmem:$0x1FDA0]  }
0x24b: {  	v49 =	vadd.f32 v49, v28;
	[tilespmem:s21+$0x8460] =	vst v12;
	v29 =	vmov v42;
	v42 =	vmov v12;
	v12 =	vld [tilespmem:$0x1FDB0]  }
0x24c: {  	v3 =	vadd.f32 v54, v3;
	v54 =	vld [tilespmem:$0x1FD90]  }
0x24d: {  	[tilespmem:s21+$0x8410] =	vst v49;
	v0 =	vadd.f32 v8, v0;
	v8 =	vld [tilespmem:s22+$0x5420]  }
0x24e: {  	[tilespmem:s21+$0x8440] =	vst v18;
	v2 =	vadd.f32 v48, v2;
	v48 =	vadd.f32 v24, v10;
	v10 =	vld [tilespmem:s22+$0x2430]  }
0x24f: {  	[tilespmem:s21+$0x8420] =	vst v44;
	v24 =	vld [tilespmem:s22+$0x5430];
	v28 =	vadd.f32 v4, v5;
	v4 =	vmul.f32 v55, v55  }
0x250: {  	[tilespmem:s21+$0x8430] =	vst v47;
	v5 =	vld [tilespmem:s22+$0x5450]  }
0x251: {  	v11 =	vadd.f32 v58, v11;
	[tilespmem:s21+$0x8470] =	vst v16;
	v3 =	vadd.f32 v4, v3;
	v4 =	vld [tilespmem:s22+$0x5460]  }
0x252: {  	s30 =	sadd.s32 $0x1400, s29;
	v63 =	vadd.f32 v35, v22;
	v22 =	vmul.f32 v41, v41;
	[tilespmem:s21+$0x8400] =	vst v48;
	v62 =	vadd.f32 v6, v32;
	v6 =	vld [tilespmem:s22+$0x2470]  }
0x253: {  	s12 =	sor.u32 s28, s30;
	v11 =	vadd.f32 v40, v11;
	[tilespmem:s21+$0x8450] =	vst v28;
	v32 =	vmov v17;
	v17 =	vld [tilespmem:$0x1FDC0]  }
0x254: {  	v26 =	vmul.f32 v51, v51;
	v3 =	vadd.f32 v22, v3;
	v22 =	vld [tilespmem:s12+$0x2470];
	v57 =	vadd.f32 v8, v37  }
0x255: {  	[tilespmem:s22+$0x8410] =	vst v63;
	v8 =	vadd.f32 v51, v25;
	v25 =	vadd.f32 v55, v14;
	v14 =	vld [tilespmem:s12+$0x2460]  }
0x256: {  	[tilespmem:s22+$0x8400] =	vst v62;
	v0 =	vadd.f32 v26, v0;
	v37 =	vmov v20;
	v60 =	vadd.f32 v24, v10;
	v20 =	vld [tilespmem:$0x1FDD0]  }
0x257: {  	v27 =	vmul.f32 v54, v54;
	v10 =	vadd.f32 v54, v13;
	v55 =	vadd.f32 v21, v9;
	v21 =	vld [tilespmem:s12+$0x5460];
	[tilespmem:s22+$0x8420] =	vst v57  }
0x258: {  	v13 =	vmul.f32 v12, v12;
	v58 =	vadd.f32 v5, v15;
	v5 =	vmul.f32 v40, v40;
	v24 =	vld [tilespmem:s12+$0x5470];
	[tilespmem:s22+$0x8430] =	vst v60  }
0x259: {  	v40 =	vld [tilespmem:$0x1FE10];
	v2 =	vadd.f32 v27, v2;
	v27 =	vmul.f32 v30, v30;
	[tilespmem:s22+$0x8440] =	vst v55;
	v51 =	vadd.f32 v4, v23  }
0x25a: {  	v9 =	vmul.f32 v17, v17;
	[tilespmem:s22+$0x8450] =	vst v58;
	v54 =	vadd.f32 v7, v6;
	v5 =	vadd.f32 v5, v1;
	v23 =	vld [tilespmem:$0x1FDE0]  }
0x25b: {  	v8 =	vadd.f32 v12, v8;
	v10 =	vadd.f32 v17, v10;
	v12 =	vmul.f32 v43, v43;
	v17 =	vld [tilespmem:$0x1FDF0];
	[tilespmem:s22+$0x8460] =	vst v51  }
0x25c: {  	s11 =	sor.u32 s11, s30;
	v4 =	vadd.f32 v13, v0;
	v13 =	vadd.f32 v41, v25;
	v41 =	vmov v39;
	v39 =	vld [tilespmem:$0x1FE00];
	[tilespmem:s22+$0x8470] =	vst v54  }
0x25d: {  	v2 =	vadd.f32 v9, v2;
	v9 =	vmul.f32 v45, v45;
	v5 =	vadd.f32 v12, v5;
	v0 =	vld [tilespmem:s11+$0x2460]  }
0x25e: {  	v13 =	vadd.f32 v45, v13;
	v45 =	vmovc v18;
	v18 =	vadd.f32 v43, v11;
	v6 =	vmul.f32 v20, v20;
	v1 =	vld [tilespmem:s11+$0x5460]  }
0x25f: {  	v12 =	vld [tilespmem:s11+$0x5470];
	v8 =	vadd.f32 v20, v8;
	v3 =	vadd.f32 v9, v3;
	v7 =	vmul.f32 v23, v23  }
0x260: {  	v15 =	vadd.f32 v6, v4;
	v6 =	vld [tilespmem:s11+$0x2470];
	v20 =	vadd.f32 v23, v10;
	v10 =	vmul.f32 v46, v46  }
0x261: {  	p0 =	slt.u32 s26, $0xE;
	v9 =	vmul.f32 v39, v39;
	v4 =	vld [tilespmem:s12+$0x2440];
	v2 =	vadd.f32 v7, v2;
	v7 =	vmul.f32 v17, v17  }
.Ltmp2:
0x262: {  	v35 =	vmovc v19;
	v19 =	vmul.f32 v40, v40;
	v10 =	vadd.f32 v10, v5;
	v11 =	vadd.f32 v39, v20;
	v5 =	vld [tilespmem:s12+$0x5450];
	(pc) =	sbr.rel @p0 .LBB2_7-.Ltmp2, $4  }
0x263: {  	v23 =	vmul.f32 v29, v29;
	v25 =	vadd.f32 v7, v15;
	v26 =	vadd.f32 v9, v2;
	v2 =	vld [tilespmem:s12+$0x5440]  }
0x264: {  	v9 =	vadd.f32 v19, v3;
	v19 =	vmul.f32 v31, v31;
	v7 =	vld [tilespmem:s12+$0x2450];
	v3 =	vadd.f32 v17, v8  }
0x265: {  	v43 =	vmovc v16;
	v20 =	vmul.f32 v36, v36;
	v17 =	vadd.f32 v40, v13;
	v15 =	vadd.f32 v46, v18;
	v8 =	vld [tilespmem:s11+$0x2440]  }
0x266: {  	s25 =	smov.u32 s26;
	s26 =	sadd.s32 $0x2, s26;
	v46 =	vmovc v28;
	v13 =	vld [tilespmem:s11+$0x5440];
	v16 =	vadd.f32 v27, v25;
	v18 =	vadd.f32 v19, v26;
	v19 =	vmul.f32 v37, v37  }
0x267: {  	v9 =	vadd.f32 v23, v9;
	v10 =	vadd.f32 v20, v10;
	v20 =	vld [tilespmem:s11+$0x2450]  }
0x268: {  	v3 =	vadd.f32 v30, v3;
	v23 =	vmul.f32 v38, v38;
	v11 =	vadd.f32 v31, v11;
	v26 =	vld [tilespmem:s11+$0x5450]  }
0x269: {  	v25 =	vmul.f32 v59, v59;
	v17 =	vadd.f32 v29, v17;
	v15 =	vadd.f32 v36, v15;
	v28 =	vld [tilespmem:s12+$0x2430]  }
0x26a: {  	v27 =	vmul.f32 v61, v61;
	v29 =	vmul.f32 v53, v53;
	v30 =	vld [tilespmem:s12+$0x5430];
	v12 =	vadd.f32 v12, v6  }
0x26b: {  	v31 =	vmul.f32 v56, v56;
	v39 =	vld [tilespmem:s11+$0x5410];
	v16 =	vadd.f32 v19, v16;
	v18 =	vadd.f32 v23, v18  }
0x26c: {  	v19 =	vld [tilespmem:s12+$0x2420];
	v23 =	vmul.f32 v33, v33;
	v9 =	vadd.f32 v25, v9;
	v10 =	vadd.f32 v27, v10  }
0x26d: {  	v25 =	vld [tilespmem:s12+$0x5420];
	v27 =	vmul.f32 v35, v35;
	v3 =	vadd.f32 v37, v3;
	v11 =	vadd.f32 v38, v11  }
0x26e: {  	v40 =	vmovc v34;
	v17 =	vadd.f32 v59, v17;
	v15 =	vadd.f32 v61, v15;
	v59 =	vmul.f32 v34, v34;
	v34 =	vld [tilespmem:s11+$0x5430]  }
0x26f: {  	v16 =	vadd.f32 v23, v16;
	v23 =	vld [tilespmem:s11+$0x2420];
	v18 =	vadd.f32 v27, v18  }
0x270: {  	v27 =	vld [tilespmem:s11+$0x5420];
	v9 =	vadd.f32 v29, v9;
	v10 =	vadd.f32 v31, v10  }
0x271: {  	v29 =	vmul.f32 v32, v32;
	v31 =	vld [tilespmem:s11+$0x2430];
	v3 =	vadd.f32 v33, v3;
	v11 =	vadd.f32 v35, v11  }
0x272: {  	v36 =	vmovc v32;
	v61 =	vmul.f32 v50, v50;
	v17 =	vadd.f32 v53, v17;
	v15 =	vadd.f32 v56, v15;
	v32 =	vld [tilespmem:s12+$0x5400]  }
0x273: {  	v53 =	vmul.f32 v52, v52;
	v13 =	vadd.f32 v13, v8;
	v29 =	vadd.f32 v29, v16;
	v16 =	vld [tilespmem:s12+$0x2400]  }
0x274: {  	v18 =	vadd.f32 v59, v18;
	v9 =	vadd.f32 v61, v9;
	v59 =	vld [tilespmem:s12+$0x2410]  }
0x275: {  	v10 =	vadd.f32 v53, v10;
	v50 =	vadd.f32 v50, v17;
	v17 =	vld [tilespmem:s12+$0x5410]  }
0x276: {  	v61 =	vadd.f32 v40, v11;
	v11 =	vadd.f32 v21, v14;
	v21 =	vld [tilespmem:s11+$0x2400]  }
0x277: {  	v56 =	vadd.f32 v36, v3;
	v3 =	vadd.f32 v24, v22;
	v22 =	vld [tilespmem:s11+$0x5400]  }
0x278: {  	v53 =	vadd.f32 v52, v15;
	v15 =	vadd.f32 v1, v0;
	v24 =	vld [tilespmem:s11+$0x2410]  }
0x279: {  	v1 =	vadd.f32 v5, v7;
	v7 =	vadd.f32 v26, v20;
	v26 =	vld [tilespmem:$0x1FE60]  }
0x27a: {  	v0 =	vadd.f32 v2, v4;
	v2 =	vadd.f32 v30, v28  }
0x27b: {  	v4 =	vadd.f32 v25, v19;
	v25 =	vld [tilespmem:$0x1FE30];
	v14 =	vadd.f32 v27, v23  }
0x27c: {  	v8 =	vadd.f32 v34, v31;
	v5 =	vadd.f32 v32, v16  }
0x27d: {  	v6 =	vadd.f32 v17, v59;
	v16 =	vadd.f32 v22, v21  }
0x27e: {  	v23 =	vld [tilespmem:$0x1FE20];
	v21 =	vmul.f32 v41, v41;
	v17 =	vadd.f32 v39, v24;
	v22 =	vmul.f32 v26, v26  }
0x27f: {  	v24 =	vadd.f32 v41, v50;
	v26 =	vadd.f32 v26, v53  }
0x280: {  	v20 =	vmul.f32 v25, v25;
	v9 =	vadd.f32 v21, v9;
	v10 =	vadd.f32 v22, v10  }
0x281: {  	v22 =	vadd.f32 v25, v61;
	v25 =	vmul.f32 v62, v62;
	v24 =	vadd.f32 v62, v24  }
0x282: {  	v26 =	vadd.f32 v63, v26;
	v18 =	vadd.f32 v20, v18  }
0x283: {  	v19 =	vmul.f32 v23, v23;
	v20 =	vadd.f32 v23, v56;
	v9 =	vadd.f32 v25, v9  }
0x284: {  	v23 =	vmul.f32 v49, v49;
	v22 =	vadd.f32 v49, v22;
	v24 =	vadd.f32 v57, v24  }
0x285: {  	v25 =	vmul.f32 v57, v57;
	v26 =	vadd.f32 v60, v26;
	v19 =	vadd.f32 v19, v29  }
0x286: {  	v21 =	vmul.f32 v48, v48;
	v18 =	vadd.f32 v23, v18;
	v20 =	vadd.f32 v48, v20  }
0x287: {  	v23 =	vmul.f32 v47, v47;
	v9 =	vadd.f32 v25, v9;
	v22 =	vadd.f32 v47, v22  }
0x288: {  	v25 =	vmul.f32 v55, v55;
	v24 =	vadd.f32 v55, v24;
	v26 =	vadd.f32 v58, v26  }
0x289: {  	v19 =	vadd.f32 v21, v19;
	v18 =	vadd.f32 v23, v18  }
0x28a: {  	v21 =	vmul.f32 v63, v63;
	v20 =	vadd.f32 v44, v20;
	v9 =	vadd.f32 v25, v9  }
0x28b: {  	v23 =	vmul.f32 v46, v46;
	v22 =	vadd.f32 v46, v22;
	v24 =	vadd.f32 v51, v24  }
0x28c: {  	v25 =	vmul.f32 v51, v51;
	v26 =	vadd.f32 v54, v26;
	v10 =	vadd.f32 v21, v10  }
0x28d: {  	v27 =	vmul.f32 v60, v60;
	v18 =	vadd.f32 v23, v18;
	v20 =	vadd.f32 v45, v20  }
0x28e: {  	v21 =	vmul.f32 v44, v44;
	v9 =	vadd.f32 v25, v9;
	v22 =	vadd.f32 v43, v22  }
0x28f: {  	v23 =	vmul.f32 v43, v43;
	v24 =	vadd.f32 v16, v24;
	v26 =	vadd.f32 v17, v26  }
0x290: {  	v25 =	vmul.f32 v16, v16;
	v19 =	vadd.f32 v21, v19;
	v10 =	vadd.f32 v27, v10  }
0x291: {  	v21 =	vmul.f32 v45, v45;
	v27 =	vmul.f32 v54, v54;
	v18 =	vadd.f32 v23, v18  }
0x292: {  	v23 =	vmul.f32 v6, v6;
	v20 =	vadd.f32 v42, v20;
	v9 =	vadd.f32 v25, v9  }
0x293: {  	v25 =	vmul.f32 v14, v14;
	v22 =	vadd.f32 v6, v22;
	v24 =	vadd.f32 v14, v24  }
0x294: {  	v26 =	vadd.f32 v8, v26;
	v19 =	vadd.f32 v21, v19;
	v21 =	vmul.f32 v58, v58  }
0x295: {  	v18 =	vadd.f32 v23, v18;
	v23 =	vmul.f32 v2, v2;
	v20 =	vadd.f32 v5, v20  }
0x296: {  	v9 =	vadd.f32 v25, v9;
	v25 =	vmul.f32 v13, v13;
	v22 =	vadd.f32 v2, v22  }
0x297: {  	v24 =	vadd.f32 v13, v24;
	v10 =	vadd.f32 v21, v10;
	v21 =	vmul.f32 v42, v42  }
0x298: {  	v18 =	vadd.f32 v23, v18;
	v23 =	vmul.f32 v1, v1;
	v20 =	vadd.f32 v4, v20  }
0x299: {  	v9 =	vadd.f32 v25, v9;
	v19 =	vadd.f32 v21, v19;
	v21 =	vmul.f32 v5, v5  }
0x29a: {  	v22 =	vadd.f32 v1, v22;
	v10 =	vadd.f32 v27, v10;
	v27 =	vmul.f32 v17, v17  }
0x29b: {  	v25 =	vadd.f32 v7, v26;
	v19 =	vadd.f32 v21, v19;
	v21 =	vmul.f32 v4, v4  }
0x29c: {  	v18 =	vadd.f32 v23, v18;
	v10 =	vadd.f32 v27, v10;
	v27 =	vmul.f32 v8, v8  }
0x29d: {  	v23 =	vmul.f32 v15, v15;
	v19 =	vadd.f32 v21, v19;
	v21 =	vmul.f32 v0, v0  }
0x29e: {  	v20 =	vadd.f32 v0, v20;
	v10 =	vadd.f32 v27, v10;
	v27 =	vmul.f32 v7, v7  }
0x29f: {  	v9 =	vadd.f32 v23, v9;
	v19 =	vadd.f32 v21, v19;
	v21 =	vmul.f32 v11, v11  }
0x2a0: {  	v55 =	vld [tilespmem:$0x1FFC0];
	v23 =	vadd.f32 v12, v25;
	v10 =	vadd.f32 v27, v10  }
0x2a1: {  	v19 =	vadd.f32 v21, v19;
	v21 =	vadd.f32 v15, v24;
	v24 =	vmul.f32 v12, v12  }
0x2a2: {  	v22 =	vadd.f32 v3, v22;
	v20 =	vadd.f32 v11, v20;
	v25 =	vmul.f32 v3, v3  }
0x2a3: {  	v10 =	vadd.f32 v24, v10;
	v21 =	vadd.f32 v23, v21  }
0x2a4: {  	v56 =	vld [tilespmem:$0x1FFD0];
	v18 =	vadd.f32 v25, v18;
	v20 =	vadd.f32 v22, v20  }
0x2a5: {  	v9 =	vadd.f32 v10, v9;
	v10 =	vperm.xlane v21, v55  }
0x2a6: {  	v18 =	vadd.f32 v18, v19;
	v19 =	vperm.xlane v20, v55  }
0x2a7: {  	v10 =	vadd.f32 v21, v10;
	v21 =	vperm.xlane v9, v55  }
0x2a8: {  	v57 =	vld [tilespmem:$0x1FFE0];
	v19 =	vadd.f32 v20, v19;
	v20 =	vperm.xlane v18, v55  }
0x2a9: {  	v9 =	vadd.f32 v9, v21;
	v21 =	vperm.xlane v10, v56  }
0x2aa: {  	v18 =	vadd.f32 v18, v20;
	v20 =	vperm.xlane v19, v56  }
0x2ab: {  	v10 =	vadd.f32 v21, v10;
	v21 =	vperm.xlane v9, v56  }
0x2ac: {  	v40 =	vld [tilespmem:$0x1FFF0];
	v19 =	vadd.f32 v20, v19;
	v20 =	vperm.xlane v18, v56  }
0x2ad: {  	v9 =	vadd.f32 v21, v9;
	v21 =	vperm.xlane v10, v57  }
0x2ae: {  	v18 =	vadd.f32 v20, v18;
	v20 =	vperm.xlane v19, v57  }
0x2af: {  	v10 =	vadd.f32 v21, v10;
	v21 =	vperm.xlane v9, v57  }
0x2b0: {  	v19 =	vadd.f32 v20, v19;
	v20 =	vperm.xlane v18, v57  }
0x2b1: {  	v9 =	vadd.f32 v21, v9;
	v21 =	vperm.xlane v10, v40  }
0x2b2: {  	v18 =	vadd.f32 v20, v18;
	v20 =	vperm.xlane v19, v40  }
0x2b3: {  	v10 =	vadd.f32 v21, v10;
	v21 =	vperm.xlane v9, v40  }
0x2b4: {  	v19 =	vadd.f32 v20, v19;
	v20 =	vperm.xlane v18, v40  }
0x2b5: {  	v9 =	vadd.f32 v21, v9;
	v10 =	vmul.f32 $1.302083370e-03, v10  }
0x2b6: {  	v18 =	vadd.f32 v20, v18;
	v19 =	vmul.f32 $1.302083370e-03, v19  }
0x2b7: {  	v9 =	vmul.f32 $1.302083370e-03, v9;
	v20 =	vmul.f32 v10, v10  }
0x2b8: {  	v18 =	vmul.f32 $1.302083370e-03, v18;
	v21 =	vmul.f32 v19, v19  }
0x2b9: {  	v9 =	vsub.f32 v9, v20  }
0x2ba: {  	v18 =	vsub.f32 v18, v21  }
0x2bb: {  	[tilespmem:s12+$0x8460] =	vst v11;
	v9 =	vadd.f32 $9.999999740e-06, v9  }
0x2bc: {  	[tilespmem:s11+$0x8460] =	vst v15;
	v11 =	vadd.f32 $9.999999740e-06, v18  }
0x2bd: {  	[tilespmem:s11+$0x8470] =	vst v12;
	v15 =	vshrl.u32 v9, $0x1  }
0x2be: {  	[tilespmem:s11+$0x8440] =	vst v13;
	v12 =	vsub.s32 $0x5F3759DF, v15;
	v15 =	vshrl.u32 v11, $0x1;
	v11 =	vmul.f32 $-5.000000000e-01, v11  }
0x2bf: {  	[tilespmem:s11+$0x8450] =	vst v7;
	v9 =	vmul.f32 $-5.000000000e-01, v9;
	v15 =	vsub.s32 $0x5F3759DF, v15  }
0x2c0: {  	[tilespmem:s11+$0x8420] =	vst v14;
	v7 =	vmul.f32 v15, v11  }
0x2c1: {  	[tilespmem:s11+$0x8430] =	vst v8;
	v13 =	vmul.f32 v12, v9  }
0x2c2: {  	[tilespmem:s11+$0x8400] =	vst v16;
	v7 =	vmul.f32 v15, v7  }
0x2c3: {  	[tilespmem:s11+$0x8410] =	vst v17;
	v13 =	vmul.f32 v12, v13  }
0x2c4: {  	[tilespmem:s12+$0x8400] =	vst v5;
	v7 =	vadd.f32 $1.500000000e+00, v7  }
0x2c5: {  	[tilespmem:s12+$0x8410] =	vst v6;
	v8 =	vadd.f32 $1.500000000e+00, v13  }
0x2c6: {  	[tilespmem:s12+$0x8420] =	vst v4;
	v6 =	vmul.f32 v15, v7  }
0x2c7: {  	[tilespmem:s12+$0x8430] =	vst v2;
	v5 =	vmul.f32 v12, v8  }
0x2c8: {  	[tilespmem:s12+$0x8440] =	vst v0;
	v2 =	vmul.f32 v6, v11  }
0x2c9: {  	[tilespmem:s12+$0x8450] =	vst v1;
	v4 =	vmul.f32 v5, v9  }
0x2ca: {  	[tilespmem:s12+$0x8470] =	vst v3;
	v1 =	vmul.f32 v2, v6  }
0x2cb: {  	p1 =	seq.s32 s23, $0x0;
	v3 =	vld [tilespmem:$0x1FED0];
	v0 =	vmul.f32 v4, v5  }
0x2cc: {  	s30 =	sadd.s32 $0x1, s25;
	s11 =	simm.s32 @!p1 $0x3;
	v4 =	vlaneseq.u32;
	v2 =	vmov s25;
	v1 =	vadd.f32 $1.500000000e+00, v1  }
0x2cd: {  	_ =	swait.ge @!p1 [sflag:s11], $0x3000;
	vm1 =	veq.s32 v2, v4;
	v2 =	vmov s30  }
0x2ce: {  	v16 =	vimm.s32 $0x4;
	vm2 =	veq.s32 v2, v4;
	v4 =	vmul.f32 v1, v6;
	v1 =	vld [tilespmem:$0x1FF60]  }
0x2cf: {  	s14 =	simm.s32 $0x0;
	s19 =	simm.s32 $0x14400;
	v17 =	vimm.s32 $0x5;
	[sflag:s11] =	ssyncset.done @!p1 $0x0;
	v23 =	vimm.s32 $0x6;
	v0 =	vadd.f32 $1.500000000e+00, v0  }
0x2d0: {  	s18 =	sand.u32 $0x70, s14;
	s20 =	sand.u32 $0x1C00, s14;
	[sflag:s11] =	ssyncadd.s32 @!p1 $0xFFFFD000;
	v8 =	vimm.s32 $0x0;
	v15 =	vimm.s32 $0x3;
	v3 =	vsel vm1, v10, v3  }
0x2d1: {  	v7 =	vld [tilespmem:s19+$0x0];
	s19 =	sor.u32 s18, s20;
	v9 =	vimm.s32 $0x1;
	v2 =	vmul.f32 v0, v5;
	v3 =	vsel vm2, v19, v3  }
0x2d2: {  	s12 =	simm.s32 $0x14700;
	v26 =	vld [tilespmem:s19+$0x8680];
	v10 =	vimm.s32 $0x2;
	v13 =	vperm.xlane v3, v8;
	v14 =	vperm.xlane v3, v9  }
0x2d3: {  	v0 =	vld [tilespmem:s12+$0x0];
	v11 =	vperm.xlane v3, v10;
	v12 =	vperm.xlane v3, v15;
	v2 =	vsel vm1, v2, v1  }
0x2d4: {  	v6 =	vperm.xlane v3, v17;
	v5 =	vperm.xlane v3, v23;
	v4 =	vsel vm2, v4, v2;
	v2 =	vld [tilespmem:s19+$0x8400]  }
0x2d5: {  	v1 =	vperm.xlane v3, v16;
	v20 =	vperm.xlane v4, v8;
	v8 =	vld [tilespmem:s19+$0x8480]  }
0x2d6: {  	v22 =	vperm.xlane v4, v9;
	v21 =	vperm.xlane v4, v10;
	v9 =	vld [tilespmem:s19+$0x8500]  }
0x2d7: {  	v18 =	vperm.xlane v4, v15;
	v19 =	vperm.xlane v4, v16;
	v10 =	vld [tilespmem:s19+$0x8580]  }
0x2d8: {  	v26 =	vsub.f32 v26, v6;
	v17 =	vperm.xlane v4, v17;
	v16 =	vperm.xlane v4, v23;
	v23 =	vld [tilespmem:s19+$0x8600]  }
0x2d9: {  	s11 =	simm.s32 $0x80;
	s12 =	simm.s32 $0x10;
	v15 =	vmul.f32 v7, v20;
	v24 =	vmul.f32 v7, v22;
	v2 =	vsub.f32 v2, v13  }
0x2da: {  	s22 =	sand.u32 $0x1C00, s11;
	v29 =	vld [tilespmem:s19+$0x8700];
	s20 =	sand.u32 $0x70, s12;
	v25 =	vmul.f32 v7, v21;
	v27 =	vmul.f32 v7, v18;
	v8 =	vsub.f32 v8, v14  }
0x2db: {  	s18 =	sor.u32 s20, s22;
	v28 =	vmul.f32 v7, v19;
	v9 =	vsub.f32 v9, v11;
	v2 =	vmul.f32 v2, v15  }
0x2dc: {  	s21 =	simm.s32 $0x14710;
	v60 =	vld [tilespmem:s18+$0x8700];
	v30 =	vmul.f32 v7, v17;
	v10 =	vsub.f32 v10, v12;
	v8 =	vmul.f32 v8, v24  }
0x2dd: {  	v23 =	vsub.f32 v23, v1;
	v15 =	vld [tilespmem:s21+$0x0];
	s21 =	simm.s32 $0x14410;
	v9 =	vmul.f32 v9, v25;
	v2 =	vadd.f32 v2, v0  }
0x2de: {  	v24 =	vmul.f32 v7, v16;
	v25 =	vld [tilespmem:s21+$0x0];
	v10 =	vmul.f32 v10, v27;
	v8 =	vadd.f32 v8, v0  }
0x2df: {  	v27 =	vld [tilespmem:s18+$0x8400];
	[tilespmem:s19+$0x8400] =	vst v2;
	v2 =	vadd.f32 v9, v0;
	v9 =	vmul.f32 v23, v28;
	v28 =	vsub.f32 v29, v5  }
0x2e0: {  	v29 =	vld [tilespmem:s18+$0x8480];
	[tilespmem:s19+$0x8480] =	vst v8;
	v8 =	vadd.f32 v10, v0;
	v10 =	vmul.f32 v26, v30  }
0x2e1: {  	v30 =	vimm.s32 $0x7;
	v26 =	vld [tilespmem:s18+$0x8500];
	[tilespmem:s19+$0x8500] =	vst v2;
	v2 =	vadd.f32 v9, v0;
	v9 =	vmul.f32 v28, v24  }
0x2e2: {  	v63 =	vsub.f32 v60, v5;
	v23 =	vperm.xlane v4, v30;
	v28 =	vld [tilespmem:s18+$0x8580];
	[tilespmem:s19+$0x8580] =	vst v8;
	v8 =	vadd.f32 v10, v0  }
0x2e3: {  	v24 =	vperm.xlane v3, v30;
	v30 =	vmul.f32 v25, v21;
	v10 =	vld [tilespmem:s18+$0x8600];
	[tilespmem:s19+$0x8600] =	vst v2;
	v2 =	vadd.f32 v9, v0  }
0x2e4: {  	s14 =	sor.u32 s14, s14;
	v58 =	vld [tilespmem:s18+$0x8680];
	v27 =	vsub.f32 v27, v13;
	v31 =	vmul.f32 v7, v23;
	v7 =	vmul.f32 v25, v20;
	[tilespmem:s19+$0x8680] =	vst v8  }
0x2e5: {  	s20 =	sor.u32 $0x380, s14;
	v59 =	vmul.f32 v25, v19;
	v9 =	vmul.f32 v25, v22;
	v8 =	vsub.f32 v29, v14;
	[tilespmem:s19+$0x8700] =	vst v2  }
0x2e6: {  	v29 =	vmul.f32 v25, v18;
	v7 =	vmul.f32 v27, v7;
	v2 =	vsub.f32 v26, v11;
	v61 =	vld [tilespmem:s20+$0x8400]  }
0x2e7: {  	s26 =	simm.s32 $0x20;
	s29 =	simm.s32 $0x14720;
	s25 =	simm.s32 $0x100;
	v26 =	vmul.f32 v25, v17;
	v8 =	vmul.f32 v8, v9;
	v9 =	vsub.f32 v28, v12  }
0x2e8: {  	s24 =	sand.u32 $0x70, s26;
	s30 =	sand.u32 $0x1C00, s25;
	s21 =	simm.s32 $0x14420;
	v28 =	vmul.f32 v2, v30;
	v2 =	vld [tilespmem:s29+$0x0];
	v27 =	vadd.f32 v7, v15;
	v10 =	vsub.f32 v10, v1  }
0x2e9: {  	s28 =	sor.u32 s24, s30;
	v7 =	vld [tilespmem:s21+$0x0];
	v9 =	vmul.f32 v9, v29;
	v8 =	vadd.f32 v8, v15;
	v29 =	vsub.f32 v58, v6  }
0x2ea: {  	v62 =	vmul.f32 v25, v16;
	[tilespmem:s18+$0x8400] =	vst v27;
	v10 =	vmul.f32 v10, v59;
	v27 =	vld [tilespmem:s28+$0x8400];
	v30 =	vadd.f32 v28, v15  }
0x2eb: {  	v28 =	vld [tilespmem:s28+$0x8480];
	[tilespmem:s18+$0x8480] =	vst v8;
	v8 =	vmul.f32 v29, v26;
	v9 =	vadd.f32 v9, v15;
	v29 =	vsub.f32 v61, v24  }
0x2ec: {  	v32 =	vmul.f32 v63, v62;
	v26 =	vld [tilespmem:s28+$0x8500];
	[tilespmem:s18+$0x8500] =	vst v30;
	v33 =	vadd.f32 v10, v15  }
0x2ed: {  	v10 =	vld [tilespmem:s28+$0x8580];
	[tilespmem:s18+$0x8580] =	vst v9;
	v30 =	vadd.f32 v8, v15;
	v8 =	vmul.f32 v25, v23;
	v9 =	vmul.f32 v29, v31  }
0x2ee: {  	s24 =	sshll.u32 s23, $0x5;
	s14 =	simm.s32 $0x30;
	v32 =	vadd.f32 v32, v15;
	v25 =	vld [tilespmem:s28+$0x8600];
	v31 =	vmul.f32 v7, v20;
	v29 =	vmul.f32 v7, v22;
	[tilespmem:s18+$0x8600] =	vst v33  }
.LBB2_9:
0x2ef: {  	p0 =	sne.s32 s14, $0x2F0;
	v27 =	vsub.f32 v27, v13;
	v33 =	vmul.f32 v7, v21;
	v34 =	vld [tilespmem:s28+$0x8680];
	[tilespmem:s18+$0x8680] =	vst v30;
	s12 =	sor.u32 s11, s12;
	v36 =	vadd.f32 v9, v0;
	s11 =	smov.u32 s25  }
0x2f0: {  	v30 =	vmul.f32 v7, v19;
	v9 =	vsub.f32 v28, v14;
	v28 =	vmul.f32 v7, v18;
	v35 =	vld [tilespmem:s28+$0x8700];
	[tilespmem:s18+$0x8700] =	vst v32;
	s19 =	sor.u32 $0x380, s12;
	s18 =	smov.u32 s28;
	s12 =	smov.u32 s26  }
0x2f1: {  	s26 =	smov.u32 s14;
	v27 =	vmul.f32 v27, v31;
	v26 =	vsub.f32 v26, v11;
	v31 =	vmul.f32 v7, v17;
	v32 =	vld [tilespmem:s19+$0x8400];
	[tilespmem:s20+$0x8400] =	vst v36;
	s20 =	smov.u32 s19  }
0x2f2: {  	s25 =	sadd.s32 $0x80, s25;
	s29 =	sadd.s32 $0x10, s29;
	v0 =	vmovc v15;
	v9 =	vmul.f32 v9, v29;
	v10 =	vsub.f32 v10, v12;
	v29 =	vmul.f32 v7, v16  }
0x2f3: {  	s21 =	sadd.s32 $0x10, s21;
	v15 =	vmovc v2;
	s28 =	sand.u32 $0x1C00, s25;
	s19 =	sand.u32 $0x70, s14;
	v36 =	vadd.f32 v27, v2;
	v26 =	vmul.f32 v26, v33;
	v25 =	vsub.f32 v25, v1;
	v2 =	vld [tilespmem:s29+$0x0]  }
0x2f4: {  	s28 =	sor.u32 s19, s28;
	v9 =	vadd.f32 v9, v15;
	v10 =	vmul.f32 v10, v28;
	v33 =	vsub.f32 v34, v6;
	v34 =	vmovc v7;
	v7 =	vld [tilespmem:s21+$0x0]  }
.Ltmp3:
0x2f5: {  	v27 =	vld [tilespmem:s28+$0x8400];
	[tilespmem:s18+$0x8400] =	vst v36;
	v36 =	vadd.f32 v26, v15;
	v25 =	vmul.f32 v25, v30;
	v30 =	vsub.f32 v35, v5;
	(pc) =	sbr.rel @p0 .LBB2_9-.Ltmp3, $4  }
0x2f6: {  	v28 =	vld [tilespmem:s28+$0x8480];
	[tilespmem:s18+$0x8480] =	vst v9;
	v9 =	vadd.f32 v10, v15;
	v31 =	vmul.f32 v33, v31;
	v32 =	vsub.f32 v32, v24  }
0x2f7: {  	v26 =	vld [tilespmem:s28+$0x8500];
	[tilespmem:s18+$0x8500] =	vst v36;
	v33 =	vadd.f32 v25, v15;
	v35 =	vmul.f32 v30, v29  }
0x2f8: {  	v10 =	vld [tilespmem:s28+$0x8580];
	[tilespmem:s18+$0x8580] =	vst v9;
	v30 =	vadd.f32 v31, v15;
	v9 =	vmul.f32 v32, v8;
	v8 =	vmul.f32 v34, v23  }
0x2f9: {  	s14 =	sadd.s32 $0x10, s14;
	v31 =	vmul.f32 v7, v20;
	v29 =	vmul.f32 v7, v22;
	v25 =	vld [tilespmem:s28+$0x8600];
	[tilespmem:s18+$0x8600] =	vst v33;
	v32 =	vadd.f32 v35, v15  }
0x2fa: {  	v13 =	vsub.f32 v27, v13;
	v20 =	vmul.f32 v7, v21;
	v21 =	vld [tilespmem:s28+$0x8680]  }
0x2fb: {  	v18 =	vmul.f32 v7, v18;
	v19 =	vmul.f32 v7, v19;
	v22 =	vld [tilespmem:s28+$0x8700];
	v14 =	vsub.f32 v28, v14  }
0x2fc: {  	v17 =	vmul.f32 v7, v17;
	v13 =	vmul.f32 v13, v31;
	v11 =	vsub.f32 v26, v11  }
0x2fd: {  	v14 =	vmul.f32 v14, v29;
	v10 =	vsub.f32 v10, v12;
	v12 =	vmul.f32 v7, v16  }
0x2fe: {  	[tilespmem:s18+$0x8680] =	vst v30;
	v13 =	vadd.f32 v13, v2;
	v11 =	vmul.f32 v11, v20;
	v1 =	vsub.f32 v25, v1  }
0x2ff: {  	[tilespmem:s18+$0x8700] =	vst v32;
	v14 =	vadd.f32 v14, v2;
	v10 =	vmul.f32 v10, v18;
	v6 =	vsub.f32 v21, v6  }
0x300: {  	v5 =	vsub.f32 v22, v5;
	[tilespmem:s28+$0x8400] =	vst v13;
	v11 =	vadd.f32 v11, v2;
	v1 =	vmul.f32 v1, v19  }
0x301: {  	[tilespmem:s28+$0x8480] =	vst v14;
	v10 =	vadd.f32 v10, v2;
	v6 =	vmul.f32 v6, v17  }
0x302: {  	v5 =	vmul.f32 v5, v12;
	[tilespmem:s28+$0x8500] =	vst v11;
	v1 =	vadd.f32 v1, v2  }
0x303: {  	[tilespmem:s28+$0x8580] =	vst v10;
	v6 =	vadd.f32 v6, v2  }
0x304: {  	s11 =	sor.u32 s11, s12;
	[tilespmem:s28+$0x8600] =	vst v1;
	v1 =	vadd.f32 v5, v2  }
0x305: {  	s21 =	sor.u32 s25, s26;
	s11 =	sor.u32 $0x380, s11;
	[tilespmem:s28+$0x8680] =	vst v6  }
0x306: {  	s12 =	sor.u32 $0x380, s21;
	v5 =	vld [tilespmem:s11+$0x8400];
	[tilespmem:s28+$0x8700] =	vst v1  }
0x307: {  	v1 =	vld [tilespmem:s12+$0x8400];
	_ =	sdelay $0x3  }
0x308: {  	v5 =	vsub.f32 v5, v24  }
0x309: {  	v6 =	vmul.f32 v7, v23;
	v1 =	vsub.f32 v1, v24  }
0x30a: {  	v5 =	vmul.f32 v5, v8  }
0x30b: {  	v0 =	vadd.f32 v9, v0;
	v1 =	vmul.f32 v1, v6  }
0x30c: {  	v5 =	vadd.f32 v5, v15  }
0x30d: {  	[tilespmem:s20+$0x8400] =	vst v0;
	v0 =	vadd.f32 v1, v2  }
0x30e: {  	s22 =	simm.s32 $0x0;
	v22 =	vimm.s32 $0xD;
	v14 =	vimm.s32 $0xA;
	[tilespmem:s11+$0x8400] =	vst v5  }
0x30f: {  	s25 =	simm.s32 $0x14400;
	s14 =	sand.u32 $0x70, s22;
	v11 =	vperm.xlane v3, v14;
	v17 =	vperm.xlane v4, v14;
	v8 =	vimm.s32 $0x9;
	s11 =	sand.u32 $0x1C00, s22;
	[tilespmem:s12+$0x8400] =	vst v0  }
0x310: {  	v14 =	vperm.xlane v4, v22;
	v12 =	vperm.xlane v3, v8;
	v24 =	vimm.s32 $0xF;
	s11 =	sor.u32 s14, s11;
	v7 =	vld [tilespmem:s25+$0x0]  }
0x311: {  	v19 =	vperm.xlane v4, v8;
	v15 =	vimm.s32 $0xB;
	v18 =	vperm.xlane v3, v24;
	v9 =	vld [tilespmem:s11+$0x9F80]  }
0x312: {  	v21 =	vimm.s32 $0xC;
	v6 =	vperm.xlane v3, v15;
	v16 =	vperm.xlane v4, v15;
	v10 =	vld [tilespmem:s11+$0x9C00]  }
0x313: {  	v15 =	vperm.xlane v4, v21;
	v5 =	vperm.xlane v3, v22;
	v2 =	vimm.s32 $0x8;
	v20 =	vld [tilespmem:s11+$0x9C80]  }
0x314: {  	s26 =	simm.s32 $0x14700;
	v23 =	vimm.s32 $0xE;
	v1 =	vperm.xlane v3, v21;
	v13 =	vperm.xlane v3, v2;
	v21 =	vld [tilespmem:s11+$0x9D00]  }
0x315: {  	v2 =	vperm.xlane v4, v2;
	v0 =	vperm.xlane v3, v23;
	v8 =	vld [tilespmem:s26+$0x0]  }
0x316: {  	v3 =	vperm.xlane v4, v23;
	v4 =	vperm.xlane v4, v24;
	v23 =	vld [tilespmem:s11+$0x9D80]  }
0x317: {  	v26 =	vld [tilespmem:s11+$0x9E00];
	v22 =	vmul.f32 v7, v2;
	v24 =	vmul.f32 v7, v19  }
0x318: {  	v29 =	vld [tilespmem:s11+$0x9E80];
	v25 =	vmul.f32 v7, v17;
	v9 =	vsub.f32 v9, v18;
	v27 =	vmul.f32 v7, v4  }
0x319: {  	v10 =	vsub.f32 v10, v13;
	v28 =	vmul.f32 v7, v16;
	v30 =	vmul.f32 v7, v15  }
0x31a: {  	s29 =	simm.s32 $0x80;
	s28 =	simm.s32 $0x10;
	v20 =	vsub.f32 v20, v12;
	v31 =	vmul.f32 v7, v14;
	v33 =	vmul.f32 v7, v3  }
0x31b: {  	s30 =	simm.s32 $0x14410;
	s14 =	sand.u32 $0x1C00, s29;
	s12 =	sand.u32 $0x70, s28;
	v21 =	vsub.f32 v21, v11;
	v9 =	vmul.f32 v9, v27;
	v10 =	vmul.f32 v10, v22;
	v22 =	vld [tilespmem:s11+$0x9F00]  }
0x31c: {  	s12 =	sor.u32 s12, s14;
	v7 =	vmul.f32 v20, v24;
	v27 =	vld [tilespmem:s30+$0x0];
	v20 =	vsub.f32 v23, v6;
	v24 =	vsub.f32 v26, v1  }
0x31d: {  	v26 =	vsub.f32 v29, v5;
	v23 =	vadd.f32 v9, v8;
	v9 =	vmul.f32 v21, v25;
	v21 =	vld [tilespmem:s12+$0x9F80]  }
0x31e: {  	v10 =	vadd.f32 v10, v8;
	v25 =	vld [tilespmem:s12+$0x9C00];
	v20 =	vmul.f32 v20, v28;
	v24 =	vmul.f32 v24, v30  }
0x31f: {  	v32 =	vld [tilespmem:s12+$0x9C80];
	v28 =	vadd.f32 v7, v8;
	v29 =	vadd.f32 v9, v8  }
0x320: {  	s18 =	simm.s32 $0x14710;
	v30 =	vld [tilespmem:s12+$0x9D00];
	v35 =	vadd.f32 v20, v8;
	v9 =	vmul.f32 v26, v31;
	v37 =	vadd.f32 v24, v8  }
0x321: {  	v7 =	vld [tilespmem:s18+$0x0];
	[tilespmem:s11+$0x9F80] =	vst v23;
	v34 =	vsub.f32 v22, v0;
	v31 =	vmul.f32 v27, v2;
	v36 =	vmul.f32 v27, v19  }
0x322: {  	[tilespmem:s11+$0x9C00] =	vst v10;
	v24 =	vld [tilespmem:s12+$0x9D80];
	v23 =	vmul.f32 v27, v17;
	v20 =	vmul.f32 v27, v4;
	v10 =	vsub.f32 v21, v18  }
0x323: {  	[tilespmem:s11+$0x9C80] =	vst v28;
	v22 =	vmul.f32 v27, v16;
	v28 =	vsub.f32 v25, v13;
	v21 =	vmul.f32 v27, v15;
	v25 =	vld [tilespmem:s12+$0x9E00]  }
0x324: {  	s19 =	simm.s32 $0x20;
	v32 =	vsub.f32 v32, v12;
	v26 =	vld [tilespmem:s12+$0x9E80];
	[tilespmem:s11+$0x9D00] =	vst v29;
	v38 =	vmul.f32 v10, v20;
	v20 =	vmul.f32 v27, v14  }
0x325: {  	s21 =	sand.u32 $0x70, s19;
	s20 =	simm.s32 $0x100;
	[tilespmem:s11+$0x9D80] =	vst v35;
	v30 =	vsub.f32 v30, v11;
	v29 =	vmul.f32 v28, v31;
	v10 =	vmul.f32 v27, v3;
	v27 =	vld [tilespmem:s12+$0x9F00]  }
0x326: {  	s19 =	simm.s32 $0x30;
	s14 =	simm.s32 $0x14420;
	s25 =	sand.u32 $0x1C00, s20;
	[tilespmem:s11+$0x9E00] =	vst v37;
	v32 =	vmul.f32 v32, v36;
	v28 =	vmul.f32 v34, v33;
	v31 =	vadd.f32 v38, v7  }
.LBB2_11:
0x327: {  	p0 =	sne.s32 s19, $0x2F0;
	v33 =	vld [tilespmem:s14+$0x0];
	s21 =	sor.u32 s21, s25;
	v29 =	vadd.f32 v29, v7;
	v23 =	vmul.f32 v30, v23;
	v24 =	vsub.f32 v24, v6;
	v34 =	vmovc v10  }
0x328: {  	v10 =	vld [tilespmem:s21+$0x9F80];
	v30 =	vadd.f32 v32, v7;
	v25 =	vsub.f32 v25, v1;
	[tilespmem:s12+$0x9F80] =	vst v31  }
0x329: {  	v31 =	vld [tilespmem:s21+$0x9C00];
	[tilespmem:s12+$0x9C00] =	vst v29;
	v23 =	vadd.f32 v23, v7;
	v22 =	vmul.f32 v24, v22;
	v24 =	vsub.f32 v26, v5  }
0x32a: {  	v26 =	vld [tilespmem:s21+$0x9C80];
	[tilespmem:s12+$0x9C80] =	vst v30;
	v21 =	vmul.f32 v25, v21;
	v35 =	vsub.f32 v27, v0;
	v25 =	vadd.f32 v9, v8  }
0x32b: {  	s18 =	sadd.s32 $0x10, s18;
	v8 =	vadd.f32 v28, v8;
	v27 =	vld [tilespmem:s21+$0x9D00];
	[tilespmem:s12+$0x9D00] =	vst v23;
	v22 =	vadd.f32 v22, v7;
	v9 =	vmul.f32 v24, v20  }
0x32c: {  	v36 =	vld [tilespmem:s18+$0x0];
	v28 =	vmul.f32 v33, v2;
	v32 =	vmul.f32 v33, v19;
	v20 =	vadd.f32 v21, v7;
	[tilespmem:s11+$0x9E80] =	vst v25  }
.Ltmp4:
0x32d: {  	v23 =	vmul.f32 v33, v17;
	v29 =	vmul.f32 v33, v4;
	v24 =	vld [tilespmem:s21+$0x9D80];
	v10 =	vsub.f32 v10, v18;
	[tilespmem:s12+$0x9D80] =	vst v22;
	(pc) =	sbr.rel @p0 .LBB2_11-.Ltmp4, $4  }
0x32e: {  	v21 =	vmul.f32 v33, v15;
	v22 =	vmul.f32 v33, v16;
	v30 =	vsub.f32 v31, v13;
	v25 =	vld [tilespmem:s21+$0x9E00];
	[tilespmem:s12+$0x9E00] =	vst v20  }
0x32f: {  	v20 =	vmul.f32 v33, v14;
	v31 =	vsub.f32 v26, v12;
	v26 =	vld [tilespmem:s21+$0x9E80];
	v37 =	vmul.f32 v10, v29;
	[tilespmem:s11+$0x9F00] =	vst v8;
	s11 =	smov.u32 s12;
	s12 =	smov.u32 s21  }
0x330: {  	s20 =	sadd.s32 $0x80, s20;
	s14 =	sadd.s32 $0x10, s14;
	v10 =	vmul.f32 v33, v3;
	v8 =	vmovc v7;
	v29 =	vmul.f32 v30, v28;
	v30 =	vsub.f32 v27, v11;
	v27 =	vld [tilespmem:s12+$0x9F00]  }
0x331: {  	s25 =	sand.u32 $0x1C00, s20;
	s21 =	sand.u32 $0x70, s19;
	s19 =	sadd.s32 $0x10, s19;
	v28 =	vmul.f32 v35, v34;
	v32 =	vmul.f32 v31, v32;
	v31 =	vadd.f32 v37, v36;
	v7 =	vmovc v36  }
0x332: {  	v33 =	vld [tilespmem:s14+$0x0];
	s19 =	sor.u32 s21, s25  }
0x333: {  	v29 =	vadd.f32 v29, v7;
	v23 =	vmul.f32 v30, v23;
	v24 =	vsub.f32 v24, v6;
	v30 =	vld [tilespmem:s19+$0x9F80]  }
0x334: {  	v9 =	vadd.f32 v9, v8;
	v25 =	vsub.f32 v25, v1;
	v34 =	vld [tilespmem:s19+$0x9C00]  }
0x335: {  	v32 =	vadd.f32 v32, v7;
	v22 =	vmul.f32 v24, v22;
	v24 =	vsub.f32 v26, v5;
	v26 =	vld [tilespmem:s19+$0x9C80]  }
0x336: {  	s18 =	sadd.s32 $0x10, s18;
	[tilespmem:s12+$0x9F80] =	vst v31;
	v23 =	vadd.f32 v23, v7;
	v21 =	vmul.f32 v25, v21;
	v25 =	vsub.f32 v27, v0;
	v27 =	vld [tilespmem:s19+$0x9D00]  }
0x337: {  	v8 =	vadd.f32 v28, v8;
	[tilespmem:s12+$0x9C00] =	vst v29;
	v22 =	vadd.f32 v22, v7;
	v20 =	vmul.f32 v24, v20;
	v24 =	vld [tilespmem:s18+$0x0]  }
0x338: {  	[tilespmem:s12+$0x9D00] =	vst v23;
	v23 =	vld [tilespmem:s19+$0x9E00];
	v2 =	vmul.f32 v33, v2;
	v4 =	vmul.f32 v33, v4;
	v18 =	vsub.f32 v30, v18  }
0x339: {  	v28 =	vld [tilespmem:s19+$0x9D80];
	[tilespmem:s11+$0x9E80] =	vst v9;
	v19 =	vmul.f32 v33, v19;
	v21 =	vadd.f32 v21, v7;
	v13 =	vsub.f32 v34, v13  }
0x33a: {  	[tilespmem:s12+$0x9C80] =	vst v32;
	v9 =	vmul.f32 v33, v17;
	v12 =	vsub.f32 v26, v12;
	v4 =	vmul.f32 v18, v4  }
0x33b: {  	[tilespmem:s11+$0x9F00] =	vst v8;
	v16 =	vmul.f32 v33, v16;
	v17 =	vld [tilespmem:s19+$0x9E80];
	v2 =	vmul.f32 v13, v2;
	v11 =	vsub.f32 v27, v11  }
0x33c: {  	[tilespmem:s12+$0x9D80] =	vst v22;
	v13 =	vmul.f32 v33, v15;
	v15 =	vld [tilespmem:s19+$0x9F00];
	v12 =	vmul.f32 v12, v19;
	v4 =	vadd.f32 v4, v24  }
0x33d: {  	[tilespmem:s12+$0x9E00] =	vst v21;
	v1 =	vsub.f32 v23, v1;
	v2 =	vadd.f32 v2, v24;
	v8 =	vmul.f32 v11, v9  }
0x33e: {  	v3 =	vmul.f32 v33, v3;
	v6 =	vsub.f32 v28, v6;
	v11 =	vadd.f32 v12, v24;
	[tilespmem:s19+$0x9F80] =	vst v4  }
0x33f: {  	v9 =	vmul.f32 v33, v14;
	v1 =	vmul.f32 v1, v13;
	[tilespmem:s19+$0x9C00] =	vst v2;
	v2 =	vadd.f32 v8, v24  }
0x340: {  	v5 =	vsub.f32 v17, v5;
	v4 =	vmul.f32 v6, v16;
	v6 =	vadd.f32 v20, v7;
	[tilespmem:s19+$0x9C80] =	vst v11  }
0x341: {  	v8 =	vmul.f32 v25, v10;
	v0 =	vsub.f32 v15, v0;
	v1 =	vadd.f32 v1, v24;
	[tilespmem:s19+$0x9D00] =	vst v2  }
0x342: {  	v2 =	vadd.f32 v4, v24;
	v4 =	vmul.f32 v5, v9;
	[tilespmem:s12+$0x9E80] =	vst v6  }
0x343: {  	v5 =	vadd.f32 v8, v7;
	v0 =	vmul.f32 v0, v3;
	[tilespmem:s19+$0x9E00] =	vst v1  }
0x344: {  	[tilespmem:s19+$0x9D80] =	vst v2;
	v1 =	vadd.f32 v4, v24  }
0x345: {  	[tilespmem:s12+$0x9F00] =	vst v5;
	v0 =	vadd.f32 v0, v24  }
0x346: {  	[tilespmem:s19+$0x9E80] =	vst v1  }
0x347: {  	p0 =	seq.s32 s23, $0x1F;
	[tilespmem:s19+$0x9F00] =	vst v0  }
0x348: {  	v0 =	vld @!p0 [tilespmem:s24+$0x20];
	_ =	sdelay $0x4  }
0x349: {  	v1 =	vshrl.u32 @!p0 v0, $0x3  }
0x34a: {  	v1 =	vmul.u32 @!p0 $0x30, v1  }
0x34b: {  	v2 =	vlaneseq.u32 @!p0;
	v0 =	vand.u32 @!p0 $0x7, v0  }
0x34c: {  	v3 =	vshrl.u32 @!p0 v2, $0x3;
	v0 =	vor.u32 @!p0 v0, v1;
	v1 =	vand.u32 @!p0 $0x7, v2  }
0x34d: {  	v3 =	vmul.u32 @!p0 $0x8, v3;
	v4 =	vperm.xlane @!p0 v0, v1;
	_ =	sdelay $0x1  }
0x34e: {  	v4 =	vadd.s32 @!p0 v3, v4;
	_ =	sdelay $0x2  }
0x34f: {  	v2 =	vor.u32 @!p0 $0x8, v2  }
0x350: {  	vm1 =	vmmov @!p0 $0xffff;
	s11 =	simm.s32 @!p0 $0x0;
	s12 =	simm.s32 @!p0 $0x2400;
	v0 =	vperm.xlane @!p0 v0, v2  }
0x351: {  	[tilespmem:s12], [sflag:$0x1] =	stream.indirect_vreg.gather @!p0 [hbm4b:s0+s11], $0x80, v4, vm1, $0xb8;
	[tilespmem:$0x14A00] =	vst v63  }
0x352: {  	v0 =	vadd.s32 @!p0 v3, v0;
	s12 =	simm.s32 @!p0 $0x2C00  }
0x353: {  	[tilespmem:s12], [sflag:$0x1] =	stream.indirect_vreg.gather @!p0 [hbm4b:s16+s11], $0x80, v4, vm1, $0xb8;
	[tilespmem:$0x14A00] =	vst v63  }
0x354: {  	s12 =	simm.s32 @!p0 $0x3400  }
0x355: {  	[tilespmem:s12], [sflag:$0x1] =	stream.indirect_vreg.gather @!p0 [hbm4b:s9+s11], $0x80, v4, vm1, $0xb8;
	[tilespmem:$0x14A00] =	vst v63  }
0x356: {  	s12 =	simm.s32 @!p0 $0x3C00  }
0x357: {  	[tilespmem:s12], [sflag:$0x1] =	stream.indirect_vreg.gather @!p0 [hbm4b:s0+s11], $0x80, v0, vm1, $0xb8;
	[tilespmem:$0x14A00] =	vst v63  }
0x358: {  	s12 =	simm.s32 @!p0 $0x4400  }
0x359: {  	[tilespmem:s12], [sflag:$0x1] =	stream.indirect_vreg.gather @!p0 [hbm4b:s16+s11], $0x80, v0, vm1, $0xb8;
	[tilespmem:$0x14A00] =	vst v63  }
0x35a: {  	s12 =	simm.s32 @!p0 $0x4C00  }
0x35b: {  	[tilespmem:s12], [sflag:$0x1] =	stream.indirect_vreg.gather @!p0 [hbm4b:s9+s11], $0x80, v0, vm1, $0xb8;
	[tilespmem:$0x14A00] =	vst v63  }
0x35c: {  	v0 =	vld @!p0 [tilespmem:s24+$0x2020];
	_ =	sdelay $0x4  }
0x35d: {  	v4 =	vshrl.u32 @!p0 v0, $0x3  }
0x35e: {  	v4 =	vmul.u32 @!p0 $0x30, v4  }
0x35f: {  	v0 =	vand.u32 @!p0 $0x7, v0  }
0x360: {  	v0 =	vor.u32 @!p0 v0, v4  }
0x361: {  	v1 =	vperm.xlane @!p0 v0, v1;
	_ =	sdelay $0x1  }
0x362: {  	v1 =	vadd.s32 @!p0 v3, v1;
	_ =	sdelay $0x3  }
0x363: {  	s12 =	simm.s32 @!p0 $0x5400;
	v0 =	vperm.xlane @!p0 v0, v2  }
0x364: {  	[tilespmem:s12], [sflag:$0x2] =	stream.indirect_vreg.gather @!p0 [hbm4b:s2+s11], $0x80, v1, vm1, $0xb8;
	[tilespmem:$0x14A00] =	vst v63  }
0x365: {  	v0 =	vadd.s32 @!p0 v3, v0;
	s12 =	simm.s32 @!p0 $0x5C00  }
0x366: {  	[tilespmem:s12], [sflag:$0x2] =	stream.indirect_vreg.gather @!p0 [hbm4b:s17+s11], $0x80, v1, vm1, $0xb8;
	[tilespmem:$0x14A00] =	vst v63  }
0x367: {  	s12 =	simm.s32 @!p0 $0x6400  }
0x368: {  	[tilespmem:s12], [sflag:$0x2] =	stream.indirect_vreg.gather @!p0 [hbm4b:s10+s11], $0x80, v1, vm1, $0xb8;
	[tilespmem:$0x14A00] =	vst v63  }
0x369: {  	s12 =	simm.s32 @!p0 $0x6C00  }
0x36a: {  	[tilespmem:s12], [sflag:$0x2] =	stream.indirect_vreg.gather @!p0 [hbm4b:s2+s11], $0x80, v0, vm1, $0xb8;
	[tilespmem:$0x14A00] =	vst v63  }
0x36b: {  	s20 =	sor.u32 s8, s24;
	s12 =	simm.s32 @!p0 $0x7400  }
0x36c: {  	[tilespmem:s12], [sflag:$0x2] =	stream.indirect_vreg.gather @!p0 [hbm4b:s17+s11], $0x80, v0, vm1, $0xb8;
	[tilespmem:$0x14A00] =	vst v63  }
0x36d: {  	s12 =	sshrl.u32 s20, $0x3  }
0x36e: {  	s14 =	simm.s32 @!p0 $0x7C00;
	s25 =	smul.u32 $0x300, s12  }
0x36f: {  	[tilespmem:s14], [sflag:$0x2] =	stream.indirect_vreg.gather @!p0 [hbm4b:s10+s11], $0x80, v0, vm1, $0xb8;
	[tilespmem:$0x14A00] =	vst v63  }
0x370: {  	s26 =	simm.s32 $0x0;
	s21 =	sadd.s32 s6, s25  }
0x371: {  	[hbm4b:s21+s26] =	stream.linear.scatter [tilespmem:s3], [sflag:$0x3], $0x3000, $0x38;
	[tilespmem:$0x14A00] =	vst v63  }
0x372: {  	_ =	swait.ge [sflag:s4], $0x3000  }
0x373: {  	[sflag:s4] =	ssyncset.done $0x0  }
0x374: {  	s22 =	simm.s32 $0x0;
	[sflag:s4] =	ssyncadd.s32 $0xFFFFD000  }
0x375: {  	s28 =	simm.s32 $0x80;
	s18 =	smul.u32 $0x1800, s22;
	_ =	swait.ge [sflag:s5], $0x3000  }
0x376: {  	s12 =	sand.u32 $0x380, s28;
	[sflag:s5] =	ssyncset.done $0x0  }
0x377: {  	s30 =	sor.u32 s18, s12;
	[sflag:s5] =	ssyncadd.s32 $0xFFFFD000  }
0x378: {  	v0 =	vld [tilespmem:s30+$0xB800]  }
0x379: {  	v3 =	vld [tilespmem:s30+$0xE800]  }
0x37a: {  	v4 =	vld [tilespmem:s30+$0xB810]  }
0x37b: {  	v5 =	vld [tilespmem:s30+$0xE810]  }
0x37c: {  	v9 =	vld [tilespmem:s30+$0xB820]  }
0x37d: {  	v10 =	vld [tilespmem:s30+$0xE820]  }
0x37e: {  	v11 =	vld [tilespmem:s30+$0xB830]  }
0x37f: {  	v12 =	vld [tilespmem:s30+$0xE830]  }
0x380: {  	v13 =	vld [tilespmem:s30+$0xB840]  }
0x381: {  	v14 =	vld [tilespmem:s30+$0xE840]  }
0x382: {  	v15 =	vld [tilespmem:s30+$0xB850]  }
0x383: {  	v16 =	vld [tilespmem:s30+$0xE850]  }
0x384: {  	v17 =	vld [tilespmem:s30+$0xB860]  }
0x385: {  	s20 =	simm.s32 $0x0;
	v18 =	vld [tilespmem:s30+$0xE860]  }
0x386: {  	s11 =	sand.u32 $0x300, s20;
	v19 =	vld [tilespmem:s30+$0xB870]  }
0x387: {  	s20 =	sor.u32 s11, s18;
	v20 =	vld [tilespmem:s30+$0xE870]  }
0x388: {  	v56 =	vld [tilespmem:s20+$0xB800]  }
0x389: {  	v23 =	vld [tilespmem:s20+$0xE800]  }
0x38a: {  	v25 =	vld [tilespmem:s20+$0xB810]  }
0x38b: {  	v27 =	vld [tilespmem:s20+$0xE810]  }
0x38c: {  	v28 =	vld [tilespmem:s20+$0xB820]  }
0x38d: {  	v29 =	vld [tilespmem:s20+$0xE820]  }
0x38e: {  	v30 =	vld [tilespmem:s20+$0xB830]  }
0x38f: {  	v31 =	vld [tilespmem:s20+$0xE830]  }
0x390: {  	v60 =	vld [tilespmem:s20+$0xB840]  }
0x391: {  	v61 =	vld [tilespmem:s20+$0xE840]  }
0x392: {  	v62 =	vld [tilespmem:s20+$0xB850]  }
0x393: {  	v35 =	vld [tilespmem:s20+$0xE850]  }
0x394: {  	v36 =	vld [tilespmem:s20+$0xB860]  }
0x395: {  	v37 =	vld [tilespmem:s20+$0xE860]  }
0x396: {  	v38 =	vld [tilespmem:s20+$0xB870]  }
0x397: {  	v39 =	vld [tilespmem:s20+$0xE870]  }
0x398: {  	v1 =	vld [tilespmem:s30+$0xB460]  }
0x399: {  	v6 =	vld [tilespmem:s30+$0xE460]  }
0x39a: {  	v24 =	vld [tilespmem:s30+$0xB440]  }
0x39b: {  	v26 =	vld [tilespmem:s30+$0xE440]  }
0x39c: {  	v7 =	vld [tilespmem:s30+$0xB420]  }
0x39d: {  	v40 =	vld [tilespmem:s30+$0xE420]  }
0x39e: {  	v2 =	vld [tilespmem:s30+$0xB400]  }
0x39f: {  	v8 =	vld [tilespmem:s30+$0xE400]  }
0x3a0: {  	v41 =	vld [tilespmem:s30+$0xB410]  }
0x3a1: {  	v42 =	vld [tilespmem:s30+$0xE410]  }
0x3a2: {  	v43 =	vld [tilespmem:s30+$0xB430]  }
0x3a3: {  	v44 =	vld [tilespmem:s30+$0xE430]  }
0x3a4: {  	v45 =	vld [tilespmem:s30+$0xB450]  }
0x3a5: {  	v46 =	vld [tilespmem:s30+$0xE450];
	v8 =	vadd.f32 v8, v2  }
0x3a6: {  	v22 =	vld [tilespmem:s30+$0xB470];
	v21 =	vadd.f32 v42, v41  }
0x3a7: {  	v63 =	vld [tilespmem:s30+$0xE470];
	v7 =	vadd.f32 v40, v7;
	[tilespmem:s30+$0x11400] =	vst v8  }
0x3a8: {  	v47 =	vld [tilespmem:s20+$0xB460];
	v49 =	vadd.f32 v44, v43;
	[tilespmem:s30+$0x11410] =	vst v21  }
0x3a9: {  	v48 =	vld [tilespmem:s20+$0xE460];
	v40 =	vadd.f32 v26, v24;
	[tilespmem:s30+$0x11420] =	vst v7  }
0x3aa: {  	v51 =	vld [tilespmem:s20+$0xB440];
	v41 =	vadd.f32 v46, v45;
	[tilespmem:s30+$0x11430] =	vst v49  }
0x3ab: {  	v57 =	vld [tilespmem:s20+$0xE440];
	v24 =	vadd.f32 v6, v1;
	[tilespmem:s30+$0x11440] =	vst v40  }
0x3ac: {  	v58 =	vld [tilespmem:s20+$0xB450];
	v22 =	vadd.f32 v63, v22;
	[tilespmem:s30+$0x11450] =	vst v41  }
0x3ad: {  	v59 =	vld [tilespmem:s20+$0xB420];
	v2 =	vadd.f32 v10, v9;
	[tilespmem:s30+$0x11460] =	vst v24  }
0x3ae: {  	v42 =	vadd.f32 v3, v0;
	v0 =	vld [tilespmem:s20+$0xE420];
	[tilespmem:s30+$0x11470] =	vst v22  }
0x3af: {  	v26 =	vadd.f32 v5, v4;
	v5 =	vld [tilespmem:s20+$0xB400];
	v4 =	vadd.f32 v12, v11;
	[tilespmem:$0x1FBE0] =	vst v2  }
0x3b0: {  	[tilespmem:s30+$0x11800] =	vst v42  }
0x3b1: {  	v1 =	vadd.f32 v14, v13;
	v9 =	vld [tilespmem:s20+$0xE400];
	[tilespmem:$0x1FC00] =	vst v4  }
0x3b2: {  	[tilespmem:s30+$0x11810] =	vst v26  }
0x3b3: {  	v3 =	vadd.f32 v16, v15;
	v10 =	vld [tilespmem:s20+$0xB410];
	[tilespmem:$0x1FC20] =	vst v1  }
0x3b4: {  	[tilespmem:s30+$0x11820] =	vst v2  }
0x3b5: {  	v11 =	vld [tilespmem:s20+$0xE410];
	v2 =	vadd.f32 v18, v17;
	[tilespmem:$0x1FC30] =	vst v3  }
0x3b6: {  	[tilespmem:s30+$0x11830] =	vst v4  }
0x3b7: {  	v12 =	vld [tilespmem:s20+$0xB430];
	[tilespmem:$0x1FC40] =	vst v2  }
0x3b8: {  	[tilespmem:s30+$0x11840] =	vst v1;
	v1 =	vadd.f32 v20, v19;
	_ =	sdelay $0x1  }
0x3b9: {  	v13 =	vld [tilespmem:s20+$0xE430];
	[tilespmem:$0x1FC50] =	vst v1  }
0x3ba: {  	[tilespmem:s30+$0x11850] =	vst v3  }
0x3bb: {  	v9 =	vadd.f32 v9, v5;
	[tilespmem:s30+$0x11860] =	vst v2  }
0x3bc: {  	v10 =	vadd.f32 v11, v10;
	v16 =	vld [tilespmem:s20+$0xE450];
	[tilespmem:s30+$0x11870] =	vst v1  }
0x3bd: {  	s19 =	sadd.s32 $0x800, s18;
	v55 =	vadd.f32 v0, v59;
	v5 =	vld [tilespmem:s20+$0xB470];
	[tilespmem:s20+$0x11400] =	vst v9  }
0x3be: {  	s21 =	sor.u32 s12, s19;
	v53 =	vadd.f32 v57, v51;
	v11 =	vld [tilespmem:s20+$0xE470];
	[tilespmem:s20+$0x11410] =	vst v10  }
0x3bf: {  	v51 =	vadd.f32 v48, v47;
	[tilespmem:s20+$0x11420] =	vst v55;
	v0 =	vld [tilespmem:s21+$0xB400]  }
0x3c0: {  	v48 =	vadd.f32 v23, v56;
	[tilespmem:s20+$0x11440] =	vst v53;
	v19 =	vld [tilespmem:s21+$0xB420]  }
0x3c1: {  	v47 =	vadd.f32 v27, v25;
	[tilespmem:s20+$0x11460] =	vst v51;
	v20 =	vld [tilespmem:s21+$0xE430]  }
0x3c2: {  	v45 =	vadd.f32 v29, v28;
	[tilespmem:s20+$0x11800] =	vst v48;
	v23 =	vld [tilespmem:s21+$0xB440]  }
0x3c3: {  	v46 =	vadd.f32 v31, v30;
	[tilespmem:s20+$0x11810] =	vst v47;
	v25 =	vld [tilespmem:s21+$0xE440]  }
0x3c4: {  	v44 =	vadd.f32 v61, v60;
	[tilespmem:s20+$0x11820] =	vst v45;
	v27 =	vld [tilespmem:s21+$0xB450]  }
0x3c5: {  	[tilespmem:s20+$0x11830] =	vst v46;
	v28 =	vld [tilespmem:s21+$0xE450];
	v54 =	vadd.f32 v13, v12  }
0x3c6: {  	[tilespmem:s20+$0x11840] =	vst v44;
	v12 =	vld [tilespmem:s21+$0xE400];
	v52 =	vadd.f32 v16, v58  }
0x3c7: {  	v13 =	vld [tilespmem:s21+$0xB410];
	[tilespmem:s20+$0x11430] =	vst v54;
	v50 =	vadd.f32 v11, v5  }
0x3c8: {  	v2 =	vadd.f32 v37, v36;
	v16 =	vld [tilespmem:s21+$0xE410];
	[tilespmem:s20+$0x11450] =	vst v52  }
0x3c9: {  	v43 =	vadd.f32 v35, v62;
	v5 =	vld [tilespmem:s21+$0xE420];
	[tilespmem:s20+$0x11470] =	vst v50  }
0x3ca: {  	v1 =	vadd.f32 v39, v38;
	v11 =	vld [tilespmem:s21+$0xB430];
	[tilespmem:$0x1FC60] =	vst v2  }
0x3cb: {  	[tilespmem:s20+$0x11850] =	vst v43  }
0x3cc: {  	v29 =	vld [tilespmem:s21+$0xB460];
	[tilespmem:$0x1FC70] =	vst v1  }
0x3cd: {  	v30 =	vld [tilespmem:s21+$0xE460]  }
0x3ce: {  	[tilespmem:s20+$0x11860] =	vst v2;
	v31 =	vld [tilespmem:s21+$0xB470]  }
0x3cf: {  	s19 =	sor.u32 s11, s19;
	[tilespmem:s20+$0x11870] =	vst v1;
	v60 =	vld [tilespmem:s21+$0xE470]  }
0x3d0: {  	v3 =	vld [tilespmem:s19+$0xB400]  }
0x3d1: {  	v34 =	vld [tilespmem:s19+$0xE400]  }
0x3d2: {  	v35 =	vld [tilespmem:s19+$0xB410]  }
0x3d3: {  	v36 =	vld [tilespmem:s19+$0xE410]  }
0x3d4: {  	v0 =	vadd.f32 v12, v0;
	v37 =	vld [tilespmem:s19+$0xB420]  }
0x3d5: {  	v1 =	vadd.f32 v16, v13;
	v38 =	vld [tilespmem:s19+$0xE420]  }
0x3d6: {  	v39 =	vld [tilespmem:s19+$0xB430];
	[tilespmem:$0x1FCA0] =	vst v0  }
0x3d7: {  	v56 =	vld [tilespmem:s19+$0xE430];
	[tilespmem:$0x1FCB0] =	vst v1  }
0x3d8: {  	[tilespmem:s21+$0x11400] =	vst v0;
	v0 =	vadd.f32 v5, v19;
	_ =	sdelay $0x1  }
0x3d9: {  	v57 =	vld [tilespmem:s19+$0xB440];
	[tilespmem:$0x1FCC0] =	vst v0  }
0x3da: {  	[tilespmem:s21+$0x11410] =	vst v1;
	v1 =	vadd.f32 v20, v11;
	_ =	sdelay $0x1  }
0x3db: {  	v19 =	vld [tilespmem:s19+$0xE440];
	[tilespmem:$0x1FCD0] =	vst v1  }
0x3dc: {  	[tilespmem:s21+$0x11420] =	vst v0;
	v0 =	vadd.f32 v25, v23;
	_ =	sdelay $0x1  }
0x3dd: {  	v20 =	vld [tilespmem:s19+$0xB450];
	[tilespmem:$0x1FCF0] =	vst v0  }
0x3de: {  	[tilespmem:s21+$0x11430] =	vst v1;
	v1 =	vadd.f32 v28, v27;
	_ =	sdelay $0x1  }
0x3df: {  	v58 =	vld [tilespmem:s19+$0xE450];
	[tilespmem:$0x1FD00] =	vst v1  }
0x3e0: {  	v2 =	vadd.f32 v30, v29;
	v28 =	vld [tilespmem:s19+$0xB460];
	[tilespmem:s21+$0x11440] =	vst v0  }
0x3e1: {  	v31 =	vadd.f32 v60, v31;
	v29 =	vld [tilespmem:s19+$0xE460];
	[tilespmem:s21+$0x11450] =	vst v1  }
0x3e2: {  	s22 =	sadd.s32 $0xC00, s18;
	v32 =	vld [tilespmem:s19+$0xB470];
	[tilespmem:s21+$0x11460] =	vst v2  }
0x3e3: {  	s30 =	sor.u32 s12, s22;
	v59 =	vld [tilespmem:s19+$0xE470];
	[tilespmem:s21+$0x11470] =	vst v31  }
0x3e4: {  	v60 =	vld [tilespmem:s30+$0xB400]  }
0x3e5: {  	v61 =	vld [tilespmem:s30+$0xE400]  }
0x3e6: {  	v62 =	vld [tilespmem:s30+$0xB410]  }
0x3e7: {  	v63 =	vld [tilespmem:s30+$0xE410]  }
0x3e8: {  	v25 =	vadd.f32 v34, v3;
	v0 =	vld [tilespmem:s30+$0xB420]  }
0x3e9: {  	v3 =	vadd.f32 v38, v37;
	v33 =	vld [tilespmem:s30+$0xE420]  }
0x3ea: {  	[tilespmem:s19+$0x11400] =	vst v25;
	v34 =	vld [tilespmem:s30+$0xB430]  }
0x3eb: {  	v23 =	vadd.f32 v36, v35;
	v35 =	vld [tilespmem:s30+$0xE430];
	[tilespmem:$0x1FCE0] =	vst v3  }
0x3ec: {  	[tilespmem:s19+$0x11420] =	vst v3;
	v3 =	vadd.f32 v19, v57  }
0x3ed: {  	v1 =	vld [tilespmem:s30+$0xB440];
	[tilespmem:s19+$0x11410] =	vst v23  }
0x3ee: {  	v30 =	vadd.f32 v56, v39;
	v56 =	vld [tilespmem:s30+$0xE440];
	[tilespmem:$0x1FD10] =	vst v3  }
0x3ef: {  	v57 =	vld [tilespmem:s30+$0xB450]  }
0x3f0: {  	v20 =	vadd.f32 v58, v20;
	[tilespmem:s19+$0x11430] =	vst v30;
	v58 =	vld [tilespmem:s30+$0xE450]  }
0x3f1: {  	[tilespmem:s19+$0x11440] =	vst v3;
	v36 =	vadd.f32 v29, v28;
	v28 =	vld [tilespmem:s30+$0xB460]  }
0x3f2: {  	[tilespmem:s19+$0x11450] =	vst v20;
	v37 =	vadd.f32 v59, v32;
	v4 =	vld [tilespmem:s30+$0xE460]  }
0x3f3: {  	v59 =	vld [tilespmem:s30+$0xB470];
	[tilespmem:s19+$0x11460] =	vst v36  }
0x3f4: {  	s29 =	sor.u32 s11, s22;
	v3 =	vld [tilespmem:s30+$0xE470];
	[tilespmem:s19+$0x11470] =	vst v37  }
0x3f5: {  	v17 =	vld [tilespmem:s29+$0xB400]  }
0x3f6: {  	v38 =	vadd.f32 v61, v60;
	v60 =	vld [tilespmem:s29+$0xE400]  }
0x3f7: {  	v39 =	vadd.f32 v63, v62;
	v14 =	vld [tilespmem:s29+$0xB410]  }
0x3f8: {  	v35 =	vadd.f32 v35, v34;
	v34 =	vmul.f32 v21, v21;
	v63 =	vmul.f32 v49, v49;
	v62 =	vld [tilespmem:s29+$0xE410]  }
0x3f9: {  	v33 =	vadd.f32 v33, v0;
	v0 =	vmul.f32 v8, v8;
	v8 =	vadd.f32 $0.0e+00, v8;
	v12 =	vld [tilespmem:s29+$0xB420]  }
0x3fa: {  	v32 =	vadd.f32 v56, v1;
	v56 =	vadd.f32 v63, v34;
	v63 =	vld [tilespmem:s29+$0xE420]  }
0x3fb: {  	v61 =	vmul.f32 v7, v7;
	v11 =	vld [tilespmem:s29+$0xE430]  }
0x3fc: {  	v29 =	vmovc v2;
	v2 =	vmul.f32 v9, v9;
	[tilespmem:s30+$0x11400] =	vst v38;
	v7 =	vadd.f32 v7, v8;
	v8 =	vadd.f32 $0.0e+00, v9;
	v9 =	vld [tilespmem:s29+$0xB450]  }
0x3fd: {  	v61 =	vadd.f32 v61, v0;
	v0 =	vmul.f32 v54, v54;
	[tilespmem:s30+$0x11410] =	vst v39;
	v34 =	vadd.f32 v58, v57;
	v57 =	vld [tilespmem:s29+$0xB430]  }
0x3fe: {  	[tilespmem:s30+$0x11420] =	vst v33;
	v58 =	vmul.f32 v10, v10;
	v13 =	vadd.f32 v3, v59;
	v3 =	vadd.f32 $0.0e+00, v21;
	v21 =	vld [tilespmem:s29+$0xE440]  }
0x3ff: {  	v1 =	vmul.f32 v55, v55;
	[tilespmem:s30+$0x11430] =	vst v35;
	v6 =	vadd.f32 v4, v28;
	v8 =	vadd.f32 v55, v8;
	v55 =	vld [tilespmem:s29+$0xB460]  }
0x400: {  	[tilespmem:s30+$0x11440] =	vst v32;
	v10 =	vadd.f32 $0.0e+00, v10;
	v4 =	vadd.f32 v0, v58;
	v58 =	vld [tilespmem:s29+$0xB440]  }
0x401: {  	v3 =	vadd.f32 v49, v3;
	v49 =	vld [tilespmem:s29+$0xE450];
	[tilespmem:s30+$0x11450] =	vst v34  }
0x402: {  	v10 =	vadd.f32 v54, v10;
	v54 =	vld [tilespmem:s29+$0xE460];
	[tilespmem:$0x1FBC0] =	vst v6  }
0x403: {  	v5 =	vadd.f32 v1, v2;
	v2 =	vmul.f32 v52, v52;
	[tilespmem:s30+$0x11460] =	vst v6  }
0x404: {  	s20 =	sadd.s32 $0x1000, s18;
	v1 =	vmul.f32 v53, v53;
	v6 =	vld [tilespmem:s29+$0xB470];
	[tilespmem:$0x1FBD0] =	vst v13  }
0x405: {  	s21 =	sor.u32 s12, s20;
	v59 =	vmul.f32 v40, v40;
	v2 =	vadd.f32 v2, v4;
	[tilespmem:s30+$0x11470] =	vst v13;
	v4 =	vld [tilespmem:s29+$0xE470]  }
0x406: {  	v1 =	vadd.f32 v1, v5;
	v5 =	vadd.f32 v40, v7;
	v18 =	vld [tilespmem:s21+$0xB400]  }
0x407: {  	v0 =	vmul.f32 v41, v41;
	v59 =	vadd.f32 v59, v61;
	v8 =	vadd.f32 v53, v8;
	v16 =	vld [tilespmem:s21+$0xE400]  }
0x408: {  	v40 =	vmul.f32 v24, v24;
	v5 =	vadd.f32 v24, v5;
	v53 =	vadd.f32 v63, v12;
	v15 =	vld [tilespmem:s21+$0xB410]  }
0x409: {  	v61 =	vmul.f32 v51, v51;
	v0 =	vadd.f32 v0, v56;
	v3 =	vadd.f32 v41, v3;
	v7 =	vld [tilespmem:s21+$0xE410]  }
0x40a: {  	v41 =	vmul.f32 v22, v22;
	v40 =	vadd.f32 v40, v59;
	v59 =	vadd.f32 v60, v17;
	v13 =	vld [tilespmem:s21+$0xB420]  }
0x40b: {  	v56 =	vmul.f32 v50, v50;
	v1 =	vadd.f32 v61, v1;
	v61 =	vadd.f32 v62, v14;
	v17 =	vld [tilespmem:s21+$0xE420]  }
0x40c: {  	v10 =	vadd.f32 v52, v10;
	v0 =	vadd.f32 v41, v0;
	[tilespmem:s29+$0x11400] =	vst v59;
	v14 =	vld [tilespmem:s21+$0xB430]  }
0x40d: {  	v2 =	vadd.f32 v56, v2;
	v56 =	vadd.f32 v11, v57;
	[tilespmem:s29+$0x11410] =	vst v61;
	v12 =	vld [tilespmem:s21+$0xE430]  }
0x40e: {  	v24 =	vmul.f32 v26, v26;
	v10 =	vadd.f32 v50, v10;
	[tilespmem:s29+$0x11420] =	vst v53;
	v11 =	vld [tilespmem:s21+$0xB440];
	v50 =	vadd.f32 v21, v58  }
0x40f: {  	v3 =	vadd.f32 v22, v3;
	v22 =	vmul.f32 v42, v42;
	v52 =	vadd.f32 v49, v9;
	v9 =	vld [tilespmem:s21+$0xB450];
	[tilespmem:s29+$0x11430] =	vst v56  }
0x410: {  	v8 =	vadd.f32 v51, v8;
	v51 =	vld [tilespmem:s21+$0xE450];
	[tilespmem:s29+$0x11440] =	vst v50  }
0x411: {  	v21 =	vadd.f32 v22, v40;
	v22 =	vld [tilespmem:s21+$0xE440];
	v0 =	vadd.f32 v24, v0;
	v24 =	vmul.f32 v47, v47;
	[tilespmem:s29+$0x11450] =	vst v52  }
0x412: {  	v19 =	vadd.f32 v54, v55;
	v28 =	vld [tilespmem:$0x1FBE0]  }
0x413: {  	v2 =	vadd.f32 v24, v2;
	v24 =	vld [tilespmem:s21+$0xE460]  }
0x414: {  	v27 =	vadd.f32 v4, v6;
	v4 =	vld [tilespmem:s21+$0xB460];
	[tilespmem:$0x1FBF0] =	vst v19  }
0x415: {  	[tilespmem:s29+$0x11460] =	vst v19;
	v54 =	vld [tilespmem:s21+$0xB470]  }
0x416: {  	v60 =	vmul.f32 v48, v48;
	v19 =	vld [tilespmem:$0x1FC00];
	[tilespmem:$0x1FC10] =	vst v27  }
0x417: {  	s22 =	sor.u32 s11, s20;
	[tilespmem:s29+$0x11470] =	vst v27;
	v55 =	vld [tilespmem:s21+$0xE470]  }
0x418: {  	v62 =	vmul.f32 v45, v45;
	v1 =	vadd.f32 v60, v1;
	v57 =	vld [tilespmem:s22+$0xB410]  }
0x419: {  	v8 =	vadd.f32 v48, v8;
	v27 =	vld [tilespmem:$0x1FC30]  }
0x41a: {  	v49 =	vmul.f32 v44, v44;
	v3 =	vadd.f32 v26, v3;
	v1 =	vadd.f32 v62, v1;
	v58 =	vld [tilespmem:s22+$0xE410]  }
0x41b: {  	v10 =	vadd.f32 v47, v10;
	v8 =	vadd.f32 v45, v8;
	v60 =	vld [tilespmem:s22+$0xB420]  }
0x41c: {  	v1 =	vadd.f32 v49, v1;
	v49 =	vadd.f32 v16, v18;
	v16 =	vld [tilespmem:s22+$0xE420];
	v26 =	vmul.f32 v19, v19  }
0x41d: {  	v10 =	vadd.f32 v46, v10;
	v45 =	vadd.f32 v22, v11;
	v6 =	vmul.f32 v28, v28;
	v11 =	vld [tilespmem:s22+$0xE440]  }
0x41e: {  	v18 =	vadd.f32 v51, v9;
	v9 =	vld [tilespmem:s22+$0xB450];
	v0 =	vadd.f32 v26, v0;
	v48 =	vmul.f32 v27, v27  }
0x41f: {  	v6 =	vadd.f32 v6, v21;
	v21 =	vmul.f32 v46, v46;
	v46 =	vadd.f32 v17, v13;
	v13 =	vld [tilespmem:s22+$0xE430]  }
0x420: {  	v17 =	vld [tilespmem:s22+$0xB460];
	v0 =	vadd.f32 v48, v0;
	v48 =	vadd.f32 v7, v15  }
0x421: {  	v5 =	vadd.f32 v42, v5;
	v3 =	vadd.f32 v19, v3;
	v19 =	vld [tilespmem:$0x1FC20];
	[tilespmem:s21+$0x11400] =	vst v49  }
0x422: {  	v47 =	vmul.f32 v43, v43;
	v2 =	vadd.f32 v21, v2;
	v21 =	vld [tilespmem:s22+$0xE400];
	[tilespmem:s21+$0x11410] =	vst v48  }
0x423: {  	v5 =	vadd.f32 v28, v5;
	v22 =	vld [tilespmem:$0x1FC40]  }
0x424: {  	v26 =	vld [tilespmem:s22+$0xB400];
	v2 =	vadd.f32 v47, v2;
	v47 =	vadd.f32 v12, v14  }
0x425: {  	v12 =	vld [tilespmem:s22+$0xB440];
	[tilespmem:s21+$0x11420] =	vst v46  }
0x426: {  	v63 =	vmul.f32 v19, v19;
	v5 =	vadd.f32 v19, v5;
	v19 =	vld [tilespmem:$0x1FC50];
	[tilespmem:s21+$0x11430] =	vst v47  }
0x427: {  	v3 =	vadd.f32 v27, v3;
	v27 =	vld [tilespmem:$0x1FC60];
	[tilespmem:s21+$0x11440] =	vst v45  }
0x428: {  	v41 =	vadd.f32 v24, v4;
	v6 =	vadd.f32 v63, v6;
	v24 =	vld [tilespmem:$0x1FC70];
	v14 =	vmul.f32 v22, v22  }
0x429: {  	v7 =	vld [tilespmem:s22+$0xB430]  }
0x42a: {  	v6 =	vadd.f32 v14, v6;
	v14 =	vld [tilespmem:s22+$0xE450];
	[tilespmem:$0x1FC80] =	vst v18  }
0x42b: {  	v10 =	vadd.f32 v43, v10;
	v43 =	vadd.f32 v55, v54;
	v15 =	vmul.f32 v19, v19;
	[tilespmem:s21+$0x11450] =	vst v18  }
0x42c: {  	v62 =	vadd.f32 v21, v26;
	v63 =	vadd.f32 v58, v57;
	v4 =	vmul.f32 v27, v27;
	[tilespmem:s21+$0x11460] =	vst v41  }
0x42d: {  	v57 =	vadd.f32 v16, v60;
	v0 =	vadd.f32 v15, v0;
	v15 =	vmul.f32 v24, v24;
	[tilespmem:s21+$0x11470] =	vst v43;
	v16 =	vld [tilespmem:s22+$0xE470]  }
0x42e: {  	s30 =	sadd.s32 $0x1400, s18;
	v60 =	vadd.f32 v13, v7;
	v7 =	vimm.f32 $0.0e+00;
	[tilespmem:s22+$0x11400] =	vst v62;
	v1 =	vadd.f32 v4, v1;
	v4 =	vld [tilespmem:s22+$0xE460]  }
0x42f: {  	s18 =	sor.u32 s12, s30;
	v2 =	vadd.f32 v15, v2;
	v15 =	vld [tilespmem:s22+$0xB470];
	[tilespmem:$0x1FC90] =	vst v7  }
0x430: {  	v21 =	vld [tilespmem:s18+$0xB460]  }
0x431: {  	v5 =	vadd.f32 v22, v5;
	[tilespmem:s22+$0x11410] =	vst v63;
	v22 =	vld [tilespmem:s18+$0xE460]  }
0x432: {  	v55 =	vadd.f32 v11, v12;
	v18 =	vld [tilespmem:$0x1FCA0];
	[tilespmem:s22+$0x11420] =	vst v57  }
0x433: {  	v8 =	vadd.f32 v44, v8;
	v58 =	vadd.f32 v14, v9;
	v13 =	vld [tilespmem:$0x1FCB0];
	[tilespmem:s22+$0x11430] =	vst v60  }
0x434: {  	v10 =	vadd.f32 v24, v10;
	v24 =	vld [tilespmem:s18+$0xB470];
	[tilespmem:s22+$0x11440] =	vst v55;
	v51 =	vadd.f32 v4, v17  }
0x435: {  	v14 =	vld [tilespmem:s18+$0xE470];
	[tilespmem:s22+$0x11450] =	vst v58  }
0x436: {  	v12 =	vmul.f32 v25, v25;
	v7 =	vadd.f32 v27, v8;
	v54 =	vadd.f32 v16, v15;
	v16 =	vld [tilespmem:$0x1FCC0];
	[tilespmem:s22+$0x11460] =	vst v51  }
0x437: {  	v3 =	vadd.f32 v19, v3;
	v10 =	vadd.f32 v23, v10;
	v4 =	vmul.f32 v23, v23;
	v17 =	vld [tilespmem:$0x1FCD0]  }
0x438: {  	v7 =	vadd.f32 v25, v7;
	v8 =	vmul.f32 v18, v18;
	v5 =	vadd.f32 v18, v5;
	v18 =	vld [tilespmem:$0x1FCE0];
	[tilespmem:s22+$0x11470] =	vst v54  }
0x439: {  	v25 =	vadd.f32 v30, v10;
	v2 =	vadd.f32 v4, v2;
	v11 =	vmul.f32 v13, v13;
	v27 =	vld [tilespmem:$0x1FCF0]  }
0x43a: {  	v3 =	vadd.f32 v13, v3;
	v13 =	vmul.f32 v30, v30;
	v40 =	vld [tilespmem:$0x1FD00];
	v6 =	vadd.f32 v8, v6  }
0x43b: {  	s12 =	sor.u32 s11, s30;
	v42 =	vld [tilespmem:$0x1FD10];
	v8 =	vadd.f32 v11, v0;
	v9 =	vmul.f32 v16, v16;
	v11 =	vadd.f32 v12, v1  }
0x43c: {  	v0 =	vld [tilespmem:s12+$0xB460];
	v13 =	vadd.f32 v13, v2;
	v23 =	vadd.f32 v16, v5  }
0x43d: {  	v1 =	vld [tilespmem:s12+$0xE460];
	v4 =	vmul.f32 v17, v17;
	v12 =	vmul.f32 v18, v18;
	v9 =	vadd.f32 v9, v6  }
0x43e: {  	v6 =	vld [tilespmem:s12+$0xB470];
	v5 =	vadd.f32 v17, v3;
	v19 =	vadd.f32 v18, v7;
	v3 =	vmul.f32 v20, v20  }
0x43f: {  	v17 =	vmul.f32 v29, v29;
	v7 =	vld [tilespmem:s18+$0xB450];
	v15 =	vmul.f32 v27, v27;
	v8 =	vadd.f32 v4, v8  }
0x440: {  	v2 =	vmul.f32 v40, v40;
	v11 =	vadd.f32 v12, v11;
	v12 =	vld [tilespmem:s12+$0xE470];
	v10 =	vadd.f32 v3, v13  }
0x441: {  	v16 =	vmul.f32 v42, v42;
	v4 =	vld [tilespmem:s18+$0xB440];
	v3 =	vadd.f32 v27, v23;
	v13 =	vadd.f32 v20, v25  }
0x442: {  	v18 =	vmul.f32 v31, v31;
	v26 =	vadd.f32 v15, v9;
	v28 =	vadd.f32 v2, v8;
	v2 =	vld [tilespmem:s18+$0xE440]  }
0x443: {  	v23 =	vmul.f32 v36, v36;
	v9 =	vadd.f32 v16, v11;
	v11 =	vadd.f32 v40, v5;
	v5 =	vld [tilespmem:s18+$0xE450]  }
0x444: {  	v20 =	vmul.f32 v37, v37;
	v25 =	vimm.f32 $0.0e+00;
	v15 =	vadd.f32 v42, v19;
	v8 =	vld [tilespmem:s12+$0xB440]  }
0x445: {  	s29 =	simm.s32 $0x2;
	v19 =	vmul.f32 v38, v38;
	v16 =	vld [tilespmem:s12+$0xE440];
	[tilespmem:$0x1FD20] =	vst v25;
	v17 =	vadd.f32 v17, v26;
	v18 =	vadd.f32 v18, v28  }
.LBB2_13:
0x446: {  	v26 =	vld [tilespmem:s12+$0xE450]  }
0x447: {  	v30 =	vld [tilespmem:s18+$0xB420]  }
0x448: {  	v28 =	vld [tilespmem:s12+$0xE430];
	v9 =	vadd.f32 v23, v9  }
0x449: {  	v25 =	vmul.f32 v59, v59;
	v44 =	vld [tilespmem:s12+$0xE400];
	v10 =	vadd.f32 v20, v10;
	v3 =	vadd.f32 v29, v3  }
0x44a: {  	v20 =	vld [tilespmem:s12+$0xB450];
	v23 =	vmul.f32 v39, v39;
	v11 =	vadd.f32 v31, v11;
	v15 =	vadd.f32 v36, v15  }
0x44b: {  	v27 =	vmul.f32 v61, v61;
	v13 =	vadd.f32 v37, v13;
	v17 =	vadd.f32 v19, v17;
	v36 =	vld [tilespmem:s18+$0xE430]  }
0x44c: {  	v37 =	vld [tilespmem:s18+$0xB410];
	v18 =	vadd.f32 v23, v18;
	v9 =	vadd.f32 v25, v9  }
0x44d: {  	v19 =	vmul.f32 v33, v33;
	v23 =	vld [tilespmem:s18+$0xE420];
	v10 =	vadd.f32 v27, v10;
	v3 =	vadd.f32 v38, v3  }
0x44e: {  	v31 =	vmul.f32 v53, v53;
	v27 =	vld [tilespmem:s18+$0xB430];
	v11 =	vadd.f32 v39, v11;
	v15 =	vadd.f32 v59, v15  }
0x44f: {  	v25 =	vmul.f32 v35, v35;
	v13 =	vadd.f32 v61, v13;
	v38 =	vld [tilespmem:s12+$0xB420];
	v17 =	vadd.f32 v19, v17  }
0x450: {  	v61 =	vmul.f32 v56, v56;
	v39 =	vld [tilespmem:s12+$0xE420];
	v59 =	vadd.f32 v1, v0;
	v2 =	vadd.f32 v2, v4  }
0x451: {  	v0 =	vld [tilespmem:s12+$0xE410];
	v18 =	vadd.f32 v25, v18;
	v9 =	vadd.f32 v31, v9  }
0x452: {  	v19 =	vmul.f32 v32, v32;
	v10 =	vadd.f32 v61, v10;
	v25 =	vld [tilespmem:s12+$0xB430];
	v3 =	vadd.f32 v33, v3  }
0x453: {  	v11 =	vadd.f32 v35, v11;
	v15 =	vadd.f32 v53, v15;
	v35 =	vld [tilespmem:s18+$0xB400]  }
0x454: {  	v40 =	vmul.f32 v50, v50;
	v13 =	vadd.f32 v56, v13;
	v17 =	vadd.f32 v19, v17;
	v19 =	vld [tilespmem:s18+$0xE400]  }
0x455: {  	v31 =	vmul.f32 v34, v34;
	v53 =	vadd.f32 v22, v21;
	v56 =	vadd.f32 v12, v6;
	v22 =	vld [tilespmem:$0x1FBC0]  }
0x456: {  	v3 =	vadd.f32 v32, v3;
	v32 =	vadd.f32 v34, v11;
	v34 =	vld [tilespmem:s18+$0xE410]  }
0x457: {  	s11 =	sshrl.u32 s29, $0x3;
	v18 =	vadd.f32 v31, v18;
	v31 =	vadd.f32 v40, v9;
	v40 =	vld [tilespmem:s12+$0xB400]  }
0x458: {  	s28 =	sadd.s32 $0x100, s28;
	s11 =	smul.u32 $0x1800, s11;
	v29 =	vadd.f32 v50, v15;
	v50 =	vadd.f32 v14, v24;
	v14 =	vld [tilespmem:s12+$0xB410]  }
0x459: {  	v42 =	vmul.f32 v52, v52;
	s30 =	sand.u32 $0x380, s28;
	v61 =	vadd.f32 v5, v7;
	v7 =	vadd.f32 v16, v8;
	v24 =	vld [tilespmem:$0x1FBF0]  }
0x45a: {  	s20 =	sor.u32 s11, s30;
	v8 =	vadd.f32 v26, v20;
	[tilespmem:s18+$0x11460] =	vst v53;
	v26 =	vadd.f32 v23, v30;
	v23 =	vld [tilespmem:$0x1FBD0]  }
0x45b: {  	v33 =	vadd.f32 v42, v10;
	v52 =	vadd.f32 v52, v13;
	v20 =	vld [tilespmem:s20+$0xB830]  }
0x45c: {  	v27 =	vadd.f32 v36, v27;
	v9 =	vadd.f32 v39, v38;
	v21 =	vld [tilespmem:s20+$0xE830]  }
0x45d: {  	v10 =	vadd.f32 v28, v25;
	v25 =	vadd.f32 v19, v35  }
0x45e: {  	v1 =	vmul.f32 v22, v22;
	v28 =	vld [tilespmem:$0x1FC10];
	v3 =	vadd.f32 v22, v3;
	v34 =	vadd.f32 v34, v37  }
0x45f: {  	v5 =	vmul.f32 v24, v24;
	v35 =	vadd.f32 v44, v40;
	v38 =	vadd.f32 v0, v14  }
0x460: {  	v0 =	vadd.f32 v1, v17;
	v3 =	vadd.f32 v49, v3;
	v4 =	vmul.f32 v23, v23  }
0x461: {  	v14 =	vmul.f32 v48, v48;
	v21 =	vadd.f32 v21, v20;
	v5 =	vadd.f32 v5, v31  }
0x462: {  	v17 =	vmul.f32 v62, v62;
	v31 =	vadd.f32 v46, v3;
	v1 =	vadd.f32 v4, v18  }
0x463: {  	v12 =	vmul.f32 v28, v28;
	v18 =	vadd.f32 v23, v32;
	v23 =	vadd.f32 v24, v29  }
0x464: {  	v4 =	vmul.f32 v49, v49;
	v28 =	vadd.f32 v28, v52;
	v5 =	vadd.f32 v17, v5  }
0x465: {  	[tilespmem:s12+$0x11460] =	vst v59;
	v13 =	vld [tilespmem:s20+$0xB800];
	v29 =	vmul.f32 v63, v63;
	v31 =	vadd.f32 v45, v31;
	v12 =	vadd.f32 v12, v33  }
0x466: {  	v42 =	vmovc v41;
	v44 =	vld [tilespmem:$0x1FC80];
	v17 =	vmul.f32 v57, v57;
	v0 =	vadd.f32 v4, v0;
	v1 =	vadd.f32 v14, v1  }
0x467: {  	[tilespmem:s12+$0x11470] =	vst v56;
	v6 =	vld [tilespmem:s20+$0xE800];
	v4 =	vmul.f32 v46, v46;
	v18 =	vadd.f32 v48, v18;
	v23 =	vadd.f32 v62, v23  }
0x468: {  	[tilespmem:s12+$0x11440] =	vst v7;
	v11 =	vld [tilespmem:s20+$0xB810];
	v14 =	vmul.f32 v47, v47;
	v28 =	vadd.f32 v63, v28;
	v17 =	vadd.f32 v17, v5  }
0x469: {  	v15 =	vld [tilespmem:s20+$0xE810];
	[tilespmem:s12+$0x11450] =	vst v8;
	v30 =	vmul.f32 v45, v45;
	v12 =	vadd.f32 v29, v12;
	v0 =	vadd.f32 v4, v0  }
0x46a: {  	v16 =	vld [tilespmem:s20+$0xB820];
	[tilespmem:s12+$0x11420] =	vst v9;
	v29 =	vmul.f32 v60, v60;
	v14 =	vadd.f32 v14, v1;
	v18 =	vadd.f32 v47, v18  }
0x46b: {  	v19 =	vld [tilespmem:s20+$0xE820];
	[tilespmem:s12+$0x11430] =	vst v10;
	v5 =	vmul.f32 v44, v44;
	v23 =	vadd.f32 v57, v23;
	v28 =	vadd.f32 v60, v28  }
0x46c: {  	v22 =	vld [tilespmem:s20+$0xB840];
	[tilespmem:s18+$0x11400] =	vst v25;
	v60 =	vmul.f32 v42, v42;
	v42 =	vadd.f32 v42, v31;
	v12 =	vadd.f32 v29, v12  }
0x46d: {  	s19 =	sadd.s32 $0xFFFFFF80, s28;
	[tilespmem:s12+$0x11400] =	vst v35;
	v57 =	vmul.f32 v58, v58;
	v0 =	vadd.f32 v30, v0;
	v30 =	vadd.f32 v5, v14  }
0x46e: {  	[tilespmem:s12+$0x11410] =	vst v38;
	s12 =	sand.u32 $0x300, s19;
	v29 =	vmul.f32 v55, v55;
	v44 =	vadd.f32 v44, v18;
	v48 =	vadd.f32 v55, v23  }
0x46f: {  	v24 =	vld [tilespmem:s20+$0xE840];
	s21 =	sor.u32 s12, s11;
	v62 =	vmul.f32 v43, v43;
	v28 =	vadd.f32 v58, v28;
	v42 =	vadd.f32 v25, v42  }
0x470: {  	v3 =	vld [tilespmem:s21+$0xB800];
	v63 =	vmul.f32 v51, v51;
	v29 =	vadd.f32 v29, v17;
	v32 =	vadd.f32 v57, v12  }
0x471: {  	[tilespmem:s18+$0x11410] =	vst v34;
	v20 =	vld [tilespmem:s21+$0xE410];
	v23 =	vmul.f32 v54, v54;
	v0 =	vadd.f32 v60, v0;
	v49 =	vadd.f32 v62, v30  }
0x472: {  	v33 =	vld [tilespmem:s20+$0xB850];
	[tilespmem:s18+$0x11420] =	vst v26;
	v57 =	vmul.f32 v25, v25;
	v62 =	vadd.f32 v43, v44;
	v28 =	vadd.f32 v54, v28  }
0x473: {  	v36 =	vld [tilespmem:s20+$0xE850];
	[tilespmem:s18+$0x11430] =	vst v27;
	v58 =	vmul.f32 v34, v34;
	v29 =	vadd.f32 v63, v29;
	v46 =	vadd.f32 v23, v32  }
0x474: {  	v37 =	vld [tilespmem:s20+$0xB860];
	v55 =	vmul.f32 v38, v38;
	v63 =	vadd.f32 v51, v48;
	v41 =	vadd.f32 v57, v0  }
0x475: {  	v4 =	vld [tilespmem:s21+$0xE800];
	v60 =	vmul.f32 v35, v35;
	v40 =	vadd.f32 v58, v49;
	v43 =	vadd.f32 v34, v62  }
0x476: {  	[tilespmem:s18+$0x11440] =	vst v2;
	v31 =	vld [tilespmem:s21+$0xE840];
	v57 =	vmul.f32 v26, v26;
	v28 =	vadd.f32 v38, v28;
	v26 =	vadd.f32 v26, v42  }
0x477: {  	v39 =	vld [tilespmem:s20+$0xE860];
	[tilespmem:s18+$0x11450] =	vst v61;
	v58 =	vmul.f32 v27, v27;
	v29 =	vadd.f32 v60, v29;
	v45 =	vadd.f32 v55, v46  }
0x478: {  	v52 =	vld [tilespmem:s20+$0xB870];
	v62 =	vmul.f32 v10, v10;
	v44 =	vadd.f32 v35, v63;
	v41 =	vadd.f32 v57, v41  }
0x479: {  	v5 =	vld [tilespmem:s21+$0xB810];
	v60 =	vmul.f32 v9, v9;
	v40 =	vadd.f32 v58, v40;
	v27 =	vadd.f32 v27, v43  }
0x47a: {  	[tilespmem:$0x1FAE0] =	vst v21;
	v14 =	vld [tilespmem:s21+$0xB820];
	v63 =	vmul.f32 v2, v2;
	v10 =	vadd.f32 v10, v28;
	v2 =	vadd.f32 v2, v26  }
0x47b: {  	[tilespmem:s18+$0x11470] =	vst v50;
	v18 =	vld [tilespmem:s21+$0xB830];
	v54 =	vmul.f32 v61, v61;
	v29 =	vadd.f32 v60, v29;
	v45 =	vadd.f32 v62, v45  }
0x47c: {  	[tilespmem:s20+$0x11830] =	vst v21;
	v21 =	vld [tilespmem:s21+$0xE450];
	v55 =	vmul.f32 v7, v7;
	v9 =	vadd.f32 v9, v44;
	v41 =	vadd.f32 v63, v41  }
0x47d: {  	v1 =	vld [tilespmem:s20+$0xE870];
	v28 =	vmul.f32 v8, v8;
	v40 =	vadd.f32 v54, v40;
	v26 =	vadd.f32 v61, v27  }
0x47e: {  	v47 =	vld [tilespmem:s20+$0xB400];
	v57 =	vmul.f32 v53, v53;
	v8 =	vadd.f32 v8, v10;
	v2 =	vadd.f32 v53, v2  }
0x47f: {  	v12 =	vld [tilespmem:s21+$0xE810];
	v61 =	vmul.f32 v50, v50;
	v29 =	vadd.f32 v55, v29;
	v28 =	vadd.f32 v28, v45  }
0x480: {  	v17 =	vld [tilespmem:s21+$0xE820];
	v58 =	vmul.f32 v59, v59;
	v7 =	vadd.f32 v7, v9;
	v8 =	vadd.f32 v56, v8  }
0x481: {  	v60 =	vmul.f32 v56, v56;
	v63 =	vld [tilespmem:$0x1FFC0];
	v26 =	vadd.f32 v50, v26;
	v40 =	vadd.f32 v61, v40  }
0x482: {  	v30 =	vld [tilespmem:s21+$0xB840];
	v10 =	vadd.f32 v58, v29;
	v7 =	vadd.f32 v59, v7  }
0x483: {  	v25 =	vld [tilespmem:s21+$0xB860];
	v29 =	vadd.f32 v57, v41;
	v28 =	vadd.f32 v60, v28  }
0x484: {  	v38 =	vld [tilespmem:s21+$0xE870];
	v2 =	vadd.f32 v26, v2;
	v7 =	vadd.f32 v8, v7  }
0x485: {  	v48 =	vld [tilespmem:s20+$0xB430];
	v10 =	vadd.f32 v28, v10;
	v40 =	vadd.f32 v40, v29  }
0x486: {  	v35 =	vld [tilespmem:s21+$0xB870];
	v29 =	vperm.xlane v2, v63;
	v28 =	vperm.xlane v7, v63  }
0x487: {  	v59 =	vadd.f32 v6, v13;
	v60 =	vperm.xlane v10, v63;
	v6 =	vperm.xlane v40, v63;
	v63 =	vld [tilespmem:$0x1FFD0]  }
0x488: {  	v9 =	vld [tilespmem:s20+$0xB420]  }
0x489: {  	v26 =	vld [tilespmem:s20+$0xE410]  }
0x48a: {  	v8 =	vld [tilespmem:s20+$0xB410];
	v7 =	vadd.f32 v7, v28  }
0x48b: {  	v41 =	vld [tilespmem:s20+$0xE420]  }
0x48c: {  	v43 =	vld [tilespmem:s20+$0xB460];
	v13 =	vperm.xlane v7, v63  }
0x48d: {  	v46 =	vld [tilespmem:s20+$0xB470];
	v2 =	vadd.f32 v2, v29  }
0x48e: {  	v10 =	vadd.f32 v10, v60;
	v7 =	vadd.f32 v13, v7;
	v13 =	vld [tilespmem:$0x1FFE0]  }
0x48f: {  	v6 =	vadd.f32 v40, v6;
	v29 =	vadd.f32 v26, v8;
	v8 =	vld [tilespmem:s20+$0xE470];
	v26 =	vperm.xlane v2, v63  }
0x490: {  	v44 =	vld [tilespmem:s20+$0xE460];
	v41 =	vadd.f32 v41, v9  }
0x491: {  	v53 =	vld [tilespmem:s21+$0xB450];
	v9 =	vperm.xlane v10, v63;
	v2 =	vadd.f32 v26, v2;
	v26 =	vperm.xlane v6, v63  }
0x492: {  	v50 =	vld [tilespmem:s20+$0xE430]  }
0x493: {  	v55 =	vld [tilespmem:s21+$0xB460];
	v9 =	vadd.f32 v9, v10;
	v6 =	vadd.f32 v26, v6;
	v10 =	vperm.xlane v7, v13  }
0x494: {  	v1 =	vadd.f32 v1, v52;
	v56 =	vld [tilespmem:s21+$0xE460];
	v51 =	vadd.f32 v8, v46;
	v26 =	vperm.xlane v2, v13  }
0x495: {  	v8 =	vperm.xlane v6, v13;
	v7 =	vadd.f32 v10, v7;
	v10 =	vperm.xlane v9, v13;
	v13 =	vld [tilespmem:$0x1FFF0]  }
0x496: {  	v62 =	vld [tilespmem:s20+$0xE400];
	[tilespmem:$0x1FB10] =	vst v1  }
0x497: {  	v23 =	vld [tilespmem:s21+$0xE830];
	v58 =	vadd.f32 v38, v35;
	[tilespmem:$0x1FAB0] =	vst v59  }
0x498: {  	v32 =	vld [tilespmem:s21+$0xB850];
	v54 =	vadd.f32 v44, v43;
	[tilespmem:s20+$0x11800] =	vst v59;
	v59 =	vadd.f32 v21, v53  }
0x499: {  	v27 =	vld [tilespmem:s20+$0xE440];
	[tilespmem:s20+$0x11870] =	vst v1;
	v50 =	vadd.f32 v50, v48;
	v53 =	vadd.f32 v56, v55  }
0x49a: {  	v45 =	vld [tilespmem:s20+$0xB440];
	[tilespmem:s21+$0x11870] =	vst v58;
	v2 =	vadd.f32 v26, v2;
	v9 =	vadd.f32 v10, v9;
	v10 =	vperm.xlane v7, v13  }
0x49b: {  	v61 =	vld [tilespmem:s20+$0xB450];
	[tilespmem:s20+$0x11460] =	vst v54;
	v28 =	vadd.f32 v62, v47;
	v6 =	vadd.f32 v8, v6  }
0x49c: {  	[tilespmem:s21+$0x11450] =	vst v59;
	v62 =	vld [tilespmem:s20+$0xE450];
	v8 =	vperm.xlane v2, v13;
	v7 =	vadd.f32 v10, v7;
	v10 =	vperm.xlane v9, v13  }
0x49d: {  	v34 =	vld [tilespmem:s21+$0xE860];
	[tilespmem:s20+$0x11430] =	vst v50;
	v63 =	vadd.f32 v19, v16;
	v19 =	vperm.xlane v6, v13  }
0x49e: {  	v57 =	vld [tilespmem:s21+$0xB440];
	[tilespmem:s21+$0x11460] =	vst v53;
	v8 =	vadd.f32 v8, v2;
	v9 =	vadd.f32 v10, v9;
	v2 =	vmul.f32 $1.302083370e-03, v7  }
0x49f: {  	v60 =	vadd.f32 v27, v45;
	v27 =	vld [tilespmem:s21+$0xE440];
	v40 =	vadd.f32 v39, v37;
	[tilespmem:s20+$0x11420] =	vst v41  }
0x4a0: {  	[tilespmem:s20+$0x11400] =	vst v28;
	v16 =	vld [tilespmem:s21+$0xB410];
	v6 =	vadd.f32 v19, v6;
	v9 =	vmul.f32 $1.302083370e-03, v9;
	v19 =	vmul.f32 v2, v2  }
0x4a1: {  	[tilespmem:s20+$0x11440] =	vst v60;
	v47 =	vadd.f32 v62, v61;
	v61 =	vld [tilespmem:s21+$0xB420]  }
0x4a2: {  	[tilespmem:s20+$0x11860] =	vst v40;
	v62 =	vadd.f32 v15, v11;
	v11 =	vld [tilespmem:s21+$0xB400];
	v9 =	vsub.f32 v9, v19  }
0x4a3: {  	[tilespmem:s20+$0x11410] =	vst v29;
	v15 =	vld [tilespmem:s21+$0xE400]  }
0x4a4: {  	v46 =	vadd.f32 v24, v22;
	[tilespmem:s20+$0x11450] =	vst v47;
	v10 =	vld [tilespmem:s21+$0xB430];
	v7 =	vmul.f32 $1.302083370e-03, v8;
	v9 =	vadd.f32 $9.999999740e-06, v9  }
0x4a5: {  	[tilespmem:s20+$0x11810] =	vst v62;
	v13 =	vadd.f32 v36, v33;
	v8 =	vld [tilespmem:s21+$0xE430];
	v22 =	vmul.f32 $1.302083370e-03, v6;
	v6 =	vadd.f32 v20, v16  }
0x4a6: {  	[tilespmem:s20+$0x11820] =	vst v63;
	v26 =	vld [tilespmem:s21+$0xE420];
	v24 =	vmul.f32 v7, v7;
	v20 =	vshrl.u32 v9, $0x1;
	v9 =	vmul.f32 $-5.000000000e-01, v9  }
0x4a7: {  	v0 =	vld [tilespmem:s21+$0xE850];
	[tilespmem:$0x1FAF0] =	vst v13;
	v20 =	vsub.s32 $0x5F3759DF, v20  }
0x4a8: {  	[tilespmem:s20+$0x11850] =	vst v13;
	v13 =	vadd.f32 v15, v11;
	v11 =	vld [tilespmem:s21+$0xB470];
	v16 =	vsub.f32 v22, v24;
	v22 =	vmul.f32 v20, v9  }
0x4a9: {  	s14 =	sadd.s32 $0x800, s11;
	v48 =	vadd.f32 v4, v3;
	v55 =	vadd.f32 v34, v25;
	[tilespmem:s20+$0x11470] =	vst v51;
	v15 =	vld [tilespmem:s21+$0xE470]  }
0x4aa: {  	s22 =	sor.u32 s30, s14;
	v1 =	vld [tilespmem:$0x1FC90];
	[tilespmem:s20+$0x11840] =	vst v46;
	v24 =	vadd.f32 v8, v10;
	v10 =	vadd.f32 $9.999999740e-06, v16;
	v4 =	vmul.f32 v20, v22  }
0x4ab: {  	[tilespmem:s21+$0x11800] =	vst v48;
	v52 =	vadd.f32 v27, v57;
	v61 =	vadd.f32 v26, v61;
	v26 =	vld [tilespmem:s22+$0xE410]  }
0x4ac: {  	[tilespmem:$0x1FAA0] =	vst v60;
	v27 =	vld [tilespmem:s22+$0xB420];
	v21 =	vshrl.u32 v10, $0x1;
	v10 =	vmul.f32 $-5.000000000e-01, v10;
	v4 =	vadd.f32 $1.500000000e+00, v4  }
0x4ad: {  	v60 =	vadd.f32 v31, v30;
	[tilespmem:$0x1FAC0] =	vst v62;
	v62 =	vadd.f32 v17, v14;
	v3 =	vld [tilespmem:s22+$0xB430];
	v42 =	vsub.s32 $0x5F3759DF, v21  }
0x4ae: {  	[tilespmem:s21+$0x11860] =	vst v55;
	v17 =	vld [tilespmem:s22+$0xE440];
	v56 =	vadd.f32 v15, v11;
	v15 =	vmul.f32 v42, v10;
	v4 =	vmul.f32 v20, v4  }
0x4af: {  	v57 =	vadd.f32 v0, v32;
	[tilespmem:$0x1FAD0] =	vst v63;
	v63 =	vadd.f32 v23, v18;
	v18 =	vld [tilespmem:s22+$0xB450]  }
0x4b0: {  	[tilespmem:s21+$0x11840] =	vst v60;
	v0 =	vld [tilespmem:s22+$0xE450];
	v22 =	vadd.f32 v12, v5;
	v12 =	vmul.f32 v42, v15;
	v9 =	vmul.f32 v4, v9  }
0x4b1: {  	[tilespmem:s21+$0x11440] =	vst v52;
	v23 =	vld [tilespmem:s22+$0xE460]  }
0x4b2: {  	[tilespmem:s21+$0x11850] =	vst v57;
	v25 =	vld [tilespmem:s22+$0xB470];
	v12 =	vadd.f32 $1.500000000e+00, v12;
	v9 =	vmul.f32 v9, v4  }
0x4b3: {  	[tilespmem:s21+$0x11820] =	vst v62;
	v31 =	vld [tilespmem:s22+$0xE470]  }
0x4b4: {  	[tilespmem:s21+$0x11830] =	vst v63;
	v5 =	vld [tilespmem:s22+$0xE430];
	v12 =	vmul.f32 v42, v12;
	v9 =	vadd.f32 $1.500000000e+00, v9  }
0x4b5: {  	v14 =	vlaneseq.u32;
	[tilespmem:s21+$0x11420] =	vst v61;
	v19 =	vld [tilespmem:s22+$0xB400]  }
0x4b6: {  	[tilespmem:s21+$0x11400] =	vst v13;
	v8 =	vld [tilespmem:s22+$0xE400];
	v10 =	vmul.f32 v12, v10;
	v4 =	vmul.f32 v9, v4;
	v9 =	vmov s26  }
0x4b7: {  	[tilespmem:s21+$0x11410] =	vst v6;
	v11 =	vld [tilespmem:s22+$0xE420];
	vm2 =	veq.s32 v9, v14  }
0x4b8: {  	[tilespmem:s21+$0x11430] =	vst v24;
	v10 =	vmul.f32 v10, v12;
	v2 =	vsel vm2, v2, v1;
	v1 =	vld [tilespmem:$0x1FD20]  }
0x4b9: {  	v16 =	vld [tilespmem:s22+$0xB410];
	[tilespmem:s21+$0x11470] =	vst v56;
	v3 =	vadd.f32 v5, v3  }
0x4ba: {  	v15 =	vld [tilespmem:s22+$0xB440];
	[tilespmem:s21+$0x11810] =	vst v22;
	s21 =	sor.u32 s12, s14;
	v10 =	vadd.f32 $1.500000000e+00, v10  }
0x4bb: {  	s18 =	sadd.s32 $0x1, s26;
	v43 =	vld [tilespmem:s21+$0xB400];
	[tilespmem:$0x1FB70] =	vst v3  }
0x4bc: {  	v44 =	vld [tilespmem:s21+$0xE400];
	[tilespmem:s22+$0x11430] =	vst v3;
	v3 =	vadd.f32 v0, v18;
	v9 =	vmul.f32 v10, v12;
	v10 =	vmov s18  }
0x4bd: {  	v34 =	vld [tilespmem:s21+$0xB410];
	v4 =	vsel vm2, v4, v1;
	vm2 =	veq.s32 v10, v14  }
0x4be: {  	v45 =	vld [tilespmem:s21+$0xE410];
	[tilespmem:$0x1FB90] =	vst v3;
	v1 =	vsel vm2, v7, v2  }
0x4bf: {  	v49 =	vld [tilespmem:s21+$0xB420];
	[tilespmem:$0x1FC90] =	vst v1;
	v1 =	vsel vm2, v9, v4  }
0x4c0: {  	v20 =	vld [tilespmem:s22+$0xB460];
	[tilespmem:$0x1FD20] =	vst v1;
	v1 =	vadd.f32 v8, v19  }
0x4c1: {  	v0 =	vld [tilespmem:s21+$0xB460];
	[tilespmem:s22+$0x11450] =	vst v3  }
0x4c2: {  	v3 =	vadd.f32 v31, v25;
	v25 =	vld [tilespmem:s21+$0xB470];
	[tilespmem:$0x1FB40] =	vst v1  }
0x4c3: {  	v10 =	vld [tilespmem:s21+$0xE420];
	[tilespmem:s22+$0x11400] =	vst v1;
	v1 =	vadd.f32 v11, v27  }
0x4c4: {  	v2 =	vld [tilespmem:s21+$0xB430]  }
0x4c5: {  	v7 =	vld [tilespmem:s21+$0xE430];
	[tilespmem:$0x1FB60] =	vst v1  }
0x4c6: {  	v9 =	vld [tilespmem:s21+$0xE440];
	[tilespmem:s22+$0x11420] =	vst v1;
	v1 =	vadd.f32 v17, v15  }
0x4c7: {  	[tilespmem:s22+$0x11470] =	vst v3;
	v4 =	vadd.f32 v26, v16;
	v16 =	vld [tilespmem:s21+$0xB450]  }
0x4c8: {  	v26 =	vld [tilespmem:s21+$0xE450];
	[tilespmem:$0x1FB80] =	vst v1  }
0x4c9: {  	v8 =	vld [tilespmem:s21+$0xB440];
	[tilespmem:s22+$0x11440] =	vst v1;
	v1 =	vadd.f32 v23, v20  }
0x4ca: {  	s19 =	sadd.s32 $0xC00, s11;
	[tilespmem:s22+$0x11410] =	vst v4;
	v27 =	vld [tilespmem:s21+$0xE470]  }
0x4cb: {  	v23 =	vld [tilespmem:s21+$0xE460];
	[tilespmem:s22+$0x11460] =	vst v1;
	s22 =	sor.u32 s30, s19  }
0x4cc: {  	v38 =	vld [tilespmem:s22+$0xB400]  }
0x4cd: {  	v39 =	vld [tilespmem:s22+$0xE400]  }
0x4ce: {  	v30 =	vld [tilespmem:s22+$0xB410]  }
0x4cf: {  	v31 =	vld [tilespmem:s22+$0xE410]  }
0x4d0: {  	v43 =	vadd.f32 v44, v43;
	v37 =	vld [tilespmem:s22+$0xB420]  }
0x4d1: {  	v42 =	vadd.f32 v45, v34;
	v15 =	vld [tilespmem:s22+$0xE420]  }
0x4d2: {  	[tilespmem:s21+$0x11400] =	vst v43;
	v32 =	vld [tilespmem:s22+$0xB430]  }
0x4d3: {  	[tilespmem:s21+$0x11410] =	vst v42;
	v45 =	vadd.f32 v10, v49;
	v34 =	vld [tilespmem:s22+$0xE430]  }
0x4d4: {  	[tilespmem:$0x1FB30] =	vst v3;
	v44 =	vadd.f32 v7, v2;
	v10 =	vld [tilespmem:s22+$0xB440]  }
0x4d5: {  	[tilespmem:s21+$0x11420] =	vst v45;
	v11 =	vld [tilespmem:s22+$0xE440]  }
0x4d6: {  	v2 =	vadd.f32 v26, v16;
	[tilespmem:s21+$0x11430] =	vst v44;
	v7 =	vld [tilespmem:s22+$0xB450]  }
0x4d7: {  	[tilespmem:$0x1FB20] =	vst v1;
	v1 =	vadd.f32 v9, v8;
	v9 =	vld [tilespmem:s22+$0xE450]  }
0x4d8: {  	[tilespmem:s21+$0x11450] =	vst v2;
	v5 =	vld [tilespmem:s22+$0xB460]  }
0x4d9: {  	v20 =	vadd.f32 v27, v25;
	v25 =	vld [tilespmem:s22+$0xB470];
	[tilespmem:$0x1FBA0] =	vst v1  }
0x4da: {  	v26 =	vld [tilespmem:s22+$0xE470];
	[tilespmem:s21+$0x11440] =	vst v1;
	v1 =	vmul.f32 v28, v28;
	v49 =	vadd.f32 v23, v0;
	v0 =	vmul.f32 v41, v41  }
0x4db: {  	[tilespmem:s21+$0x11470] =	vst v20;
	v23 =	vld [tilespmem:s22+$0xE460]  }
0x4dc: {  	s14 =	sor.u32 s12, s19;
	[tilespmem:s21+$0x11460] =	vst v49;
	v3 =	vadd.f32 v0, v1;
	v0 =	vld [tilespmem:$0x1FAA0]  }
0x4dd: {  	v33 =	vld [tilespmem:s14+$0xB400]  }
0x4de: {  	v35 =	vld [tilespmem:s14+$0xE400]  }
0x4df: {  	v36 =	vld [tilespmem:s14+$0xB410]  }
0x4e0: {  	v27 =	vld [tilespmem:s14+$0xE410]  }
0x4e1: {  	v21 =	vld [tilespmem:s14+$0xB420]  }
0x4e2: {  	v8 =	vld [tilespmem:s14+$0xE420]  }
0x4e3: {  	[tilespmem:$0x1FB00] =	vst v40;
	v16 =	vld [tilespmem:s14+$0xB430]  }
0x4e4: {  	[tilespmem:$0x1FB50] =	vst v4;
	v40 =	vadd.f32 v39, v38;
	v38 =	vld [tilespmem:s14+$0xE430]  }
0x4e5: {  	[tilespmem:$0x1FBB0] =	vst v2;
	v2 =	vmul.f32 v29, v29;
	v4 =	vadd.f32 v31, v30;
	v31 =	vld [tilespmem:s14+$0xB440]  }
0x4e6: {  	v29 =	vadd.f32 $0.0e+00, v29;
	v39 =	vmul.f32 v50, v50;
	v18 =	vadd.f32 v15, v37;
	v37 =	vld [tilespmem:s14+$0xE440];
	[tilespmem:s22+$0x11400] =	vst v40  }
0x4e7: {  	v30 =	vadd.f32 $0.0e+00, v13;
	v13 =	vmul.f32 v13, v13;
	v17 =	vadd.f32 v34, v32;
	v32 =	vld [tilespmem:s14+$0xB450];
	[tilespmem:s22+$0x11410] =	vst v4  }
0x4e8: {  	v15 =	vadd.f32 $0.0e+00, v6;
	v34 =	vmul.f32 v61, v61;
	v19 =	vadd.f32 v11, v10;
	v14 =	vld [tilespmem:s14+$0xE450];
	[tilespmem:s22+$0x11420] =	vst v18  }
0x4e9: {  	v1 =	vmul.f32 v24, v24;
	v11 =	vadd.f32 v9, v7;
	v12 =	vld [tilespmem:s14+$0xB460];
	v2 =	vadd.f32 v39, v2;
	[tilespmem:s22+$0x11430] =	vst v17  }
0x4ea: {  	v6 =	vmul.f32 v6, v6;
	v9 =	vld [tilespmem:s14+$0xE460];
	v7 =	vadd.f32 v34, v13;
	[tilespmem:s22+$0x11440] =	vst v19;
	v34 =	vadd.f32 v23, v5  }
0x4eb: {  	[tilespmem:s22+$0x11450] =	vst v11;
	v39 =	vadd.f32 v26, v25;
	v23 =	vld [tilespmem:s14+$0xB470];
	v26 =	vadd.f32 v50, v29  }
0x4ec: {  	s19 =	sadd.s32 $0x1000, s11;
	v1 =	vadd.f32 v1, v6;
	v15 =	vadd.f32 v24, v15;
	v24 =	vmul.f32 v59, v59;
	v29 =	vld [tilespmem:s14+$0xE470];
	[tilespmem:s22+$0x11460] =	vst v34  }
0x4ed: {  	s21 =	sor.u32 s30, s19;
	v6 =	vmul.f32 v47, v47;
	[tilespmem:s22+$0x11470] =	vst v39;
	v26 =	vadd.f32 v47, v26;
	v47 =	vld [tilespmem:$0x1FAD0]  }
0x4ee: {  	v28 =	vadd.f32 $0.0e+00, v28;
	v1 =	vadd.f32 v24, v1;
	v24 =	vld [tilespmem:s21+$0xE400]  }
0x4ef: {  	[tilespmem:$0x1FBC0] =	vst v34;
	v34 =	vld [tilespmem:s21+$0xB410]  }
0x4f0: {  	v25 =	vadd.f32 v41, v28;
	v28 =	vadd.f32 v61, v30;
	v41 =	vld [tilespmem:s21+$0xE410]  }
0x4f1: {  	v13 =	vmul.f32 v52, v52;
	v2 =	vadd.f32 v6, v2;
	v61 =	vadd.f32 v27, v36;
	v27 =	vld [tilespmem:s21+$0xE430]  }
0x4f2: {  	v10 =	vmul.f32 v0, v0;
	v15 =	vadd.f32 v59, v15;
	v59 =	vadd.f32 v35, v33;
	v33 =	vld [tilespmem:s21+$0xE440]  }
0x4f3: {  	v7 =	vadd.f32 v13, v7;
	v13 =	vmul.f32 v51, v51;
	v25 =	vadd.f32 v0, v25;
	v35 =	vmovc v17;
	v17 =	vld [tilespmem:$0x1FB10]  }
0x4f4: {  	v30 =	vmul.f32 v53, v53;
	v28 =	vadd.f32 v52, v28;
	v3 =	vadd.f32 v10, v3;
	v10 =	vld [tilespmem:s21+$0xB400]  }
0x4f5: {  	v50 =	vadd.f32 v37, v31;
	v2 =	vadd.f32 v13, v2;
	v13 =	vld [tilespmem:s21+$0xE420]  }
0x4f6: {  	[tilespmem:$0x1FBD0] =	vst v39;
	v52 =	vadd.f32 v14, v32;
	v7 =	vadd.f32 v30, v7;
	v30 =	vld [tilespmem:s21+$0xB430]  }
0x4f7: {  	v28 =	vadd.f32 v53, v28;
	v53 =	vadd.f32 v8, v21;
	v21 =	vld [tilespmem:$0x1FAB0];
	[tilespmem:s14+$0x11400] =	vst v59  }
0x4f8: {  	v12 =	vadd.f32 v9, v12;
	v26 =	vadd.f32 v51, v26;
	v51 =	vld [tilespmem:s21+$0xB440];
	[tilespmem:s14+$0x11410] =	vst v61  }
0x4f9: {  	v5 =	vmul.f32 v56, v56;
	v15 =	vadd.f32 v56, v15;
	v56 =	vadd.f32 v38, v16;
	v38 =	vld [tilespmem:$0x1FAC0];
	[tilespmem:s14+$0x11440] =	vst v50  }
0x4fa: {  	v39 =	vmov v4;
	v4 =	vld [tilespmem:s21+$0xE450];
	[tilespmem:s14+$0x11450] =	vst v52  }
0x4fb: {  	v6 =	vmul.f32 v54, v54;
	v25 =	vadd.f32 v54, v25;
	v54 =	vld [tilespmem:$0x1FAE0];
	[tilespmem:$0x1FBF0] =	vst v12  }
0x4fc: {  	v16 =	vadd.f32 v29, v23;
	v23 =	vld [tilespmem:s21+$0xE460];
	[tilespmem:s14+$0x11460] =	vst v12  }
0x4fd: {  	v31 =	vmul.f32 v22, v22;
	v1 =	vadd.f32 v5, v1;
	v12 =	vld [tilespmem:$0x1FAF0];
	[tilespmem:s14+$0x11420] =	vst v53  }
0x4fe: {  	v0 =	vadd.f32 v6, v3;
	v6 =	vld [tilespmem:s21+$0xB420];
	[tilespmem:s14+$0x11430] =	vst v56  }
0x4ff: {  	s22 =	sor.u32 s12, s19;
	v1 =	vadd.f32 v31, v1;
	v31 =	vld [tilespmem:s21+$0xB470];
	v15 =	vadd.f32 v22, v15;
	v22 =	vmul.f32 v63, v63;
	[tilespmem:s14+$0x11470] =	vst v16  }
0x500: {  	v36 =	vmul.f32 v48, v48;
	v32 =	vld [tilespmem:s22+$0xB400]  }
0x501: {  	v1 =	vadd.f32 v22, v1;
	v22 =	vld [tilespmem:s22+$0xB410]  }
0x502: {  	v7 =	vadd.f32 v36, v7;
	v15 =	vadd.f32 v63, v15;
	v36 =	vld [tilespmem:s22+$0xE410]  }
0x503: {  	v5 =	vmul.f32 v21, v21;
	v25 =	vadd.f32 v21, v25;
	v21 =	vadd.f32 v48, v28;
	v28 =	vld [tilespmem:s21+$0xE470]  }
0x504: {  	v8 =	vmul.f32 v38, v38;
	v26 =	vadd.f32 v38, v26;
	v38 =	vld [tilespmem:s22+$0xB420]  }
0x505: {  	v48 =	vadd.f32 v41, v34;
	v34 =	vmov v11;
	v11 =	vadd.f32 v57, v15;
	v15 =	vld [tilespmem:s22+$0xB450]  }
0x506: {  	v0 =	vadd.f32 v5, v0;
	v5 =	vld [tilespmem:s21+$0xB450]  }
0x507: {  	v3 =	vmul.f32 v47, v47;
	v2 =	vadd.f32 v8, v2;
	v8 =	vld [tilespmem:s21+$0xB460]  }
0x508: {  	v9 =	vmul.f32 v54, v54;
	v26 =	vadd.f32 v54, v26;
	v54 =	vadd.f32 v24, v10;
	v10 =	vld [tilespmem:s22+$0xB430]  }
0x509: {  	v29 =	vmul.f32 v62, v62;
	v25 =	vadd.f32 v47, v25;
	v24 =	vld [tilespmem:s22+$0xE430];
	v47 =	vadd.f32 v27, v30  }
0x50a: {  	v30 =	vadd.f32 v33, v51;
	v33 =	vmov v18;
	v18 =	vld [tilespmem:$0x1FB70];
	v0 =	vadd.f32 v3, v0  }
0x50b: {  	[tilespmem:$0x1FC10] =	vst v16;
	v16 =	vmul.f32 v57, v57;
	v2 =	vadd.f32 v9, v2;
	v3 =	vadd.f32 v29, v7;
	v7 =	vld [tilespmem:s22+$0xE400]  }
0x50c: {  	v9 =	vmul.f32 v46, v46;
	v25 =	vadd.f32 v46, v25;
	v46 =	vadd.f32 v13, v6;
	v6 =	vld [tilespmem:s22+$0xB440]  }
0x50d: {  	v13 =	vadd.f32 v12, v26;
	v26 =	vld [tilespmem:s22+$0xE440]  }
0x50e: {  	v1 =	vadd.f32 v16, v1;
	v16 =	vadd.f32 v28, v31;
	v31 =	vld [tilespmem:$0x1FB30]  }
0x50f: {  	v14 =	vmul.f32 v60, v60;
	v28 =	vld [tilespmem:$0x1FB80]  }
0x510: {  	v21 =	vadd.f32 v62, v21;
	v0 =	vadd.f32 v9, v0;
	v9 =	vld [tilespmem:s22+$0xE420]  }
0x511: {  	[tilespmem:s21+$0x11410] =	vst v48;
	v29 =	vmul.f32 v12, v12;
	v3 =	vadd.f32 v14, v3;
	v14 =	vld [tilespmem:$0x1FB00]  }
0x512: {  	[tilespmem:s21+$0x11400] =	vst v54;
	v21 =	vadd.f32 v60, v21;
	v12 =	vadd.f32 v4, v5;
	v5 =	vld [tilespmem:s22+$0xE450]  }
0x513: {  	[tilespmem:s21+$0x11430] =	vst v47;
	v2 =	vadd.f32 v29, v2;
	v29 =	vmul.f32 v17, v17;
	v41 =	vadd.f32 v23, v8;
	v23 =	vld [tilespmem:s22+$0xB460]  }
0x514: {  	[tilespmem:s21+$0x11440] =	vst v30;
	v4 =	vmul.f32 v55, v55;
	v60 =	vadd.f32 v24, v10;
	v10 =	vadd.f32 v17, v13;
	v17 =	vld [tilespmem:$0x1FB60]  }
0x515: {  	[tilespmem:s21+$0x11420] =	vst v46;
	v2 =	vadd.f32 v29, v2;
	v29 =	vld [tilespmem:$0x1FB20]  }
0x516: {  	v8 =	vmul.f32 v58, v58;
	[tilespmem:s21+$0x11470] =	vst v16;
	v3 =	vadd.f32 v4, v3;
	v4 =	vld [tilespmem:s22+$0xE460]  }
0x517: {  	v11 =	vadd.f32 v58, v11;
	[tilespmem:$0x1FC80] =	vst v12;
	v62 =	vadd.f32 v7, v32;
	v7 =	vld [tilespmem:s22+$0xB470]  }
0x518: {  	s11 =	sadd.s32 $0x1400, s11;
	v63 =	vadd.f32 v36, v22;
	[tilespmem:s21+$0x11450] =	vst v12;
	v1 =	vadd.f32 v8, v1;
	v8 =	vld [tilespmem:s22+$0xE470]  }
0x519: {  	s18 =	sor.u32 s30, s11;
	v36 =	vmov v49;
	[tilespmem:s21+$0x11460] =	vst v41;
	v12 =	vld [tilespmem:$0x1FB40]  }
0x51a: {  	v11 =	vadd.f32 v42, v11;
	[tilespmem:s22+$0x11410] =	vst v63;
	v24 =	vmul.f32 v43, v43;
	v22 =	vld [tilespmem:s18+$0xE460];
	v57 =	vadd.f32 v9, v38  }
0x51b: {  	[tilespmem:s22+$0x11430] =	vst v60;
	v27 =	vmul.f32 v14, v14;
	v9 =	vadd.f32 v14, v25;
	v25 =	vadd.f32 v55, v21;
	v14 =	vld [tilespmem:$0x1FB50]  }
0x51c: {  	v49 =	vmovc v54;
	[tilespmem:s22+$0x11400] =	vst v62;
	v38 =	vmov v40;
	v55 =	vadd.f32 v26, v6;
	v21 =	vld [tilespmem:s18+$0xB460];
	v3 =	vadd.f32 v24, v3  }
0x51d: {  	v24 =	vld [tilespmem:s18+$0xB470];
	v58 =	vadd.f32 v5, v15;
	v5 =	vmul.f32 v42, v42;
	v0 =	vadd.f32 v27, v0;
	[tilespmem:s22+$0x11420] =	vst v57  }
0x51e: {  	v40 =	vld [tilespmem:$0x1FB90];
	[tilespmem:s22+$0x11440] =	vst v55;
	v13 =	vmul.f32 v12, v12;
	v51 =	vadd.f32 v4, v23;
	v54 =	vadd.f32 v8, v7  }
0x51f: {  	v42 =	vld [tilespmem:$0x1FBA0];
	[tilespmem:s22+$0x11450] =	vst v58;
	v5 =	vadd.f32 v5, v1;
	v8 =	vmul.f32 v45, v45;
	v9 =	vadd.f32 v12, v9  }
0x520: {  	v12 =	vmul.f32 v44, v44;
	v6 =	vmul.f32 v14, v14;
	[tilespmem:s22+$0x11460] =	vst v51;
	v10 =	vadd.f32 v14, v10;
	v14 =	vld [tilespmem:s18+$0xE470]  }
0x521: {  	s12 =	sor.u32 s12, s11;
	v4 =	vadd.f32 v13, v0;
	[tilespmem:s22+$0x11470] =	vst v54;
	v13 =	vadd.f32 v43, v25;
	v43 =	vmov v16;
	v16 =	vld [tilespmem:$0x1FBB0]  }
0x522: {  	v27 =	vmul.f32 v29, v29;
	v7 =	vmul.f32 v18, v18;
	v3 =	vadd.f32 v8, v3;
	v0 =	vld [tilespmem:s12+$0xB460]  }
0x523: {  	v5 =	vadd.f32 v12, v5;
	v1 =	vld [tilespmem:s12+$0xE460];
	v2 =	vadd.f32 v6, v2;
	v6 =	vmul.f32 v17, v17  }
0x524: {  	v37 =	vmovc v20;
	v8 =	vmul.f32 v40, v40;
	v20 =	vadd.f32 v17, v9;
	v12 =	vld [tilespmem:s12+$0xE470];
	v25 =	vadd.f32 v18, v10  }
0x525: {  	v32 =	vmovc v19;
	v19 =	vmul.f32 v42, v42;
	v15 =	vadd.f32 v6, v4;
	v2 =	vadd.f32 v7, v2;
	v6 =	vld [tilespmem:s12+$0xB470]  }
0x526: {  	p2 =	slt.u32 s29, $0xE;
	v13 =	vadd.f32 v45, v13;
	v17 =	vadd.f32 v44, v11;
	v7 =	vmul.f32 v28, v28;
	v4 =	vld [tilespmem:s18+$0xB440]  }
.Ltmp5:
0x527: {  	v23 =	vmul.f32 v36, v36;
	v9 =	vadd.f32 v19, v3;
	v26 =	vadd.f32 v8, v2;
	v2 =	vld [tilespmem:s18+$0xE440];
	(pc) =	sbr.rel @p2 .LBB2_13-.Ltmp5, $4  }
0x528: {  	v3 =	vadd.f32 v28, v20;
	v10 =	vmul.f32 v16, v16;
	v18 =	vadd.f32 v7, v15;
	v7 =	vld [tilespmem:s18+$0xB450]  }
0x529: {  	v19 =	vmul.f32 v31, v31;
	v11 =	vadd.f32 v40, v25;
	v15 =	vadd.f32 v42, v13;
	v8 =	vld [tilespmem:s12+$0xB440]  }
0x52a: {  	v20 =	vmul.f32 v37, v37;
	v13 =	vadd.f32 v16, v17;
	v16 =	vld [tilespmem:s12+$0xE440];
	v10 =	vadd.f32 v10, v5  }
0x52b: {  	s26 =	smov.u32 s29;
	s29 =	sadd.s32 $0x2, s29;
	v45 =	vmovc v30;
	v5 =	vld [tilespmem:s18+$0xE450];
	v17 =	vadd.f32 v27, v18;
	v18 =	vadd.f32 v19, v26;
	v19 =	vmul.f32 v38, v38  }
0x52c: {  	v10 =	vadd.f32 v20, v10;
	v20 =	vld [tilespmem:s12+$0xB450]  }
0x52d: {  	v9 =	vadd.f32 v23, v9;
	v3 =	vadd.f32 v29, v3;
	v23 =	vmul.f32 v39, v39;
	v26 =	vld [tilespmem:s12+$0xE450]  }
0x52e: {  	v11 =	vadd.f32 v31, v11;
	v25 =	vmul.f32 v59, v59;
	v15 =	vadd.f32 v36, v15;
	v28 =	vld [tilespmem:s18+$0xB430]  }
0x52f: {  	v13 =	vadd.f32 v37, v13;
	v27 =	vmul.f32 v61, v61;
	v29 =	vmul.f32 v53, v53;
	v30 =	vld [tilespmem:s18+$0xE430]  }
0x530: {  	v40 =	vmul.f32 v34, v34;
	v44 =	vmovc v34;
	v34 =	vld [tilespmem:s12+$0xE430];
	v17 =	vadd.f32 v19, v17;
	v18 =	vadd.f32 v23, v18  }
0x531: {  	v19 =	vld [tilespmem:s18+$0xB420];
	v23 =	vmul.f32 v33, v33;
	v9 =	vadd.f32 v25, v9;
	v10 =	vadd.f32 v27, v10  }
0x532: {  	v25 =	vld [tilespmem:s18+$0xE420];
	v27 =	vmul.f32 v35, v35;
	v3 =	vadd.f32 v38, v3;
	v11 =	vadd.f32 v39, v11  }
0x533: {  	v31 =	vmul.f32 v56, v56;
	v15 =	vadd.f32 v59, v15;
	v13 =	vadd.f32 v61, v13;
	v59 =	vld [tilespmem:s18+$0xB410]  }
0x534: {  	v17 =	vadd.f32 v23, v17;
	v23 =	vld [tilespmem:s12+$0xB420];
	v18 =	vadd.f32 v27, v18  }
0x535: {  	v27 =	vld [tilespmem:s12+$0xE420];
	v9 =	vadd.f32 v29, v9;
	v10 =	vadd.f32 v31, v10  }
0x536: {  	v29 =	vmul.f32 v32, v32;
	v31 =	vld [tilespmem:s12+$0xB430];
	v3 =	vadd.f32 v33, v3;
	v11 =	vadd.f32 v35, v11  }
0x537: {  	v61 =	vmov v32;
	v15 =	vadd.f32 v53, v15;
	v13 =	vadd.f32 v56, v13;
	v32 =	vld [tilespmem:s18+$0xE400]  }
0x538: {  	v29 =	vadd.f32 v29, v17;
	v17 =	vld [tilespmem:s18+$0xB400];
	v56 =	vadd.f32 v61, v3  }
0x539: {  	v42 =	vmul.f32 v50, v50;
	v61 =	vadd.f32 v44, v11;
	v44 =	vadd.f32 v50, v15;
	v50 =	vld [tilespmem:s18+$0xE410]  }
0x53a: {  	v11 =	vadd.f32 v22, v21;
	v21 =	vld [tilespmem:s12+$0xB400]  }
0x53b: {  	v12 =	vadd.f32 v12, v6;
	v53 =	vmul.f32 v52, v52;
	v18 =	vadd.f32 v40, v18;
	v22 =	vld [tilespmem:s12+$0xE400]  }
0x53c: {  	v9 =	vadd.f32 v42, v9;
	v3 =	vadd.f32 v14, v24;
	v24 =	vld [tilespmem:s12+$0xB410]  }
0x53d: {  	v10 =	vadd.f32 v53, v10;
	v15 =	vadd.f32 v1, v0;
	v40 =	vld [tilespmem:s12+$0xE410]  }
0x53e: {  	v1 =	vadd.f32 v5, v7;
	v7 =	vadd.f32 v26, v20;
	v26 =	vld [tilespmem:$0x1FBF0]  }
0x53f: {  	v0 =	vadd.f32 v2, v4;
	v4 =	vadd.f32 v25, v19;
	v25 =	vld [tilespmem:$0x1FBD0]  }
0x540: {  	v53 =	vadd.f32 v52, v13;
	v14 =	vadd.f32 v27, v23;
	v23 =	vld [tilespmem:$0x1FBC0]  }
0x541: {  	v13 =	vadd.f32 v16, v8;
	v2 =	vadd.f32 v30, v28;
	v27 =	vld [tilespmem:$0x1FC10]  }
0x542: {  	v5 =	vadd.f32 v32, v17;
	v16 =	vadd.f32 v22, v21  }
0x543: {  	v21 =	vmul.f32 v26, v26;
	v17 =	vadd.f32 v40, v24;
	v24 =	vadd.f32 v26, v44  }
0x544: {  	v8 =	vadd.f32 v34, v31;
	v6 =	vadd.f32 v50, v59;
	v20 =	vmul.f32 v25, v25  }
0x545: {  	v9 =	vadd.f32 v21, v9;
	v24 =	vadd.f32 v62, v24;
	v19 =	vmul.f32 v23, v23  }
0x546: {  	v22 =	vmul.f32 v27, v27;
	v18 =	vadd.f32 v20, v18;
	v20 =	vadd.f32 v23, v56  }
0x547: {  	v23 =	vmul.f32 v48, v48;
	v26 =	vadd.f32 v27, v53;
	v24 =	vadd.f32 v57, v24  }
0x548: {  	v19 =	vadd.f32 v19, v29;
	v10 =	vadd.f32 v22, v10  }
0x549: {  	v21 =	vmul.f32 v49, v49;
	v22 =	vadd.f32 v25, v61;
	v18 =	vadd.f32 v23, v18  }
0x54a: {  	v25 =	vmul.f32 v62, v62;
	v20 =	vadd.f32 v49, v20;
	v26 =	vadd.f32 v63, v26  }
0x54b: {  	v23 =	vmul.f32 v47, v47;
	v24 =	vadd.f32 v55, v24;
	v19 =	vadd.f32 v21, v19  }
0x54c: {  	v21 =	vmul.f32 v63, v63;
	v9 =	vadd.f32 v25, v9;
	v22 =	vadd.f32 v48, v22  }
0x54d: {  	v25 =	vmul.f32 v57, v57;
	v18 =	vadd.f32 v23, v18;
	v20 =	vadd.f32 v46, v20  }
0x54e: {  	v26 =	vadd.f32 v60, v26;
	v24 =	vadd.f32 v51, v24  }
0x54f: {  	v27 =	vmul.f32 v60, v60;
	v10 =	vadd.f32 v21, v10;
	v9 =	vadd.f32 v25, v9  }
0x550: {  	v21 =	vmul.f32 v46, v46;
	v22 =	vadd.f32 v47, v22;
	v20 =	vadd.f32 v45, v20  }
0x551: {  	v25 =	vmul.f32 v55, v55;
	v26 =	vadd.f32 v58, v26;
	v24 =	vadd.f32 v16, v24  }
0x552: {  	v19 =	vadd.f32 v21, v19;
	v10 =	vadd.f32 v27, v10;
	v21 =	vmul.f32 v45, v45  }
0x553: {  	v9 =	vadd.f32 v25, v9;
	v25 =	vmul.f32 v51, v51;
	v20 =	vadd.f32 v41, v20  }
0x554: {  	v27 =	vld [tilespmem:$0x1FC80];
	v26 =	vadd.f32 v54, v26;
	v24 =	vadd.f32 v14, v24  }
0x555: {  	v19 =	vadd.f32 v21, v19;
	v21 =	vmul.f32 v58, v58;
	v9 =	vadd.f32 v25, v9  }
0x556: {  	v25 =	vmul.f32 v16, v16;
	v20 =	vadd.f32 v5, v20;
	v26 =	vadd.f32 v17, v26  }
0x557: {  	v24 =	vadd.f32 v13, v24;
	v10 =	vadd.f32 v21, v10  }
0x558: {  	v21 =	vmul.f32 v41, v41;
	v9 =	vadd.f32 v25, v9;
	v25 =	vmul.f32 v14, v14  }
0x559: {  	v20 =	vadd.f32 v4, v20;
	v26 =	vadd.f32 v8, v26;
	v23 =	vmul.f32 v27, v27  }
0x55a: {  	v22 =	vadd.f32 v27, v22;
	v27 =	vmul.f32 v54, v54;
	v19 =	vadd.f32 v21, v19  }
0x55b: {  	v21 =	vmul.f32 v5, v5;
	v9 =	vadd.f32 v25, v9;
	v25 =	vmul.f32 v13, v13  }
0x55c: {  	v20 =	vadd.f32 v0, v20;
	v18 =	vadd.f32 v23, v18;
	v23 =	vmul.f32 v43, v43  }
0x55d: {  	v10 =	vadd.f32 v27, v10;
	v22 =	vadd.f32 v43, v22;
	v27 =	vmul.f32 v17, v17  }
0x55e: {  	v19 =	vadd.f32 v21, v19;
	v21 =	vmul.f32 v4, v4;
	v9 =	vadd.f32 v25, v9  }
0x55f: {  	v25 =	vadd.f32 v7, v26;
	v18 =	vadd.f32 v23, v18;
	v23 =	vmul.f32 v6, v6  }
0x560: {  	v10 =	vadd.f32 v27, v10;
	v22 =	vadd.f32 v6, v22;
	v27 =	vmul.f32 v8, v8  }
0x561: {  	v19 =	vadd.f32 v21, v19;
	v18 =	vadd.f32 v23, v18;
	v23 =	vmul.f32 v2, v2  }
0x562: {  	v21 =	vmul.f32 v0, v0;
	v10 =	vadd.f32 v27, v10;
	v27 =	vmul.f32 v7, v7  }
0x563: {  	v22 =	vadd.f32 v2, v22;
	v18 =	vadd.f32 v23, v18;
	v23 =	vmul.f32 v1, v1  }
0x564: {  	v19 =	vadd.f32 v21, v19;
	v21 =	vmul.f32 v11, v11;
	v10 =	vadd.f32 v27, v10  }
0x565: {  	v22 =	vadd.f32 v1, v22;
	v18 =	vadd.f32 v23, v18;
	v23 =	vmul.f32 v15, v15  }
0x566: {  	v55 =	vld [tilespmem:$0x1FFC0];
	v19 =	vadd.f32 v21, v19;
	v21 =	vadd.f32 v15, v24  }
0x567: {  	v24 =	vmul.f32 v12, v12;
	v9 =	vadd.f32 v23, v9;
	v23 =	vadd.f32 v12, v25  }
0x568: {  	v20 =	vadd.f32 v11, v20;
	v22 =	vadd.f32 v3, v22;
	v25 =	vmul.f32 v3, v3  }
0x569: {  	v10 =	vadd.f32 v24, v10;
	v21 =	vadd.f32 v23, v21  }
0x56a: {  	v42 =	vld [tilespmem:$0x1FFD0];
	v20 =	vadd.f32 v22, v20;
	v18 =	vadd.f32 v25, v18  }
0x56b: {  	v9 =	vadd.f32 v10, v9;
	v10 =	vperm.xlane v21, v55  }
0x56c: {  	v18 =	vadd.f32 v18, v19;
	v19 =	vperm.xlane v20, v55  }
0x56d: {  	v10 =	vadd.f32 v21, v10;
	v21 =	vperm.xlane v9, v55  }
0x56e: {  	v56 =	vld [tilespmem:$0x1FFE0];
	v19 =	vadd.f32 v20, v19;
	v20 =	vperm.xlane v18, v55  }
0x56f: {  	v9 =	vadd.f32 v9, v21;
	v21 =	vperm.xlane v10, v42  }
0x570: {  	v18 =	vadd.f32 v18, v20;
	v20 =	vperm.xlane v19, v42  }
0x571: {  	v10 =	vadd.f32 v21, v10;
	v21 =	vperm.xlane v9, v42  }
0x572: {  	v44 =	vld [tilespmem:$0x1FFF0];
	v19 =	vadd.f32 v20, v19;
	v20 =	vperm.xlane v18, v42  }
0x573: {  	v9 =	vadd.f32 v21, v9;
	v21 =	vperm.xlane v10, v56  }
0x574: {  	v18 =	vadd.f32 v20, v18;
	v20 =	vperm.xlane v19, v56  }
0x575: {  	v10 =	vadd.f32 v21, v10;
	v21 =	vperm.xlane v9, v56  }
0x576: {  	v19 =	vadd.f32 v20, v19;
	v20 =	vperm.xlane v18, v56  }
0x577: {  	v9 =	vadd.f32 v21, v9;
	v21 =	vperm.xlane v10, v44  }
0x578: {  	v18 =	vadd.f32 v20, v18;
	v20 =	vperm.xlane v19, v44  }
0x579: {  	v10 =	vadd.f32 v21, v10;
	v21 =	vperm.xlane v9, v44  }
0x57a: {  	v19 =	vadd.f32 v20, v19;
	v20 =	vperm.xlane v18, v44  }
0x57b: {  	v9 =	vadd.f32 v21, v9;
	v10 =	vmul.f32 $1.302083370e-03, v10  }
0x57c: {  	v18 =	vadd.f32 v20, v18;
	v19 =	vmul.f32 $1.302083370e-03, v19  }
0x57d: {  	v9 =	vmul.f32 $1.302083370e-03, v9;
	v20 =	vmul.f32 v10, v10  }
0x57e: {  	v18 =	vmul.f32 $1.302083370e-03, v18;
	v21 =	vmul.f32 v19, v19  }
0x57f: {  	v9 =	vsub.f32 v9, v20  }
0x580: {  	v18 =	vsub.f32 v18, v21  }
0x581: {  	[tilespmem:s18+$0x11460] =	vst v11;
	v9 =	vadd.f32 $9.999999740e-06, v9  }
0x582: {  	[tilespmem:s12+$0x11460] =	vst v15;
	v11 =	vadd.f32 $9.999999740e-06, v18  }
0x583: {  	[tilespmem:s12+$0x11470] =	vst v12;
	v15 =	vshrl.u32 v9, $0x1  }
0x584: {  	[tilespmem:s12+$0x11440] =	vst v13;
	v12 =	vsub.s32 $0x5F3759DF, v15;
	v15 =	vshrl.u32 v11, $0x1;
	v11 =	vmul.f32 $-5.000000000e-01, v11  }
0x585: {  	[tilespmem:s12+$0x11450] =	vst v7;
	v9 =	vmul.f32 $-5.000000000e-01, v9;
	v15 =	vsub.s32 $0x5F3759DF, v15  }
0x586: {  	[tilespmem:s12+$0x11420] =	vst v14;
	v7 =	vmul.f32 v15, v11  }
0x587: {  	[tilespmem:s12+$0x11430] =	vst v8;
	v13 =	vmul.f32 v12, v9  }
0x588: {  	[tilespmem:s12+$0x11400] =	vst v16;
	v7 =	vmul.f32 v15, v7  }
0x589: {  	[tilespmem:s12+$0x11410] =	vst v17;
	v13 =	vmul.f32 v12, v13  }
0x58a: {  	[tilespmem:s18+$0x11400] =	vst v5;
	v7 =	vadd.f32 $1.500000000e+00, v7  }
0x58b: {  	[tilespmem:s18+$0x11410] =	vst v6;
	v8 =	vadd.f32 $1.500000000e+00, v13  }
0x58c: {  	[tilespmem:s18+$0x11420] =	vst v4;
	v6 =	vmul.f32 v15, v7  }
0x58d: {  	[tilespmem:s18+$0x11430] =	vst v2;
	v5 =	vmul.f32 v12, v8  }
0x58e: {  	[tilespmem:s18+$0x11440] =	vst v0;
	v2 =	vmul.f32 v6, v11  }
0x58f: {  	[tilespmem:s18+$0x11450] =	vst v1;
	v4 =	vmul.f32 v5, v9  }
0x590: {  	[tilespmem:s18+$0x11470] =	vst v3;
	v1 =	vmul.f32 v2, v6  }
0x591: {  	s11 =	sadd.s32 $0x1, s26;
	v3 =	vld [tilespmem:$0x1FC90];
	v0 =	vmul.f32 v4, v5;
	v4 =	vlaneseq.u32;
	v2 =	vmov s26  }
0x592: {  	vm2 =	veq.s32 v2, v4;
	v2 =	vmov s11;
	s11 =	simm.s32 @!p1 $0x6;
	v1 =	vadd.f32 $1.500000000e+00, v1  }
0x593: {  	_ =	swait.ge @!p1 [sflag:s11], $0x3000  }
0x594: {  	vm3 =	veq.s32 v2, v4;
	v4 =	vmul.f32 v1, v6;
	v1 =	vld [tilespmem:$0x1FD20]  }
0x595: {  	v40 =	vimm.s32 $0x0;
	v0 =	vadd.f32 $1.500000000e+00, v0  }
0x596: {  	v16 =	vimm.s32 $0x5;
	v23 =	vimm.s32 $0x6;
	v3 =	vsel vm2, v10, v3;
	[sflag:s11] =	ssyncset.done @!p1 $0x0  }
0x597: {  	s14 =	simm.s32 $0x0;
	s19 =	simm.s32 $0x14700;
	v8 =	vimm.s32 $0x1;
	v2 =	vmul.f32 v0, v5;
	v3 =	vsel vm3, v19, v3;
	[sflag:s11] =	ssyncadd.s32 @!p1 $0xFFFFD000  }
0x598: {  	s20 =	simm.s32 $0x14400;
	s21 =	sand.u32 $0x70, s14;
	s22 =	sand.u32 $0x1C00, s14;
	v15 =	vimm.s32 $0x4;
	v9 =	vimm.s32 $0x2;
	v6 =	vperm.xlane v3, v40;
	v0 =	vld [tilespmem:s19+$0x0]  }
0x599: {  	v14 =	vperm.xlane v3, v8;
	v13 =	vperm.xlane v3, v9;
	v7 =	vld [tilespmem:s20+$0x0];
	s20 =	sor.u32 s21, s22;
	v2 =	vsel vm2, v2, v1  }
0x59a: {  	v11 =	vperm.xlane v3, v15;
	v12 =	vperm.xlane v3, v16;
	s19 =	sadd.s32 $0x11400, s20;
	v4 =	vsel vm3, v4, v2;
	v2 =	vld [tilespmem:s20+$0x11400]  }
0x59b: {  	v10 =	vimm.s32 $0x3;
	v5 =	vperm.xlane v3, v23;
	v22 =	vperm.xlane v4, v8;
	v8 =	vld [tilespmem:s19+$0x80]  }
0x59c: {  	v1 =	vperm.xlane v3, v10;
	v20 =	vperm.xlane v4, v9;
	v9 =	vld [tilespmem:s19+$0x100]  }
0x59d: {  	v21 =	vperm.xlane v4, v40;
	v18 =	vperm.xlane v4, v10;
	v10 =	vld [tilespmem:s19+$0x180]  }
0x59e: {  	v17 =	vperm.xlane v4, v16;
	v16 =	vperm.xlane v4, v23;
	v23 =	vld [tilespmem:s19+$0x200]  }
0x59f: {  	v19 =	vperm.xlane v4, v15;
	v15 =	vmul.f32 v7, v21  }
0x5a0: {  	v26 =	vld [tilespmem:s19+$0x280];
	v24 =	vmul.f32 v7, v22;
	v25 =	vmul.f32 v7, v20;
	v2 =	vsub.f32 v2, v6  }
0x5a1: {  	v29 =	vld [tilespmem:s19+$0x300];
	v27 =	vmul.f32 v7, v18;
	v28 =	vmul.f32 v7, v19;
	v8 =	vsub.f32 v8, v14  }
0x5a2: {  	v30 =	vmul.f32 v7, v17;
	v9 =	vsub.f32 v9, v13;
	v2 =	vmul.f32 v2, v15  }
0x5a3: {  	s12 =	simm.s32 $0x80;
	s11 =	simm.s32 $0x10;
	s22 =	simm.s32 $0x14410;
	v10 =	vsub.f32 v10, v1;
	v23 =	vsub.f32 v23, v11;
	v8 =	vmul.f32 v8, v24  }
0x5a4: {  	s18 =	sand.u32 $0x1C00, s12;
	s26 =	simm.s32 $0x14710;
	s21 =	sand.u32 $0x70, s11;
	v31 =	vld [tilespmem:s22+$0x0];
	v24 =	vmul.f32 v7, v16;
	v9 =	vmul.f32 v9, v25;
	v2 =	vadd.f32 v2, v0  }
0x5a5: {  	s21 =	sor.u32 s21, s18;
	v15 =	vld [tilespmem:s26+$0x0];
	v10 =	vmul.f32 v10, v27;
	v25 =	vsub.f32 v26, v12;
	v8 =	vadd.f32 v8, v0  }
0x5a6: {  	s18 =	sadd.s32 $0x11400, s21;
	v26 =	vld [tilespmem:s21+$0x11400];
	v27 =	vsub.f32 v29, v5;
	[tilespmem:s20+$0x11400] =	vst v2;
	v2 =	vadd.f32 v9, v0;
	v9 =	vmul.f32 v23, v28  }
0x5a7: {  	v28 =	vld [tilespmem:s18+$0x80];
	[tilespmem:s19+$0x80] =	vst v8;
	v8 =	vadd.f32 v10, v0;
	v10 =	vmul.f32 v25, v30  }
0x5a8: {  	v29 =	vimm.s32 $0x7;
	v25 =	vld [tilespmem:s18+$0x100];
	[tilespmem:s19+$0x100] =	vst v2;
	v2 =	vadd.f32 v9, v0;
	v9 =	vmul.f32 v27, v24  }
0x5a9: {  	v58 =	vmul.f32 v31, v19;
	v23 =	vperm.xlane v4, v29;
	v27 =	vld [tilespmem:s18+$0x180];
	[tilespmem:s19+$0x180] =	vst v8;
	v8 =	vadd.f32 v10, v0  }
0x5aa: {  	v61 =	vmul.f32 v31, v16;
	v24 =	vperm.xlane v3, v29;
	v29 =	vld [tilespmem:s18+$0x200];
	[tilespmem:s19+$0x200] =	vst v2;
	v2 =	vadd.f32 v9, v0  }
0x5ab: {  	s14 =	sor.u32 s14, s14;
	v57 =	vld [tilespmem:s18+$0x280];
	v26 =	vsub.f32 v26, v6;
	v10 =	vmul.f32 v7, v23;
	v7 =	vmul.f32 v31, v21;
	[tilespmem:s19+$0x280] =	vst v8  }
0x5ac: {  	v59 =	vld [tilespmem:s18+$0x300];
	s20 =	sor.u32 $0x380, s14;
	v30 =	vmul.f32 v31, v20;
	v9 =	vmul.f32 v31, v22;
	v8 =	vsub.f32 v28, v14;
	[tilespmem:s19+$0x300] =	vst v2  }
0x5ad: {  	v28 =	vmul.f32 v31, v18;
	v7 =	vmul.f32 v26, v7;
	v2 =	vsub.f32 v25, v13;
	v60 =	vld [tilespmem:s20+$0x11400]  }
0x5ae: {  	s28 =	simm.s32 $0x20;
	s26 =	simm.s32 $0x100;
	s14 =	simm.s32 $0x14420;
	v25 =	vmul.f32 v31, v17;
	v8 =	vmul.f32 v8, v9;
	v9 =	vsub.f32 v27, v1  }
0x5af: {  	s30 =	simm.s32 $0x14720;
	s22 =	sand.u32 $0x70, s28;
	s29 =	sand.u32 $0x1C00, s26;
	v26 =	vadd.f32 v7, v15;
	v29 =	vsub.f32 v29, v11;
	v7 =	vld [tilespmem:s14+$0x0];
	v27 =	vmul.f32 v2, v30  }
0x5b0: {  	s29 =	sor.u32 s22, s29;
	v2 =	vld [tilespmem:s30+$0x0];
	v9 =	vmul.f32 v9, v28;
	v8 =	vadd.f32 v8, v15;
	v28 =	vsub.f32 v57, v12  }
0x5b1: {  	v62 =	vsub.f32 v59, v5;
	[tilespmem:s21+$0x11400] =	vst v26;
	s21 =	sadd.s32 $0x11400, s29;
	v29 =	vmul.f32 v29, v58;
	v26 =	vld [tilespmem:s29+$0x11400];
	v30 =	vadd.f32 v27, v15  }
0x5b2: {  	v27 =	vld [tilespmem:s21+$0x80];
	[tilespmem:s18+$0x80] =	vst v8;
	v8 =	vmul.f32 v28, v25;
	v9 =	vadd.f32 v9, v15;
	v63 =	vsub.f32 v60, v24  }
0x5b3: {  	v39 =	vlaneseq.u32;
	v25 =	vld [tilespmem:s21+$0x100];
	v28 =	vadd.f32 v29, v15;
	[tilespmem:s18+$0x100] =	vst v30;
	v30 =	vmul.f32 v62, v61  }
0x5b4: {  	s19 =	simm.s32 $0x30;
	[tilespmem:s18+$0x180] =	vst v9;
	v29 =	vadd.f32 v8, v15;
	v8 =	vmul.f32 v31, v23;
	v9 =	vmul.f32 v63, v10;
	v10 =	vld [tilespmem:s21+$0x180]  }
.LBB2_15:
0x5b5: {  	p1 =	sne.s32 s19, $0x2F0;
	v31 =	vmul.f32 v7, v21;
	v32 =	vmul.f32 v7, v22;
	v33 =	vld [tilespmem:s21+$0x200];
	[tilespmem:s18+$0x200] =	vst v28;
	v28 =	vadd.f32 v30, v15  }
0x5b6: {  	v30 =	vmul.f32 v7, v20;
	s22 =	sor.u32 s12, s11;
	s12 =	smov.u32 s26;
	s11 =	smov.u32 s28;
	v26 =	vsub.f32 v26, v6;
	v34 =	vld [tilespmem:s21+$0x280];
	[tilespmem:s18+$0x280] =	vst v29;
	v36 =	vadd.f32 v9, v0  }
0x5b7: {  	s28 =	smov.u32 s19;
	v29 =	vmul.f32 v7, v19;
	s22 =	sor.u32 $0x380, s22;
	v9 =	vsub.f32 v27, v14;
	v27 =	vmul.f32 v7, v18;
	v35 =	vld [tilespmem:s21+$0x300];
	[tilespmem:s18+$0x300] =	vst v28;
	s18 =	smov.u32 s21  }
0x5b8: {  	v28 =	vmul.f32 v7, v17;
	v26 =	vmul.f32 v26, v31;
	v25 =	vsub.f32 v25, v13;
	v31 =	vld [tilespmem:s22+$0x11400];
	[tilespmem:s20+$0x11400] =	vst v36;
	s20 =	smov.u32 s22  }
0x5b9: {  	s26 =	sadd.s32 $0x80, s26;
	s30 =	sadd.s32 $0x10, s30;
	v0 =	vmovc v15;
	v9 =	vmul.f32 v9, v32;
	v10 =	vsub.f32 v10, v1;
	v32 =	vmul.f32 v7, v16  }
0x5ba: {  	s14 =	sadd.s32 $0x10, s14;
	v15 =	vmovc v2;
	s21 =	sand.u32 $0x70, s19;
	s22 =	sand.u32 $0x1C00, s26;
	v36 =	vadd.f32 v26, v2;
	v25 =	vmul.f32 v25, v30;
	v30 =	vsub.f32 v33, v11;
	v2 =	vld [tilespmem:s30+$0x0]  }
.Ltmp6:
0x5bb: {  	s22 =	sor.u32 s21, s22;
	v9 =	vadd.f32 v9, v15;
	v10 =	vmul.f32 v10, v27;
	v33 =	vsub.f32 v34, v12;
	v34 =	vmovc v7;
	v7 =	vld [tilespmem:s14+$0x0];
	(pc) =	sbr.rel @p1 .LBB2_15-.Ltmp6, $4  }
0x5bc: {  	s21 =	sadd.s32 $0x11400, s22;
	v26 =	vld [tilespmem:s22+$0x11400];
	[tilespmem:s29+$0x11400] =	vst v36;
	v36 =	vadd.f32 v25, v15;
	v29 =	vmul.f32 v30, v29;
	v30 =	vsub.f32 v35, v5;
	s29 =	smov.u32 s22  }
0x5bd: {  	v27 =	vld [tilespmem:s21+$0x80];
	[tilespmem:s18+$0x80] =	vst v9;
	v9 =	vadd.f32 v10, v15;
	v33 =	vmul.f32 v33, v28;
	v31 =	vsub.f32 v31, v24  }
0x5be: {  	v25 =	vld [tilespmem:s21+$0x100];
	[tilespmem:s18+$0x100] =	vst v36;
	v28 =	vadd.f32 v29, v15;
	v30 =	vmul.f32 v30, v32  }
0x5bf: {  	s19 =	sadd.s32 $0x10, s19;
	v10 =	vld [tilespmem:s21+$0x180];
	[tilespmem:s18+$0x180] =	vst v9;
	v29 =	vadd.f32 v33, v15;
	v9 =	vmul.f32 v31, v8;
	v8 =	vmul.f32 v34, v23  }
0x5c0: {  	v21 =	vmul.f32 v7, v21;
	v22 =	vmul.f32 v7, v22;
	v31 =	vld [tilespmem:s21+$0x200]  }
0x5c1: {  	v30 =	vadd.f32 v30, v15;
	v20 =	vmul.f32 v7, v20;
	v6 =	vsub.f32 v26, v6;
	v26 =	vld [tilespmem:s21+$0x280]  }
0x5c2: {  	v18 =	vmul.f32 v7, v18;
	v19 =	vmul.f32 v7, v19;
	v14 =	vsub.f32 v27, v14;
	v27 =	vld [tilespmem:s21+$0x300]  }
0x5c3: {  	v17 =	vmul.f32 v7, v17;
	v6 =	vmul.f32 v6, v21;
	v13 =	vsub.f32 v25, v13  }
0x5c4: {  	[tilespmem:s18+$0x200] =	vst v28;
	v14 =	vmul.f32 v14, v22;
	v1 =	vsub.f32 v10, v1;
	v10 =	vmul.f32 v7, v16  }
0x5c5: {  	[tilespmem:s18+$0x280] =	vst v29;
	v6 =	vadd.f32 v6, v2;
	v13 =	vmul.f32 v13, v20;
	v11 =	vsub.f32 v31, v11  }
0x5c6: {  	[tilespmem:s18+$0x300] =	vst v30;
	v14 =	vadd.f32 v14, v2;
	v1 =	vmul.f32 v1, v18;
	v12 =	vsub.f32 v26, v12  }
0x5c7: {  	[tilespmem:s29+$0x11400] =	vst v6;
	v6 =	vadd.f32 v13, v2;
	v11 =	vmul.f32 v11, v19;
	v5 =	vsub.f32 v27, v5  }
0x5c8: {  	[tilespmem:s21+$0x80] =	vst v14;
	v1 =	vadd.f32 v1, v2;
	v12 =	vmul.f32 v12, v17  }
0x5c9: {  	[tilespmem:s21+$0x100] =	vst v6;
	v6 =	vadd.f32 v11, v2;
	v5 =	vmul.f32 v5, v10  }
0x5ca: {  	[tilespmem:s21+$0x180] =	vst v1;
	v1 =	vadd.f32 v12, v2  }
0x5cb: {  	s11 =	sor.u32 s12, s11;
	[tilespmem:s21+$0x200] =	vst v6;
	v5 =	vadd.f32 v5, v2  }
0x5cc: {  	s19 =	sor.u32 s26, s28;
	s11 =	sor.u32 $0x380, s11;
	[tilespmem:s21+$0x280] =	vst v1  }
0x5cd: {  	s12 =	sor.u32 $0x380, s19;
	v1 =	vld [tilespmem:s11+$0x11400];
	[tilespmem:s21+$0x300] =	vst v5  }
0x5ce: {  	v5 =	vld [tilespmem:s12+$0x11400];
	_ =	sdelay $0x3  }
0x5cf: {  	v1 =	vsub.f32 v1, v24  }
0x5d0: {  	v6 =	vmul.f32 v7, v23;
	v5 =	vsub.f32 v5, v24  }
0x5d1: {  	v1 =	vmul.f32 v1, v8  }
0x5d2: {  	v0 =	vadd.f32 v9, v0;
	v5 =	vmul.f32 v5, v6  }
0x5d3: {  	v1 =	vadd.f32 v1, v15  }
0x5d4: {  	[tilespmem:s20+$0x11400] =	vst v0;
	v0 =	vadd.f32 v5, v2  }
0x5d5: {  	s20 =	simm.s32 $0x0;
	v22 =	vimm.s32 $0xD;
	v14 =	vimm.s32 $0xA;
	[tilespmem:s11+$0x11400] =	vst v1  }
0x5d6: {  	s14 =	sand.u32 $0x70, s20;
	v11 =	vperm.xlane v3, v14;
	v17 =	vperm.xlane v4, v14;
	s21 =	simm.s32 $0x14400;
	v8 =	vimm.s32 $0x9;
	s11 =	sand.u32 $0x1C00, s20;
	[tilespmem:s12+$0x11400] =	vst v0  }
0x5d7: {  	v14 =	vperm.xlane v4, v22;
	v24 =	vimm.s32 $0xF;
	v12 =	vperm.xlane v3, v8;
	s11 =	sor.u32 s14, s11;
	v7 =	vld [tilespmem:s21+$0x0]  }
0x5d8: {  	v18 =	vperm.xlane v3, v24;
	v19 =	vperm.xlane v4, v8;
	v15 =	vimm.s32 $0xB;
	v9 =	vld [tilespmem:s11+$0x12F80]  }
0x5d9: {  	v21 =	vimm.s32 $0xC;
	v6 =	vperm.xlane v3, v15;
	v16 =	vperm.xlane v4, v15;
	v10 =	vld [tilespmem:s11+$0x12C00]  }
0x5da: {  	v15 =	vperm.xlane v4, v21;
	v2 =	vimm.s32 $0x8;
	v1 =	vperm.xlane v3, v21;
	v20 =	vld [tilespmem:s11+$0x12C80]  }
0x5db: {  	s22 =	simm.s32 $0x14700;
	v23 =	vimm.s32 $0xE;
	v5 =	vperm.xlane v3, v22;
	v13 =	vperm.xlane v3, v2;
	v21 =	vld [tilespmem:s11+$0x12D00]  }
0x5dc: {  	v2 =	vperm.xlane v4, v2;
	v0 =	vperm.xlane v3, v23;
	v8 =	vld [tilespmem:s22+$0x0]  }
0x5dd: {  	v3 =	vperm.xlane v4, v23;
	v4 =	vperm.xlane v4, v24;
	v23 =	vld [tilespmem:s11+$0x12D80]  }
0x5de: {  	v26 =	vld [tilespmem:s11+$0x12E00];
	v22 =	vmul.f32 v7, v2;
	v24 =	vmul.f32 v7, v19  }
0x5df: {  	v29 =	vld [tilespmem:s11+$0x12E80];
	v25 =	vmul.f32 v7, v17;
	v9 =	vsub.f32 v9, v18;
	v27 =	vmul.f32 v7, v4  }
0x5e0: {  	v10 =	vsub.f32 v10, v13;
	v28 =	vmul.f32 v7, v16;
	v30 =	vmul.f32 v7, v15  }
0x5e1: {  	s26 =	simm.s32 $0x10;
	s28 =	simm.s32 $0x80;
	v20 =	vsub.f32 v20, v12;
	v31 =	vmul.f32 v7, v14;
	v33 =	vmul.f32 v7, v3  }
0x5e2: {  	s29 =	simm.s32 $0x14410;
	s14 =	sand.u32 $0x1C00, s28;
	s12 =	sand.u32 $0x70, s26;
	v21 =	vsub.f32 v21, v11;
	v9 =	vmul.f32 v9, v27;
	v10 =	vmul.f32 v10, v22;
	v22 =	vld [tilespmem:s11+$0x12F00]  }
0x5e3: {  	s12 =	sor.u32 s12, s14;
	v7 =	vmul.f32 v20, v24;
	v27 =	vld [tilespmem:s29+$0x0];
	v20 =	vsub.f32 v23, v6;
	v24 =	vsub.f32 v26, v1  }
0x5e4: {  	v26 =	vsub.f32 v29, v5;
	v23 =	vadd.f32 v9, v8;
	v9 =	vmul.f32 v21, v25;
	v21 =	vld [tilespmem:s12+$0x12F80]  }
0x5e5: {  	v10 =	vadd.f32 v10, v8;
	v25 =	vld [tilespmem:s12+$0x12C00];
	v20 =	vmul.f32 v20, v28;
	v24 =	vmul.f32 v24, v30  }
0x5e6: {  	v32 =	vld [tilespmem:s12+$0x12C80];
	v28 =	vadd.f32 v7, v8;
	v29 =	vadd.f32 v9, v8  }
0x5e7: {  	s18 =	simm.s32 $0x14710;
	v30 =	vld [tilespmem:s12+$0x12D00];
	v35 =	vadd.f32 v20, v8;
	v9 =	vmul.f32 v26, v31;
	v37 =	vadd.f32 v24, v8  }
0x5e8: {  	v7 =	vld [tilespmem:s18+$0x0];
	[tilespmem:s11+$0x12F80] =	vst v23;
	v34 =	vsub.f32 v22, v0;
	v31 =	vmul.f32 v27, v2;
	v36 =	vmul.f32 v27, v19  }
0x5e9: {  	[tilespmem:s11+$0x12C00] =	vst v10;
	v24 =	vld [tilespmem:s12+$0x12D80];
	v23 =	vmul.f32 v27, v17;
	v20 =	vmul.f32 v27, v4;
	v10 =	vsub.f32 v21, v18  }
0x5ea: {  	[tilespmem:s11+$0x12C80] =	vst v28;
	v22 =	vmul.f32 v27, v16;
	v28 =	vsub.f32 v25, v13;
	v21 =	vmul.f32 v27, v15;
	v25 =	vld [tilespmem:s12+$0x12E00]  }
0x5eb: {  	v32 =	vsub.f32 v32, v12;
	v26 =	vld [tilespmem:s12+$0x12E80];
	[tilespmem:s11+$0x12D00] =	vst v29;
	v38 =	vmul.f32 v10, v20;
	v20 =	vmul.f32 v27, v14  }
0x5ec: {  	s30 =	simm.s32 $0x20;
	s19 =	simm.s32 $0x100;
	s20 =	simm.s32 $0x30;
	[tilespmem:s11+$0x12D80] =	vst v35;
	v30 =	vsub.f32 v30, v11;
	v29 =	vmul.f32 v28, v31;
	v10 =	vmul.f32 v27, v3;
	v27 =	vld [tilespmem:s12+$0x12F00]  }
0x5ed: {  	s26 =	sand.u32 $0x1C00, s19;
	s14 =	simm.s32 $0x14420;
	s21 =	sand.u32 $0x70, s30;
	[tilespmem:s11+$0x12E00] =	vst v37;
	v32 =	vmul.f32 v32, v36;
	v28 =	vmul.f32 v34, v33;
	v31 =	vadd.f32 v38, v7  }
.LBB2_17:
0x5ee: {  	p1 =	sne.s32 s20, $0x2F0;
	v33 =	vld [tilespmem:s14+$0x0];
	s21 =	sor.u32 s21, s26;
	v29 =	vadd.f32 v29, v7;
	v23 =	vmul.f32 v30, v23;
	v24 =	vsub.f32 v24, v6;
	v34 =	vmovc v10  }
0x5ef: {  	v10 =	vld [tilespmem:s21+$0x12F80];
	v30 =	vadd.f32 v32, v7;
	v25 =	vsub.f32 v25, v1;
	[tilespmem:s12+$0x12F80] =	vst v31  }
0x5f0: {  	v31 =	vld [tilespmem:s21+$0x12C00];
	[tilespmem:s12+$0x12C00] =	vst v29;
	v23 =	vadd.f32 v23, v7;
	v22 =	vmul.f32 v24, v22;
	v24 =	vsub.f32 v26, v5  }
0x5f1: {  	v26 =	vld [tilespmem:s21+$0x12C80];
	[tilespmem:s12+$0x12C80] =	vst v30;
	v21 =	vmul.f32 v25, v21;
	v35 =	vsub.f32 v27, v0;
	v25 =	vadd.f32 v9, v8  }
0x5f2: {  	s18 =	sadd.s32 $0x10, s18;
	v8 =	vadd.f32 v28, v8;
	v27 =	vld [tilespmem:s21+$0x12D00];
	[tilespmem:s12+$0x12D00] =	vst v23;
	v22 =	vadd.f32 v22, v7;
	v9 =	vmul.f32 v24, v20  }
0x5f3: {  	v36 =	vld [tilespmem:s18+$0x0];
	v28 =	vmul.f32 v33, v2;
	v32 =	vmul.f32 v33, v19;
	v20 =	vadd.f32 v21, v7;
	[tilespmem:s11+$0x12E80] =	vst v25  }
.Ltmp7:
0x5f4: {  	v23 =	vmul.f32 v33, v17;
	v29 =	vmul.f32 v33, v4;
	v24 =	vld [tilespmem:s21+$0x12D80];
	v10 =	vsub.f32 v10, v18;
	[tilespmem:s12+$0x12D80] =	vst v22;
	(pc) =	sbr.rel @p1 .LBB2_17-.Ltmp7, $4  }
0x5f5: {  	v21 =	vmul.f32 v33, v15;
	v22 =	vmul.f32 v33, v16;
	v30 =	vsub.f32 v31, v13;
	v25 =	vld [tilespmem:s21+$0x12E00];
	[tilespmem:s12+$0x12E00] =	vst v20  }
0x5f6: {  	v20 =	vmul.f32 v33, v14;
	v31 =	vsub.f32 v26, v12;
	v26 =	vld [tilespmem:s21+$0x12E80];
	v37 =	vmul.f32 v10, v29;
	[tilespmem:s11+$0x12F00] =	vst v8;
	s11 =	smov.u32 s12;
	s12 =	smov.u32 s21  }
0x5f7: {  	s19 =	sadd.s32 $0x80, s19;
	s14 =	sadd.s32 $0x10, s14;
	v10 =	vmul.f32 v33, v3;
	v8 =	vmovc v7;
	v29 =	vmul.f32 v30, v28;
	v30 =	vsub.f32 v27, v11;
	v27 =	vld [tilespmem:s12+$0x12F00]  }
0x5f8: {  	s26 =	sand.u32 $0x1C00, s19;
	s21 =	sand.u32 $0x70, s20;
	s20 =	sadd.s32 $0x10, s20;
	v28 =	vmul.f32 v35, v34;
	v32 =	vmul.f32 v31, v32;
	v31 =	vadd.f32 v37, v36;
	v7 =	vmovc v36  }
0x5f9: {  	v33 =	vld [tilespmem:s14+$0x0];
	v29 =	vadd.f32 v29, v7  }
0x5fa: {  	s29 =	sor.u32 s21, s26;
	v24 =	vsub.f32 v24, v6;
	v9 =	vadd.f32 v9, v8  }
0x5fb: {  	v23 =	vmul.f32 v30, v23;
	v63 =	vld [tilespmem:s29+$0x12F80];
	v32 =	vadd.f32 v32, v7;
	v25 =	vsub.f32 v25, v1  }
0x5fc: {  	v34 =	vld [tilespmem:s29+$0x12C00];
	v41 =	vadd.f32 v28, v8;
	v35 =	vsub.f32 v26, v5  }
0x5fd: {  	v36 =	vld [tilespmem:s29+$0x12C80];
	[tilespmem:s12+$0x12F80] =	vst v31;
	v23 =	vadd.f32 v23, v7;
	v22 =	vmul.f32 v24, v22;
	v21 =	vmul.f32 v25, v21  }
0x5fe: {  	s18 =	sadd.s32 $0x10, s18;
	v38 =	vld [tilespmem:s29+$0x12D00];
	[tilespmem:s12+$0x12C00] =	vst v29;
	v37 =	vsub.f32 v27, v0;
	v20 =	vmul.f32 v35, v20;
	v2 =	vmul.f32 v33, v2  }
0x5ff: {  	v42 =	vld [tilespmem:s18+$0x0];
	[tilespmem:s11+$0x12E80] =	vst v9;
	v22 =	vadd.f32 v22, v7;
	v4 =	vmul.f32 v33, v4;
	v19 =	vmul.f32 v33, v19  }
0x600: {  	v43 =	vld [tilespmem:s29+$0x12D80];
	[tilespmem:s12+$0x12C80] =	vst v32;
	v21 =	vadd.f32 v21, v7;
	v45 =	vmul.f32 v33, v17;
	v16 =	vmul.f32 v33, v16  }
0x601: {  	v44 =	vld [tilespmem:s29+$0x12E00];
	[tilespmem:s11+$0x12F00] =	vst v41;
	v47 =	vmul.f32 v33, v15;
	v51 =	vmul.f32 v33, v14;
	v18 =	vsub.f32 v63, v18  }
0x602: {  	v46 =	vld [tilespmem:s29+$0x12E80];
	[tilespmem:s12+$0x12D00] =	vst v23;
	v3 =	vmul.f32 v33, v3;
	v58 =	vmul.f32 v37, v10;
	v13 =	vsub.f32 v34, v13  }
0x603: {  	v48 =	vld [tilespmem:s29+$0x12F00];
	v12 =	vsub.f32 v36, v12;
	[tilespmem:s12+$0x12D80] =	vst v22;
	v57 =	vadd.f32 v20, v7;
	v4 =	vmul.f32 v18, v4  }
0x604: {  	v11 =	vsub.f32 v38, v11;
	[tilespmem:s12+$0x12E00] =	vst v21;
	v62 =	vadd.f32 v58, v7;
	v2 =	vmul.f32 v13, v2  }
0x605: {  	v50 =	vsub.f32 v43, v6;
	v12 =	vmul.f32 v12, v19;
	[tilespmem:s12+$0x12E80] =	vst v57;
	v4 =	vadd.f32 v4, v42  }
0x606: {  	v53 =	vsub.f32 v44, v1;
	v49 =	vmul.f32 v11, v45;
	[tilespmem:s12+$0x12F00] =	vst v62;
	v2 =	vadd.f32 v2, v42  }
0x607: {  	v56 =	vsub.f32 v46, v5;
	v55 =	vmul.f32 v50, v16;
	v52 =	vadd.f32 v12, v42;
	[tilespmem:s29+$0x12F80] =	vst v4  }
0x608: {  	v59 =	vsub.f32 v48, v0;
	v1 =	vmul.f32 v53, v47;
	v54 =	vadd.f32 v49, v42;
	[tilespmem:s29+$0x12C00] =	vst v2  }
0x609: {  	v61 =	vmul.f32 v56, v51;
	v60 =	vadd.f32 v55, v42;
	[tilespmem:s29+$0x12C80] =	vst v52  }
0x60a: {  	v0 =	vmul.f32 v59, v3;
	v1 =	vadd.f32 v1, v42;
	[tilespmem:s29+$0x12D00] =	vst v54  }
0x60b: {  	v63 =	vadd.f32 v61, v42;
	[tilespmem:s29+$0x12D80] =	vst v60  }
0x60c: {  	v0 =	vadd.f32 v0, v42;
	[tilespmem:s29+$0x12E00] =	vst v1  }
0x60d: {  	[tilespmem:s29+$0x12E80] =	vst v63  }
0x60e: {  	[tilespmem:s29+$0x12F00] =	vst v0  }
0x60f: {  	v0 =	vld @!p0 [tilespmem:s24+$0x30];
	_ =	sdelay $0x4  }
0x610: {  	v1 =	vshrl.u32 @!p0 v0, $0x3  }
0x611: {  	v1 =	vmul.u32 @!p0 $0x30, v1  }
0x612: {  	v2 =	vlaneseq.u32 @!p0;
	v0 =	vand.u32 @!p0 $0x7, v0  }
0x613: {  	v3 =	vshrl.u32 @!p0 v2, $0x3;
	v0 =	vor.u32 @!p0 v0, v1;
	v1 =	vand.u32 @!p0 $0x7, v2  }
0x614: {  	v3 =	vmul.u32 @!p0 $0x8, v3;
	v4 =	vperm.xlane @!p0 v0, v1;
	_ =	sdelay $0x1  }
0x615: {  	v4 =	vadd.s32 @!p0 v3, v4;
	_ =	sdelay $0x2  }
0x616: {  	v2 =	vor.u32 @!p0 $0x8, v2  }
0x617: {  	s11 =	simm.s32 @!p0 $0x0;
	s12 =	simm.s32 @!p0 $0xB400;
	v0 =	vperm.xlane @!p0 v0, v2  }
0x618: {  	[tilespmem:s12], [sflag:$0x4] =	stream.indirect_vreg.gather @!p0 [hbm4b:s0+s11], $0x80, v4, vm1, $0xb8;
	[tilespmem:$0x14A00] =	vst v63  }
0x619: {  	v0 =	vadd.s32 @!p0 v3, v0;
	s12 =	simm.s32 @!p0 $0xBC00  }
0x61a: {  	[tilespmem:s12], [sflag:$0x4] =	stream.indirect_vreg.gather @!p0 [hbm4b:s16+s11], $0x80, v4, vm1, $0xb8;
	[tilespmem:$0x14A00] =	vst v63  }
0x61b: {  	s12 =	simm.s32 @!p0 $0xC400  }
0x61c: {  	[tilespmem:s12], [sflag:$0x4] =	stream.indirect_vreg.gather @!p0 [hbm4b:s9+s11], $0x80, v4, vm1, $0xb8;
	[tilespmem:$0x14A00] =	vst v63  }
0x61d: {  	s12 =	simm.s32 @!p0 $0xCC00  }
0x61e: {  	[tilespmem:s12], [sflag:$0x4] =	stream.indirect_vreg.gather @!p0 [hbm4b:s0+s11], $0x80, v0, vm1, $0xb8;
	[tilespmem:$0x14A00] =	vst v63  }
0x61f: {  	s12 =	simm.s32 @!p0 $0xD400  }
0x620: {  	[tilespmem:s12], [sflag:$0x4] =	stream.indirect_vreg.gather @!p0 [hbm4b:s16+s11], $0x80, v0, vm1, $0xb8;
	[tilespmem:$0x14A00] =	vst v63  }
0x621: {  	s12 =	simm.s32 @!p0 $0xDC00  }
0x622: {  	[tilespmem:s12], [sflag:$0x4] =	stream.indirect_vreg.gather @!p0 [hbm4b:s9+s11], $0x80, v0, vm1, $0xb8;
	[tilespmem:$0x14A00] =	vst v63  }
0x623: {  	v0 =	vld @!p0 [tilespmem:s24+$0x2030];
	_ =	sdelay $0x4  }
0x624: {  	v4 =	vshrl.u32 @!p0 v0, $0x3  }
0x625: {  	v4 =	vmul.u32 @!p0 $0x30, v4  }
0x626: {  	v0 =	vand.u32 @!p0 $0x7, v0  }
0x627: {  	v0 =	vor.u32 @!p0 v0, v4  }
0x628: {  	v1 =	vperm.xlane @!p0 v0, v1;
	_ =	sdelay $0x1  }
0x629: {  	v1 =	vadd.s32 @!p0 v3, v1;
	_ =	sdelay $0x3  }
0x62a: {  	s12 =	simm.s32 @!p0 $0xE400;
	v0 =	vperm.xlane @!p0 v0, v2  }
0x62b: {  	[tilespmem:s12], [sflag:$0x5] =	stream.indirect_vreg.gather @!p0 [hbm4b:s2+s11], $0x80, v1, vm1, $0xb8;
	[tilespmem:$0x14A00] =	vst v63  }
0x62c: {  	v0 =	vadd.s32 @!p0 v3, v0;
	s12 =	simm.s32 @!p0 $0xEC00  }
0x62d: {  	[tilespmem:s12], [sflag:$0x5] =	stream.indirect_vreg.gather @!p0 [hbm4b:s17+s11], $0x80, v1, vm1, $0xb8;
	[tilespmem:$0x14A00] =	vst v63  }
0x62e: {  	s12 =	simm.s32 @!p0 $0xF400  }
0x62f: {  	[tilespmem:s12], [sflag:$0x5] =	stream.indirect_vreg.gather @!p0 [hbm4b:s10+s11], $0x80, v1, vm1, $0xb8;
	[tilespmem:$0x14A00] =	vst v63  }
0x630: {  	s12 =	simm.s32 @!p0 $0xFC00  }
0x631: {  	[tilespmem:s12], [sflag:$0x5] =	stream.indirect_vreg.gather @!p0 [hbm4b:s2+s11], $0x80, v0, vm1, $0xb8;
	[tilespmem:$0x14A00] =	vst v63  }
0x632: {  	s12 =	simm.s32 @!p0 $0x10400  }
0x633: {  	[tilespmem:s12], [sflag:$0x5] =	stream.indirect_vreg.gather @!p0 [hbm4b:s17+s11], $0x80, v0, vm1, $0xb8;
	[tilespmem:$0x14A00] =	vst v63  }
0x634: {  	s23 =	sadd.s32 $0x1, s23;
	s12 =	simm.s32 @!p0 $0x10C00  }
0x635: {  	[tilespmem:s12], [sflag:$0x5] =	stream.indirect_vreg.gather @!p0 [hbm4b:s10+s11], $0x80, v0, vm1, $0xb8;
	[tilespmem:$0x14A00] =	vst v63  }
0x636: {  	p0 =	sne.s32 s23, $0x20  }
.Ltmp8:
0x637: {  	_ = 	snop;
	(pc) =	sbr.rel @p0 .LBB2_6-.Ltmp8, $3  }
0x638: {  	_ =	sdelay $0x1  }
0x639: {  	s30 =	sadd.s32 s13, s25  }
0x63a: {  	[hbm4b:s30+s7] =	stream.linear.scatter [tilespmem:s15], [sflag:$0x6], $0x3000, $0x38;
	[tilespmem:$0x14A00] =	vst v63  }
0x63b: {  	s11 =	simm.s32 $0x3  }
0x63c: {  	_ =	swait.ge [sflag:s11], $0x3000  }
0x63d: {  	[sflag:s11] =	ssyncset.done $0x0  }
0x63e: {  	s12 =	simm.s32 $0x6;
	[sflag:s11] =	ssyncadd.s32 $0xFFFFD000  }
0x63f: {  	_ =	swait.ge [sflag:s12], $0x3000  }
0x640: {  	s14 =	rddreg [dreg:$0xb]  }
0x641: {  	s30 =	rddreg [dreg:$0xa];
	s14 =	sadd.s32 $0x1, s14  }
0x642: {  	p0 =	sne.s32 s14, s30  }
.Ltmp9:
0x643: {  	v8 =	vld [tilespmem:$0x1FF70];
	(pc) =	sbr.rel @p0 .LBB2_1-.Ltmp9, $4  }
0x644: {  	v9 =	vld [tilespmem:$0x1FF80]  }
0x645: {  	v10 =	vld [tilespmem:$0x1FF90]  }
0x646: {  	[sflag:s12] =	ssyncset.done $0x0;
	v11 =	vld [tilespmem:$0x1FFA0]  }
0x647: {  	v7 =	vld [tilespmem:$0x1FFB0];
	[sflag:s12] =	ssyncadd.s32 $0xFFFFD000  }
0x648: {  	_ =	sfence.sel $0x180000  }
0x649: {  	[bflag:$0x0] =	sbarrier.arrive $0xFFFF  }
0x64a: {  	_ =	strace $0x90000047  }
0x64b: {  	s0 =	stileid.u32;
	[bflag:$0x2] =	sbarrier.arrive $0xFFFF  }
0x64c: {  	p0 =	sne.s32 s0, $0x0;
	s0 =	rddreg [dreg:$0x6]  }
0x64d: {  	s0 =	sadd.s32 @!p0 $0x100000, s0  }
0x64e: {  	[sflag:s0] =	ssyncadd.tile.s32 @!p0 $0x1;
	_ =	shalt  }
.Lfunc_end2:
_tile_overlayer_lowered:
.L_overlay_start_2:
0x64f: {  	(tag) =	ssettag $0x2  }
0x650: {  	s0 =	rddreg [dreg:$0x0];
	s2 =	stileid.u32  }
0x651: {  	s1 =	rddreg [dreg:$0x1];
	p0 =	sne.s32 s2, $0x0  }
0x652: {  	s3 =	rddreg [dreg:$0x2];
	[bflag:$0x3] =	sbarrier.arrive $0xFFFF;
	s2 =	simm.s32 @!p0 $0x1C07  }
0x653: {  	[timem:s3], [sflag:s2] =	dma.local @!p0 [hbm:s0], s1  }
0x654: {  	s0 =	simm.s32 @!p0 $0x7  }
0x655: {  	_ =	swait.ge @!p0 [sflag:s0], s1  }
0x656: {  	s1 =	ssub.s32 @!p0 $0x0, s1;
	[sflag:s0] =	ssyncset.done @!p0 $0x0  }
0x657: {  	[sflag:s0] =	ssyncadd.s32 @!p0 s1  }
0x658: {  	[bflag:$0x3] =	sbarrier.arrive $0xFFFF  }
0x659: {  	_ =	shalt  }

</sc_bundles>
